<compile_context>
chip_gen: v7x
topology: tpu7x:2x2x1
jax: 0.10.2.dev20260603
libtpu: 0.0.44.dev20260713+nightly
codegen_flags: <defaults>
</compile_context>

<pallas_src>
import functools

import jax
import jax.numpy as jnp
from jax import lax
from jax.experimental import pallas as pl
from jax.experimental.pallas import tpu as pltpu
from jax.experimental.pallas import tpu_sc as plsc

B, L, D = 4096, 50, 32
N = B * L
N4 = N // 4
NC, NS = 2, 16
NW = NC * NS
PW = N // NW
CH = 128
CPG = 5
GR = CPG * CH
NG = PW // GR
K = PW // CH
V_CAT1 = 1001
CPAD = D + 1
TBLK = 16384



def _tr_body(t_ref, eye_ref, o_ref):
    x = t_ref[...]
    q = TBLK // 4
    x4 = jnp.concatenate(
        [x[:, 0:q], x[:, q:2 * q], x[:, 2 * q:3 * q], x[:, 3 * q:4 * q]],
        axis=0)
    o_ref[...] = lax.dot_general(x4, eye_ref[...], (((0,), (0,)), ((), ())),
                                 preferred_element_type=jnp.float32)


def _to_rowmajor(tabT, eye):
    V = tabT.shape[1]
    nb = (V + TBLK - 1) // TBLK
    out = pl.pallas_call(
        _tr_body,
        grid=(nb,),
        in_specs=[pl.BlockSpec((D, TBLK), lambda i: (0, i)),
                  pl.BlockSpec((128, 128), lambda i: (0, 0))],
        out_specs=pl.BlockSpec((TBLK // 4, 128), lambda i: (i, 0)),
        out_shape=jax.ShapeDtypeStruct((nb * TBLK // 4, 128), jnp.float32),
        compiler_params=pltpu.CompilerParams(
            fuse_transposed_lhs_in_matmul=True),
    )(tabT, eye)
    return out.reshape(nb * TBLK, D)



def _stream_body(tab, ix, out_e, idx_v, rows0, rows1, sg0, sg1, sw0, sw1):
    wid = lax.axis_index("s") * NC + lax.axis_index("c")
    jcol = (wid // 8) * D
    r0 = (wid % 8) * PW
    pltpu.sync_copy(ix.at[wid], idx_v)
    rows = (rows0, rows1)
    sg = (sg0, sg1)
    sw = (sw0, sw1)

    def issue(g, par):
        for t in range(CPG):
            pltpu.async_copy(tab.at[idx_v.at[g * CPG + t]],
                             rows[par].at[pl.ds(t * CH, CH), :], sg[par])

    def drain(g, par):
        for t in range(CPG):
            pltpu.make_async_copy(tab.at[idx_v.at[g * CPG + t]],
                                  rows[par].at[pl.ds(t * CH, CH), :],
                                  sg[par]).wait()

    def wb(g, par):
        pltpu.async_copy(
            rows[par],
            out_e.at[pl.ds(r0 + g * GR, GR), pl.ds(jcol, D)], sw[par])

    def wb_wait(g, par):
        pltpu.make_async_copy(
            rows[par],
            out_e.at[pl.ds(r0 + g * GR, GR), pl.ds(jcol, D)], sw[par]).wait()

    issue(0, 0)

    def loop(g2, carry):
        for par in range(2):
            g = 2 * g2 + par
            if par == 0:
                @pl.when(g2 > 0)
                def _(g=g):
                    wb_wait(g - 1, 1)
            else:
                wb_wait(g - 1, 0)
            issue(g + 1, 1 - par)
            drain(g, par)
            wb(g, par)
        return carry

    lax.fori_loop(0, (NG - 2) // 2, loop, 0)
    wb_wait(NG - 3, 1)
    issue(NG - 1, 1)
    drain(NG - 2, 0)
    wb(NG - 2, 0)
    drain(NG - 1, 1)
    wb(NG - 1, 1)
    wb_wait(NG - 2, 0)
    wb_wait(NG - 1, 1)


def _stream_field(tab, ix):
    mesh = plsc.VectorSubcoreMesh(core_axis_name="c", subcore_axis_name="s")
    fn = functools.partial(
        pl.kernel,
        mesh=mesh,
        out_type=jax.ShapeDtypeStruct((N4, 128), jnp.float32),
        scratch_types=[
            pltpu.VMEM((K, CH), jnp.int32),
            pltpu.VMEM((GR, D), jnp.float32),
            pltpu.VMEM((GR, D), jnp.float32),
            pltpu.SemaphoreType.DMA,
            pltpu.SemaphoreType.DMA,
            pltpu.SemaphoreType.DMA,
            pltpu.SemaphoreType.DMA,
        ],
        compiler_params=pltpu.CompilerParams(
            use_tc_tiling_on_sc=False, needs_layout_passes=False),
    )(_stream_body)
    return fn(tab, ix)



def _cat_body(t_c, t_x, ix_c, ix_x, e_c, e_x, idx_c, idx_x,
              cat_v, int_v, rows0, rows1, sg0, sg1, sw0, sw1):
    wid = lax.axis_index("s") * NC + lax.axis_index("c")
    jcol = (wid // 8) * D
    r0 = (wid % 8) * PW
    pltpu.sync_copy(ix_c.at[wid], idx_c)
    pltpu.sync_copy(ix_x.at[wid], idx_x)

    @pl.when(lax.axis_index("s") == 0)
    def _():
        pltpu.sync_copy(t_c, cat_v)
        pltpu.sync_copy(t_x, int_v)
    plsc.subcore_barrier()
    rows = (rows0, rows1)
    sg = (sg0, sg1)
    sw = (sw0, sw1)

    for tab_v, idx_v, out_e in ((cat_v, idx_c, e_c), (int_v, idx_x, e_x)):
        def issue(g, par, tab_v=tab_v, idx_v=idx_v):
            for t in range(CPG):
                pltpu.async_copy(tab_v.at[idx_v.at[g * CPG + t]],
                                 rows[par].at[pl.ds(t * CH, CH), :], sg[par])

        def drain(g, par, tab_v=tab_v, idx_v=idx_v):
            for t in range(CPG):
                pltpu.make_async_copy(tab_v.at[idx_v.at[g * CPG + t]],
                                      rows[par].at[pl.ds(t * CH, CH), :],
                                      sg[par]).wait()

        def wb(g, par, out_e=out_e):
            pltpu.async_copy(
                rows[par],
                out_e.at[pl.ds(r0 + g * GR, GR), pl.ds(jcol, D)], sw[par])

        def wb_wait(g, par, out_e=out_e):
            pltpu.make_async_copy(
                rows[par],
                out_e.at[pl.ds(r0 + g * GR, GR), pl.ds(jcol, D)],
                sw[par]).wait()

        issue(0, 0)

        def loop(g2, carry):
            for par in range(2):
                g = 2 * g2 + par
                if par == 0:
                    @pl.when(g2 > 0)
                    def _(g=g):
                        wb_wait(g - 1, 1)
                else:
                    wb_wait(g - 1, 0)
                issue(g + 1, 1 - par)
                drain(g, par)
                wb(g, par)
            return carry

        lax.fori_loop(0, (NG - 2) // 2, loop, 0)
        wb_wait(NG - 3, 1)
        issue(NG - 1, 1)
        drain(NG - 2, 0)
        wb(NG - 2, 0)
        drain(NG - 1, 1)
        wb(NG - 1, 1)
        wb_wait(NG - 2, 0)
        wb_wait(NG - 1, 1)


def _cat_gather(t_c, t_x, ix_c, ix_x):
    mesh = plsc.VectorSubcoreMesh(core_axis_name="c", subcore_axis_name="s")
    fn = functools.partial(
        pl.kernel,
        mesh=mesh,
        out_type=(jax.ShapeDtypeStruct((N4, 128), jnp.float32),
                  jax.ShapeDtypeStruct((N4, 128), jnp.float32)),
        scratch_types=[
            pltpu.VMEM((K, CH), jnp.int32),
            pltpu.VMEM((K, CH), jnp.int32),
            pltpu.VMEM_SHARED((V_CAT1, D), jnp.float32),
            pltpu.VMEM_SHARED((3, D), jnp.float32),
            pltpu.VMEM((GR, D), jnp.float32),
            pltpu.VMEM((GR, D), jnp.float32),
            pltpu.SemaphoreType.DMA,
            pltpu.SemaphoreType.DMA,
            pltpu.SemaphoreType.DMA,
            pltpu.SemaphoreType.DMA,
        ],
        compiler_params=pltpu.CompilerParams(
            use_tc_tiling_on_sc=False, needs_layout_passes=False),
    )(_cat_body)
    return fn(t_c, t_x, ix_c, ix_x)



BLK4 = 1024


def _mm_body(eu_ref, ei_ref, ec_ref, ex_ref, w_ref, b_ref, o_ref):
    acc = jnp.dot(eu_ref[...], w_ref[0], preferred_element_type=jnp.float32)
    acc = acc + jnp.dot(ei_ref[...], w_ref[1],
                        preferred_element_type=jnp.float32)
    acc = acc + jnp.dot(ec_ref[...], w_ref[2],
                        preferred_element_type=jnp.float32)
    acc = acc + jnp.dot(ex_ref[...], w_ref[3],
                        preferred_element_type=jnp.float32)
    for j in range(4):
        o_ref[j] = acc[:, j * 128:(j + 1) * 128] + b_ref[...]


def _project(eu, ei, ec, ex, W4, b1):
    espec = pl.BlockSpec((BLK4, 128), lambda i: (i, 0))
    return pl.pallas_call(
        _mm_body,
        grid=(N4 // BLK4,),
        in_specs=[
            espec, espec, espec, espec,
            pl.BlockSpec((4, 128, 512), lambda i: (0, 0, 0)),
            pl.BlockSpec((1, 128), lambda i: (0, 0)),
        ],
        out_specs=pl.BlockSpec((4, BLK4, 128), lambda i: (0, i, 0)),
        out_shape=jax.ShapeDtypeStruct((4, N4, 128), jnp.float32),
    )(eu, ei, ec, ex, W4, b1)


def _kron4(Wf):
    return (jnp.eye(4, dtype=jnp.float32)[:, None, :, None]
            * Wf[None, :, None, :]).reshape(4 * D, 4 * 128)


def kernel(user, item, category, interaction, emb_user, emb_item,
           emb_category, emb_interaction, W, b):
    def remap(v):
        v = v.astype(jnp.int32)
        u = v % TBLK
        return (v // TBLK) * TBLK + 4 * (u % (TBLK // 4)) + u // (TBLK // 4)

    ix_u = remap(user).T.reshape(NW, K, CH)
    ix_i = remap(item).T.reshape(NW, K, CH)
    ix_c = category.T.reshape(NW, K, CH).astype(jnp.int32)
    ix_x = interaction.T.reshape(NW, K, CH).astype(jnp.int32)
    eye = jnp.eye(128, dtype=jnp.float32)
    e_c, e_x = _cat_gather(emb_category, emb_interaction, ix_c, ix_x)
    tab_i = _to_rowmajor(emb_item.T, eye)
    e_i = _stream_field(tab_i, ix_i)
    tabT_u, _ = lax.optimization_barrier((emb_user.T, e_c))
    tab_u = _to_rowmajor(tabT_u, eye)
    e_u = _stream_field(tab_u, ix_u)
    W4 = jnp.stack([_kron4(W[f * D:(f + 1) * D, :]) for f in range(4)])
    out = _project(e_u, e_i, e_c, e_x, W4, b.reshape(1, 128))
    return jnp.transpose(out.reshape(L, B, 128), (1, 0, 2))

# --- scband reference (transcript-rebuilt; emitter-appended) ---
"""Pipeline reference for scband-embed-layer-80187039416530 (READ-ONLY COPY).

The authoritative reference and input builder live on the scoring server;
editing this copy changes nothing except your own understanding.
"""

import jax, jax.numpy as jnp
import numpy as np

B, L, D = 4096, 50, 32
V_USER, V_ITEM, V_CAT, V_INT = 1000000, 100000, 1000, 3
IN_DIM = 128  # 4 fields * 32
OUT_DIM = 128


def setup_inputs(seed: int = 0) -> dict:
    key = jax.random.key(seed)
    ks = jax.random.split(key, 10)
    user = jax.random.randint(ks[0], (B, L), 0, V_USER)
    item = jax.random.randint(ks[1], (B, L), 0, V_ITEM)
    category = jax.random.randint(ks[2], (B, L), 0, V_CAT)
    interaction = jax.random.randint(ks[3], (B, L), 0, V_INT)
    emb_user = jax.random.normal(ks[4], (V_USER + 1, D), dtype=jnp.float32)
    emb_item = jax.random.normal(ks[5], (V_ITEM + 1, D), dtype=jnp.float32)
    emb_category = jax.random.normal(ks[6], (V_CAT + 1, D), dtype=jnp.float32)
    emb_interaction = jax.random.normal(ks[7], (V_INT, D), dtype=jnp.float32)
    W = jax.random.normal(ks[8], (IN_DIM, OUT_DIM), dtype=jnp.float32) * 0.05
    b = jnp.zeros((OUT_DIM,), dtype=jnp.float32)
    return {
        "user": user,
        "item": item,
        "category": category,
        "interaction": interaction,
        "emb_user": emb_user,
        "emb_item": emb_item,
        "emb_category": emb_category,
        "emb_interaction": emb_interaction,
        "W": W,
        "b": b,
    }


def reference(user, item, category, interaction, emb_user, emb_item, emb_category, emb_interaction, W, b):
    # per-field embedding lookups, concatenated along the feature axis (dim=2)
    e = jnp.concatenate(
        [
            jnp.take(emb_user, user, axis=0),
            jnp.take(emb_item, item, axis=0),
            jnp.take(emb_category, category, axis=0),
            jnp.take(emb_interaction, interaction, axis=0),
        ],
        axis=2,
    )  # [B, L, 4*D]
    # input_lin
    return e @ W + b

if __name__ == "__main__":
    import jax
    _d = setup_inputs()
    print(jax.jit(kernel)(*tuple(_d.values())))

</pallas_src>

<mosaic_0001>
#map = affine_map<(d0, d1) -> (0, 0)>
#map1 = affine_map<(d0, d1) -> (0, 0, 0)>
module attributes {stable_mosaic.version = 14 : i64} {
  func.func @_stream_body(%arg0: i32, %arg1: i32, %arg2: memref<1015808x32xf32, #tpu.memory_space<hbm>>, %arg3: memref<32x50x128xi32, #tpu.memory_space<hbm>>, %arg4: memref<51200x128xf32, #tpu.memory_space<hbm>>, %arg5: memref<50x128xi32, #tpu.memory_space<vmem>>, %arg6: memref<640x32xf32, #tpu.memory_space<vmem>>, %arg7: memref<640x32xf32, #tpu.memory_space<vmem>>, %arg8: memref<!tpu.dma_semaphore, #tpu.memory_space<semaphore_mem>>, %arg9: memref<!tpu.dma_semaphore, #tpu.memory_space<semaphore_mem>>, %arg10: memref<!tpu.dma_semaphore, #tpu.memory_space<semaphore_mem>>, %arg11: memref<!tpu.dma_semaphore, #tpu.memory_space<semaphore_mem>>) attributes {dimension_semantics = [#tpu.dimension_semantics<core_parallel>, #tpu.dimension_semantics<subcore_parallel>], iteration_bounds = array<i64: 2, 16>, scalar_prefetch = 0 : i64, scratch_operands = 7 : i64, tpu.core_type = #tpu.core_type<sc_vector_subcore>, window_params = [{transform_indices = #map}, {transform_indices = #map1}, {transform_indices = #map}]} {
    %mul3A = arith.constant 2 : i32
    %mul3A_0 = arith.muli %arg1, %mul3A : i32
    %add3A = arith.addi %mul3A_0, %arg0 : i32
    %jit3A = arith.constant 8 : i32
    %div3A = arith.divsi %add3A, %jit3A : i32
    %sign3A = arith.constant 0 : i32
    %sign3A_1 = arith.cmpi sgt, %add3A, %sign3A : i32
    %sign3A_2 = arith.extui %sign3A_1 : i1 to i32
    %sign3A_3 = arith.constant 0 : i32
    %sign3A_4 = arith.cmpi slt, %add3A, %sign3A_3 : i32
    %sign3A_5 = arith.extui %sign3A_4 : i1 to i32
    %sign3A_6 = arith.subi %sign3A_2, %sign3A_5 : i32
    %sign3A_7 = arith.constant 0 : i32
    %sign3A_8 = arith.cmpi sgt, %jit3A, %sign3A_7 : i32
    %sign3A_9 = arith.extui %sign3A_8 : i1 to i32
    %sign3A_10 = arith.constant 0 : i32
    %sign3A_11 = arith.cmpi slt, %jit3A, %sign3A_10 : i32
    %sign3A_12 = arith.extui %sign3A_11 : i1 to i32
    %sign3A_13 = arith.subi %sign3A_9, %sign3A_12 : i32
    %ne3A = arith.cmpi ne, %sign3A_6, %sign3A_13 : i32
    %rem3A = arith.remsi %add3A, %jit3A : i32
    %ne3A_14 = arith.constant 0 : i32
    %ne3A_15 = arith.cmpi ne, %rem3A, %ne3A_14 : i32
    %and3A = arith.andi %ne3A, %ne3A_15 : i1
    %sub3A = arith.constant 1 : i32
    %sub3A_16 = arith.subi %div3A, %sub3A : i32
    %select_n3A = arith.select %and3A, %sub3A_16, %div3A : i32
    %mul3A_17 = arith.constant 32 : i32
    %mul3A_18 = arith.muli %select_n3A, %mul3A_17 : i32
    %jit3A_19 = arith.constant 8 : i32
    %eq3A = arith.constant 0 : i32
    %eq3A_20 = arith.cmpi eq, %jit3A_19, %eq3A : i32
    %jit3A_21 = arith.constant 1 : i32
    %select_n3A_22 = arith.select %eq3A_20, %jit3A_21, %jit3A_19 : i32
    %rem3A_23 = arith.remsi %add3A, %select_n3A_22 : i32
    %ne3A_24 = arith.constant 0 : i32
    %ne3A_25 = arith.cmpi ne, %rem3A_23, %ne3A_24 : i32
    %lt3A = arith.constant 0 : i32
    %lt3A_26 = arith.cmpi slt, %rem3A_23, %lt3A : i32
    %lt3A_27 = arith.constant 0 : i32
    %lt3A_28 = arith.cmpi slt, %select_n3A_22, %lt3A_27 : i32
    %ne3A_29 = arith.xori %lt3A_26, %lt3A_28 : i1
    %and3A_30 = arith.andi %ne3A_29, %ne3A_25 : i1
    %add3A_31 = arith.addi %rem3A_23, %select_n3A_22 : i32
    %select_n3A_32 = arith.select %and3A_30, %add3A_31, %rem3A_23 : i32
    %mul3A_33 = arith.constant 6400 : i32
    %mul3A_34 = arith.muli %select_n3A_32, %mul3A_33 : i32
    "tpu.region"() ({
      %run_scoped3A = tpu.sem_alloc : memref<!tpu.dma_semaphore, #tpu.memory_space<semaphore_mem>>
      %dma_start3A_258 = arith.constant 0 : i32
      %dma_start3A_259 = arith.constant 0 : i32
      %dma_start3A_260 = tpu.memref_slice %arg3[%add3A, %dma_start3A_258, %dma_start3A_259] : memref<32x50x128xi32, #tpu.memory_space<hbm>> -> memref<1x50x128xi32, #tpu.memory_space<hbm>>
      %dma_start3A_261 = tpu.memref_squeeze %dma_start3A_260 : memref<1x50x128xi32, #tpu.memory_space<hbm>> -> memref<50x128xi32, #tpu.memory_space<hbm>>
      %dma_start3A_262 = arith.constant 0 : i32
      %dma_start3A_263 = arith.constant 0 : i32
      %dma_start3A_264 = tpu.memref_slice %arg3[%add3A, %dma_start3A_262, %dma_start3A_263] : memref<32x50x128xi32, #tpu.memory_space<hbm>> -> memref<1x50x128xi32, #tpu.memory_space<hbm>>
      %dma_start3A_265 = tpu.memref_squeeze %dma_start3A_264 : memref<1x50x128xi32, #tpu.memory_space<hbm>> -> memref<50x128xi32, #tpu.memory_space<hbm>>
      tpu.enqueue_dma source(%dma_start3A_265 : memref<50x128xi32, #tpu.memory_space<hbm>>) target(%arg5 : memref<50x128xi32, #tpu.memory_space<vmem>>) target_semaphore(%run_scoped3A : memref<!tpu.dma_semaphore, #tpu.memory_space<semaphore_mem>>)
      %dma_wait3A_266 = arith.constant 0 : i32
      %dma_wait3A_267 = arith.constant 0 : i32
      %dma_wait3A_268 = tpu.memref_slice %arg3[%add3A, %dma_wait3A_266, %dma_wait3A_267] : memref<32x50x128xi32, #tpu.memory_space<hbm>> -> memref<1x50x128xi32, #tpu.memory_space<hbm>>
      %dma_wait3A_269 = tpu.memref_squeeze %dma_wait3A_268 : memref<1x50x128xi32, #tpu.memory_space<hbm>> -> memref<50x128xi32, #tpu.memory_space<hbm>>
      %dma_wait3A_270 = arith.constant 0 : i32
      %dma_wait3A_271 = arith.constant 0 : i32
      %dma_wait3A_272 = tpu.memref_slice %arg3[%add3A, %dma_wait3A_270, %dma_wait3A_271] : memref<32x50x128xi32, #tpu.memory_space<hbm>> -> memref<1x50x128xi32, #tpu.memory_space<hbm>>
      %dma_wait3A_273 = tpu.memref_squeeze %dma_wait3A_272 : memref<1x50x128xi32, #tpu.memory_space<hbm>> -> memref<50x128xi32, #tpu.memory_space<hbm>>
      tpu.wait_dma2 semaphore(%run_scoped3A : memref<!tpu.dma_semaphore, #tpu.memory_space<semaphore_mem>>) src(%dma_wait3A_273 : memref<50x128xi32, #tpu.memory_space<hbm>>) dst(%arg5 : memref<50x128xi32, #tpu.memory_space<vmem>>)
      tpu.yield
    }) : () -> ()
    %dma_start3A = arith.constant 0 : i32
    %dma_start3A_35 = arith.constant 0 : i32
    %dma_start3A_36 = arith.constant 0 : i32
    %dma_start3A_37 = tpu.memref_slice %arg6[%dma_start3A_35, %dma_start3A_36] : memref<640x32xf32, #tpu.memory_space<vmem>> -> memref<128x32xf32, #tpu.memory_space<vmem>>
    %dma_start3A_38 = arith.constant 0 : i32
    %dma_start3A_39 = tpu.memref_slice %arg5[%dma_start3A, %dma_start3A_38] : memref<50x128xi32, #tpu.memory_space<vmem>> -> memref<1x128xi32, #tpu.memory_space<vmem>>
    %dma_start3A_40 = tpu.memref_squeeze %dma_start3A_39 : memref<1x128xi32, #tpu.memory_space<vmem>> -> memref<128xi32, #tpu.memory_space<vmem>>
    %dma_start3A_41 = arith.constant 0 : i32
    %dma_start3A_42 = arith.constant 0 : i32
    %dma_start3A_43 = tpu.memref_slice %arg2[%dma_start3A_41, %dma_start3A_42] : memref<1015808x32xf32, #tpu.memory_space<hbm>> -> memref<1015808x32xf32, #tpu.memory_space<hbm>>
    tpu.enqueue_indirect_dma source(%dma_start3A_43 : memref<1015808x32xf32, #tpu.memory_space<hbm>>) target(%dma_start3A_37 : memref<128x32xf32, #tpu.memory_space<vmem>>) offsets(%dma_start3A_40 : memref<128xi32, #tpu.memory_space<vmem>>) semaphore(%arg8 : memref<!tpu.dma_semaphore, #tpu.memory_space<semaphore_mem>>)
    %dma_start3A_44 = arith.constant 1 : i32
    %dma_start3A_45 = arith.constant 128 : i32
    %dma_start3A_46 = arith.constant 0 : i32
    %dma_start3A_47 = tpu.memref_slice %arg6[%dma_start3A_45, %dma_start3A_46] : memref<640x32xf32, #tpu.memory_space<vmem>> -> memref<128x32xf32, #tpu.memory_space<vmem>>
    %dma_start3A_48 = arith.constant 0 : i32
    %dma_start3A_49 = tpu.memref_slice %arg5[%dma_start3A_44, %dma_start3A_48] : memref<50x128xi32, #tpu.memory_space<vmem>> -> memref<1x128xi32, #tpu.memory_space<vmem>>
    %dma_start3A_50 = tpu.memref_squeeze %dma_start3A_49 : memref<1x128xi32, #tpu.memory_space<vmem>> -> memref<128xi32, #tpu.memory_space<vmem>>
    %dma_start3A_51 = arith.constant 0 : i32
    %dma_start3A_52 = arith.constant 0 : i32
    %dma_start3A_53 = tpu.memref_slice %arg2[%dma_start3A_51, %dma_start3A_52] : memref<1015808x32xf32, #tpu.memory_space<hbm>> -> memref<1015808x32xf32, #tpu.memory_space<hbm>>
    tpu.enqueue_indirect_dma source(%dma_start3A_53 : memref<1015808x32xf32, #tpu.memory_space<hbm>>) target(%dma_start3A_47 : memref<128x32xf32, #tpu.memory_space<vmem>>) offsets(%dma_start3A_50 : memref<128xi32, #tpu.memory_space<vmem>>) semaphore(%arg8 : memref<!tpu.dma_semaphore, #tpu.memory_space<semaphore_mem>>)
    %dma_start3A_54 = arith.constant 2 : i32
    %dma_start3A_55 = arith.constant 256 : i32
    %dma_start3A_56 = arith.constant 0 : i32
    %dma_start3A_57 = tpu.memref_slice %arg6[%dma_start3A_55, %dma_start3A_56] : memref<640x32xf32, #tpu.memory_space<vmem>> -> memref<128x32xf32, #tpu.memory_space<vmem>>
    %dma_start3A_58 = arith.constant 0 : i32
    %dma_start3A_59 = tpu.memref_slice %arg5[%dma_start3A_54, %dma_start3A_58] : memref<50x128xi32, #tpu.memory_space<vmem>> -> memref<1x128xi32, #tpu.memory_space<vmem>>
    %dma_start3A_60 = tpu.memref_squeeze %dma_start3A_59 : memref<1x128xi32, #tpu.memory_space<vmem>> -> memref<128xi32, #tpu.memory_space<vmem>>
    %dma_start3A_61 = arith.constant 0 : i32
    %dma_start3A_62 = arith.constant 0 : i32
    %dma_start3A_63 = tpu.memref_slice %arg2[%dma_start3A_61, %dma_start3A_62] : memref<1015808x32xf32, #tpu.memory_space<hbm>> -> memref<1015808x32xf32, #tpu.memory_space<hbm>>
    tpu.enqueue_indirect_dma source(%dma_start3A_63 : memref<1015808x32xf32, #tpu.memory_space<hbm>>) target(%dma_start3A_57 : memref<128x32xf32, #tpu.memory_space<vmem>>) offsets(%dma_start3A_60 : memref<128xi32, #tpu.memory_space<vmem>>) semaphore(%arg8 : memref<!tpu.dma_semaphore, #tpu.memory_space<semaphore_mem>>)
    %dma_start3A_64 = arith.constant 3 : i32
    %dma_start3A_65 = arith.constant 384 : i32
    %dma_start3A_66 = arith.constant 0 : i32
    %dma_start3A_67 = tpu.memref_slice %arg6[%dma_start3A_65, %dma_start3A_66] : memref<640x32xf32, #tpu.memory_space<vmem>> -> memref<128x32xf32, #tpu.memory_space<vmem>>
    %dma_start3A_68 = arith.constant 0 : i32
    %dma_start3A_69 = tpu.memref_slice %arg5[%dma_start3A_64, %dma_start3A_68] : memref<50x128xi32, #tpu.memory_space<vmem>> -> memref<1x128xi32, #tpu.memory_space<vmem>>
    %dma_start3A_70 = tpu.memref_squeeze %dma_start3A_69 : memref<1x128xi32, #tpu.memory_space<vmem>> -> memref<128xi32, #tpu.memory_space<vmem>>
    %dma_start3A_71 = arith.constant 0 : i32
    %dma_start3A_72 = arith.constant 0 : i32
    %dma_start3A_73 = tpu.memref_slice %arg2[%dma_start3A_71, %dma_start3A_72] : memref<1015808x32xf32, #tpu.memory_space<hbm>> -> memref<1015808x32xf32, #tpu.memory_space<hbm>>
    tpu.enqueue_indirect_dma source(%dma_start3A_73 : memref<1015808x32xf32, #tpu.memory_space<hbm>>) target(%dma_start3A_67 : memref<128x32xf32, #tpu.memory_space<vmem>>) offsets(%dma_start3A_70 : memref<128xi32, #tpu.memory_space<vmem>>) semaphore(%arg8 : memref<!tpu.dma_semaphore, #tpu.memory_space<semaphore_mem>>)
    %dma_start3A_74 = arith.constant 4 : i32
    %dma_start3A_75 = arith.constant 512 : i32
    %dma_start3A_76 = arith.constant 0 : i32
    %dma_start3A_77 = tpu.memref_slice %arg6[%dma_start3A_75, %dma_start3A_76] : memref<640x32xf32, #tpu.memory_space<vmem>> -> memref<128x32xf32, #tpu.memory_space<vmem>>
    %dma_start3A_78 = arith.constant 0 : i32
    %dma_start3A_79 = tpu.memref_slice %arg5[%dma_start3A_74, %dma_start3A_78] : memref<50x128xi32, #tpu.memory_space<vmem>> -> memref<1x128xi32, #tpu.memory_space<vmem>>
    %dma_start3A_80 = tpu.memref_squeeze %dma_start3A_79 : memref<1x128xi32, #tpu.memory_space<vmem>> -> memref<128xi32, #tpu.memory_space<vmem>>
    %dma_start3A_81 = arith.constant 0 : i32
    %dma_start3A_82 = arith.constant 0 : i32
    %dma_start3A_83 = tpu.memref_slice %arg2[%dma_start3A_81, %dma_start3A_82] : memref<1015808x32xf32, #tpu.memory_space<hbm>> -> memref<1015808x32xf32, #tpu.memory_space<hbm>>
    tpu.enqueue_indirect_dma source(%dma_start3A_83 : memref<1015808x32xf32, #tpu.memory_space<hbm>>) target(%dma_start3A_77 : memref<128x32xf32, #tpu.memory_space<vmem>>) offsets(%dma_start3A_80 : memref<128xi32, #tpu.memory_space<vmem>>) semaphore(%arg8 : memref<!tpu.dma_semaphore, #tpu.memory_space<semaphore_mem>>)
    %scan3A = arith.constant 0 : i32
    %scan3A_84 = arith.constant 0 : i32
    %scan3A_85 = arith.constant 4 : i32
    %scan3A_86 = arith.addi %scan3A_84, %scan3A_85 : i32
    %scan3A_87 = arith.constant 1 : i32
    scf.for %scan3A_258 = %scan3A_84 to %scan3A_86 step %scan3A_87  : i32 {
      %mul3A_259 = arith.constant 2 : i32
      %mul3A_260 = arith.muli %mul3A_259, %scan3A_258 : i32
      %add3A_261 = arith.constant 0 : i32
      %add3A_262 = arith.addi %mul3A_260, %add3A_261 : i32
      %gt3A = arith.constant 0 : i32
      %gt3A_263 = arith.cmpi sgt, %scan3A_258, %gt3A : i32
      %convert_element_type3A = arith.extui %gt3A_263 : i1 to i32
      %cond3A = arith.constant 0 : i32
      %cond3A_264 = arith.cmpi ne, %convert_element_type3A, %cond3A : i32
      scf.if %cond3A_264 {
        %sub3A_550 = arith.constant 1 : i32
        %sub3A_551 = arith.subi %add3A_262, %sub3A_550 : i32
        %mul3A_552 = arith.constant 640 : i32
        %mul3A_553 = arith.muli %sub3A_551, %mul3A_552 : i32
        %add3A_554 = arith.addi %mul3A_34, %mul3A_553 : i32
        %dma_wait3A_555 = tpu.memref_slice %arg4[%add3A_554, %mul3A_18] : memref<51200x128xf32, #tpu.memory_space<hbm>> -> memref<640x32xf32, #tpu.memory_space<hbm>>
        %dma_wait3A_556 = tpu.memref_slice %arg4[%add3A_554, %mul3A_18] : memref<51200x128xf32, #tpu.memory_space<hbm>> -> memref<640x32xf32, #tpu.memory_space<hbm>>
        tpu.wait_dma2 semaphore(%arg11 : memref<!tpu.dma_semaphore, #tpu.memory_space<semaphore_mem>>) src(%arg7 : memref<640x32xf32, #tpu.memory_space<vmem>>) dst(%dma_wait3A_556 : memref<640x32xf32, #tpu.memory_space<hbm>>)
      } else {
      }
      %add3A_265 = arith.constant 1 : i32
      %add3A_266 = arith.addi %add3A_262, %add3A_265 : i32
      %mul3A_267 = arith.constant 5 : i32
      %mul3A_268 = arith.muli %add3A_266, %mul3A_267 : i32
      %add3A_269 = arith.constant 0 : i32
      %add3A_270 = arith.addi %mul3A_268, %add3A_269 : i32
      %dma_start3A_271 = arith.constant 0 : i32
      %dma_start3A_272 = arith.constant 0 : i32
      %dma_start3A_273 = tpu.memref_slice %arg7[%dma_start3A_271, %dma_start3A_272] : memref<640x32xf32, #tpu.memory_space<vmem>> -> memref<128x32xf32, #tpu.memory_space<vmem>>
      %dma_start3A_274 = arith.constant 0 : i32
      %dma_start3A_275 = tpu.memref_slice %arg5[%add3A_270, %dma_start3A_274] : memref<50x128xi32, #tpu.memory_space<vmem>> -> memref<1x128xi32, #tpu.memory_space<vmem>>
      %dma_start3A_276 = tpu.memref_squeeze %dma_start3A_275 : memref<1x128xi32, #tpu.memory_space<vmem>> -> memref<128xi32, #tpu.memory_space<vmem>>
      %dma_start3A_277 = arith.constant 0 : i32
      %dma_start3A_278 = arith.constant 0 : i32
      %dma_start3A_279 = tpu.memref_slice %arg2[%dma_start3A_277, %dma_start3A_278] : memref<1015808x32xf32, #tpu.memory_space<hbm>> -> memref<1015808x32xf32, #tpu.memory_space<hbm>>
      tpu.enqueue_indirect_dma source(%dma_start3A_279 : memref<1015808x32xf32, #tpu.memory_space<hbm>>) target(%dma_start3A_273 : memref<128x32xf32, #tpu.memory_space<vmem>>) offsets(%dma_start3A_276 : memref<128xi32, #tpu.memory_space<vmem>>) semaphore(%arg9 : memref<!tpu.dma_semaphore, #tpu.memory_space<semaphore_mem>>)
      %mul3A_280 = arith.constant 5 : i32
      %mul3A_281 = arith.muli %add3A_266, %mul3A_280 : i32
      %add3A_282 = arith.constant 1 : i32
      %add3A_283 = arith.addi %mul3A_281, %add3A_282 : i32
      %dma_start3A_284 = arith.constant 128 : i32
      %dma_start3A_285 = arith.constant 0 : i32
      %dma_start3A_286 = tpu.memref_slice %arg7[%dma_start3A_284, %dma_start3A_285] : memref<640x32xf32, #tpu.memory_space<vmem>> -> memref<128x32xf32, #tpu.memory_space<vmem>>
      %dma_start3A_287 = arith.constant 0 : i32
      %dma_start3A_288 = tpu.memref_slice %arg5[%add3A_283, %dma_start3A_287] : memref<50x128xi32, #tpu.memory_space<vmem>> -> memref<1x128xi32, #tpu.memory_space<vmem>>
      %dma_start3A_289 = tpu.memref_squeeze %dma_start3A_288 : memref<1x128xi32, #tpu.memory_space<vmem>> -> memref<128xi32, #tpu.memory_space<vmem>>
      %dma_start3A_290 = arith.constant 0 : i32
      %dma_start3A_291 = arith.constant 0 : i32
      %dma_start3A_292 = tpu.memref_slice %arg2[%dma_start3A_290, %dma_start3A_291] : memref<1015808x32xf32, #tpu.memory_space<hbm>> -> memref<1015808x32xf32, #tpu.memory_space<hbm>>
      tpu.enqueue_indirect_dma source(%dma_start3A_292 : memref<1015808x32xf32, #tpu.memory_space<hbm>>) target(%dma_start3A_286 : memref<128x32xf32, #tpu.memory_space<vmem>>) offsets(%dma_start3A_289 : memref<128xi32, #tpu.memory_space<vmem>>) semaphore(%arg9 : memref<!tpu.dma_semaphore, #tpu.memory_space<semaphore_mem>>)
      %mul3A_293 = arith.constant 5 : i32
      %mul3A_294 = arith.muli %add3A_266, %mul3A_293 : i32
      %add3A_295 = arith.constant 2 : i32
      %add3A_296 = arith.addi %mul3A_294, %add3A_295 : i32
      %dma_start3A_297 = arith.constant 256 : i32
      %dma_start3A_298 = arith.constant 0 : i32
      %dma_start3A_299 = tpu.memref_slice %arg7[%dma_start3A_297, %dma_start3A_298] : memref<640x32xf32, #tpu.memory_space<vmem>> -> memref<128x32xf32, #tpu.memory_space<vmem>>
      %dma_start3A_300 = arith.constant 0 : i32
      %dma_start3A_301 = tpu.memref_slice %arg5[%add3A_296, %dma_start3A_300] : memref<50x128xi32, #tpu.memory_space<vmem>> -> memref<1x128xi32, #tpu.memory_space<vmem>>
      %dma_start3A_302 = tpu.memref_squeeze %dma_start3A_301 : memref<1x128xi32, #tpu.memory_space<vmem>> -> memref<128xi32, #tpu.memory_space<vmem>>
      %dma_start3A_303 = arith.constant 0 : i32
      %dma_start3A_304 = arith.constant 0 : i32
      %dma_start3A_305 = tpu.memref_slice %arg2[%dma_start3A_303, %dma_start3A_304] : memref<1015808x32xf32, #tpu.memory_space<hbm>> -> memref<1015808x32xf32, #tpu.memory_space<hbm>>
      tpu.enqueue_indirect_dma source(%dma_start3A_305 : memref<1015808x32xf32, #tpu.memory_space<hbm>>) target(%dma_start3A_299 : memref<128x32xf32, #tpu.memory_space<vmem>>) offsets(%dma_start3A_302 : memref<128xi32, #tpu.memory_space<vmem>>) semaphore(%arg9 : memref<!tpu.dma_semaphore, #tpu.memory_space<semaphore_mem>>)
      %mul3A_306 = arith.constant 5 : i32
      %mul3A_307 = arith.muli %add3A_266, %mul3A_306 : i32
      %add3A_308 = arith.constant 3 : i32
      %add3A_309 = arith.addi %mul3A_307, %add3A_308 : i32
      %dma_start3A_310 = arith.constant 384 : i32
      %dma_start3A_311 = arith.constant 0 : i32
      %dma_start3A_312 = tpu.memref_slice %arg7[%dma_start3A_310, %dma_start3A_311] : memref<640x32xf32, #tpu.memory_space<vmem>> -> memref<128x32xf32, #tpu.memory_space<vmem>>
      %dma_start3A_313 = arith.constant 0 : i32
      %dma_start3A_314 = tpu.memref_slice %arg5[%add3A_309, %dma_start3A_313] : memref<50x128xi32, #tpu.memory_space<vmem>> -> memref<1x128xi32, #tpu.memory_space<vmem>>
      %dma_start3A_315 = tpu.memref_squeeze %dma_start3A_314 : memref<1x128xi32, #tpu.memory_space<vmem>> -> memref<128xi32, #tpu.memory_space<vmem>>
      %dma_start3A_316 = arith.constant 0 : i32
      %dma_start3A_317 = arith.constant 0 : i32
      %dma_start3A_318 = tpu.memref_slice %arg2[%dma_start3A_316, %dma_start3A_317] : memref<1015808x32xf32, #tpu.memory_space<hbm>> -> memref<1015808x32xf32, #tpu.memory_space<hbm>>
      tpu.enqueue_indirect_dma source(%dma_start3A_318 : memref<1015808x32xf32, #tpu.memory_space<hbm>>) target(%dma_start3A_312 : memref<128x32xf32, #tpu.memory_space<vmem>>) offsets(%dma_start3A_315 : memref<128xi32, #tpu.memory_space<vmem>>) semaphore(%arg9 : memref<!tpu.dma_semaphore, #tpu.memory_space<semaphore_mem>>)
      %mul3A_319 = arith.constant 5 : i32
      %mul3A_320 = arith.muli %add3A_266, %mul3A_319 : i32
      %add3A_321 = arith.constant 4 : i32
      %add3A_322 = arith.addi %mul3A_320, %add3A_321 : i32
      %dma_start3A_323 = arith.constant 512 : i32
      %dma_start3A_324 = arith.constant 0 : i32
      %dma_start3A_325 = tpu.memref_slice %arg7[%dma_start3A_323, %dma_start3A_324] : memref<640x32xf32, #tpu.memory_space<vmem>> -> memref<128x32xf32, #tpu.memory_space<vmem>>
      %dma_start3A_326 = arith.constant 0 : i32
      %dma_start3A_327 = tpu.memref_slice %arg5[%add3A_322, %dma_start3A_326] : memref<50x128xi32, #tpu.memory_space<vmem>> -> memref<1x128xi32, #tpu.memory_space<vmem>>
      %dma_start3A_328 = tpu.memref_squeeze %dma_start3A_327 : memref<1x128xi32, #tpu.memory_space<vmem>> -> memref<128xi32, #tpu.memory_space<vmem>>
      %dma_start3A_329 = arith.constant 0 : i32
      %dma_start3A_330 = arith.constant 0 : i32
      %dma_start3A_331 = tpu.memref_slice %arg2[%dma_start3A_329, %dma_start3A_330] : memref<1015808x32xf32, #tpu.memory_space<hbm>> -> memref<1015808x32xf32, #tpu.memory_space<hbm>>
      tpu.enqueue_indirect_dma source(%dma_start3A_331 : memref<1015808x32xf32, #tpu.memory_space<hbm>>) target(%dma_start3A_325 : memref<128x32xf32, #tpu.memory_space<vmem>>) offsets(%dma_start3A_328 : memref<128xi32, #tpu.memory_space<vmem>>) semaphore(%arg9 : memref<!tpu.dma_semaphore, #tpu.memory_space<semaphore_mem>>)
      %mul3A_332 = arith.constant 5 : i32
      %mul3A_333 = arith.muli %add3A_262, %mul3A_332 : i32
      %add3A_334 = arith.constant 0 : i32
      %add3A_335 = arith.addi %mul3A_333, %add3A_334 : i32
      %dma_wait3A_336 = arith.constant 0 : i32
      %dma_wait3A_337 = arith.constant 0 : i32
      %dma_wait3A_338 = tpu.memref_slice %arg6[%dma_wait3A_336, %dma_wait3A_337] : memref<640x32xf32, #tpu.memory_space<vmem>> -> memref<128x32xf32, #tpu.memory_space<vmem>>
      %dma_wait3A_339 = arith.constant 0 : i32
      %dma_wait3A_340 = tpu.memref_slice %arg5[%add3A_335, %dma_wait3A_339] : memref<50x128xi32, #tpu.memory_space<vmem>> -> memref<1x128xi32, #tpu.memory_space<vmem>>
      %dma_wait3A_341 = tpu.memref_squeeze %dma_wait3A_340 : memref<1x128xi32, #tpu.memory_space<vmem>> -> memref<128xi32, #tpu.memory_space<vmem>>
      %dma_wait3A_342 = arith.constant 0 : i32
      %dma_wait3A_343 = arith.constant 0 : i32
      %dma_wait3A_344 = tpu.memref_slice %arg2[%dma_wait3A_342, %dma_wait3A_343] : memref<1015808x32xf32, #tpu.memory_space<hbm>> -> memref<1015808x32xf32, #tpu.memory_space<hbm>>
      tpu.wait_indirect_dma semaphore(%arg8 : memref<!tpu.dma_semaphore, #tpu.memory_space<semaphore_mem>>) src(%dma_wait3A_344 : memref<1015808x32xf32, #tpu.memory_space<hbm>>) dst(%dma_wait3A_338 : memref<128x32xf32, #tpu.memory_space<vmem>>)
      %mul3A_345 = arith.constant 5 : i32
      %mul3A_346 = arith.muli %add3A_262, %mul3A_345 : i32
      %add3A_347 = arith.constant 1 : i32
      %add3A_348 = arith.addi %mul3A_346, %add3A_347 : i32
      %dma_wait3A_349 = arith.constant 128 : i32
      %dma_wait3A_350 = arith.constant 0 : i32
      %dma_wait3A_351 = tpu.memref_slice %arg6[%dma_wait3A_349, %dma_wait3A_350] : memref<640x32xf32, #tpu.memory_space<vmem>> -> memref<128x32xf32, #tpu.memory_space<vmem>>
      %dma_wait3A_352 = arith.constant 0 : i32
      %dma_wait3A_353 = tpu.memref_slice %arg5[%add3A_348, %dma_wait3A_352] : memref<50x128xi32, #tpu.memory_space<vmem>> -> memref<1x128xi32, #tpu.memory_space<vmem>>
      %dma_wait3A_354 = tpu.memref_squeeze %dma_wait3A_353 : memref<1x128xi32, #tpu.memory_space<vmem>> -> memref<128xi32, #tpu.memory_space<vmem>>
      %dma_wait3A_355 = arith.constant 0 : i32
      %dma_wait3A_356 = arith.constant 0 : i32
      %dma_wait3A_357 = tpu.memref_slice %arg2[%dma_wait3A_355, %dma_wait3A_356] : memref<1015808x32xf32, #tpu.memory_space<hbm>> -> memref<1015808x32xf32, #tpu.memory_space<hbm>>
      tpu.wait_indirect_dma semaphore(%arg8 : memref<!tpu.dma_semaphore, #tpu.memory_space<semaphore_mem>>) src(%dma_wait3A_357 : memref<1015808x32xf32, #tpu.memory_space<hbm>>) dst(%dma_wait3A_351 : memref<128x32xf32, #tpu.memory_space<vmem>>)
      %mul3A_358 = arith.constant 5 : i32
      %mul3A_359 = arith.muli %add3A_262, %mul3A_358 : i32
      %add3A_360 = arith.constant 2 : i32
      %add3A_361 = arith.addi %mul3A_359, %add3A_360 : i32
      %dma_wait3A_362 = arith.constant 256 : i32
      %dma_wait3A_363 = arith.constant 0 : i32
      %dma_wait3A_364 = tpu.memref_slice %arg6[%dma_wait3A_362, %dma_wait3A_363] : memref<640x32xf32, #tpu.memory_space<vmem>> -> memref<128x32xf32, #tpu.memory_space<vmem>>
      %dma_wait3A_365 = arith.constant 0 : i32
      %dma_wait3A_366 = tpu.memref_slice %arg5[%add3A_361, %dma_wait3A_365] : memref<50x128xi32, #tpu.memory_space<vmem>> -> memref<1x128xi32, #tpu.memory_space<vmem>>
      %dma_wait3A_367 = tpu.memref_squeeze %dma_wait3A_366 : memref<1x128xi32, #tpu.memory_space<vmem>> -> memref<128xi32, #tpu.memory_space<vmem>>
      %dma_wait3A_368 = arith.constant 0 : i32
      %dma_wait3A_369 = arith.constant 0 : i32
      %dma_wait3A_370 = tpu.memref_slice %arg2[%dma_wait3A_368, %dma_wait3A_369] : memref<1015808x32xf32, #tpu.memory_space<hbm>> -> memref<1015808x32xf32, #tpu.memory_space<hbm>>
      tpu.wait_indirect_dma semaphore(%arg8 : memref<!tpu.dma_semaphore, #tpu.memory_space<semaphore_mem>>) src(%dma_wait3A_370 : memref<1015808x32xf32, #tpu.memory_space<hbm>>) dst(%dma_wait3A_364 : memref<128x32xf32, #tpu.memory_space<vmem>>)
      %mul3A_371 = arith.constant 5 : i32
      %mul3A_372 = arith.muli %add3A_262, %mul3A_371 : i32
      %add3A_373 = arith.constant 3 : i32
      %add3A_374 = arith.addi %mul3A_372, %add3A_373 : i32
      %dma_wait3A_375 = arith.constant 384 : i32
      %dma_wait3A_376 = arith.constant 0 : i32
      %dma_wait3A_377 = tpu.memref_slice %arg6[%dma_wait3A_375, %dma_wait3A_376] : memref<640x32xf32, #tpu.memory_space<vmem>> -> memref<128x32xf32, #tpu.memory_space<vmem>>
      %dma_wait3A_378 = arith.constant 0 : i32
      %dma_wait3A_379 = tpu.memref_slice %arg5[%add3A_374, %dma_wait3A_378] : memref<50x128xi32, #tpu.memory_space<vmem>> -> memref<1x128xi32, #tpu.memory_space<vmem>>
      %dma_wait3A_380 = tpu.memref_squeeze %dma_wait3A_379 : memref<1x128xi32, #tpu.memory_space<vmem>> -> memref<128xi32, #tpu.memory_space<vmem>>
      %dma_wait3A_381 = arith.constant 0 : i32
      %dma_wait3A_382 = arith.constant 0 : i32
      %dma_wait3A_383 = tpu.memref_slice %arg2[%dma_wait3A_381, %dma_wait3A_382] : memref<1015808x32xf32, #tpu.memory_space<hbm>> -> memref<1015808x32xf32, #tpu.memory_space<hbm>>
      tpu.wait_indirect_dma semaphore(%arg8 : memref<!tpu.dma_semaphore, #tpu.memory_space<semaphore_mem>>) src(%dma_wait3A_383 : memref<1015808x32xf32, #tpu.memory_space<hbm>>) dst(%dma_wait3A_377 : memref<128x32xf32, #tpu.memory_space<vmem>>)
      %mul3A_384 = arith.constant 5 : i32
      %mul3A_385 = arith.muli %add3A_262, %mul3A_384 : i32
      %add3A_386 = arith.constant 4 : i32
      %add3A_387 = arith.addi %mul3A_385, %add3A_386 : i32
      %dma_wait3A_388 = arith.constant 512 : i32
      %dma_wait3A_389 = arith.constant 0 : i32
      %dma_wait3A_390 = tpu.memref_slice %arg6[%dma_wait3A_388, %dma_wait3A_389] : memref<640x32xf32, #tpu.memory_space<vmem>> -> memref<128x32xf32, #tpu.memory_space<vmem>>
      %dma_wait3A_391 = arith.constant 0 : i32
      %dma_wait3A_392 = tpu.memref_slice %arg5[%add3A_387, %dma_wait3A_391] : memref<50x128xi32, #tpu.memory_space<vmem>> -> memref<1x128xi32, #tpu.memory_space<vmem>>
      %dma_wait3A_393 = tpu.memref_squeeze %dma_wait3A_392 : memref<1x128xi32, #tpu.memory_space<vmem>> -> memref<128xi32, #tpu.memory_space<vmem>>
      %dma_wait3A_394 = arith.constant 0 : i32
      %dma_wait3A_395 = arith.constant 0 : i32
      %dma_wait3A_396 = tpu.memref_slice %arg2[%dma_wait3A_394, %dma_wait3A_395] : memref<1015808x32xf32, #tpu.memory_space<hbm>> -> memref<1015808x32xf32, #tpu.memory_space<hbm>>
      tpu.wait_indirect_dma semaphore(%arg8 : memref<!tpu.dma_semaphore, #tpu.memory_space<semaphore_mem>>) src(%dma_wait3A_396 : memref<1015808x32xf32, #tpu.memory_space<hbm>>) dst(%dma_wait3A_390 : memref<128x32xf32, #tpu.memory_space<vmem>>)
      %mul3A_397 = arith.constant 640 : i32
      %mul3A_398 = arith.muli %add3A_262, %mul3A_397 : i32
      %add3A_399 = arith.addi %mul3A_34, %mul3A_398 : i32
      %dma_start3A_400 = tpu.memref_slice %arg4[%add3A_399, %mul3A_18] : memref<51200x128xf32, #tpu.memory_space<hbm>> -> memref<640x32xf32, #tpu.memory_space<hbm>>
      %dma_start3A_401 = tpu.memref_slice %arg4[%add3A_399, %mul3A_18] : memref<51200x128xf32, #tpu.memory_space<hbm>> -> memref<640x32xf32, #tpu.memory_space<hbm>>
      tpu.enqueue_dma source(%arg6 : memref<640x32xf32, #tpu.memory_space<vmem>>) target(%dma_start3A_401 : memref<640x32xf32, #tpu.memory_space<hbm>>) target_semaphore(%arg10 : memref<!tpu.dma_semaphore, #tpu.memory_space<semaphore_mem>>)
      %mul3A_402 = arith.constant 2 : i32
      %mul3A_403 = arith.muli %mul3A_402, %scan3A_258 : i32
      %add3A_404 = arith.constant 1 : i32
      %add3A_405 = arith.addi %mul3A_403, %add3A_404 : i32
      %sub3A_406 = arith.constant 1 : i32
      %sub3A_407 = arith.subi %add3A_405, %sub3A_406 : i32
      %mul3A_408 = arith.constant 640 : i32
      %mul3A_409 = arith.muli %sub3A_407, %mul3A_408 : i32
      %add3A_410 = arith.addi %mul3A_34, %mul3A_409 : i32
      %dma_wait3A_411 = tpu.memref_slice %arg4[%add3A_410, %mul3A_18] : memref<51200x128xf32, #tpu.memory_space<hbm>> -> memref<640x32xf32, #tpu.memory_space<hbm>>
      %dma_wait3A_412 = tpu.memref_slice %arg4[%add3A_410, %mul3A_18] : memref<51200x128xf32, #tpu.memory_space<hbm>> -> memref<640x32xf32, #tpu.memory_space<hbm>>
      tpu.wait_dma2 semaphore(%arg10 : memref<!tpu.dma_semaphore, #tpu.memory_space<semaphore_mem>>) src(%arg6 : memref<640x32xf32, #tpu.memory_space<vmem>>) dst(%dma_wait3A_412 : memref<640x32xf32, #tpu.memory_space<hbm>>)
      %add3A_413 = arith.constant 1 : i32
      %add3A_414 = arith.addi %add3A_405, %add3A_413 : i32
      %mul3A_415 = arith.constant 5 : i32
      %mul3A_416 = arith.muli %add3A_414, %mul3A_415 : i32
      %add3A_417 = arith.constant 0 : i32
      %add3A_418 = arith.addi %mul3A_416, %add3A_417 : i32
      %dma_start3A_419 = arith.constant 0 : i32
      %dma_start3A_420 = arith.constant 0 : i32
      %dma_start3A_421 = tpu.memref_slice %arg6[%dma_start3A_419, %dma_start3A_420] : memref<640x32xf32, #tpu.memory_space<vmem>> -> memref<128x32xf32, #tpu.memory_space<vmem>>
      %dma_start3A_422 = arith.constant 0 : i32
      %dma_start3A_423 = tpu.memref_slice %arg5[%add3A_418, %dma_start3A_422] : memref<50x128xi32, #tpu.memory_space<vmem>> -> memref<1x128xi32, #tpu.memory_space<vmem>>
      %dma_start3A_424 = tpu.memref_squeeze %dma_start3A_423 : memref<1x128xi32, #tpu.memory_space<vmem>> -> memref<128xi32, #tpu.memory_space<vmem>>
      %dma_start3A_425 = arith.constant 0 : i32
      %dma_start3A_426 = arith.constant 0 : i32
      %dma_start3A_427 = tpu.memref_slice %arg2[%dma_start3A_425, %dma_start3A_426] : memref<1015808x32xf32, #tpu.memory_space<hbm>> -> memref<1015808x32xf32, #tpu.memory_space<hbm>>
      tpu.enqueue_indirect_dma source(%dma_start3A_427 : memref<1015808x32xf32, #tpu.memory_space<hbm>>) target(%dma_start3A_421 : memref<128x32xf32, #tpu.memory_space<vmem>>) offsets(%dma_start3A_424 : memref<128xi32, #tpu.memory_space<vmem>>) semaphore(%arg8 : memref<!tpu.dma_semaphore, #tpu.memory_space<semaphore_mem>>)
      %mul3A_428 = arith.constant 5 : i32
      %mul3A_429 = arith.muli %add3A_414, %mul3A_428 : i32
      %add3A_430 = arith.constant 1 : i32
      %add3A_431 = arith.addi %mul3A_429, %add3A_430 : i32
      %dma_start3A_432 = arith.constant 128 : i32
      %dma_start3A_433 = arith.constant 0 : i32
      %dma_start3A_434 = tpu.memref_slice %arg6[%dma_start3A_432, %dma_start3A_433] : memref<640x32xf32, #tpu.memory_space<vmem>> -> memref<128x32xf32, #tpu.memory_space<vmem>>
      %dma_start3A_435 = arith.constant 0 : i32
      %dma_start3A_436 = tpu.memref_slice %arg5[%add3A_431, %dma_start3A_435] : memref<50x128xi32, #tpu.memory_space<vmem>> -> memref<1x128xi32, #tpu.memory_space<vmem>>
      %dma_start3A_437 = tpu.memref_squeeze %dma_start3A_436 : memref<1x128xi32, #tpu.memory_space<vmem>> -> memref<128xi32, #tpu.memory_space<vmem>>
      %dma_start3A_438 = arith.constant 0 : i32
      %dma_start3A_439 = arith.constant 0 : i32
      %dma_start3A_440 = tpu.memref_slice %arg2[%dma_start3A_438, %dma_start3A_439] : memref<1015808x32xf32, #tpu.memory_space<hbm>> -> memref<1015808x32xf32, #tpu.memory_space<hbm>>
      tpu.enqueue_indirect_dma source(%dma_start3A_440 : memref<1015808x32xf32, #tpu.memory_space<hbm>>) target(%dma_start3A_434 : memref<128x32xf32, #tpu.memory_space<vmem>>) offsets(%dma_start3A_437 : memref<128xi32, #tpu.memory_space<vmem>>) semaphore(%arg8 : memref<!tpu.dma_semaphore, #tpu.memory_space<semaphore_mem>>)
      %mul3A_441 = arith.constant 5 : i32
      %mul3A_442 = arith.muli %add3A_414, %mul3A_441 : i32
      %add3A_443 = arith.constant 2 : i32
      %add3A_444 = arith.addi %mul3A_442, %add3A_443 : i32
      %dma_start3A_445 = arith.constant 256 : i32
      %dma_start3A_446 = arith.constant 0 : i32
      %dma_start3A_447 = tpu.memref_slice %arg6[%dma_start3A_445, %dma_start3A_446] : memref<640x32xf32, #tpu.memory_space<vmem>> -> memref<128x32xf32, #tpu.memory_space<vmem>>
      %dma_start3A_448 = arith.constant 0 : i32
      %dma_start3A_449 = tpu.memref_slice %arg5[%add3A_444, %dma_start3A_448] : memref<50x128xi32, #tpu.memory_space<vmem>> -> memref<1x128xi32, #tpu.memory_space<vmem>>
      %dma_start3A_450 = tpu.memref_squeeze %dma_start3A_449 : memref<1x128xi32, #tpu.memory_space<vmem>> -> memref<128xi32, #tpu.memory_space<vmem>>
      %dma_start3A_451 = arith.constant 0 : i32
      %dma_start3A_452 = arith.constant 0 : i32
      %dma_start3A_453 = tpu.memref_slice %arg2[%dma_start3A_451, %dma_start3A_452] : memref<1015808x32xf32, #tpu.memory_space<hbm>> -> memref<1015808x32xf32, #tpu.memory_space<hbm>>
      tpu.enqueue_indirect_dma source(%dma_start3A_453 : memref<1015808x32xf32, #tpu.memory_space<hbm>>) target(%dma_start3A_447 : memref<128x32xf32, #tpu.memory_space<vmem>>) offsets(%dma_start3A_450 : memref<128xi32, #tpu.memory_space<vmem>>) semaphore(%arg8 : memref<!tpu.dma_semaphore, #tpu.memory_space<semaphore_mem>>)
      %mul3A_454 = arith.constant 5 : i32
      %mul3A_455 = arith.muli %add3A_414, %mul3A_454 : i32
      %add3A_456 = arith.constant 3 : i32
      %add3A_457 = arith.addi %mul3A_455, %add3A_456 : i32
      %dma_start3A_458 = arith.constant 384 : i32
      %dma_start3A_459 = arith.constant 0 : i32
      %dma_start3A_460 = tpu.memref_slice %arg6[%dma_start3A_458, %dma_start3A_459] : memref<640x32xf32, #tpu.memory_space<vmem>> -> memref<128x32xf32, #tpu.memory_space<vmem>>
      %dma_start3A_461 = arith.constant 0 : i32
      %dma_start3A_462 = tpu.memref_slice %arg5[%add3A_457, %dma_start3A_461] : memref<50x128xi32, #tpu.memory_space<vmem>> -> memref<1x128xi32, #tpu.memory_space<vmem>>
      %dma_start3A_463 = tpu.memref_squeeze %dma_start3A_462 : memref<1x128xi32, #tpu.memory_space<vmem>> -> memref<128xi32, #tpu.memory_space<vmem>>
      %dma_start3A_464 = arith.constant 0 : i32
      %dma_start3A_465 = arith.constant 0 : i32
      %dma_start3A_466 = tpu.memref_slice %arg2[%dma_start3A_464, %dma_start3A_465] : memref<1015808x32xf32, #tpu.memory_space<hbm>> -> memref<1015808x32xf32, #tpu.memory_space<hbm>>
      tpu.enqueue_indirect_dma source(%dma_start3A_466 : memref<1015808x32xf32, #tpu.memory_space<hbm>>) target(%dma_start3A_460 : memref<128x32xf32, #tpu.memory_space<vmem>>) offsets(%dma_start3A_463 : memref<128xi32, #tpu.memory_space<vmem>>) semaphore(%arg8 : memref<!tpu.dma_semaphore, #tpu.memory_space<semaphore_mem>>)
      %mul3A_467 = arith.constant 5 : i32
      %mul3A_468 = arith.muli %add3A_414, %mul3A_467 : i32
      %add3A_469 = arith.constant 4 : i32
      %add3A_470 = arith.addi %mul3A_468, %add3A_469 : i32
      %dma_start3A_471 = arith.constant 512 : i32
      %dma_start3A_472 = arith.constant 0 : i32
      %dma_start3A_473 = tpu.memref_slice %arg6[%dma_start3A_471, %dma_start3A_472] : memref<640x32xf32, #tpu.memory_space<vmem>> -> memref<128x32xf32, #tpu.memory_space<vmem>>
      %dma_start3A_474 = arith.constant 0 : i32
      %dma_start3A_475 = tpu.memref_slice %arg5[%add3A_470, %dma_start3A_474] : memref<50x128xi32, #tpu.memory_space<vmem>> -> memref<1x128xi32, #tpu.memory_space<vmem>>
      %dma_start3A_476 = tpu.memref_squeeze %dma_start3A_475 : memref<1x128xi32, #tpu.memory_space<vmem>> -> memref<128xi32, #tpu.memory_space<vmem>>
      %dma_start3A_477 = arith.constant 0 : i32
      %dma_start3A_478 = arith.constant 0 : i32
      %dma_start3A_479 = tpu.memref_slice %arg2[%dma_start3A_477, %dma_start3A_478] : memref<1015808x32xf32, #tpu.memory_space<hbm>> -> memref<1015808x32xf32, #tpu.memory_space<hbm>>
      tpu.enqueue_indirect_dma source(%dma_start3A_479 : memref<1015808x32xf32, #tpu.memory_space<hbm>>) target(%dma_start3A_473 : memref<128x32xf32, #tpu.memory_space<vmem>>) offsets(%dma_start3A_476 : memref<128xi32, #tpu.memory_space<vmem>>) semaphore(%arg8 : memref<!tpu.dma_semaphore, #tpu.memory_space<semaphore_mem>>)
      %mul3A_480 = arith.constant 5 : i32
      %mul3A_481 = arith.muli %add3A_405, %mul3A_480 : i32
      %add3A_482 = arith.constant 0 : i32
      %add3A_483 = arith.addi %mul3A_481, %add3A_482 : i32
      %dma_wait3A_484 = arith.constant 0 : i32
      %dma_wait3A_485 = arith.constant 0 : i32
      %dma_wait3A_486 = tpu.memref_slice %arg7[%dma_wait3A_484, %dma_wait3A_485] : memref<640x32xf32, #tpu.memory_space<vmem>> -> memref<128x32xf32, #tpu.memory_space<vmem>>
      %dma_wait3A_487 = arith.constant 0 : i32
      %dma_wait3A_488 = tpu.memref_slice %arg5[%add3A_483, %dma_wait3A_487] : memref<50x128xi32, #tpu.memory_space<vmem>> -> memref<1x128xi32, #tpu.memory_space<vmem>>
      %dma_wait3A_489 = tpu.memref_squeeze %dma_wait3A_488 : memref<1x128xi32, #tpu.memory_space<vmem>> -> memref<128xi32, #tpu.memory_space<vmem>>
      %dma_wait3A_490 = arith.constant 0 : i32
      %dma_wait3A_491 = arith.constant 0 : i32
      %dma_wait3A_492 = tpu.memref_slice %arg2[%dma_wait3A_490, %dma_wait3A_491] : memref<1015808x32xf32, #tpu.memory_space<hbm>> -> memref<1015808x32xf32, #tpu.memory_space<hbm>>
      tpu.wait_indirect_dma semaphore(%arg9 : memref<!tpu.dma_semaphore, #tpu.memory_space<semaphore_mem>>) src(%dma_wait3A_492 : memref<1015808x32xf32, #tpu.memory_space<hbm>>) dst(%dma_wait3A_486 : memref<128x32xf32, #tpu.memory_space<vmem>>)
      %mul3A_493 = arith.constant 5 : i32
      %mul3A_494 = arith.muli %add3A_405, %mul3A_493 : i32
      %add3A_495 = arith.constant 1 : i32
      %add3A_496 = arith.addi %mul3A_494, %add3A_495 : i32
      %dma_wait3A_497 = arith.constant 128 : i32
      %dma_wait3A_498 = arith.constant 0 : i32
      %dma_wait3A_499 = tpu.memref_slice %arg7[%dma_wait3A_497, %dma_wait3A_498] : memref<640x32xf32, #tpu.memory_space<vmem>> -> memref<128x32xf32, #tpu.memory_space<vmem>>
      %dma_wait3A_500 = arith.constant 0 : i32
      %dma_wait3A_501 = tpu.memref_slice %arg5[%add3A_496, %dma_wait3A_500] : memref<50x128xi32, #tpu.memory_space<vmem>> -> memref<1x128xi32, #tpu.memory_space<vmem>>
      %dma_wait3A_502 = tpu.memref_squeeze %dma_wait3A_501 : memref<1x128xi32, #tpu.memory_space<vmem>> -> memref<128xi32, #tpu.memory_space<vmem>>
      %dma_wait3A_503 = arith.constant 0 : i32
      %dma_wait3A_504 = arith.constant 0 : i32
      %dma_wait3A_505 = tpu.memref_slice %arg2[%dma_wait3A_503, %dma_wait3A_504] : memref<1015808x32xf32, #tpu.memory_space<hbm>> -> memref<1015808x32xf32, #tpu.memory_space<hbm>>
      tpu.wait_indirect_dma semaphore(%arg9 : memref<!tpu.dma_semaphore, #tpu.memory_space<semaphore_mem>>) src(%dma_wait3A_505 : memref<1015808x32xf32, #tpu.memory_space<hbm>>) dst(%dma_wait3A_499 : memref<128x32xf32, #tpu.memory_space<vmem>>)
      %mul3A_506 = arith.constant 5 : i32
      %mul3A_507 = arith.muli %add3A_405, %mul3A_506 : i32
      %add3A_508 = arith.constant 2 : i32
      %add3A_509 = arith.addi %mul3A_507, %add3A_508 : i32
      %dma_wait3A_510 = arith.constant 256 : i32
      %dma_wait3A_511 = arith.constant 0 : i32
      %dma_wait3A_512 = tpu.memref_slice %arg7[%dma_wait3A_510, %dma_wait3A_511] : memref<640x32xf32, #tpu.memory_space<vmem>> -> memref<128x32xf32, #tpu.memory_space<vmem>>
      %dma_wait3A_513 = arith.constant 0 : i32
      %dma_wait3A_514 = tpu.memref_slice %arg5[%add3A_509, %dma_wait3A_513] : memref<50x128xi32, #tpu.memory_space<vmem>> -> memref<1x128xi32, #tpu.memory_space<vmem>>
      %dma_wait3A_515 = tpu.memref_squeeze %dma_wait3A_514 : memref<1x128xi32, #tpu.memory_space<vmem>> -> memref<128xi32, #tpu.memory_space<vmem>>
      %dma_wait3A_516 = arith.constant 0 : i32
      %dma_wait3A_517 = arith.constant 0 : i32
      %dma_wait3A_518 = tpu.memref_slice %arg2[%dma_wait3A_516, %dma_wait3A_517] : memref<1015808x32xf32, #tpu.memory_space<hbm>> -> memref<1015808x32xf32, #tpu.memory_space<hbm>>
      tpu.wait_indirect_dma semaphore(%arg9 : memref<!tpu.dma_semaphore, #tpu.memory_space<semaphore_mem>>) src(%dma_wait3A_518 : memref<1015808x32xf32, #tpu.memory_space<hbm>>) dst(%dma_wait3A_512 : memref<128x32xf32, #tpu.memory_space<vmem>>)
      %mul3A_519 = arith.constant 5 : i32
      %mul3A_520 = arith.muli %add3A_405, %mul3A_519 : i32
      %add3A_521 = arith.constant 3 : i32
      %add3A_522 = arith.addi %mul3A_520, %add3A_521 : i32
      %dma_wait3A_523 = arith.constant 384 : i32
      %dma_wait3A_524 = arith.constant 0 : i32
      %dma_wait3A_525 = tpu.memref_slice %arg7[%dma_wait3A_523, %dma_wait3A_524] : memref<640x32xf32, #tpu.memory_space<vmem>> -> memref<128x32xf32, #tpu.memory_space<vmem>>
      %dma_wait3A_526 = arith.constant 0 : i32
      %dma_wait3A_527 = tpu.memref_slice %arg5[%add3A_522, %dma_wait3A_526] : memref<50x128xi32, #tpu.memory_space<vmem>> -> memref<1x128xi32, #tpu.memory_space<vmem>>
      %dma_wait3A_528 = tpu.memref_squeeze %dma_wait3A_527 : memref<1x128xi32, #tpu.memory_space<vmem>> -> memref<128xi32, #tpu.memory_space<vmem>>
      %dma_wait3A_529 = arith.constant 0 : i32
      %dma_wait3A_530 = arith.constant 0 : i32
      %dma_wait3A_531 = tpu.memref_slice %arg2[%dma_wait3A_529, %dma_wait3A_530] : memref<1015808x32xf32, #tpu.memory_space<hbm>> -> memref<1015808x32xf32, #tpu.memory_space<hbm>>
      tpu.wait_indirect_dma semaphore(%arg9 : memref<!tpu.dma_semaphore, #tpu.memory_space<semaphore_mem>>) src(%dma_wait3A_531 : memref<1015808x32xf32, #tpu.memory_space<hbm>>) dst(%dma_wait3A_525 : memref<128x32xf32, #tpu.memory_space<vmem>>)
      %mul3A_532 = arith.constant 5 : i32
      %mul3A_533 = arith.muli %add3A_405, %mul3A_532 : i32
      %add3A_534 = arith.constant 4 : i32
      %add3A_535 = arith.addi %mul3A_533, %add3A_534 : i32
      %dma_wait3A_536 = arith.constant 512 : i32
      %dma_wait3A_537 = arith.constant 0 : i32
      %dma_wait3A_538 = tpu.memref_slice %arg7[%dma_wait3A_536, %dma_wait3A_537] : memref<640x32xf32, #tpu.memory_space<vmem>> -> memref<128x32xf32, #tpu.memory_space<vmem>>
      %dma_wait3A_539 = arith.constant 0 : i32
      %dma_wait3A_540 = tpu.memref_slice %arg5[%add3A_535, %dma_wait3A_539] : memref<50x128xi32, #tpu.memory_space<vmem>> -> memref<1x128xi32, #tpu.memory_space<vmem>>
      %dma_wait3A_541 = tpu.memref_squeeze %dma_wait3A_540 : memref<1x128xi32, #tpu.memory_space<vmem>> -> memref<128xi32, #tpu.memory_space<vmem>>
      %dma_wait3A_542 = arith.constant 0 : i32
      %dma_wait3A_543 = arith.constant 0 : i32
      %dma_wait3A_544 = tpu.memref_slice %arg2[%dma_wait3A_542, %dma_wait3A_543] : memref<1015808x32xf32, #tpu.memory_space<hbm>> -> memref<1015808x32xf32, #tpu.memory_space<hbm>>
      tpu.wait_indirect_dma semaphore(%arg9 : memref<!tpu.dma_semaphore, #tpu.memory_space<semaphore_mem>>) src(%dma_wait3A_544 : memref<1015808x32xf32, #tpu.memory_space<hbm>>) dst(%dma_wait3A_538 : memref<128x32xf32, #tpu.memory_space<vmem>>)
      %mul3A_545 = arith.constant 640 : i32
      %mul3A_546 = arith.muli %add3A_405, %mul3A_545 : i32
      %add3A_547 = arith.addi %mul3A_34, %mul3A_546 : i32
      %dma_start3A_548 = tpu.memref_slice %arg4[%add3A_547, %mul3A_18] : memref<51200x128xf32, #tpu.memory_space<hbm>> -> memref<640x32xf32, #tpu.memory_space<hbm>>
      %dma_start3A_549 = tpu.memref_slice %arg4[%add3A_547, %mul3A_18] : memref<51200x128xf32, #tpu.memory_space<hbm>> -> memref<640x32xf32, #tpu.memory_space<hbm>>
      tpu.enqueue_dma source(%arg7 : memref<640x32xf32, #tpu.memory_space<vmem>>) target(%dma_start3A_549 : memref<640x32xf32, #tpu.memory_space<hbm>>) target_semaphore(%arg11 : memref<!tpu.dma_semaphore, #tpu.memory_space<semaphore_mem>>)
    }
    %scan3A_88 = arith.constant 4 : i32
    %add3A_89 = arith.constant 4480 : i32
    %add3A_90 = arith.addi %mul3A_34, %add3A_89 : i32
    %dma_wait3A = tpu.memref_slice %arg4[%add3A_90, %mul3A_18] : memref<51200x128xf32, #tpu.memory_space<hbm>> -> memref<640x32xf32, #tpu.memory_space<hbm>>
    %dma_wait3A_91 = tpu.memref_slice %arg4[%add3A_90, %mul3A_18] : memref<51200x128xf32, #tpu.memory_space<hbm>> -> memref<640x32xf32, #tpu.memory_space<hbm>>
    tpu.wait_dma2 semaphore(%arg11 : memref<!tpu.dma_semaphore, #tpu.memory_space<semaphore_mem>>) src(%arg7 : memref<640x32xf32, #tpu.memory_space<vmem>>) dst(%dma_wait3A_91 : memref<640x32xf32, #tpu.memory_space<hbm>>)
    %dma_start3A_92 = arith.constant 45 : i32
    %dma_start3A_93 = arith.constant 0 : i32
    %dma_start3A_94 = arith.constant 0 : i32
    %dma_start3A_95 = tpu.memref_slice %arg7[%dma_start3A_93, %dma_start3A_94] : memref<640x32xf32, #tpu.memory_space<vmem>> -> memref<128x32xf32, #tpu.memory_space<vmem>>
    %dma_start3A_96 = arith.constant 0 : i32
    %dma_start3A_97 = tpu.memref_slice %arg5[%dma_start3A_92, %dma_start3A_96] : memref<50x128xi32, #tpu.memory_space<vmem>> -> memref<1x128xi32, #tpu.memory_space<vmem>>
    %dma_start3A_98 = tpu.memref_squeeze %dma_start3A_97 : memref<1x128xi32, #tpu.memory_space<vmem>> -> memref<128xi32, #tpu.memory_space<vmem>>
    %dma_start3A_99 = arith.constant 0 : i32
    %dma_start3A_100 = arith.constant 0 : i32
    %dma_start3A_101 = tpu.memref_slice %arg2[%dma_start3A_99, %dma_start3A_100] : memref<1015808x32xf32, #tpu.memory_space<hbm>> -> memref<1015808x32xf32, #tpu.memory_space<hbm>>
    tpu.enqueue_indirect_dma source(%dma_start3A_101 : memref<1015808x32xf32, #tpu.memory_space<hbm>>) target(%dma_start3A_95 : memref<128x32xf32, #tpu.memory_space<vmem>>) offsets(%dma_start3A_98 : memref<128xi32, #tpu.memory_space<vmem>>) semaphore(%arg9 : memref<!tpu.dma_semaphore, #tpu.memory_space<semaphore_mem>>)
    %dma_start3A_102 = arith.constant 46 : i32
    %dma_start3A_103 = arith.constant 128 : i32
    %dma_start3A_104 = arith.constant 0 : i32
    %dma_start3A_105 = tpu.memref_slice %arg7[%dma_start3A_103, %dma_start3A_104] : memref<640x32xf32, #tpu.memory_space<vmem>> -> memref<128x32xf32, #tpu.memory_space<vmem>>
    %dma_start3A_106 = arith.constant 0 : i32
    %dma_start3A_107 = tpu.memref_slice %arg5[%dma_start3A_102, %dma_start3A_106] : memref<50x128xi32, #tpu.memory_space<vmem>> -> memref<1x128xi32, #tpu.memory_space<vmem>>
    %dma_start3A_108 = tpu.memref_squeeze %dma_start3A_107 : memref<1x128xi32, #tpu.memory_space<vmem>> -> memref<128xi32, #tpu.memory_space<vmem>>
    %dma_start3A_109 = arith.constant 0 : i32
    %dma_start3A_110 = arith.constant 0 : i32
    %dma_start3A_111 = tpu.memref_slice %arg2[%dma_start3A_109, %dma_start3A_110] : memref<1015808x32xf32, #tpu.memory_space<hbm>> -> memref<1015808x32xf32, #tpu.memory_space<hbm>>
    tpu.enqueue_indirect_dma source(%dma_start3A_111 : memref<1015808x32xf32, #tpu.memory_space<hbm>>) target(%dma_start3A_105 : memref<128x32xf32, #tpu.memory_space<vmem>>) offsets(%dma_start3A_108 : memref<128xi32, #tpu.memory_space<vmem>>) semaphore(%arg9 : memref<!tpu.dma_semaphore, #tpu.memory_space<semaphore_mem>>)
    %dma_start3A_112 = arith.constant 47 : i32
    %dma_start3A_113 = arith.constant 256 : i32
    %dma_start3A_114 = arith.constant 0 : i32
    %dma_start3A_115 = tpu.memref_slice %arg7[%dma_start3A_113, %dma_start3A_114] : memref<640x32xf32, #tpu.memory_space<vmem>> -> memref<128x32xf32, #tpu.memory_space<vmem>>
    %dma_start3A_116 = arith.constant 0 : i32
    %dma_start3A_117 = tpu.memref_slice %arg5[%dma_start3A_112, %dma_start3A_116] : memref<50x128xi32, #tpu.memory_space<vmem>> -> memref<1x128xi32, #tpu.memory_space<vmem>>
    %dma_start3A_118 = tpu.memref_squeeze %dma_start3A_117 : memref<1x128xi32, #tpu.memory_space<vmem>> -> memref<128xi32, #tpu.memory_space<vmem>>
    %dma_start3A_119 = arith.constant 0 : i32
    %dma_start3A_120 = arith.constant 0 : i32
    %dma_start3A_121 = tpu.memref_slice %arg2[%dma_start3A_119, %dma_start3A_120] : memref<1015808x32xf32, #tpu.memory_space<hbm>> -> memref<1015808x32xf32, #tpu.memory_space<hbm>>
    tpu.enqueue_indirect_dma source(%dma_start3A_121 : memref<1015808x32xf32, #tpu.memory_space<hbm>>) target(%dma_start3A_115 : memref<128x32xf32, #tpu.memory_space<vmem>>) offsets(%dma_start3A_118 : memref<128xi32, #tpu.memory_space<vmem>>) semaphore(%arg9 : memref<!tpu.dma_semaphore, #tpu.memory_space<semaphore_mem>>)
    %dma_start3A_122 = arith.constant 48 : i32
    %dma_start3A_123 = arith.constant 384 : i32
    %dma_start3A_124 = arith.constant 0 : i32
    %dma_start3A_125 = tpu.memref_slice %arg7[%dma_start3A_123, %dma_start3A_124] : memref<640x32xf32, #tpu.memory_space<vmem>> -> memref<128x32xf32, #tpu.memory_space<vmem>>
    %dma_start3A_126 = arith.constant 0 : i32
    %dma_start3A_127 = tpu.memref_slice %arg5[%dma_start3A_122, %dma_start3A_126] : memref<50x128xi32, #tpu.memory_space<vmem>> -> memref<1x128xi32, #tpu.memory_space<vmem>>
    %dma_start3A_128 = tpu.memref_squeeze %dma_start3A_127 : memref<1x128xi32, #tpu.memory_space<vmem>> -> memref<128xi32, #tpu.memory_space<vmem>>
    %dma_start3A_129 = arith.constant 0 : i32
    %dma_start3A_130 = arith.constant 0 : i32
    %dma_start3A_131 = tpu.memref_slice %arg2[%dma_start3A_129, %dma_start3A_130] : memref<1015808x32xf32, #tpu.memory_space<hbm>> -> memref<1015808x32xf32, #tpu.memory_space<hbm>>
    tpu.enqueue_indirect_dma source(%dma_start3A_131 : memref<1015808x32xf32, #tpu.memory_space<hbm>>) target(%dma_start3A_125 : memref<128x32xf32, #tpu.memory_space<vmem>>) offsets(%dma_start3A_128 : memref<128xi32, #tpu.memory_space<vmem>>) semaphore(%arg9 : memref<!tpu.dma_semaphore, #tpu.memory_space<semaphore_mem>>)
    %dma_start3A_132 = arith.constant 49 : i32
    %dma_start3A_133 = arith.constant 512 : i32
    %dma_start3A_134 = arith.constant 0 : i32
    %dma_start3A_135 = tpu.memref_slice %arg7[%dma_start3A_133, %dma_start3A_134] : memref<640x32xf32, #tpu.memory_space<vmem>> -> memref<128x32xf32, #tpu.memory_space<vmem>>
    %dma_start3A_136 = arith.constant 0 : i32
    %dma_start3A_137 = tpu.memref_slice %arg5[%dma_start3A_132, %dma_start3A_136] : memref<50x128xi32, #tpu.memory_space<vmem>> -> memref<1x128xi32, #tpu.memory_space<vmem>>
    %dma_start3A_138 = tpu.memref_squeeze %dma_start3A_137 : memref<1x128xi32, #tpu.memory_space<vmem>> -> memref<128xi32, #tpu.memory_space<vmem>>
    %dma_start3A_139 = arith.constant 0 : i32
    %dma_start3A_140 = arith.constant 0 : i32
    %dma_start3A_141 = tpu.memref_slice %arg2[%dma_start3A_139, %dma_start3A_140] : memref<1015808x32xf32, #tpu.memory_space<hbm>> -> memref<1015808x32xf32, #tpu.memory_space<hbm>>
    tpu.enqueue_indirect_dma source(%dma_start3A_141 : memref<1015808x32xf32, #tpu.memory_space<hbm>>) target(%dma_start3A_135 : memref<128x32xf32, #tpu.memory_space<vmem>>) offsets(%dma_start3A_138 : memref<128xi32, #tpu.memory_space<vmem>>) semaphore(%arg9 : memref<!tpu.dma_semaphore, #tpu.memory_space<semaphore_mem>>)
    %dma_wait3A_142 = arith.constant 40 : i32
    %dma_wait3A_143 = arith.constant 0 : i32
    %dma_wait3A_144 = arith.constant 0 : i32
    %dma_wait3A_145 = tpu.memref_slice %arg6[%dma_wait3A_143, %dma_wait3A_144] : memref<640x32xf32, #tpu.memory_space<vmem>> -> memref<128x32xf32, #tpu.memory_space<vmem>>
    %dma_wait3A_146 = arith.constant 0 : i32
    %dma_wait3A_147 = tpu.memref_slice %arg5[%dma_wait3A_142, %dma_wait3A_146] : memref<50x128xi32, #tpu.memory_space<vmem>> -> memref<1x128xi32, #tpu.memory_space<vmem>>
    %dma_wait3A_148 = tpu.memref_squeeze %dma_wait3A_147 : memref<1x128xi32, #tpu.memory_space<vmem>> -> memref<128xi32, #tpu.memory_space<vmem>>
    %dma_wait3A_149 = arith.constant 0 : i32
    %dma_wait3A_150 = arith.constant 0 : i32
    %dma_wait3A_151 = tpu.memref_slice %arg2[%dma_wait3A_149, %dma_wait3A_150] : memref<1015808x32xf32, #tpu.memory_space<hbm>> -> memref<1015808x32xf32, #tpu.memory_space<hbm>>
    tpu.wait_indirect_dma semaphore(%arg8 : memref<!tpu.dma_semaphore, #tpu.memory_space<semaphore_mem>>) src(%dma_wait3A_151 : memref<1015808x32xf32, #tpu.memory_space<hbm>>) dst(%dma_wait3A_145 : memref<128x32xf32, #tpu.memory_space<vmem>>)
    %dma_wait3A_152 = arith.constant 41 : i32
    %dma_wait3A_153 = arith.constant 128 : i32
    %dma_wait3A_154 = arith.constant 0 : i32
    %dma_wait3A_155 = tpu.memref_slice %arg6[%dma_wait3A_153, %dma_wait3A_154] : memref<640x32xf32, #tpu.memory_space<vmem>> -> memref<128x32xf32, #tpu.memory_space<vmem>>
    %dma_wait3A_156 = arith.constant 0 : i32
    %dma_wait3A_157 = tpu.memref_slice %arg5[%dma_wait3A_152, %dma_wait3A_156] : memref<50x128xi32, #tpu.memory_space<vmem>> -> memref<1x128xi32, #tpu.memory_space<vmem>>
    %dma_wait3A_158 = tpu.memref_squeeze %dma_wait3A_157 : memref<1x128xi32, #tpu.memory_space<vmem>> -> memref<128xi32, #tpu.memory_space<vmem>>
    %dma_wait3A_159 = arith.constant 0 : i32
    %dma_wait3A_160 = arith.constant 0 : i32
    %dma_wait3A_161 = tpu.memref_slice %arg2[%dma_wait3A_159, %dma_wait3A_160] : memref<1015808x32xf32, #tpu.memory_space<hbm>> -> memref<1015808x32xf32, #tpu.memory_space<hbm>>
    tpu.wait_indirect_dma semaphore(%arg8 : memref<!tpu.dma_semaphore, #tpu.memory_space<semaphore_mem>>) src(%dma_wait3A_161 : memref<1015808x32xf32, #tpu.memory_space<hbm>>) dst(%dma_wait3A_155 : memref<128x32xf32, #tpu.memory_space<vmem>>)
    %dma_wait3A_162 = arith.constant 42 : i32
    %dma_wait3A_163 = arith.constant 256 : i32
    %dma_wait3A_164 = arith.constant 0 : i32
    %dma_wait3A_165 = tpu.memref_slice %arg6[%dma_wait3A_163, %dma_wait3A_164] : memref<640x32xf32, #tpu.memory_space<vmem>> -> memref<128x32xf32, #tpu.memory_space<vmem>>
    %dma_wait3A_166 = arith.constant 0 : i32
    %dma_wait3A_167 = tpu.memref_slice %arg5[%dma_wait3A_162, %dma_wait3A_166] : memref<50x128xi32, #tpu.memory_space<vmem>> -> memref<1x128xi32, #tpu.memory_space<vmem>>
    %dma_wait3A_168 = tpu.memref_squeeze %dma_wait3A_167 : memref<1x128xi32, #tpu.memory_space<vmem>> -> memref<128xi32, #tpu.memory_space<vmem>>
    %dma_wait3A_169 = arith.constant 0 : i32
    %dma_wait3A_170 = arith.constant 0 : i32
    %dma_wait3A_171 = tpu.memref_slice %arg2[%dma_wait3A_169, %dma_wait3A_170] : memref<1015808x32xf32, #tpu.memory_space<hbm>> -> memref<1015808x32xf32, #tpu.memory_space<hbm>>
    tpu.wait_indirect_dma semaphore(%arg8 : memref<!tpu.dma_semaphore, #tpu.memory_space<semaphore_mem>>) src(%dma_wait3A_171 : memref<1015808x32xf32, #tpu.memory_space<hbm>>) dst(%dma_wait3A_165 : memref<128x32xf32, #tpu.memory_space<vmem>>)
    %dma_wait3A_172 = arith.constant 43 : i32
    %dma_wait3A_173 = arith.constant 384 : i32
    %dma_wait3A_174 = arith.constant 0 : i32
    %dma_wait3A_175 = tpu.memref_slice %arg6[%dma_wait3A_173, %dma_wait3A_174] : memref<640x32xf32, #tpu.memory_space<vmem>> -> memref<128x32xf32, #tpu.memory_space<vmem>>
    %dma_wait3A_176 = arith.constant 0 : i32
    %dma_wait3A_177 = tpu.memref_slice %arg5[%dma_wait3A_172, %dma_wait3A_176] : memref<50x128xi32, #tpu.memory_space<vmem>> -> memref<1x128xi32, #tpu.memory_space<vmem>>
    %dma_wait3A_178 = tpu.memref_squeeze %dma_wait3A_177 : memref<1x128xi32, #tpu.memory_space<vmem>> -> memref<128xi32, #tpu.memory_space<vmem>>
    %dma_wait3A_179 = arith.constant 0 : i32
    %dma_wait3A_180 = arith.constant 0 : i32
    %dma_wait3A_181 = tpu.memref_slice %arg2[%dma_wait3A_179, %dma_wait3A_180] : memref<1015808x32xf32, #tpu.memory_space<hbm>> -> memref<1015808x32xf32, #tpu.memory_space<hbm>>
    tpu.wait_indirect_dma semaphore(%arg8 : memref<!tpu.dma_semaphore, #tpu.memory_space<semaphore_mem>>) src(%dma_wait3A_181 : memref<1015808x32xf32, #tpu.memory_space<hbm>>) dst(%dma_wait3A_175 : memref<128x32xf32, #tpu.memory_space<vmem>>)
    %dma_wait3A_182 = arith.constant 44 : i32
    %dma_wait3A_183 = arith.constant 512 : i32
    %dma_wait3A_184 = arith.constant 0 : i32
    %dma_wait3A_185 = tpu.memref_slice %arg6[%dma_wait3A_183, %dma_wait3A_184] : memref<640x32xf32, #tpu.memory_space<vmem>> -> memref<128x32xf32, #tpu.memory_space<vmem>>
    %dma_wait3A_186 = arith.constant 0 : i32
    %dma_wait3A_187 = tpu.memref_slice %arg5[%dma_wait3A_182, %dma_wait3A_186] : memref<50x128xi32, #tpu.memory_space<vmem>> -> memref<1x128xi32, #tpu.memory_space<vmem>>
    %dma_wait3A_188 = tpu.memref_squeeze %dma_wait3A_187 : memref<1x128xi32, #tpu.memory_space<vmem>> -> memref<128xi32, #tpu.memory_space<vmem>>
    %dma_wait3A_189 = arith.constant 0 : i32
    %dma_wait3A_190 = arith.constant 0 : i32
    %dma_wait3A_191 = tpu.memref_slice %arg2[%dma_wait3A_189, %dma_wait3A_190] : memref<1015808x32xf32, #tpu.memory_space<hbm>> -> memref<1015808x32xf32, #tpu.memory_space<hbm>>
    tpu.wait_indirect_dma semaphore(%arg8 : memref<!tpu.dma_semaphore, #tpu.memory_space<semaphore_mem>>) src(%dma_wait3A_191 : memref<1015808x32xf32, #tpu.memory_space<hbm>>) dst(%dma_wait3A_185 : memref<128x32xf32, #tpu.memory_space<vmem>>)
    %add3A_192 = arith.constant 5120 : i32
    %add3A_193 = arith.addi %mul3A_34, %add3A_192 : i32
    %dma_start3A_194 = tpu.memref_slice %arg4[%add3A_193, %mul3A_18] : memref<51200x128xf32, #tpu.memory_space<hbm>> -> memref<640x32xf32, #tpu.memory_space<hbm>>
    %dma_start3A_195 = tpu.memref_slice %arg4[%add3A_193, %mul3A_18] : memref<51200x128xf32, #tpu.memory_space<hbm>> -> memref<640x32xf32, #tpu.memory_space<hbm>>
    tpu.enqueue_dma source(%arg6 : memref<640x32xf32, #tpu.memory_space<vmem>>) target(%dma_start3A_195 : memref<640x32xf32, #tpu.memory_space<hbm>>) target_semaphore(%arg10 : memref<!tpu.dma_semaphore, #tpu.memory_space<semaphore_mem>>)
    %dma_wait3A_196 = arith.constant 45 : i32
    %dma_wait3A_197 = arith.constant 0 : i32
    %dma_wait3A_198 = arith.constant 0 : i32
    %dma_wait3A_199 = tpu.memref_slice %arg7[%dma_wait3A_197, %dma_wait3A_198] : memref<640x32xf32, #tpu.memory_space<vmem>> -> memref<128x32xf32, #tpu.memory_space<vmem>>
    %dma_wait3A_200 = arith.constant 0 : i32
    %dma_wait3A_201 = tpu.memref_slice %arg5[%dma_wait3A_196, %dma_wait3A_200] : memref<50x128xi32, #tpu.memory_space<vmem>> -> memref<1x128xi32, #tpu.memory_space<vmem>>
    %dma_wait3A_202 = tpu.memref_squeeze %dma_wait3A_201 : memref<1x128xi32, #tpu.memory_space<vmem>> -> memref<128xi32, #tpu.memory_space<vmem>>
    %dma_wait3A_203 = arith.constant 0 : i32
    %dma_wait3A_204 = arith.constant 0 : i32
    %dma_wait3A_205 = tpu.memref_slice %arg2[%dma_wait3A_203, %dma_wait3A_204] : memref<1015808x32xf32, #tpu.memory_space<hbm>> -> memref<1015808x32xf32, #tpu.memory_space<hbm>>
    tpu.wait_indirect_dma semaphore(%arg9 : memref<!tpu.dma_semaphore, #tpu.memory_space<semaphore_mem>>) src(%dma_wait3A_205 : memref<1015808x32xf32, #tpu.memory_space<hbm>>) dst(%dma_wait3A_199 : memref<128x32xf32, #tpu.memory_space<vmem>>)
    %dma_wait3A_206 = arith.constant 46 : i32
    %dma_wait3A_207 = arith.constant 128 : i32
    %dma_wait3A_208 = arith.constant 0 : i32
    %dma_wait3A_209 = tpu.memref_slice %arg7[%dma_wait3A_207, %dma_wait3A_208] : memref<640x32xf32, #tpu.memory_space<vmem>> -> memref<128x32xf32, #tpu.memory_space<vmem>>
    %dma_wait3A_210 = arith.constant 0 : i32
    %dma_wait3A_211 = tpu.memref_slice %arg5[%dma_wait3A_206, %dma_wait3A_210] : memref<50x128xi32, #tpu.memory_space<vmem>> -> memref<1x128xi32, #tpu.memory_space<vmem>>
    %dma_wait3A_212 = tpu.memref_squeeze %dma_wait3A_211 : memref<1x128xi32, #tpu.memory_space<vmem>> -> memref<128xi32, #tpu.memory_space<vmem>>
    %dma_wait3A_213 = arith.constant 0 : i32
    %dma_wait3A_214 = arith.constant 0 : i32
    %dma_wait3A_215 = tpu.memref_slice %arg2[%dma_wait3A_213, %dma_wait3A_214] : memref<1015808x32xf32, #tpu.memory_space<hbm>> -> memref<1015808x32xf32, #tpu.memory_space<hbm>>
    tpu.wait_indirect_dma semaphore(%arg9 : memref<!tpu.dma_semaphore, #tpu.memory_space<semaphore_mem>>) src(%dma_wait3A_215 : memref<1015808x32xf32, #tpu.memory_space<hbm>>) dst(%dma_wait3A_209 : memref<128x32xf32, #tpu.memory_space<vmem>>)
    %dma_wait3A_216 = arith.constant 47 : i32
    %dma_wait3A_217 = arith.constant 256 : i32
    %dma_wait3A_218 = arith.constant 0 : i32
    %dma_wait3A_219 = tpu.memref_slice %arg7[%dma_wait3A_217, %dma_wait3A_218] : memref<640x32xf32, #tpu.memory_space<vmem>> -> memref<128x32xf32, #tpu.memory_space<vmem>>
    %dma_wait3A_220 = arith.constant 0 : i32
    %dma_wait3A_221 = tpu.memref_slice %arg5[%dma_wait3A_216, %dma_wait3A_220] : memref<50x128xi32, #tpu.memory_space<vmem>> -> memref<1x128xi32, #tpu.memory_space<vmem>>
    %dma_wait3A_222 = tpu.memref_squeeze %dma_wait3A_221 : memref<1x128xi32, #tpu.memory_space<vmem>> -> memref<128xi32, #tpu.memory_space<vmem>>
    %dma_wait3A_223 = arith.constant 0 : i32
    %dma_wait3A_224 = arith.constant 0 : i32
    %dma_wait3A_225 = tpu.memref_slice %arg2[%dma_wait3A_223, %dma_wait3A_224] : memref<1015808x32xf32, #tpu.memory_space<hbm>> -> memref<1015808x32xf32, #tpu.memory_space<hbm>>
    tpu.wait_indirect_dma semaphore(%arg9 : memref<!tpu.dma_semaphore, #tpu.memory_space<semaphore_mem>>) src(%dma_wait3A_225 : memref<1015808x32xf32, #tpu.memory_space<hbm>>) dst(%dma_wait3A_219 : memref<128x32xf32, #tpu.memory_space<vmem>>)
    %dma_wait3A_226 = arith.constant 48 : i32
    %dma_wait3A_227 = arith.constant 384 : i32
    %dma_wait3A_228 = arith.constant 0 : i32
    %dma_wait3A_229 = tpu.memref_slice %arg7[%dma_wait3A_227, %dma_wait3A_228] : memref<640x32xf32, #tpu.memory_space<vmem>> -> memref<128x32xf32, #tpu.memory_space<vmem>>
    %dma_wait3A_230 = arith.constant 0 : i32
    %dma_wait3A_231 = tpu.memref_slice %arg5[%dma_wait3A_226, %dma_wait3A_230] : memref<50x128xi32, #tpu.memory_space<vmem>> -> memref<1x128xi32, #tpu.memory_space<vmem>>
    %dma_wait3A_232 = tpu.memref_squeeze %dma_wait3A_231 : memref<1x128xi32, #tpu.memory_space<vmem>> -> memref<128xi32, #tpu.memory_space<vmem>>
    %dma_wait3A_233 = arith.constant 0 : i32
    %dma_wait3A_234 = arith.constant 0 : i32
    %dma_wait3A_235 = tpu.memref_slice %arg2[%dma_wait3A_233, %dma_wait3A_234] : memref<1015808x32xf32, #tpu.memory_space<hbm>> -> memref<1015808x32xf32, #tpu.memory_space<hbm>>
    tpu.wait_indirect_dma semaphore(%arg9 : memref<!tpu.dma_semaphore, #tpu.memory_space<semaphore_mem>>) src(%dma_wait3A_235 : memref<1015808x32xf32, #tpu.memory_space<hbm>>) dst(%dma_wait3A_229 : memref<128x32xf32, #tpu.memory_space<vmem>>)
    %dma_wait3A_236 = arith.constant 49 : i32
    %dma_wait3A_237 = arith.constant 512 : i32
    %dma_wait3A_238 = arith.constant 0 : i32
    %dma_wait3A_239 = tpu.memref_slice %arg7[%dma_wait3A_237, %dma_wait3A_238] : memref<640x32xf32, #tpu.memory_space<vmem>> -> memref<128x32xf32, #tpu.memory_space<vmem>>
    %dma_wait3A_240 = arith.constant 0 : i32
    %dma_wait3A_241 = tpu.memref_slice %arg5[%dma_wait3A_236, %dma_wait3A_240] : memref<50x128xi32, #tpu.memory_space<vmem>> -> memref<1x128xi32, #tpu.memory_space<vmem>>
    %dma_wait3A_242 = tpu.memref_squeeze %dma_wait3A_241 : memref<1x128xi32, #tpu.memory_space<vmem>> -> memref<128xi32, #tpu.memory_space<vmem>>
    %dma_wait3A_243 = arith.constant 0 : i32
    %dma_wait3A_244 = arith.constant 0 : i32
    %dma_wait3A_245 = tpu.memref_slice %arg2[%dma_wait3A_243, %dma_wait3A_244] : memref<1015808x32xf32, #tpu.memory_space<hbm>> -> memref<1015808x32xf32, #tpu.memory_space<hbm>>
    tpu.wait_indirect_dma semaphore(%arg9 : memref<!tpu.dma_semaphore, #tpu.memory_space<semaphore_mem>>) src(%dma_wait3A_245 : memref<1015808x32xf32, #tpu.memory_space<hbm>>) dst(%dma_wait3A_239 : memref<128x32xf32, #tpu.memory_space<vmem>>)
    %add3A_246 = arith.constant 5760 : i32
    %add3A_247 = arith.addi %mul3A_34, %add3A_246 : i32
    %dma_start3A_248 = tpu.memref_slice %arg4[%add3A_247, %mul3A_18] : memref<51200x128xf32, #tpu.memory_space<hbm>> -> memref<640x32xf32, #tpu.memory_space<hbm>>
    %dma_start3A_249 = tpu.memref_slice %arg4[%add3A_247, %mul3A_18] : memref<51200x128xf32, #tpu.memory_space<hbm>> -> memref<640x32xf32, #tpu.memory_space<hbm>>
    tpu.enqueue_dma source(%arg7 : memref<640x32xf32, #tpu.memory_space<vmem>>) target(%dma_start3A_249 : memref<640x32xf32, #tpu.memory_space<hbm>>) target_semaphore(%arg11 : memref<!tpu.dma_semaphore, #tpu.memory_space<semaphore_mem>>)
    %add3A_250 = arith.constant 5120 : i32
    %add3A_251 = arith.addi %mul3A_34, %add3A_250 : i32
    %dma_wait3A_252 = tpu.memref_slice %arg4[%add3A_251, %mul3A_18] : memref<51200x128xf32, #tpu.memory_space<hbm>> -> memref<640x32xf32, #tpu.memory_space<hbm>>
    %dma_wait3A_253 = tpu.memref_slice %arg4[%add3A_251, %mul3A_18] : memref<51200x128xf32, #tpu.memory_space<hbm>> -> memref<640x32xf32, #tpu.memory_space<hbm>>
    tpu.wait_dma2 semaphore(%arg10 : memref<!tpu.dma_semaphore, #tpu.memory_space<semaphore_mem>>) src(%arg6 : memref<640x32xf32, #tpu.memory_space<vmem>>) dst(%dma_wait3A_253 : memref<640x32xf32, #tpu.memory_space<hbm>>)
    %add3A_254 = arith.constant 5760 : i32
    %add3A_255 = arith.addi %mul3A_34, %add3A_254 : i32
    %dma_wait3A_256 = tpu.memref_slice %arg4[%add3A_255, %mul3A_18] : memref<51200x128xf32, #tpu.memory_space<hbm>> -> memref<640x32xf32, #tpu.memory_space<hbm>>
    %dma_wait3A_257 = tpu.memref_slice %arg4[%add3A_255, %mul3A_18] : memref<51200x128xf32, #tpu.memory_space<hbm>> -> memref<640x32xf32, #tpu.memory_space<hbm>>
    tpu.wait_dma2 semaphore(%arg11 : memref<!tpu.dma_semaphore, #tpu.memory_space<semaphore_mem>>) src(%arg7 : memref<640x32xf32, #tpu.memory_space<vmem>>) dst(%dma_wait3A_257 : memref<640x32xf32, #tpu.memory_space<hbm>>)
    return
  }
}

#map = affine_map<(d0, d1) -> (0, 0)>
#map1 = affine_map<(d0, d1) -> (0, 0, 0)>
module attributes {stable_mosaic.version = 14 : i64} {
  func.func @_stream_body(%arg0: i32, %arg1: i32, %arg2: memref<114688x32xf32, #tpu.memory_space<hbm>>, %arg3: memref<32x50x128xi32, #tpu.memory_space<hbm>>, %arg4: memref<51200x128xf32, #tpu.memory_space<hbm>>, %arg5: memref<50x128xi32, #tpu.memory_space<vmem>>, %arg6: memref<640x32xf32, #tpu.memory_space<vmem>>, %arg7: memref<640x32xf32, #tpu.memory_space<vmem>>, %arg8: memref<!tpu.dma_semaphore, #tpu.memory_space<semaphore_mem>>, %arg9: memref<!tpu.dma_semaphore, #tpu.memory_space<semaphore_mem>>, %arg10: memref<!tpu.dma_semaphore, #tpu.memory_space<semaphore_mem>>, %arg11: memref<!tpu.dma_semaphore, #tpu.memory_space<semaphore_mem>>) attributes {dimension_semantics = [#tpu.dimension_semantics<core_parallel>, #tpu.dimension_semantics<subcore_parallel>], iteration_bounds = array<i64: 2, 16>, scalar_prefetch = 0 : i64, scratch_operands = 7 : i64, tpu.core_type = #tpu.core_type<sc_vector_subcore>, window_params = [{transform_indices = #map}, {transform_indices = #map1}, {transform_indices = #map}]} {
    %mul3A = arith.constant 2 : i32
    %mul3A_0 = arith.muli %arg1, %mul3A : i32
    %add3A = arith.addi %mul3A_0, %arg0 : i32
    %jit3A = arith.constant 8 : i32
    %div3A = arith.divsi %add3A, %jit3A : i32
    %sign3A = arith.constant 0 : i32
    %sign3A_1 = arith.cmpi sgt, %add3A, %sign3A : i32
    %sign3A_2 = arith.extui %sign3A_1 : i1 to i32
    %sign3A_3 = arith.constant 0 : i32
    %sign3A_4 = arith.cmpi slt, %add3A, %sign3A_3 : i32
    %sign3A_5 = arith.extui %sign3A_4 : i1 to i32
    %sign3A_6 = arith.subi %sign3A_2, %sign3A_5 : i32
    %sign3A_7 = arith.constant 0 : i32
    %sign3A_8 = arith.cmpi sgt, %jit3A, %sign3A_7 : i32
    %sign3A_9 = arith.extui %sign3A_8 : i1 to i32
    %sign3A_10 = arith.constant 0 : i32
    %sign3A_11 = arith.cmpi slt, %jit3A, %sign3A_10 : i32
    %sign3A_12 = arith.extui %sign3A_11 : i1 to i32
    %sign3A_13 = arith.subi %sign3A_9, %sign3A_12 : i32
    %ne3A = arith.cmpi ne, %sign3A_6, %sign3A_13 : i32
    %rem3A = arith.remsi %add3A, %jit3A : i32
    %ne3A_14 = arith.constant 0 : i32
    %ne3A_15 = arith.cmpi ne, %rem3A, %ne3A_14 : i32
    %and3A = arith.andi %ne3A, %ne3A_15 : i1
    %sub3A = arith.constant 1 : i32
    %sub3A_16 = arith.subi %div3A, %sub3A : i32
    %select_n3A = arith.select %and3A, %sub3A_16, %div3A : i32
    %mul3A_17 = arith.constant 32 : i32
    %mul3A_18 = arith.muli %select_n3A, %mul3A_17 : i32
    %jit3A_19 = arith.constant 8 : i32
    %eq3A = arith.constant 0 : i32
    %eq3A_20 = arith.cmpi eq, %jit3A_19, %eq3A : i32
    %jit3A_21 = arith.constant 1 : i32
    %select_n3A_22 = arith.select %eq3A_20, %jit3A_21, %jit3A_19 : i32
    %rem3A_23 = arith.remsi %add3A, %select_n3A_22 : i32
    %ne3A_24 = arith.constant 0 : i32
    %ne3A_25 = arith.cmpi ne, %rem3A_23, %ne3A_24 : i32
    %lt3A = arith.constant 0 : i32
    %lt3A_26 = arith.cmpi slt, %rem3A_23, %lt3A : i32
    %lt3A_27 = arith.constant 0 : i32
    %lt3A_28 = arith.cmpi slt, %select_n3A_22, %lt3A_27 : i32
    %ne3A_29 = arith.xori %lt3A_26, %lt3A_28 : i1
    %and3A_30 = arith.andi %ne3A_29, %ne3A_25 : i1
    %add3A_31 = arith.addi %rem3A_23, %select_n3A_22 : i32
    %select_n3A_32 = arith.select %and3A_30, %add3A_31, %rem3A_23 : i32
    %mul3A_33 = arith.constant 6400 : i32
    %mul3A_34 = arith.muli %select_n3A_32, %mul3A_33 : i32
    "tpu.region"() ({
      %run_scoped3A = tpu.sem_alloc : memref<!tpu.dma_semaphore, #tpu.memory_space<semaphore_mem>>
      %dma_start3A_258 = arith.constant 0 : i32
      %dma_start3A_259 = arith.constant 0 : i32
      %dma_start3A_260 = tpu.memref_slice %arg3[%add3A, %dma_start3A_258, %dma_start3A_259] : memref<32x50x128xi32, #tpu.memory_space<hbm>> -> memref<1x50x128xi32, #tpu.memory_space<hbm>>
      %dma_start3A_261 = tpu.memref_squeeze %dma_start3A_260 : memref<1x50x128xi32, #tpu.memory_space<hbm>> -> memref<50x128xi32, #tpu.memory_space<hbm>>
      %dma_start3A_262 = arith.constant 0 : i32
      %dma_start3A_263 = arith.constant 0 : i32
      %dma_start3A_264 = tpu.memref_slice %arg3[%add3A, %dma_start3A_262, %dma_start3A_263] : memref<32x50x128xi32, #tpu.memory_space<hbm>> -> memref<1x50x128xi32, #tpu.memory_space<hbm>>
      %dma_start3A_265 = tpu.memref_squeeze %dma_start3A_264 : memref<1x50x128xi32, #tpu.memory_space<hbm>> -> memref<50x128xi32, #tpu.memory_space<hbm>>
      tpu.enqueue_dma source(%dma_start3A_265 : memref<50x128xi32, #tpu.memory_space<hbm>>) target(%arg5 : memref<50x128xi32, #tpu.memory_space<vmem>>) target_semaphore(%run_scoped3A : memref<!tpu.dma_semaphore, #tpu.memory_space<semaphore_mem>>)
      %dma_wait3A_266 = arith.constant 0 : i32
      %dma_wait3A_267 = arith.constant 0 : i32
      %dma_wait3A_268 = tpu.memref_slice %arg3[%add3A, %dma_wait3A_266, %dma_wait3A_267] : memref<32x50x128xi32, #tpu.memory_space<hbm>> -> memref<1x50x128xi32, #tpu.memory_space<hbm>>
      %dma_wait3A_269 = tpu.memref_squeeze %dma_wait3A_268 : memref<1x50x128xi32, #tpu.memory_space<hbm>> -> memref<50x128xi32, #tpu.memory_space<hbm>>
      %dma_wait3A_270 = arith.constant 0 : i32
      %dma_wait3A_271 = arith.constant 0 : i32
      %dma_wait3A_272 = tpu.memref_slice %arg3[%add3A, %dma_wait3A_270, %dma_wait3A_271] : memref<32x50x128xi32, #tpu.memory_space<hbm>> -> memref<1x50x128xi32, #tpu.memory_space<hbm>>
      %dma_wait3A_273 = tpu.memref_squeeze %dma_wait3A_272 : memref<1x50x128xi32, #tpu.memory_space<hbm>> -> memref<50x128xi32, #tpu.memory_space<hbm>>
      tpu.wait_dma2 semaphore(%run_scoped3A : memref<!tpu.dma_semaphore, #tpu.memory_space<semaphore_mem>>) src(%dma_wait3A_273 : memref<50x128xi32, #tpu.memory_space<hbm>>) dst(%arg5 : memref<50x128xi32, #tpu.memory_space<vmem>>)
      tpu.yield
    }) : () -> ()
    %dma_start3A = arith.constant 0 : i32
    %dma_start3A_35 = arith.constant 0 : i32
    %dma_start3A_36 = arith.constant 0 : i32
    %dma_start3A_37 = tpu.memref_slice %arg6[%dma_start3A_35, %dma_start3A_36] : memref<640x32xf32, #tpu.memory_space<vmem>> -> memref<128x32xf32, #tpu.memory_space<vmem>>
    %dma_start3A_38 = arith.constant 0 : i32
    %dma_start3A_39 = tpu.memref_slice %arg5[%dma_start3A, %dma_start3A_38] : memref<50x128xi32, #tpu.memory_space<vmem>> -> memref<1x128xi32, #tpu.memory_space<vmem>>
    %dma_start3A_40 = tpu.memref_squeeze %dma_start3A_39 : memref<1x128xi32, #tpu.memory_space<vmem>> -> memref<128xi32, #tpu.memory_space<vmem>>
    %dma_start3A_41 = arith.constant 0 : i32
    %dma_start3A_42 = arith.constant 0 : i32
    %dma_start3A_43 = tpu.memref_slice %arg2[%dma_start3A_41, %dma_start3A_42] : memref<114688x32xf32, #tpu.memory_space<hbm>> -> memref<114688x32xf32, #tpu.memory_space<hbm>>
    tpu.enqueue_indirect_dma source(%dma_start3A_43 : memref<114688x32xf32, #tpu.memory_space<hbm>>) target(%dma_start3A_37 : memref<128x32xf32, #tpu.memory_space<vmem>>) offsets(%dma_start3A_40 : memref<128xi32, #tpu.memory_space<vmem>>) semaphore(%arg8 : memref<!tpu.dma_semaphore, #tpu.memory_space<semaphore_mem>>)
    %dma_start3A_44 = arith.constant 1 : i32
    %dma_start3A_45 = arith.constant 128 : i32
    %dma_start3A_46 = arith.constant 0 : i32
    %dma_start3A_47 = tpu.memref_slice %arg6[%dma_start3A_45, %dma_start3A_46] : memref<640x32xf32, #tpu.memory_space<vmem>> -> memref<128x32xf32, #tpu.memory_space<vmem>>
    %dma_start3A_48 = arith.constant 0 : i32
    %dma_start3A_49 = tpu.memref_slice %arg5[%dma_start3A_44, %dma_start3A_48] : memref<50x128xi32, #tpu.memory_space<vmem>> -> memref<1x128xi32, #tpu.memory_space<vmem>>
    %dma_start3A_50 = tpu.memref_squeeze %dma_start3A_49 : memref<1x128xi32, #tpu.memory_space<vmem>> -> memref<128xi32, #tpu.memory_space<vmem>>
    %dma_start3A_51 = arith.constant 0 : i32
    %dma_start3A_52 = arith.constant 0 : i32
    %dma_start3A_53 = tpu.memref_slice %arg2[%dma_start3A_51, %dma_start3A_52] : memref<114688x32xf32, #tpu.memory_space<hbm>> -> memref<114688x32xf32, #tpu.memory_space<hbm>>
    tpu.enqueue_indirect_dma source(%dma_start3A_53 : memref<114688x32xf32, #tpu.memory_space<hbm>>) target(%dma_start3A_47 : memref<128x32xf32, #tpu.memory_space<vmem>>) offsets(%dma_start3A_50 : memref<128xi32, #tpu.memory_space<vmem>>) semaphore(%arg8 : memref<!tpu.dma_semaphore, #tpu.memory_space<semaphore_mem>>)
    %dma_start3A_54 = arith.constant 2 : i32
    %dma_start3A_55 = arith.constant 256 : i32
    %dma_start3A_56 = arith.constant 0 : i32
    %dma_start3A_57 = tpu.memref_slice %arg6[%dma_start3A_55, %dma_start3A_56] : memref<640x32xf32, #tpu.memory_space<vmem>> -> memref<128x32xf32, #tpu.memory_space<vmem>>
    %dma_start3A_58 = arith.constant 0 : i32
    %dma_start3A_59 = tpu.memref_slice %arg5[%dma_start3A_54, %dma_start3A_58] : memref<50x128xi32, #tpu.memory_space<vmem>> -> memref<1x128xi32, #tpu.memory_space<vmem>>
    %dma_start3A_60 = tpu.memref_squeeze %dma_start3A_59 : memref<1x128xi32, #tpu.memory_space<vmem>> -> memref<128xi32, #tpu.memory_space<vmem>>
    %dma_start3A_61 = arith.constant 0 : i32
    %dma_start3A_62 = arith.constant 0 : i32
    %dma_start3A_63 = tpu.memref_slice %arg2[%dma_start3A_61, %dma_start3A_62] : memref<114688x32xf32, #tpu.memory_space<hbm>> -> memref<114688x32xf32, #tpu.memory_space<hbm>>
    tpu.enqueue_indirect_dma source(%dma_start3A_63 : memref<114688x32xf32, #tpu.memory_space<hbm>>) target(%dma_start3A_57 : memref<128x32xf32, #tpu.memory_space<vmem>>) offsets(%dma_start3A_60 : memref<128xi32, #tpu.memory_space<vmem>>) semaphore(%arg8 : memref<!tpu.dma_semaphore, #tpu.memory_space<semaphore_mem>>)
    %dma_start3A_64 = arith.constant 3 : i32
    %dma_start3A_65 = arith.constant 384 : i32
    %dma_start3A_66 = arith.constant 0 : i32
    %dma_start3A_67 = tpu.memref_slice %arg6[%dma_start3A_65, %dma_start3A_66] : memref<640x32xf32, #tpu.memory_space<vmem>> -> memref<128x32xf32, #tpu.memory_space<vmem>>
    %dma_start3A_68 = arith.constant 0 : i32
    %dma_start3A_69 = tpu.memref_slice %arg5[%dma_start3A_64, %dma_start3A_68] : memref<50x128xi32, #tpu.memory_space<vmem>> -> memref<1x128xi32, #tpu.memory_space<vmem>>
    %dma_start3A_70 = tpu.memref_squeeze %dma_start3A_69 : memref<1x128xi32, #tpu.memory_space<vmem>> -> memref<128xi32, #tpu.memory_space<vmem>>
    %dma_start3A_71 = arith.constant 0 : i32
    %dma_start3A_72 = arith.constant 0 : i32
    %dma_start3A_73 = tpu.memref_slice %arg2[%dma_start3A_71, %dma_start3A_72] : memref<114688x32xf32, #tpu.memory_space<hbm>> -> memref<114688x32xf32, #tpu.memory_space<hbm>>
    tpu.enqueue_indirect_dma source(%dma_start3A_73 : memref<114688x32xf32, #tpu.memory_space<hbm>>) target(%dma_start3A_67 : memref<128x32xf32, #tpu.memory_space<vmem>>) offsets(%dma_start3A_70 : memref<128xi32, #tpu.memory_space<vmem>>) semaphore(%arg8 : memref<!tpu.dma_semaphore, #tpu.memory_space<semaphore_mem>>)
    %dma_start3A_74 = arith.constant 4 : i32
    %dma_start3A_75 = arith.constant 512 : i32
    %dma_start3A_76 = arith.constant 0 : i32
    %dma_start3A_77 = tpu.memref_slice %arg6[%dma_start3A_75, %dma_start3A_76] : memref<640x32xf32, #tpu.memory_space<vmem>> -> memref<128x32xf32, #tpu.memory_space<vmem>>
    %dma_start3A_78 = arith.constant 0 : i32
    %dma_start3A_79 = tpu.memref_slice %arg5[%dma_start3A_74, %dma_start3A_78] : memref<50x128xi32, #tpu.memory_space<vmem>> -> memref<1x128xi32, #tpu.memory_space<vmem>>
    %dma_start3A_80 = tpu.memref_squeeze %dma_start3A_79 : memref<1x128xi32, #tpu.memory_space<vmem>> -> memref<128xi32, #tpu.memory_space<vmem>>
    %dma_start3A_81 = arith.constant 0 : i32
    %dma_start3A_82 = arith.constant 0 : i32
    %dma_start3A_83 = tpu.memref_slice %arg2[%dma_start3A_81, %dma_start3A_82] : memref<114688x32xf32, #tpu.memory_space<hbm>> -> memref<114688x32xf32, #tpu.memory_space<hbm>>
    tpu.enqueue_indirect_dma source(%dma_start3A_83 : memref<114688x32xf32, #tpu.memory_space<hbm>>) target(%dma_start3A_77 : memref<128x32xf32, #tpu.memory_space<vmem>>) offsets(%dma_start3A_80 : memref<128xi32, #tpu.memory_space<vmem>>) semaphore(%arg8 : memref<!tpu.dma_semaphore, #tpu.memory_space<semaphore_mem>>)
    %scan3A = arith.constant 0 : i32
    %scan3A_84 = arith.constant 0 : i32
    %scan3A_85 = arith.constant 4 : i32
    %scan3A_86 = arith.addi %scan3A_84, %scan3A_85 : i32
    %scan3A_87 = arith.constant 1 : i32
    scf.for %scan3A_258 = %scan3A_84 to %scan3A_86 step %scan3A_87  : i32 {
      %mul3A_259 = arith.constant 2 : i32
      %mul3A_260 = arith.muli %mul3A_259, %scan3A_258 : i32
      %add3A_261 = arith.constant 0 : i32
      %add3A_262 = arith.addi %mul3A_260, %add3A_261 : i32
      %gt3A = arith.constant 0 : i32
      %gt3A_263 = arith.cmpi sgt, %scan3A_258, %gt3A : i32
      %convert_element_type3A = arith.extui %gt3A_263 : i1 to i32
      %cond3A = arith.constant 0 : i32
      %cond3A_264 = arith.cmpi ne, %convert_element_type3A, %cond3A : i32
      scf.if %cond3A_264 {
        %sub3A_550 = arith.constant 1 : i32
        %sub3A_551 = arith.subi %add3A_262, %sub3A_550 : i32
        %mul3A_552 = arith.constant 640 : i32
        %mul3A_553 = arith.muli %sub3A_551, %mul3A_552 : i32
        %add3A_554 = arith.addi %mul3A_34, %mul3A_553 : i32
        %dma_wait3A_555 = tpu.memref_slice %arg4[%add3A_554, %mul3A_18] : memref<51200x128xf32, #tpu.memory_space<hbm>> -> memref<640x32xf32, #tpu.memory_space<hbm>>
        %dma_wait3A_556 = tpu.memref_slice %arg4[%add3A_554, %mul3A_18] : memref<51200x128xf32, #tpu.memory_space<hbm>> -> memref<640x32xf32, #tpu.memory_space<hbm>>
        tpu.wait_dma2 semaphore(%arg11 : memref<!tpu.dma_semaphore, #tpu.memory_space<semaphore_mem>>) src(%arg7 : memref<640x32xf32, #tpu.memory_space<vmem>>) dst(%dma_wait3A_556 : memref<640x32xf32, #tpu.memory_space<hbm>>)
      } else {
      }
      %add3A_265 = arith.constant 1 : i32
      %add3A_266 = arith.addi %add3A_262, %add3A_265 : i32
      %mul3A_267 = arith.constant 5 : i32
      %mul3A_268 = arith.muli %add3A_266, %mul3A_267 : i32
      %add3A_269 = arith.constant 0 : i32
      %add3A_270 = arith.addi %mul3A_268, %add3A_269 : i32
      %dma_start3A_271 = arith.constant 0 : i32
      %dma_start3A_272 = arith.constant 0 : i32
      %dma_start3A_273 = tpu.memref_slice %arg7[%dma_start3A_271, %dma_start3A_272] : memref<640x32xf32, #tpu.memory_space<vmem>> -> memref<128x32xf32, #tpu.memory_space<vmem>>
      %dma_start3A_274 = arith.constant 0 : i32
      %dma_start3A_275 = tpu.memref_slice %arg5[%add3A_270, %dma_start3A_274] : memref<50x128xi32, #tpu.memory_space<vmem>> -> memref<1x128xi32, #tpu.memory_space<vmem>>
      %dma_start3A_276 = tpu.memref_squeeze %dma_start3A_275 : memref<1x128xi32, #tpu.memory_space<vmem>> -> memref<128xi32, #tpu.memory_space<vmem>>
      %dma_start3A_277 = arith.constant 0 : i32
      %dma_start3A_278 = arith.constant 0 : i32
      %dma_start3A_279 = tpu.memref_slice %arg2[%dma_start3A_277, %dma_start3A_278] : memref<114688x32xf32, #tpu.memory_space<hbm>> -> memref<114688x32xf32, #tpu.memory_space<hbm>>
      tpu.enqueue_indirect_dma source(%dma_start3A_279 : memref<114688x32xf32, #tpu.memory_space<hbm>>) target(%dma_start3A_273 : memref<128x32xf32, #tpu.memory_space<vmem>>) offsets(%dma_start3A_276 : memref<128xi32, #tpu.memory_space<vmem>>) semaphore(%arg9 : memref<!tpu.dma_semaphore, #tpu.memory_space<semaphore_mem>>)
      %mul3A_280 = arith.constant 5 : i32
      %mul3A_281 = arith.muli %add3A_266, %mul3A_280 : i32
      %add3A_282 = arith.constant 1 : i32
      %add3A_283 = arith.addi %mul3A_281, %add3A_282 : i32
      %dma_start3A_284 = arith.constant 128 : i32
      %dma_start3A_285 = arith.constant 0 : i32
      %dma_start3A_286 = tpu.memref_slice %arg7[%dma_start3A_284, %dma_start3A_285] : memref<640x32xf32, #tpu.memory_space<vmem>> -> memref<128x32xf32, #tpu.memory_space<vmem>>
      %dma_start3A_287 = arith.constant 0 : i32
      %dma_start3A_288 = tpu.memref_slice %arg5[%add3A_283, %dma_start3A_287] : memref<50x128xi32, #tpu.memory_space<vmem>> -> memref<1x128xi32, #tpu.memory_space<vmem>>
      %dma_start3A_289 = tpu.memref_squeeze %dma_start3A_288 : memref<1x128xi32, #tpu.memory_space<vmem>> -> memref<128xi32, #tpu.memory_space<vmem>>
      %dma_start3A_290 = arith.constant 0 : i32
      %dma_start3A_291 = arith.constant 0 : i32
      %dma_start3A_292 = tpu.memref_slice %arg2[%dma_start3A_290, %dma_start3A_291] : memref<114688x32xf32, #tpu.memory_space<hbm>> -> memref<114688x32xf32, #tpu.memory_space<hbm>>
      tpu.enqueue_indirect_dma source(%dma_start3A_292 : memref<114688x32xf32, #tpu.memory_space<hbm>>) target(%dma_start3A_286 : memref<128x32xf32, #tpu.memory_space<vmem>>) offsets(%dma_start3A_289 : memref<128xi32, #tpu.memory_space<vmem>>) semaphore(%arg9 : memref<!tpu.dma_semaphore, #tpu.memory_space<semaphore_mem>>)
      %mul3A_293 = arith.constant 5 : i32
      %mul3A_294 = arith.muli %add3A_266, %mul3A_293 : i32
      %add3A_295 = arith.constant 2 : i32
      %add3A_296 = arith.addi %mul3A_294, %add3A_295 : i32
      %dma_start3A_297 = arith.constant 256 : i32
      %dma_start3A_298 = arith.constant 0 : i32
      %dma_start3A_299 = tpu.memref_slice %arg7[%dma_start3A_297, %dma_start3A_298] : memref<640x32xf32, #tpu.memory_space<vmem>> -> memref<128x32xf32, #tpu.memory_space<vmem>>
      %dma_start3A_300 = arith.constant 0 : i32
      %dma_start3A_301 = tpu.memref_slice %arg5[%add3A_296, %dma_start3A_300] : memref<50x128xi32, #tpu.memory_space<vmem>> -> memref<1x128xi32, #tpu.memory_space<vmem>>
      %dma_start3A_302 = tpu.memref_squeeze %dma_start3A_301 : memref<1x128xi32, #tpu.memory_space<vmem>> -> memref<128xi32, #tpu.memory_space<vmem>>
      %dma_start3A_303 = arith.constant 0 : i32
      %dma_start3A_304 = arith.constant 0 : i32
      %dma_start3A_305 = tpu.memref_slice %arg2[%dma_start3A_303, %dma_start3A_304] : memref<114688x32xf32, #tpu.memory_space<hbm>> -> memref<114688x32xf32, #tpu.memory_space<hbm>>
      tpu.enqueue_indirect_dma source(%dma_start3A_305 : memref<114688x32xf32, #tpu.memory_space<hbm>>) target(%dma_start3A_299 : memref<128x32xf32, #tpu.memory_space<vmem>>) offsets(%dma_start3A_302 : memref<128xi32, #tpu.memory_space<vmem>>) semaphore(%arg9 : memref<!tpu.dma_semaphore, #tpu.memory_space<semaphore_mem>>)
      %mul3A_306 = arith.constant 5 : i32
      %mul3A_307 = arith.muli %add3A_266, %mul3A_306 : i32
      %add3A_308 = arith.constant 3 : i32
      %add3A_309 = arith.addi %mul3A_307, %add3A_308 : i32
      %dma_start3A_310 = arith.constant 384 : i32
      %dma_start3A_311 = arith.constant 0 : i32
      %dma_start3A_312 = tpu.memref_slice %arg7[%dma_start3A_310, %dma_start3A_311] : memref<640x32xf32, #tpu.memory_space<vmem>> -> memref<128x32xf32, #tpu.memory_space<vmem>>
      %dma_start3A_313 = arith.constant 0 : i32
      %dma_start3A_314 = tpu.memref_slice %arg5[%add3A_309, %dma_start3A_313] : memref<50x128xi32, #tpu.memory_space<vmem>> -> memref<1x128xi32, #tpu.memory_space<vmem>>
      %dma_start3A_315 = tpu.memref_squeeze %dma_start3A_314 : memref<1x128xi32, #tpu.memory_space<vmem>> -> memref<128xi32, #tpu.memory_space<vmem>>
      %dma_start3A_316 = arith.constant 0 : i32
      %dma_start3A_317 = arith.constant 0 : i32
      %dma_start3A_318 = tpu.memref_slice %arg2[%dma_start3A_316, %dma_start3A_317] : memref<114688x32xf32, #tpu.memory_space<hbm>> -> memref<114688x32xf32, #tpu.memory_space<hbm>>
      tpu.enqueue_indirect_dma source(%dma_start3A_318 : memref<114688x32xf32, #tpu.memory_space<hbm>>) target(%dma_start3A_312 : memref<128x32xf32, #tpu.memory_space<vmem>>) offsets(%dma_start3A_315 : memref<128xi32, #tpu.memory_space<vmem>>) semaphore(%arg9 : memref<!tpu.dma_semaphore, #tpu.memory_space<semaphore_mem>>)
      %mul3A_319 = arith.constant 5 : i32
      %mul3A_320 = arith.muli %add3A_266, %mul3A_319 : i32
      %add3A_321 = arith.constant 4 : i32
      %add3A_322 = arith.addi %mul3A_320, %add3A_321 : i32
      %dma_start3A_323 = arith.constant 512 : i32
      %dma_start3A_324 = arith.constant 0 : i32
      %dma_start3A_325 = tpu.memref_slice %arg7[%dma_start3A_323, %dma_start3A_324] : memref<640x32xf32, #tpu.memory_space<vmem>> -> memref<128x32xf32, #tpu.memory_space<vmem>>
      %dma_start3A_326 = arith.constant 0 : i32
      %dma_start3A_327 = tpu.memref_slice %arg5[%add3A_322, %dma_start3A_326] : memref<50x128xi32, #tpu.memory_space<vmem>> -> memref<1x128xi32, #tpu.memory_space<vmem>>
      %dma_start3A_328 = tpu.memref_squeeze %dma_start3A_327 : memref<1x128xi32, #tpu.memory_space<vmem>> -> memref<128xi32, #tpu.memory_space<vmem>>
      %dma_start3A_329 = arith.constant 0 : i32
      %dma_start3A_330 = arith.constant 0 : i32
      %dma_start3A_331 = tpu.memref_slice %arg2[%dma_start3A_329, %dma_start3A_330] : memref<114688x32xf32, #tpu.memory_space<hbm>> -> memref<114688x32xf32, #tpu.memory_space<hbm>>
      tpu.enqueue_indirect_dma source(%dma_start3A_331 : memref<114688x32xf32, #tpu.memory_space<hbm>>) target(%dma_start3A_325 : memref<128x32xf32, #tpu.memory_space<vmem>>) offsets(%dma_start3A_328 : memref<128xi32, #tpu.memory_space<vmem>>) semaphore(%arg9 : memref<!tpu.dma_semaphore, #tpu.memory_space<semaphore_mem>>)
      %mul3A_332 = arith.constant 5 : i32
      %mul3A_333 = arith.muli %add3A_262, %mul3A_332 : i32
      %add3A_334 = arith.constant 0 : i32
      %add3A_335 = arith.addi %mul3A_333, %add3A_334 : i32
      %dma_wait3A_336 = arith.constant 0 : i32
      %dma_wait3A_337 = arith.constant 0 : i32
      %dma_wait3A_338 = tpu.memref_slice %arg6[%dma_wait3A_336, %dma_wait3A_337] : memref<640x32xf32, #tpu.memory_space<vmem>> -> memref<128x32xf32, #tpu.memory_space<vmem>>
      %dma_wait3A_339 = arith.constant 0 : i32
      %dma_wait3A_340 = tpu.memref_slice %arg5[%add3A_335, %dma_wait3A_339] : memref<50x128xi32, #tpu.memory_space<vmem>> -> memref<1x128xi32, #tpu.memory_space<vmem>>
      %dma_wait3A_341 = tpu.memref_squeeze %dma_wait3A_340 : memref<1x128xi32, #tpu.memory_space<vmem>> -> memref<128xi32, #tpu.memory_space<vmem>>
      %dma_wait3A_342 = arith.constant 0 : i32
      %dma_wait3A_343 = arith.constant 0 : i32
      %dma_wait3A_344 = tpu.memref_slice %arg2[%dma_wait3A_342, %dma_wait3A_343] : memref<114688x32xf32, #tpu.memory_space<hbm>> -> memref<114688x32xf32, #tpu.memory_space<hbm>>
      tpu.wait_indirect_dma semaphore(%arg8 : memref<!tpu.dma_semaphore, #tpu.memory_space<semaphore_mem>>) src(%dma_wait3A_344 : memref<114688x32xf32, #tpu.memory_space<hbm>>) dst(%dma_wait3A_338 : memref<128x32xf32, #tpu.memory_space<vmem>>)
      %mul3A_345 = arith.constant 5 : i32
      %mul3A_346 = arith.muli %add3A_262, %mul3A_345 : i32
      %add3A_347 = arith.constant 1 : i32
      %add3A_348 = arith.addi %mul3A_346, %add3A_347 : i32
      %dma_wait3A_349 = arith.constant 128 : i32
      %dma_wait3A_350 = arith.constant 0 : i32
      %dma_wait3A_351 = tpu.memref_slice %arg6[%dma_wait3A_349, %dma_wait3A_350] : memref<640x32xf32, #tpu.memory_space<vmem>> -> memref<128x32xf32, #tpu.memory_space<vmem>>
      %dma_wait3A_352 = arith.constant 0 : i32
      %dma_wait3A_353 = tpu.memref_slice %arg5[%add3A_348, %dma_wait3A_352] : memref<50x128xi32, #tpu.memory_space<vmem>> -> memref<1x128xi32, #tpu.memory_space<vmem>>
      %dma_wait3A_354 = tpu.memref_squeeze %dma_wait3A_353 : memref<1x128xi32, #tpu.memory_space<vmem>> -> memref<128xi32, #tpu.memory_space<vmem>>
      %dma_wait3A_355 = arith.constant 0 : i32
      %dma_wait3A_356 = arith.constant 0 : i32
      %dma_wait3A_357 = tpu.memref_slice %arg2[%dma_wait3A_355, %dma_wait3A_356] : memref<114688x32xf32, #tpu.memory_space<hbm>> -> memref<114688x32xf32, #tpu.memory_space<hbm>>
      tpu.wait_indirect_dma semaphore(%arg8 : memref<!tpu.dma_semaphore, #tpu.memory_space<semaphore_mem>>) src(%dma_wait3A_357 : memref<114688x32xf32, #tpu.memory_space<hbm>>) dst(%dma_wait3A_351 : memref<128x32xf32, #tpu.memory_space<vmem>>)
      %mul3A_358 = arith.constant 5 : i32
      %mul3A_359 = arith.muli %add3A_262, %mul3A_358 : i32
      %add3A_360 = arith.constant 2 : i32
      %add3A_361 = arith.addi %mul3A_359, %add3A_360 : i32
      %dma_wait3A_362 = arith.constant 256 : i32
      %dma_wait3A_363 = arith.constant 0 : i32
      %dma_wait3A_364 = tpu.memref_slice %arg6[%dma_wait3A_362, %dma_wait3A_363] : memref<640x32xf32, #tpu.memory_space<vmem>> -> memref<128x32xf32, #tpu.memory_space<vmem>>
      %dma_wait3A_365 = arith.constant 0 : i32
      %dma_wait3A_366 = tpu.memref_slice %arg5[%add3A_361, %dma_wait3A_365] : memref<50x128xi32, #tpu.memory_space<vmem>> -> memref<1x128xi32, #tpu.memory_space<vmem>>
      %dma_wait3A_367 = tpu.memref_squeeze %dma_wait3A_366 : memref<1x128xi32, #tpu.memory_space<vmem>> -> memref<128xi32, #tpu.memory_space<vmem>>
      %dma_wait3A_368 = arith.constant 0 : i32
      %dma_wait3A_369 = arith.constant 0 : i32
      %dma_wait3A_370 = tpu.memref_slice %arg2[%dma_wait3A_368, %dma_wait3A_369] : memref<114688x32xf32, #tpu.memory_space<hbm>> -> memref<114688x32xf32, #tpu.memory_space<hbm>>
      tpu.wait_indirect_dma semaphore(%arg8 : memref<!tpu.dma_semaphore, #tpu.memory_space<semaphore_mem>>) src(%dma_wait3A_370 : memref<114688x32xf32, #tpu.memory_space<hbm>>) dst(%dma_wait3A_364 : memref<128x32xf32, #tpu.memory_space<vmem>>)
      %mul3A_371 = arith.constant 5 : i32
      %mul3A_372 = arith.muli %add3A_262, %mul3A_371 : i32
      %add3A_373 = arith.constant 3 : i32
      %add3A_374 = arith.addi %mul3A_372, %add3A_373 : i32
      %dma_wait3A_375 = arith.constant 384 : i32
      %dma_wait3A_376 = arith.constant 0 : i32
      %dma_wait3A_377 = tpu.memref_slice %arg6[%dma_wait3A_375, %dma_wait3A_376] : memref<640x32xf32, #tpu.memory_space<vmem>> -> memref<128x32xf32, #tpu.memory_space<vmem>>
      %dma_wait3A_378 = arith.constant 0 : i32
      %dma_wait3A_379 = tpu.memref_slice %arg5[%add3A_374, %dma_wait3A_378] : memref<50x128xi32, #tpu.memory_space<vmem>> -> memref<1x128xi32, #tpu.memory_space<vmem>>
      %dma_wait3A_380 = tpu.memref_squeeze %dma_wait3A_379 : memref<1x128xi32, #tpu.memory_space<vmem>> -> memref<128xi32, #tpu.memory_space<vmem>>
      %dma_wait3A_381 = arith.constant 0 : i32
      %dma_wait3A_382 = arith.constant 0 : i32
      %dma_wait3A_383 = tpu.memref_slice %arg2[%dma_wait3A_381, %dma_wait3A_382] : memref<114688x32xf32, #tpu.memory_space<hbm>> -> memref<114688x32xf32, #tpu.memory_space<hbm>>
      tpu.wait_indirect_dma semaphore(%arg8 : memref<!tpu.dma_semaphore, #tpu.memory_space<semaphore_mem>>) src(%dma_wait3A_383 : memref<114688x32xf32, #tpu.memory_space<hbm>>) dst(%dma_wait3A_377 : memref<128x32xf32, #tpu.memory_space<vmem>>)
      %mul3A_384 = arith.constant 5 : i32
      %mul3A_385 = arith.muli %add3A_262, %mul3A_384 : i32
      %add3A_386 = arith.constant 4 : i32
      %add3A_387 = arith.addi %mul3A_385, %add3A_386 : i32
      %dma_wait3A_388 = arith.constant 512 : i32
      %dma_wait3A_389 = arith.constant 0 : i32
      %dma_wait3A_390 = tpu.memref_slice %arg6[%dma_wait3A_388, %dma_wait3A_389] : memref<640x32xf32, #tpu.memory_space<vmem>> -> memref<128x32xf32, #tpu.memory_space<vmem>>
      %dma_wait3A_391 = arith.constant 0 : i32
      %dma_wait3A_392 = tpu.memref_slice %arg5[%add3A_387, %dma_wait3A_391] : memref<50x128xi32, #tpu.memory_space<vmem>> -> memref<1x128xi32, #tpu.memory_space<vmem>>
      %dma_wait3A_393 = tpu.memref_squeeze %dma_wait3A_392 : memref<1x128xi32, #tpu.memory_space<vmem>> -> memref<128xi32, #tpu.memory_space<vmem>>
      %dma_wait3A_394 = arith.constant 0 : i32
      %dma_wait3A_395 = arith.constant 0 : i32
      %dma_wait3A_396 = tpu.memref_slice %arg2[%dma_wait3A_394, %dma_wait3A_395] : memref<114688x32xf32, #tpu.memory_space<hbm>> -> memref<114688x32xf32, #tpu.memory_space<hbm>>
      tpu.wait_indirect_dma semaphore(%arg8 : memref<!tpu.dma_semaphore, #tpu.memory_space<semaphore_mem>>) src(%dma_wait3A_396 : memref<114688x32xf32, #tpu.memory_space<hbm>>) dst(%dma_wait3A_390 : memref<128x32xf32, #tpu.memory_space<vmem>>)
      %mul3A_397 = arith.constant 640 : i32
      %mul3A_398 = arith.muli %add3A_262, %mul3A_397 : i32
      %add3A_399 = arith.addi %mul3A_34, %mul3A_398 : i32
      %dma_start3A_400 = tpu.memref_slice %arg4[%add3A_399, %mul3A_18] : memref<51200x128xf32, #tpu.memory_space<hbm>> -> memref<640x32xf32, #tpu.memory_space<hbm>>
      %dma_start3A_401 = tpu.memref_slice %arg4[%add3A_399, %mul3A_18] : memref<51200x128xf32, #tpu.memory_space<hbm>> -> memref<640x32xf32, #tpu.memory_space<hbm>>
      tpu.enqueue_dma source(%arg6 : memref<640x32xf32, #tpu.memory_space<vmem>>) target(%dma_start3A_401 : memref<640x32xf32, #tpu.memory_space<hbm>>) target_semaphore(%arg10 : memref<!tpu.dma_semaphore, #tpu.memory_space<semaphore_mem>>)
      %mul3A_402 = arith.constant 2 : i32
      %mul3A_403 = arith.muli %mul3A_402, %scan3A_258 : i32
      %add3A_404 = arith.constant 1 : i32
      %add3A_405 = arith.addi %mul3A_403, %add3A_404 : i32
      %sub3A_406 = arith.constant 1 : i32
      %sub3A_407 = arith.subi %add3A_405, %sub3A_406 : i32
      %mul3A_408 = arith.constant 640 : i32
      %mul3A_409 = arith.muli %sub3A_407, %mul3A_408 : i32
      %add3A_410 = arith.addi %mul3A_34, %mul3A_409 : i32
      %dma_wait3A_411 = tpu.memref_slice %arg4[%add3A_410, %mul3A_18] : memref<51200x128xf32, #tpu.memory_space<hbm>> -> memref<640x32xf32, #tpu.memory_space<hbm>>
      %dma_wait3A_412 = tpu.memref_slice %arg4[%add3A_410, %mul3A_18] : memref<51200x128xf32, #tpu.memory_space<hbm>> -> memref<640x32xf32, #tpu.memory_space<hbm>>
      tpu.wait_dma2 semaphore(%arg10 : memref<!tpu.dma_semaphore, #tpu.memory_space<semaphore_mem>>) src(%arg6 : memref<640x32xf32, #tpu.memory_space<vmem>>) dst(%dma_wait3A_412 : memref<640x32xf32, #tpu.memory_space<hbm>>)
      %add3A_413 = arith.constant 1 : i32
      %add3A_414 = arith.addi %add3A_405, %add3A_413 : i32
      %mul3A_415 = arith.constant 5 : i32
      %mul3A_416 = arith.muli %add3A_414, %mul3A_415 : i32
      %add3A_417 = arith.constant 0 : i32
      %add3A_418 = arith.addi %mul3A_416, %add3A_417 : i32
      %dma_start3A_419 = arith.constant 0 : i32
      %dma_start3A_420 = arith.constant 0 : i32
      %dma_start3A_421 = tpu.memref_slice %arg6[%dma_start3A_419, %dma_start3A_420] : memref<640x32xf32, #tpu.memory_space<vmem>> -> memref<128x32xf32, #tpu.memory_space<vmem>>
      %dma_start3A_422 = arith.constant 0 : i32
      %dma_start3A_423 = tpu.memref_slice %arg5[%add3A_418, %dma_start3A_422] : memref<50x128xi32, #tpu.memory_space<vmem>> -> memref<1x128xi32, #tpu.memory_space<vmem>>
      %dma_start3A_424 = tpu.memref_squeeze %dma_start3A_423 : memref<1x128xi32, #tpu.memory_space<vmem>> -> memref<128xi32, #tpu.memory_space<vmem>>
      %dma_start3A_425 = arith.constant 0 : i32
      %dma_start3A_426 = arith.constant 0 : i32
      %dma_start3A_427 = tpu.memref_slice %arg2[%dma_start3A_425, %dma_start3A_426] : memref<114688x32xf32, #tpu.memory_space<hbm>> -> memref<114688x32xf32, #tpu.memory_space<hbm>>
      tpu.enqueue_indirect_dma source(%dma_start3A_427 : memref<114688x32xf32, #tpu.memory_space<hbm>>) target(%dma_start3A_421 : memref<128x32xf32, #tpu.memory_space<vmem>>) offsets(%dma_start3A_424 : memref<128xi32, #tpu.memory_space<vmem>>) semaphore(%arg8 : memref<!tpu.dma_semaphore, #tpu.memory_space<semaphore_mem>>)
      %mul3A_428 = arith.constant 5 : i32
      %mul3A_429 = arith.muli %add3A_414, %mul3A_428 : i32
      %add3A_430 = arith.constant 1 : i32
      %add3A_431 = arith.addi %mul3A_429, %add3A_430 : i32
      %dma_start3A_432 = arith.constant 128 : i32
      %dma_start3A_433 = arith.constant 0 : i32
      %dma_start3A_434 = tpu.memref_slice %arg6[%dma_start3A_432, %dma_start3A_433] : memref<640x32xf32, #tpu.memory_space<vmem>> -> memref<128x32xf32, #tpu.memory_space<vmem>>
      %dma_start3A_435 = arith.constant 0 : i32
      %dma_start3A_436 = tpu.memref_slice %arg5[%add3A_431, %dma_start3A_435] : memref<50x128xi32, #tpu.memory_space<vmem>> -> memref<1x128xi32, #tpu.memory_space<vmem>>
      %dma_start3A_437 = tpu.memref_squeeze %dma_start3A_436 : memref<1x128xi32, #tpu.memory_space<vmem>> -> memref<128xi32, #tpu.memory_space<vmem>>
      %dma_start3A_438 = arith.constant 0 : i32
      %dma_start3A_439 = arith.constant 0 : i32
      %dma_start3A_440 = tpu.memref_slice %arg2[%dma_start3A_438, %dma_start3A_439] : memref<114688x32xf32, #tpu.memory_space<hbm>> -> memref<114688x32xf32, #tpu.memory_space<hbm>>
      tpu.enqueue_indirect_dma source(%dma_start3A_440 : memref<114688x32xf32, #tpu.memory_space<hbm>>) target(%dma_start3A_434 : memref<128x32xf32, #tpu.memory_space<vmem>>) offsets(%dma_start3A_437 : memref<128xi32, #tpu.memory_space<vmem>>) semaphore(%arg8 : memref<!tpu.dma_semaphore, #tpu.memory_space<semaphore_mem>>)
      %mul3A_441 = arith.constant 5 : i32
      %mul3A_442 = arith.muli %add3A_414, %mul3A_441 : i32
      %add3A_443 = arith.constant 2 : i32
      %add3A_444 = arith.addi %mul3A_442, %add3A_443 : i32
      %dma_start3A_445 = arith.constant 256 : i32
      %dma_start3A_446 = arith.constant 0 : i32
      %dma_start3A_447 = tpu.memref_slice %arg6[%dma_start3A_445, %dma_start3A_446] : memref<640x32xf32, #tpu.memory_space<vmem>> -> memref<128x32xf32, #tpu.memory_space<vmem>>
      %dma_start3A_448 = arith.constant 0 : i32
      %dma_start3A_449 = tpu.memref_slice %arg5[%add3A_444, %dma_start3A_448] : memref<50x128xi32, #tpu.memory_space<vmem>> -> memref<1x128xi32, #tpu.memory_space<vmem>>
      %dma_start3A_450 = tpu.memref_squeeze %dma_start3A_449 : memref<1x128xi32, #tpu.memory_space<vmem>> -> memref<128xi32, #tpu.memory_space<vmem>>
      %dma_start3A_451 = arith.constant 0 : i32
      %dma_start3A_452 = arith.constant 0 : i32
      %dma_start3A_453 = tpu.memref_slice %arg2[%dma_start3A_451, %dma_start3A_452] : memref<114688x32xf32, #tpu.memory_space<hbm>> -> memref<114688x32xf32, #tpu.memory_space<hbm>>
      tpu.enqueue_indirect_dma source(%dma_start3A_453 : memref<114688x32xf32, #tpu.memory_space<hbm>>) target(%dma_start3A_447 : memref<128x32xf32, #tpu.memory_space<vmem>>) offsets(%dma_start3A_450 : memref<128xi32, #tpu.memory_space<vmem>>) semaphore(%arg8 : memref<!tpu.dma_semaphore, #tpu.memory_space<semaphore_mem>>)
      %mul3A_454 = arith.constant 5 : i32
      %mul3A_455 = arith.muli %add3A_414, %mul3A_454 : i32
      %add3A_456 = arith.constant 3 : i32
      %add3A_457 = arith.addi %mul3A_455, %add3A_456 : i32
      %dma_start3A_458 = arith.constant 384 : i32
      %dma_start3A_459 = arith.constant 0 : i32
      %dma_start3A_460 = tpu.memref_slice %arg6[%dma_start3A_458, %dma_start3A_459] : memref<640x32xf32, #tpu.memory_space<vmem>> -> memref<128x32xf32, #tpu.memory_space<vmem>>
      %dma_start3A_461 = arith.constant 0 : i32
      %dma_start3A_462 = tpu.memref_slice %arg5[%add3A_457, %dma_start3A_461] : memref<50x128xi32, #tpu.memory_space<vmem>> -> memref<1x128xi32, #tpu.memory_space<vmem>>
      %dma_start3A_463 = tpu.memref_squeeze %dma_start3A_462 : memref<1x128xi32, #tpu.memory_space<vmem>> -> memref<128xi32, #tpu.memory_space<vmem>>
      %dma_start3A_464 = arith.constant 0 : i32
      %dma_start3A_465 = arith.constant 0 : i32
      %dma_start3A_466 = tpu.memref_slice %arg2[%dma_start3A_464, %dma_start3A_465] : memref<114688x32xf32, #tpu.memory_space<hbm>> -> memref<114688x32xf32, #tpu.memory_space<hbm>>
      tpu.enqueue_indirect_dma source(%dma_start3A_466 : memref<114688x32xf32, #tpu.memory_space<hbm>>) target(%dma_start3A_460 : memref<128x32xf32, #tpu.memory_space<vmem>>) offsets(%dma_start3A_463 : memref<128xi32, #tpu.memory_space<vmem>>) semaphore(%arg8 : memref<!tpu.dma_semaphore, #tpu.memory_space<semaphore_mem>>)
      %mul3A_467 = arith.constant 5 : i32
      %mul3A_468 = arith.muli %add3A_414, %mul3A_467 : i32
      %add3A_469 = arith.constant 4 : i32
      %add3A_470 = arith.addi %mul3A_468, %add3A_469 : i32
      %dma_start3A_471 = arith.constant 512 : i32
      %dma_start3A_472 = arith.constant 0 : i32
      %dma_start3A_473 = tpu.memref_slice %arg6[%dma_start3A_471, %dma_start3A_472] : memref<640x32xf32, #tpu.memory_space<vmem>> -> memref<128x32xf32, #tpu.memory_space<vmem>>
      %dma_start3A_474 = arith.constant 0 : i32
      %dma_start3A_475 = tpu.memref_slice %arg5[%add3A_470, %dma_start3A_474] : memref<50x128xi32, #tpu.memory_space<vmem>> -> memref<1x128xi32, #tpu.memory_space<vmem>>
      %dma_start3A_476 = tpu.memref_squeeze %dma_start3A_475 : memref<1x128xi32, #tpu.memory_space<vmem>> -> memref<128xi32, #tpu.memory_space<vmem>>
      %dma_start3A_477 = arith.constant 0 : i32
      %dma_start3A_478 = arith.constant 0 : i32
      %dma_start3A_479 = tpu.memref_slice %arg2[%dma_start3A_477, %dma_start3A_478] : memref<114688x32xf32, #tpu.memory_space<hbm>> -> memref<114688x32xf32, #tpu.memory_space<hbm>>
      tpu.enqueue_indirect_dma source(%dma_start3A_479 : memref<114688x32xf32, #tpu.memory_space<hbm>>) target(%dma_start3A_473 : memref<128x32xf32, #tpu.memory_space<vmem>>) offsets(%dma_start3A_476 : memref<128xi32, #tpu.memory_space<vmem>>) semaphore(%arg8 : memref<!tpu.dma_semaphore, #tpu.memory_space<semaphore_mem>>)
      %mul3A_480 = arith.constant 5 : i32
      %mul3A_481 = arith.muli %add3A_405, %mul3A_480 : i32
      %add3A_482 = arith.constant 0 : i32
      %add3A_483 = arith.addi %mul3A_481, %add3A_482 : i32
      %dma_wait3A_484 = arith.constant 0 : i32
      %dma_wait3A_485 = arith.constant 0 : i32
      %dma_wait3A_486 = tpu.memref_slice %arg7[%dma_wait3A_484, %dma_wait3A_485] : memref<640x32xf32, #tpu.memory_space<vmem>> -> memref<128x32xf32, #tpu.memory_space<vmem>>
      %dma_wait3A_487 = arith.constant 0 : i32
      %dma_wait3A_488 = tpu.memref_slice %arg5[%add3A_483, %dma_wait3A_487] : memref<50x128xi32, #tpu.memory_space<vmem>> -> memref<1x128xi32, #tpu.memory_space<vmem>>
      %dma_wait3A_489 = tpu.memref_squeeze %dma_wait3A_488 : memref<1x128xi32, #tpu.memory_space<vmem>> -> memref<128xi32, #tpu.memory_space<vmem>>
      %dma_wait3A_490 = arith.constant 0 : i32
      %dma_wait3A_491 = arith.constant 0 : i32
      %dma_wait3A_492 = tpu.memref_slice %arg2[%dma_wait3A_490, %dma_wait3A_491] : memref<114688x32xf32, #tpu.memory_space<hbm>> -> memref<114688x32xf32, #tpu.memory_space<hbm>>
      tpu.wait_indirect_dma semaphore(%arg9 : memref<!tpu.dma_semaphore, #tpu.memory_space<semaphore_mem>>) src(%dma_wait3A_492 : memref<114688x32xf32, #tpu.memory_space<hbm>>) dst(%dma_wait3A_486 : memref<128x32xf32, #tpu.memory_space<vmem>>)
      %mul3A_493 = arith.constant 5 : i32
      %mul3A_494 = arith.muli %add3A_405, %mul3A_493 : i32
      %add3A_495 = arith.constant 1 : i32
      %add3A_496 = arith.addi %mul3A_494, %add3A_495 : i32
      %dma_wait3A_497 = arith.constant 128 : i32
      %dma_wait3A_498 = arith.constant 0 : i32
      %dma_wait3A_499 = tpu.memref_slice %arg7[%dma_wait3A_497, %dma_wait3A_498] : memref<640x32xf32, #tpu.memory_space<vmem>> -> memref<128x32xf32, #tpu.memory_space<vmem>>
      %dma_wait3A_500 = arith.constant 0 : i32
      %dma_wait3A_501 = tpu.memref_slice %arg5[%add3A_496, %dma_wait3A_500] : memref<50x128xi32, #tpu.memory_space<vmem>> -> memref<1x128xi32, #tpu.memory_space<vmem>>
      %dma_wait3A_502 = tpu.memref_squeeze %dma_wait3A_501 : memref<1x128xi32, #tpu.memory_space<vmem>> -> memref<128xi32, #tpu.memory_space<vmem>>
      %dma_wait3A_503 = arith.constant 0 : i32
      %dma_wait3A_504 = arith.constant 0 : i32
      %dma_wait3A_505 = tpu.memref_slice %arg2[%dma_wait3A_503, %dma_wait3A_504] : memref<114688x32xf32, #tpu.memory_space<hbm>> -> memref<114688x32xf32, #tpu.memory_space<hbm>>
      tpu.wait_indirect_dma semaphore(%arg9 : memref<!tpu.dma_semaphore, #tpu.memory_space<semaphore_mem>>) src(%dma_wait3A_505 : memref<114688x32xf32, #tpu.memory_space<hbm>>) dst(%dma_wait3A_499 : memref<128x32xf32, #tpu.memory_space<vmem>>)
      %mul3A_506 = arith.constant 5 : i32
      %mul3A_507 = arith.muli %add3A_405, %mul3A_506 : i32
      %add3A_508 = arith.constant 2 : i32
      %add3A_509 = arith.addi %mul3A_507, %add3A_508 : i32
      %dma_wait3A_510 = arith.constant 256 : i32
      %dma_wait3A_511 = arith.constant 0 : i32
      %dma_wait3A_512 = tpu.memref_slice %arg7[%dma_wait3A_510, %dma_wait3A_511] : memref<640x32xf32, #tpu.memory_space<vmem>> -> memref<128x32xf32, #tpu.memory_space<vmem>>
      %dma_wait3A_513 = arith.constant 0 : i32
      %dma_wait3A_514 = tpu.memref_slice %arg5[%add3A_509, %dma_wait3A_513] : memref<50x128xi32, #tpu.memory_space<vmem>> -> memref<1x128xi32, #tpu.memory_space<vmem>>
      %dma_wait3A_515 = tpu.memref_squeeze %dma_wait3A_514 : memref<1x128xi32, #tpu.memory_space<vmem>> -> memref<128xi32, #tpu.memory_space<vmem>>
      %dma_wait3A_516 = arith.constant 0 : i32
      %dma_wait3A_517 = arith.constant 0 : i32
      %dma_wait3A_518 = tpu.memref_slice %arg2[%dma_wait3A_516, %dma_wait3A_517] : memref<114688x32xf32, #tpu.memory_space<hbm>> -> memref<114688x32xf32, #tpu.memory_space<hbm>>
      tpu.wait_indirect_dma semaphore(%arg9 : memref<!tpu.dma_semaphore, #tpu.memory_space<semaphore_mem>>) src(%dma_wait3A_518 : memref<114688x32xf32, #tpu.memory_space<hbm>>) dst(%dma_wait3A_512 : memref<128x32xf32, #tpu.memory_space<vmem>>)
      %mul3A_519 = arith.constant 5 : i32
      %mul3A_520 = arith.muli %add3A_405, %mul3A_519 : i32
      %add3A_521 = arith.constant 3 : i32
      %add3A_522 = arith.addi %mul3A_520, %add3A_521 : i32
      %dma_wait3A_523 = arith.constant 384 : i32
      %dma_wait3A_524 = arith.constant 0 : i32
      %dma_wait3A_525 = tpu.memref_slice %arg7[%dma_wait3A_523, %dma_wait3A_524] : memref<640x32xf32, #tpu.memory_space<vmem>> -> memref<128x32xf32, #tpu.memory_space<vmem>>
      %dma_wait3A_526 = arith.constant 0 : i32
      %dma_wait3A_527 = tpu.memref_slice %arg5[%add3A_522, %dma_wait3A_526] : memref<50x128xi32, #tpu.memory_space<vmem>> -> memref<1x128xi32, #tpu.memory_space<vmem>>
      %dma_wait3A_528 = tpu.memref_squeeze %dma_wait3A_527 : memref<1x128xi32, #tpu.memory_space<vmem>> -> memref<128xi32, #tpu.memory_space<vmem>>
      %dma_wait3A_529 = arith.constant 0 : i32
      %dma_wait3A_530 = arith.constant 0 : i32
      %dma_wait3A_531 = tpu.memref_slice %arg2[%dma_wait3A_529, %dma_wait3A_530] : memref<114688x32xf32, #tpu.memory_space<hbm>> -> memref<114688x32xf32, #tpu.memory_space<hbm>>
      tpu.wait_indirect_dma semaphore(%arg9 : memref<!tpu.dma_semaphore, #tpu.memory_space<semaphore_mem>>) src(%dma_wait3A_531 : memref<114688x32xf32, #tpu.memory_space<hbm>>) dst(%dma_wait3A_525 : memref<128x32xf32, #tpu.memory_space<vmem>>)
      %mul3A_532 = arith.constant 5 : i32
      %mul3A_533 = arith.muli %add3A_405, %mul3A_532 : i32
      %add3A_534 = arith.constant 4 : i32
      %add3A_535 = arith.addi %mul3A_533, %add3A_534 : i32
      %dma_wait3A_536 = arith.constant 512 : i32
      %dma_wait3A_537 = arith.constant 0 : i32
      %dma_wait3A_538 = tpu.memref_slice %arg7[%dma_wait3A_536, %dma_wait3A_537] : memref<640x32xf32, #tpu.memory_space<vmem>> -> memref<128x32xf32, #tpu.memory_space<vmem>>
      %dma_wait3A_539 = arith.constant 0 : i32
      %dma_wait3A_540 = tpu.memref_slice %arg5[%add3A_535, %dma_wait3A_539] : memref<50x128xi32, #tpu.memory_space<vmem>> -> memref<1x128xi32, #tpu.memory_space<vmem>>
      %dma_wait3A_541 = tpu.memref_squeeze %dma_wait3A_540 : memref<1x128xi32, #tpu.memory_space<vmem>> -> memref<128xi32, #tpu.memory_space<vmem>>
      %dma_wait3A_542 = arith.constant 0 : i32
      %dma_wait3A_543 = arith.constant 0 : i32
      %dma_wait3A_544 = tpu.memref_slice %arg2[%dma_wait3A_542, %dma_wait3A_543] : memref<114688x32xf32, #tpu.memory_space<hbm>> -> memref<114688x32xf32, #tpu.memory_space<hbm>>
      tpu.wait_indirect_dma semaphore(%arg9 : memref<!tpu.dma_semaphore, #tpu.memory_space<semaphore_mem>>) src(%dma_wait3A_544 : memref<114688x32xf32, #tpu.memory_space<hbm>>) dst(%dma_wait3A_538 : memref<128x32xf32, #tpu.memory_space<vmem>>)
      %mul3A_545 = arith.constant 640 : i32
      %mul3A_546 = arith.muli %add3A_405, %mul3A_545 : i32
      %add3A_547 = arith.addi %mul3A_34, %mul3A_546 : i32
      %dma_start3A_548 = tpu.memref_slice %arg4[%add3A_547, %mul3A_18] : memref<51200x128xf32, #tpu.memory_space<hbm>> -> memref<640x32xf32, #tpu.memory_space<hbm>>
      %dma_start3A_549 = tpu.memref_slice %arg4[%add3A_547, %mul3A_18] : memref<51200x128xf32, #tpu.memory_space<hbm>> -> memref<640x32xf32, #tpu.memory_space<hbm>>
      tpu.enqueue_dma source(%arg7 : memref<640x32xf32, #tpu.memory_space<vmem>>) target(%dma_start3A_549 : memref<640x32xf32, #tpu.memory_space<hbm>>) target_semaphore(%arg11 : memref<!tpu.dma_semaphore, #tpu.memory_space<semaphore_mem>>)
    }
    %scan3A_88 = arith.constant 4 : i32
    %add3A_89 = arith.constant 4480 : i32
    %add3A_90 = arith.addi %mul3A_34, %add3A_89 : i32
    %dma_wait3A = tpu.memref_slice %arg4[%add3A_90, %mul3A_18] : memref<51200x128xf32, #tpu.memory_space<hbm>> -> memref<640x32xf32, #tpu.memory_space<hbm>>
    %dma_wait3A_91 = tpu.memref_slice %arg4[%add3A_90, %mul3A_18] : memref<51200x128xf32, #tpu.memory_space<hbm>> -> memref<640x32xf32, #tpu.memory_space<hbm>>
    tpu.wait_dma2 semaphore(%arg11 : memref<!tpu.dma_semaphore, #tpu.memory_space<semaphore_mem>>) src(%arg7 : memref<640x32xf32, #tpu.memory_space<vmem>>) dst(%dma_wait3A_91 : memref<640x32xf32, #tpu.memory_space<hbm>>)
    %dma_start3A_92 = arith.constant 45 : i32
    %dma_start3A_93 = arith.constant 0 : i32
    %dma_start3A_94 = arith.constant 0 : i32
    %dma_start3A_95 = tpu.memref_slice %arg7[%dma_start3A_93, %dma_start3A_94] : memref<640x32xf32, #tpu.memory_space<vmem>> -> memref<128x32xf32, #tpu.memory_space<vmem>>
    %dma_start3A_96 = arith.constant 0 : i32
    %dma_start3A_97 = tpu.memref_slice %arg5[%dma_start3A_92, %dma_start3A_96] : memref<50x128xi32, #tpu.memory_space<vmem>> -> memref<1x128xi32, #tpu.memory_space<vmem>>
    %dma_start3A_98 = tpu.memref_squeeze %dma_start3A_97 : memref<1x128xi32, #tpu.memory_space<vmem>> -> memref<128xi32, #tpu.memory_space<vmem>>
    %dma_start3A_99 = arith.constant 0 : i32
    %dma_start3A_100 = arith.constant 0 : i32
    %dma_start3A_101 = tpu.memref_slice %arg2[%dma_start3A_99, %dma_start3A_100] : memref<114688x32xf32, #tpu.memory_space<hbm>> -> memref<114688x32xf32, #tpu.memory_space<hbm>>
    tpu.enqueue_indirect_dma source(%dma_start3A_101 : memref<114688x32xf32, #tpu.memory_space<hbm>>) target(%dma_start3A_95 : memref<128x32xf32, #tpu.memory_space<vmem>>) offsets(%dma_start3A_98 : memref<128xi32, #tpu.memory_space<vmem>>) semaphore(%arg9 : memref<!tpu.dma_semaphore, #tpu.memory_space<semaphore_mem>>)
    %dma_start3A_102 = arith.constant 46 : i32
    %dma_start3A_103 = arith.constant 128 : i32
    %dma_start3A_104 = arith.constant 0 : i32
    %dma_start3A_105 = tpu.memref_slice %arg7[%dma_start3A_103, %dma_start3A_104] : memref<640x32xf32, #tpu.memory_space<vmem>> -> memref<128x32xf32, #tpu.memory_space<vmem>>
    %dma_start3A_106 = arith.constant 0 : i32
    %dma_start3A_107 = tpu.memref_slice %arg5[%dma_start3A_102, %dma_start3A_106] : memref<50x128xi32, #tpu.memory_space<vmem>> -> memref<1x128xi32, #tpu.memory_space<vmem>>
    %dma_start3A_108 = tpu.memref_squeeze %dma_start3A_107 : memref<1x128xi32, #tpu.memory_space<vmem>> -> memref<128xi32, #tpu.memory_space<vmem>>
    %dma_start3A_109 = arith.constant 0 : i32
    %dma_start3A_110 = arith.constant 0 : i32
    %dma_start3A_111 = tpu.memref_slice %arg2[%dma_start3A_109, %dma_start3A_110] : memref<114688x32xf32, #tpu.memory_space<hbm>> -> memref<114688x32xf32, #tpu.memory_space<hbm>>
    tpu.enqueue_indirect_dma source(%dma_start3A_111 : memref<114688x32xf32, #tpu.memory_space<hbm>>) target(%dma_start3A_105 : memref<128x32xf32, #tpu.memory_space<vmem>>) offsets(%dma_start3A_108 : memref<128xi32, #tpu.memory_space<vmem>>) semaphore(%arg9 : memref<!tpu.dma_semaphore, #tpu.memory_space<semaphore_mem>>)
    %dma_start3A_112 = arith.constant 47 : i32
    %dma_start3A_113 = arith.constant 256 : i32
    %dma_start3A_114 = arith.constant 0 : i32
    %dma_start3A_115 = tpu.memref_slice %arg7[%dma_start3A_113, %dma_start3A_114] : memref<640x32xf32, #tpu.memory_space<vmem>> -> memref<128x32xf32, #tpu.memory_space<vmem>>
    %dma_start3A_116 = arith.constant 0 : i32
    %dma_start3A_117 = tpu.memref_slice %arg5[%dma_start3A_112, %dma_start3A_116] : memref<50x128xi32, #tpu.memory_space<vmem>> -> memref<1x128xi32, #tpu.memory_space<vmem>>
    %dma_start3A_118 = tpu.memref_squeeze %dma_start3A_117 : memref<1x128xi32, #tpu.memory_space<vmem>> -> memref<128xi32, #tpu.memory_space<vmem>>
    %dma_start3A_119 = arith.constant 0 : i32
    %dma_start3A_120 = arith.constant 0 : i32
    %dma_start3A_121 = tpu.memref_slice %arg2[%dma_start3A_119, %dma_start3A_120] : memref<114688x32xf32, #tpu.memory_space<hbm>> -> memref<114688x32xf32, #tpu.memory_space<hbm>>
    tpu.enqueue_indirect_dma source(%dma_start3A_121 : memref<114688x32xf32, #tpu.memory_space<hbm>>) target(%dma_start3A_115 : memref<128x32xf32, #tpu.memory_space<vmem>>) offsets(%dma_start3A_118 : memref<128xi32, #tpu.memory_space<vmem>>) semaphore(%arg9 : memref<!tpu.dma_semaphore, #tpu.memory_space<semaphore_mem>>)
    %dma_start3A_122 = arith.constant 48 : i32
    %dma_start3A_123 = arith.constant 384 : i32
    %dma_start3A_124 = arith.constant 0 : i32
    %dma_start3A_125 = tpu.memref_slice %arg7[%dma_start3A_123, %dma_start3A_124] : memref<640x32xf32, #tpu.memory_space<vmem>> -> memref<128x32xf32, #tpu.memory_space<vmem>>
    %dma_start3A_126 = arith.constant 0 : i32
    %dma_start3A_127 = tpu.memref_slice %arg5[%dma_start3A_122, %dma_start3A_126] : memref<50x128xi32, #tpu.memory_space<vmem>> -> memref<1x128xi32, #tpu.memory_space<vmem>>
    %dma_start3A_128 = tpu.memref_squeeze %dma_start3A_127 : memref<1x128xi32, #tpu.memory_space<vmem>> -> memref<128xi32, #tpu.memory_space<vmem>>
    %dma_start3A_129 = arith.constant 0 : i32
    %dma_start3A_130 = arith.constant 0 : i32
    %dma_start3A_131 = tpu.memref_slice %arg2[%dma_start3A_129, %dma_start3A_130] : memref<114688x32xf32, #tpu.memory_space<hbm>> -> memref<114688x32xf32, #tpu.memory_space<hbm>>
    tpu.enqueue_indirect_dma source(%dma_start3A_131 : memref<114688x32xf32, #tpu.memory_space<hbm>>) target(%dma_start3A_125 : memref<128x32xf32, #tpu.memory_space<vmem>>) offsets(%dma_start3A_128 : memref<128xi32, #tpu.memory_space<vmem>>) semaphore(%arg9 : memref<!tpu.dma_semaphore, #tpu.memory_space<semaphore_mem>>)
    %dma_start3A_132 = arith.constant 49 : i32
    %dma_start3A_133 = arith.constant 512 : i32
    %dma_start3A_134 = arith.constant 0 : i32
    %dma_start3A_135 = tpu.memref_slice %arg7[%dma_start3A_133, %dma_start3A_134] : memref<640x32xf32, #tpu.memory_space<vmem>> -> memref<128x32xf32, #tpu.memory_space<vmem>>
    %dma_start3A_136 = arith.constant 0 : i32
    %dma_start3A_137 = tpu.memref_slice %arg5[%dma_start3A_132, %dma_start3A_136] : memref<50x128xi32, #tpu.memory_space<vmem>> -> memref<1x128xi32, #tpu.memory_space<vmem>>
    %dma_start3A_138 = tpu.memref_squeeze %dma_start3A_137 : memref<1x128xi32, #tpu.memory_space<vmem>> -> memref<128xi32, #tpu.memory_space<vmem>>
    %dma_start3A_139 = arith.constant 0 : i32
    %dma_start3A_140 = arith.constant 0 : i32
    %dma_start3A_141 = tpu.memref_slice %arg2[%dma_start3A_139, %dma_start3A_140] : memref<114688x32xf32, #tpu.memory_space<hbm>> -> memref<114688x32xf32, #tpu.memory_space<hbm>>
    tpu.enqueue_indirect_dma source(%dma_start3A_141 : memref<114688x32xf32, #tpu.memory_space<hbm>>) target(%dma_start3A_135 : memref<128x32xf32, #tpu.memory_space<vmem>>) offsets(%dma_start3A_138 : memref<128xi32, #tpu.memory_space<vmem>>) semaphore(%arg9 : memref<!tpu.dma_semaphore, #tpu.memory_space<semaphore_mem>>)
    %dma_wait3A_142 = arith.constant 40 : i32
    %dma_wait3A_143 = arith.constant 0 : i32
    %dma_wait3A_144 = arith.constant 0 : i32
    %dma_wait3A_145 = tpu.memref_slice %arg6[%dma_wait3A_143, %dma_wait3A_144] : memref<640x32xf32, #tpu.memory_space<vmem>> -> memref<128x32xf32, #tpu.memory_space<vmem>>
    %dma_wait3A_146 = arith.constant 0 : i32
    %dma_wait3A_147 = tpu.memref_slice %arg5[%dma_wait3A_142, %dma_wait3A_146] : memref<50x128xi32, #tpu.memory_space<vmem>> -> memref<1x128xi32, #tpu.memory_space<vmem>>
    %dma_wait3A_148 = tpu.memref_squeeze %dma_wait3A_147 : memref<1x128xi32, #tpu.memory_space<vmem>> -> memref<128xi32, #tpu.memory_space<vmem>>
    %dma_wait3A_149 = arith.constant 0 : i32
    %dma_wait3A_150 = arith.constant 0 : i32
    %dma_wait3A_151 = tpu.memref_slice %arg2[%dma_wait3A_149, %dma_wait3A_150] : memref<114688x32xf32, #tpu.memory_space<hbm>> -> memref<114688x32xf32, #tpu.memory_space<hbm>>
    tpu.wait_indirect_dma semaphore(%arg8 : memref<!tpu.dma_semaphore, #tpu.memory_space<semaphore_mem>>) src(%dma_wait3A_151 : memref<114688x32xf32, #tpu.memory_space<hbm>>) dst(%dma_wait3A_145 : memref<128x32xf32, #tpu.memory_space<vmem>>)
    %dma_wait3A_152 = arith.constant 41 : i32
    %dma_wait3A_153 = arith.constant 128 : i32
    %dma_wait3A_154 = arith.constant 0 : i32
    %dma_wait3A_155 = tpu.memref_slice %arg6[%dma_wait3A_153, %dma_wait3A_154] : memref<640x32xf32, #tpu.memory_space<vmem>> -> memref<128x32xf32, #tpu.memory_space<vmem>>
    %dma_wait3A_156 = arith.constant 0 : i32
    %dma_wait3A_157 = tpu.memref_slice %arg5[%dma_wait3A_152, %dma_wait3A_156] : memref<50x128xi32, #tpu.memory_space<vmem>> -> memref<1x128xi32, #tpu.memory_space<vmem>>
    %dma_wait3A_158 = tpu.memref_squeeze %dma_wait3A_157 : memref<1x128xi32, #tpu.memory_space<vmem>> -> memref<128xi32, #tpu.memory_space<vmem>>
    %dma_wait3A_159 = arith.constant 0 : i32
    %dma_wait3A_160 = arith.constant 0 : i32
    %dma_wait3A_161 = tpu.memref_slice %arg2[%dma_wait3A_159, %dma_wait3A_160] : memref<114688x32xf32, #tpu.memory_space<hbm>> -> memref<114688x32xf32, #tpu.memory_space<hbm>>
    tpu.wait_indirect_dma semaphore(%arg8 : memref<!tpu.dma_semaphore, #tpu.memory_space<semaphore_mem>>) src(%dma_wait3A_161 : memref<114688x32xf32, #tpu.memory_space<hbm>>) dst(%dma_wait3A_155 : memref<128x32xf32, #tpu.memory_space<vmem>>)
    %dma_wait3A_162 = arith.constant 42 : i32
    %dma_wait3A_163 = arith.constant 256 : i32
    %dma_wait3A_164 = arith.constant 0 : i32
    %dma_wait3A_165 = tpu.memref_slice %arg6[%dma_wait3A_163, %dma_wait3A_164] : memref<640x32xf32, #tpu.memory_space<vmem>> -> memref<128x32xf32, #tpu.memory_space<vmem>>
    %dma_wait3A_166 = arith.constant 0 : i32
    %dma_wait3A_167 = tpu.memref_slice %arg5[%dma_wait3A_162, %dma_wait3A_166] : memref<50x128xi32, #tpu.memory_space<vmem>> -> memref<1x128xi32, #tpu.memory_space<vmem>>
    %dma_wait3A_168 = tpu.memref_squeeze %dma_wait3A_167 : memref<1x128xi32, #tpu.memory_space<vmem>> -> memref<128xi32, #tpu.memory_space<vmem>>
    %dma_wait3A_169 = arith.constant 0 : i32
    %dma_wait3A_170 = arith.constant 0 : i32
    %dma_wait3A_171 = tpu.memref_slice %arg2[%dma_wait3A_169, %dma_wait3A_170] : memref<114688x32xf32, #tpu.memory_space<hbm>> -> memref<114688x32xf32, #tpu.memory_space<hbm>>
    tpu.wait_indirect_dma semaphore(%arg8 : memref<!tpu.dma_semaphore, #tpu.memory_space<semaphore_mem>>) src(%dma_wait3A_171 : memref<114688x32xf32, #tpu.memory_space<hbm>>) dst(%dma_wait3A_165 : memref<128x32xf32, #tpu.memory_space<vmem>>)
    %dma_wait3A_172 = arith.constant 43 : i32
    %dma_wait3A_173 = arith.constant 384 : i32
    %dma_wait3A_174 = arith.constant 0 : i32
    %dma_wait3A_175 = tpu.memref_slice %arg6[%dma_wait3A_173, %dma_wait3A_174] : memref<640x32xf32, #tpu.memory_space<vmem>> -> memref<128x32xf32, #tpu.memory_space<vmem>>
    %dma_wait3A_176 = arith.constant 0 : i32
    %dma_wait3A_177 = tpu.memref_slice %arg5[%dma_wait3A_172, %dma_wait3A_176] : memref<50x128xi32, #tpu.memory_space<vmem>> -> memref<1x128xi32, #tpu.memory_space<vmem>>
    %dma_wait3A_178 = tpu.memref_squeeze %dma_wait3A_177 : memref<1x128xi32, #tpu.memory_space<vmem>> -> memref<128xi32, #tpu.memory_space<vmem>>
    %dma_wait3A_179 = arith.constant 0 : i32
    %dma_wait3A_180 = arith.constant 0 : i32
    %dma_wait3A_181 = tpu.memref_slice %arg2[%dma_wait3A_179, %dma_wait3A_180] : memref<114688x32xf32, #tpu.memory_space<hbm>> -> memref<114688x32xf32, #tpu.memory_space<hbm>>
    tpu.wait_indirect_dma semaphore(%arg8 : memref<!tpu.dma_semaphore, #tpu.memory_space<semaphore_mem>>) src(%dma_wait3A_181 : memref<114688x32xf32, #tpu.memory_space<hbm>>) dst(%dma_wait3A_175 : memref<128x32xf32, #tpu.memory_space<vmem>>)
    %dma_wait3A_182 = arith.constant 44 : i32
    %dma_wait3A_183 = arith.constant 512 : i32
    %dma_wait3A_184 = arith.constant 0 : i32
    %dma_wait3A_185 = tpu.memref_slice %arg6[%dma_wait3A_183, %dma_wait3A_184] : memref<640x32xf32, #tpu.memory_space<vmem>> -> memref<128x32xf32, #tpu.memory_space<vmem>>
    %dma_wait3A_186 = arith.constant 0 : i32
    %dma_wait3A_187 = tpu.memref_slice %arg5[%dma_wait3A_182, %dma_wait3A_186] : memref<50x128xi32, #tpu.memory_space<vmem>> -> memref<1x128xi32, #tpu.memory_space<vmem>>
    %dma_wait3A_188 = tpu.memref_squeeze %dma_wait3A_187 : memref<1x128xi32, #tpu.memory_space<vmem>> -> memref<128xi32, #tpu.memory_space<vmem>>
    %dma_wait3A_189 = arith.constant 0 : i32
    %dma_wait3A_190 = arith.constant 0 : i32
    %dma_wait3A_191 = tpu.memref_slice %arg2[%dma_wait3A_189, %dma_wait3A_190] : memref<114688x32xf32, #tpu.memory_space<hbm>> -> memref<114688x32xf32, #tpu.memory_space<hbm>>
    tpu.wait_indirect_dma semaphore(%arg8 : memref<!tpu.dma_semaphore, #tpu.memory_space<semaphore_mem>>) src(%dma_wait3A_191 : memref<114688x32xf32, #tpu.memory_space<hbm>>) dst(%dma_wait3A_185 : memref<128x32xf32, #tpu.memory_space<vmem>>)
    %add3A_192 = arith.constant 5120 : i32
    %add3A_193 = arith.addi %mul3A_34, %add3A_192 : i32
    %dma_start3A_194 = tpu.memref_slice %arg4[%add3A_193, %mul3A_18] : memref<51200x128xf32, #tpu.memory_space<hbm>> -> memref<640x32xf32, #tpu.memory_space<hbm>>
    %dma_start3A_195 = tpu.memref_slice %arg4[%add3A_193, %mul3A_18] : memref<51200x128xf32, #tpu.memory_space<hbm>> -> memref<640x32xf32, #tpu.memory_space<hbm>>
    tpu.enqueue_dma source(%arg6 : memref<640x32xf32, #tpu.memory_space<vmem>>) target(%dma_start3A_195 : memref<640x32xf32, #tpu.memory_space<hbm>>) target_semaphore(%arg10 : memref<!tpu.dma_semaphore, #tpu.memory_space<semaphore_mem>>)
    %dma_wait3A_196 = arith.constant 45 : i32
    %dma_wait3A_197 = arith.constant 0 : i32
    %dma_wait3A_198 = arith.constant 0 : i32
    %dma_wait3A_199 = tpu.memref_slice %arg7[%dma_wait3A_197, %dma_wait3A_198] : memref<640x32xf32, #tpu.memory_space<vmem>> -> memref<128x32xf32, #tpu.memory_space<vmem>>
    %dma_wait3A_200 = arith.constant 0 : i32
    %dma_wait3A_201 = tpu.memref_slice %arg5[%dma_wait3A_196, %dma_wait3A_200] : memref<50x128xi32, #tpu.memory_space<vmem>> -> memref<1x128xi32, #tpu.memory_space<vmem>>
    %dma_wait3A_202 = tpu.memref_squeeze %dma_wait3A_201 : memref<1x128xi32, #tpu.memory_space<vmem>> -> memref<128xi32, #tpu.memory_space<vmem>>
    %dma_wait3A_203 = arith.constant 0 : i32
    %dma_wait3A_204 = arith.constant 0 : i32
    %dma_wait3A_205 = tpu.memref_slice %arg2[%dma_wait3A_203, %dma_wait3A_204] : memref<114688x32xf32, #tpu.memory_space<hbm>> -> memref<114688x32xf32, #tpu.memory_space<hbm>>
    tpu.wait_indirect_dma semaphore(%arg9 : memref<!tpu.dma_semaphore, #tpu.memory_space<semaphore_mem>>) src(%dma_wait3A_205 : memref<114688x32xf32, #tpu.memory_space<hbm>>) dst(%dma_wait3A_199 : memref<128x32xf32, #tpu.memory_space<vmem>>)
    %dma_wait3A_206 = arith.constant 46 : i32
    %dma_wait3A_207 = arith.constant 128 : i32
    %dma_wait3A_208 = arith.constant 0 : i32
    %dma_wait3A_209 = tpu.memref_slice %arg7[%dma_wait3A_207, %dma_wait3A_208] : memref<640x32xf32, #tpu.memory_space<vmem>> -> memref<128x32xf32, #tpu.memory_space<vmem>>
    %dma_wait3A_210 = arith.constant 0 : i32
    %dma_wait3A_211 = tpu.memref_slice %arg5[%dma_wait3A_206, %dma_wait3A_210] : memref<50x128xi32, #tpu.memory_space<vmem>> -> memref<1x128xi32, #tpu.memory_space<vmem>>
    %dma_wait3A_212 = tpu.memref_squeeze %dma_wait3A_211 : memref<1x128xi32, #tpu.memory_space<vmem>> -> memref<128xi32, #tpu.memory_space<vmem>>
    %dma_wait3A_213 = arith.constant 0 : i32
    %dma_wait3A_214 = arith.constant 0 : i32
    %dma_wait3A_215 = tpu.memref_slice %arg2[%dma_wait3A_213, %dma_wait3A_214] : memref<114688x32xf32, #tpu.memory_space<hbm>> -> memref<114688x32xf32, #tpu.memory_space<hbm>>
    tpu.wait_indirect_dma semaphore(%arg9 : memref<!tpu.dma_semaphore, #tpu.memory_space<semaphore_mem>>) src(%dma_wait3A_215 : memref<114688x32xf32, #tpu.memory_space<hbm>>) dst(%dma_wait3A_209 : memref<128x32xf32, #tpu.memory_space<vmem>>)
    %dma_wait3A_216 = arith.constant 47 : i32
    %dma_wait3A_217 = arith.constant 256 : i32
    %dma_wait3A_218 = arith.constant 0 : i32
    %dma_wait3A_219 = tpu.memref_slice %arg7[%dma_wait3A_217, %dma_wait3A_218] : memref<640x32xf32, #tpu.memory_space<vmem>> -> memref<128x32xf32, #tpu.memory_space<vmem>>
    %dma_wait3A_220 = arith.constant 0 : i32
    %dma_wait3A_221 = tpu.memref_slice %arg5[%dma_wait3A_216, %dma_wait3A_220] : memref<50x128xi32, #tpu.memory_space<vmem>> -> memref<1x128xi32, #tpu.memory_space<vmem>>
    %dma_wait3A_222 = tpu.memref_squeeze %dma_wait3A_221 : memref<1x128xi32, #tpu.memory_space<vmem>> -> memref<128xi32, #tpu.memory_space<vmem>>
    %dma_wait3A_223 = arith.constant 0 : i32
    %dma_wait3A_224 = arith.constant 0 : i32
    %dma_wait3A_225 = tpu.memref_slice %arg2[%dma_wait3A_223, %dma_wait3A_224] : memref<114688x32xf32, #tpu.memory_space<hbm>> -> memref<114688x32xf32, #tpu.memory_space<hbm>>
    tpu.wait_indirect_dma semaphore(%arg9 : memref<!tpu.dma_semaphore, #tpu.memory_space<semaphore_mem>>) src(%dma_wait3A_225 : memref<114688x32xf32, #tpu.memory_space<hbm>>) dst(%dma_wait3A_219 : memref<128x32xf32, #tpu.memory_space<vmem>>)
    %dma_wait3A_226 = arith.constant 48 : i32
    %dma_wait3A_227 = arith.constant 384 : i32
    %dma_wait3A_228 = arith.constant 0 : i32
    %dma_wait3A_229 = tpu.memref_slice %arg7[%dma_wait3A_227, %dma_wait3A_228] : memref<640x32xf32, #tpu.memory_space<vmem>> -> memref<128x32xf32, #tpu.memory_space<vmem>>
    %dma_wait3A_230 = arith.constant 0 : i32
    %dma_wait3A_231 = tpu.memref_slice %arg5[%dma_wait3A_226, %dma_wait3A_230] : memref<50x128xi32, #tpu.memory_space<vmem>> -> memref<1x128xi32, #tpu.memory_space<vmem>>
    %dma_wait3A_232 = tpu.memref_squeeze %dma_wait3A_231 : memref<1x128xi32, #tpu.memory_space<vmem>> -> memref<128xi32, #tpu.memory_space<vmem>>
    %dma_wait3A_233 = arith.constant 0 : i32
    %dma_wait3A_234 = arith.constant 0 : i32
    %dma_wait3A_235 = tpu.memref_slice %arg2[%dma_wait3A_233, %dma_wait3A_234] : memref<114688x32xf32, #tpu.memory_space<hbm>> -> memref<114688x32xf32, #tpu.memory_space<hbm>>
    tpu.wait_indirect_dma semaphore(%arg9 : memref<!tpu.dma_semaphore, #tpu.memory_space<semaphore_mem>>) src(%dma_wait3A_235 : memref<114688x32xf32, #tpu.memory_space<hbm>>) dst(%dma_wait3A_229 : memref<128x32xf32, #tpu.memory_space<vmem>>)
    %dma_wait3A_236 = arith.constant 49 : i32
    %dma_wait3A_237 = arith.constant 512 : i32
    %dma_wait3A_238 = arith.constant 0 : i32
    %dma_wait3A_239 = tpu.memref_slice %arg7[%dma_wait3A_237, %dma_wait3A_238] : memref<640x32xf32, #tpu.memory_space<vmem>> -> memref<128x32xf32, #tpu.memory_space<vmem>>
    %dma_wait3A_240 = arith.constant 0 : i32
    %dma_wait3A_241 = tpu.memref_slice %arg5[%dma_wait3A_236, %dma_wait3A_240] : memref<50x128xi32, #tpu.memory_space<vmem>> -> memref<1x128xi32, #tpu.memory_space<vmem>>
    %dma_wait3A_242 = tpu.memref_squeeze %dma_wait3A_241 : memref<1x128xi32, #tpu.memory_space<vmem>> -> memref<128xi32, #tpu.memory_space<vmem>>
    %dma_wait3A_243 = arith.constant 0 : i32
    %dma_wait3A_244 = arith.constant 0 : i32
    %dma_wait3A_245 = tpu.memref_slice %arg2[%dma_wait3A_243, %dma_wait3A_244] : memref<114688x32xf32, #tpu.memory_space<hbm>> -> memref<114688x32xf32, #tpu.memory_space<hbm>>
    tpu.wait_indirect_dma semaphore(%arg9 : memref<!tpu.dma_semaphore, #tpu.memory_space<semaphore_mem>>) src(%dma_wait3A_245 : memref<114688x32xf32, #tpu.memory_space<hbm>>) dst(%dma_wait3A_239 : memref<128x32xf32, #tpu.memory_space<vmem>>)
    %add3A_246 = arith.constant 5760 : i32
    %add3A_247 = arith.addi %mul3A_34, %add3A_246 : i32
    %dma_start3A_248 = tpu.memref_slice %arg4[%add3A_247, %mul3A_18] : memref<51200x128xf32, #tpu.memory_space<hbm>> -> memref<640x32xf32, #tpu.memory_space<hbm>>
    %dma_start3A_249 = tpu.memref_slice %arg4[%add3A_247, %mul3A_18] : memref<51200x128xf32, #tpu.memory_space<hbm>> -> memref<640x32xf32, #tpu.memory_space<hbm>>
    tpu.enqueue_dma source(%arg7 : memref<640x32xf32, #tpu.memory_space<vmem>>) target(%dma_start3A_249 : memref<640x32xf32, #tpu.memory_space<hbm>>) target_semaphore(%arg11 : memref<!tpu.dma_semaphore, #tpu.memory_space<semaphore_mem>>)
    %add3A_250 = arith.constant 5120 : i32
    %add3A_251 = arith.addi %mul3A_34, %add3A_250 : i32
    %dma_wait3A_252 = tpu.memref_slice %arg4[%add3A_251, %mul3A_18] : memref<51200x128xf32, #tpu.memory_space<hbm>> -> memref<640x32xf32, #tpu.memory_space<hbm>>
    %dma_wait3A_253 = tpu.memref_slice %arg4[%add3A_251, %mul3A_18] : memref<51200x128xf32, #tpu.memory_space<hbm>> -> memref<640x32xf32, #tpu.memory_space<hbm>>
    tpu.wait_dma2 semaphore(%arg10 : memref<!tpu.dma_semaphore, #tpu.memory_space<semaphore_mem>>) src(%arg6 : memref<640x32xf32, #tpu.memory_space<vmem>>) dst(%dma_wait3A_253 : memref<640x32xf32, #tpu.memory_space<hbm>>)
    %add3A_254 = arith.constant 5760 : i32
    %add3A_255 = arith.addi %mul3A_34, %add3A_254 : i32
    %dma_wait3A_256 = tpu.memref_slice %arg4[%add3A_255, %mul3A_18] : memref<51200x128xf32, #tpu.memory_space<hbm>> -> memref<640x32xf32, #tpu.memory_space<hbm>>
    %dma_wait3A_257 = tpu.memref_slice %arg4[%add3A_255, %mul3A_18] : memref<51200x128xf32, #tpu.memory_space<hbm>> -> memref<640x32xf32, #tpu.memory_space<hbm>>
    tpu.wait_dma2 semaphore(%arg11 : memref<!tpu.dma_semaphore, #tpu.memory_space<semaphore_mem>>) src(%arg7 : memref<640x32xf32, #tpu.memory_space<vmem>>) dst(%dma_wait3A_257 : memref<640x32xf32, #tpu.memory_space<hbm>>)
    return
  }
}

#map = affine_map<(d0, d1) -> (0, 0)>
#map1 = affine_map<(d0, d1) -> (0, 0, 0)>
module attributes {stable_mosaic.version = 14 : i64} {
  func.func @_cat_body(%arg0: i32, %arg1: i32, %arg2: memref<1001x32xf32, #tpu.memory_space<hbm>>, %arg3: memref<3x32xf32, #tpu.memory_space<hbm>>, %arg4: memref<32x50x128xi32, #tpu.memory_space<hbm>>, %arg5: memref<32x50x128xi32, #tpu.memory_space<hbm>>, %arg6: memref<51200x128xf32, #tpu.memory_space<hbm>>, %arg7: memref<51200x128xf32, #tpu.memory_space<hbm>>, %arg8: memref<50x128xi32, #tpu.memory_space<vmem>>, %arg9: memref<50x128xi32, #tpu.memory_space<vmem>>, %arg10: memref<1001x32xf32, #tpu.memory_space<vmem_shared>>, %arg11: memref<3x32xf32, #tpu.memory_space<vmem_shared>>, %arg12: memref<640x32xf32, #tpu.memory_space<vmem>>, %arg13: memref<640x32xf32, #tpu.memory_space<vmem>>, %arg14: memref<!tpu.dma_semaphore, #tpu.memory_space<semaphore_mem>>, %arg15: memref<!tpu.dma_semaphore, #tpu.memory_space<semaphore_mem>>, %arg16: memref<!tpu.dma_semaphore, #tpu.memory_space<semaphore_mem>>, %arg17: memref<!tpu.dma_semaphore, #tpu.memory_space<semaphore_mem>>) attributes {dimension_semantics = [#tpu.dimension_semantics<core_parallel>, #tpu.dimension_semantics<subcore_parallel>], iteration_bounds = array<i64: 2, 16>, scalar_prefetch = 0 : i64, scratch_operands = 10 : i64, tpu.core_type = #tpu.core_type<sc_vector_subcore>, window_params = [{transform_indices = #map}, {transform_indices = #map}, {transform_indices = #map1}, {transform_indices = #map1}, {transform_indices = #map}, {transform_indices = #map}]} {
    %mul3A = arith.constant 2 : i32
    %mul3A_0 = arith.muli %arg1, %mul3A : i32
    %add3A = arith.addi %mul3A_0, %arg0 : i32
    %jit3A = arith.constant 8 : i32
    %div3A = arith.divsi %add3A, %jit3A : i32
    %sign3A = arith.constant 0 : i32
    %sign3A_1 = arith.cmpi sgt, %add3A, %sign3A : i32
    %sign3A_2 = arith.extui %sign3A_1 : i1 to i32
    %sign3A_3 = arith.constant 0 : i32
    %sign3A_4 = arith.cmpi slt, %add3A, %sign3A_3 : i32
    %sign3A_5 = arith.extui %sign3A_4 : i1 to i32
    %sign3A_6 = arith.subi %sign3A_2, %sign3A_5 : i32
    %sign3A_7 = arith.constant 0 : i32
    %sign3A_8 = arith.cmpi sgt, %jit3A, %sign3A_7 : i32
    %sign3A_9 = arith.extui %sign3A_8 : i1 to i32
    %sign3A_10 = arith.constant 0 : i32
    %sign3A_11 = arith.cmpi slt, %jit3A, %sign3A_10 : i32
    %sign3A_12 = arith.extui %sign3A_11 : i1 to i32
    %sign3A_13 = arith.subi %sign3A_9, %sign3A_12 : i32
    %ne3A = arith.cmpi ne, %sign3A_6, %sign3A_13 : i32
    %rem3A = arith.remsi %add3A, %jit3A : i32
    %ne3A_14 = arith.constant 0 : i32
    %ne3A_15 = arith.cmpi ne, %rem3A, %ne3A_14 : i32
    %and3A = arith.andi %ne3A, %ne3A_15 : i1
    %sub3A = arith.constant 1 : i32
    %sub3A_16 = arith.subi %div3A, %sub3A : i32
    %select_n3A = arith.select %and3A, %sub3A_16, %div3A : i32
    %mul3A_17 = arith.constant 32 : i32
    %mul3A_18 = arith.muli %select_n3A, %mul3A_17 : i32
    %jit3A_19 = arith.constant 8 : i32
    %eq3A = arith.constant 0 : i32
    %eq3A_20 = arith.cmpi eq, %jit3A_19, %eq3A : i32
    %jit3A_21 = arith.constant 1 : i32
    %select_n3A_22 = arith.select %eq3A_20, %jit3A_21, %jit3A_19 : i32
    %rem3A_23 = arith.remsi %add3A, %select_n3A_22 : i32
    %ne3A_24 = arith.constant 0 : i32
    %ne3A_25 = arith.cmpi ne, %rem3A_23, %ne3A_24 : i32
    %lt3A = arith.constant 0 : i32
    %lt3A_26 = arith.cmpi slt, %rem3A_23, %lt3A : i32
    %lt3A_27 = arith.constant 0 : i32
    %lt3A_28 = arith.cmpi slt, %select_n3A_22, %lt3A_27 : i32
    %ne3A_29 = arith.xori %lt3A_26, %lt3A_28 : i1
    %and3A_30 = arith.andi %ne3A_29, %ne3A_25 : i1
    %add3A_31 = arith.addi %rem3A_23, %select_n3A_22 : i32
    %select_n3A_32 = arith.select %and3A_30, %add3A_31, %rem3A_23 : i32
    %mul3A_33 = arith.constant 6400 : i32
    %mul3A_34 = arith.muli %select_n3A_32, %mul3A_33 : i32
    "tpu.region"() ({
      %run_scoped3A = tpu.sem_alloc : memref<!tpu.dma_semaphore, #tpu.memory_space<semaphore_mem>>
      %dma_start3A_487 = arith.constant 0 : i32
      %dma_start3A_488 = arith.constant 0 : i32
      %dma_start3A_489 = tpu.memref_slice %arg4[%add3A, %dma_start3A_487, %dma_start3A_488] : memref<32x50x128xi32, #tpu.memory_space<hbm>> -> memref<1x50x128xi32, #tpu.memory_space<hbm>>
      %dma_start3A_490 = tpu.memref_squeeze %dma_start3A_489 : memref<1x50x128xi32, #tpu.memory_space<hbm>> -> memref<50x128xi32, #tpu.memory_space<hbm>>
      %dma_start3A_491 = arith.constant 0 : i32
      %dma_start3A_492 = arith.constant 0 : i32
      %dma_start3A_493 = tpu.memref_slice %arg4[%add3A, %dma_start3A_491, %dma_start3A_492] : memref<32x50x128xi32, #tpu.memory_space<hbm>> -> memref<1x50x128xi32, #tpu.memory_space<hbm>>
      %dma_start3A_494 = tpu.memref_squeeze %dma_start3A_493 : memref<1x50x128xi32, #tpu.memory_space<hbm>> -> memref<50x128xi32, #tpu.memory_space<hbm>>
      tpu.enqueue_dma source(%dma_start3A_494 : memref<50x128xi32, #tpu.memory_space<hbm>>) target(%arg8 : memref<50x128xi32, #tpu.memory_space<vmem>>) target_semaphore(%run_scoped3A : memref<!tpu.dma_semaphore, #tpu.memory_space<semaphore_mem>>)
      %dma_wait3A_495 = arith.constant 0 : i32
      %dma_wait3A_496 = arith.constant 0 : i32
      %dma_wait3A_497 = tpu.memref_slice %arg4[%add3A, %dma_wait3A_495, %dma_wait3A_496] : memref<32x50x128xi32, #tpu.memory_space<hbm>> -> memref<1x50x128xi32, #tpu.memory_space<hbm>>
      %dma_wait3A_498 = tpu.memref_squeeze %dma_wait3A_497 : memref<1x50x128xi32, #tpu.memory_space<hbm>> -> memref<50x128xi32, #tpu.memory_space<hbm>>
      %dma_wait3A_499 = arith.constant 0 : i32
      %dma_wait3A_500 = arith.constant 0 : i32
      %dma_wait3A_501 = tpu.memref_slice %arg4[%add3A, %dma_wait3A_499, %dma_wait3A_500] : memref<32x50x128xi32, #tpu.memory_space<hbm>> -> memref<1x50x128xi32, #tpu.memory_space<hbm>>
      %dma_wait3A_502 = tpu.memref_squeeze %dma_wait3A_501 : memref<1x50x128xi32, #tpu.memory_space<hbm>> -> memref<50x128xi32, #tpu.memory_space<hbm>>
      tpu.wait_dma2 semaphore(%run_scoped3A : memref<!tpu.dma_semaphore, #tpu.memory_space<semaphore_mem>>) src(%dma_wait3A_502 : memref<50x128xi32, #tpu.memory_space<hbm>>) dst(%arg8 : memref<50x128xi32, #tpu.memory_space<vmem>>)
      tpu.yield
    }) : () -> ()
    "tpu.region"() ({
      %run_scoped3A = tpu.sem_alloc : memref<!tpu.dma_semaphore, #tpu.memory_space<semaphore_mem>>
      %dma_start3A_487 = arith.constant 0 : i32
      %dma_start3A_488 = arith.constant 0 : i32
      %dma_start3A_489 = tpu.memref_slice %arg5[%add3A, %dma_start3A_487, %dma_start3A_488] : memref<32x50x128xi32, #tpu.memory_space<hbm>> -> memref<1x50x128xi32, #tpu.memory_space<hbm>>
      %dma_start3A_490 = tpu.memref_squeeze %dma_start3A_489 : memref<1x50x128xi32, #tpu.memory_space<hbm>> -> memref<50x128xi32, #tpu.memory_space<hbm>>
      %dma_start3A_491 = arith.constant 0 : i32
      %dma_start3A_492 = arith.constant 0 : i32
      %dma_start3A_493 = tpu.memref_slice %arg5[%add3A, %dma_start3A_491, %dma_start3A_492] : memref<32x50x128xi32, #tpu.memory_space<hbm>> -> memref<1x50x128xi32, #tpu.memory_space<hbm>>
      %dma_start3A_494 = tpu.memref_squeeze %dma_start3A_493 : memref<1x50x128xi32, #tpu.memory_space<hbm>> -> memref<50x128xi32, #tpu.memory_space<hbm>>
      tpu.enqueue_dma source(%dma_start3A_494 : memref<50x128xi32, #tpu.memory_space<hbm>>) target(%arg9 : memref<50x128xi32, #tpu.memory_space<vmem>>) target_semaphore(%run_scoped3A : memref<!tpu.dma_semaphore, #tpu.memory_space<semaphore_mem>>)
      %dma_wait3A_495 = arith.constant 0 : i32
      %dma_wait3A_496 = arith.constant 0 : i32
      %dma_wait3A_497 = tpu.memref_slice %arg5[%add3A, %dma_wait3A_495, %dma_wait3A_496] : memref<32x50x128xi32, #tpu.memory_space<hbm>> -> memref<1x50x128xi32, #tpu.memory_space<hbm>>
      %dma_wait3A_498 = tpu.memref_squeeze %dma_wait3A_497 : memref<1x50x128xi32, #tpu.memory_space<hbm>> -> memref<50x128xi32, #tpu.memory_space<hbm>>
      %dma_wait3A_499 = arith.constant 0 : i32
      %dma_wait3A_500 = arith.constant 0 : i32
      %dma_wait3A_501 = tpu.memref_slice %arg5[%add3A, %dma_wait3A_499, %dma_wait3A_500] : memref<32x50x128xi32, #tpu.memory_space<hbm>> -> memref<1x50x128xi32, #tpu.memory_space<hbm>>
      %dma_wait3A_502 = tpu.memref_squeeze %dma_wait3A_501 : memref<1x50x128xi32, #tpu.memory_space<hbm>> -> memref<50x128xi32, #tpu.memory_space<hbm>>
      tpu.wait_dma2 semaphore(%run_scoped3A : memref<!tpu.dma_semaphore, #tpu.memory_space<semaphore_mem>>) src(%dma_wait3A_502 : memref<50x128xi32, #tpu.memory_space<hbm>>) dst(%arg9 : memref<50x128xi32, #tpu.memory_space<vmem>>)
      tpu.yield
    }) : () -> ()
    %eq3A_35 = arith.constant 0 : i32
    %eq3A_36 = arith.cmpi eq, %arg1, %eq3A_35 : i32
    %convert_element_type3A = arith.extui %eq3A_36 : i1 to i32
    %cond3A = arith.constant 0 : i32
    %cond3A_37 = arith.cmpi ne, %convert_element_type3A, %cond3A : i32
    scf.if %cond3A_37 {
      "tpu.region"() ({
        %run_scoped3A = tpu.sem_alloc : memref<!tpu.dma_semaphore, #tpu.memory_space<semaphore_mem>>
        tpu.enqueue_dma source(%arg2 : memref<1001x32xf32, #tpu.memory_space<hbm>>) target(%arg10 : memref<1001x32xf32, #tpu.memory_space<vmem_shared>>) target_semaphore(%run_scoped3A : memref<!tpu.dma_semaphore, #tpu.memory_space<semaphore_mem>>)
        tpu.wait_dma2 semaphore(%run_scoped3A : memref<!tpu.dma_semaphore, #tpu.memory_space<semaphore_mem>>) src(%arg2 : memref<1001x32xf32, #tpu.memory_space<hbm>>) dst(%arg10 : memref<1001x32xf32, #tpu.memory_space<vmem_shared>>)
        tpu.yield
      }) : () -> ()
      "tpu.region"() ({
        %run_scoped3A = tpu.sem_alloc : memref<!tpu.dma_semaphore, #tpu.memory_space<semaphore_mem>>
        tpu.enqueue_dma source(%arg3 : memref<3x32xf32, #tpu.memory_space<hbm>>) target(%arg11 : memref<3x32xf32, #tpu.memory_space<vmem_shared>>) target_semaphore(%run_scoped3A : memref<!tpu.dma_semaphore, #tpu.memory_space<semaphore_mem>>)
        tpu.wait_dma2 semaphore(%run_scoped3A : memref<!tpu.dma_semaphore, #tpu.memory_space<semaphore_mem>>) src(%arg3 : memref<3x32xf32, #tpu.memory_space<hbm>>) dst(%arg11 : memref<3x32xf32, #tpu.memory_space<vmem_shared>>)
        tpu.yield
      }) : () -> ()
    } else {
    }
    %barrier3A = arith.constant 0 : index
    tpu.barrier barrier_id(%barrier3A)
    %dma_start3A = arith.constant 0 : i32
    %dma_start3A_38 = arith.constant 0 : i32
    %dma_start3A_39 = arith.constant 0 : i32
    %dma_start3A_40 = tpu.memref_slice %arg12[%dma_start3A_38, %dma_start3A_39] : memref<640x32xf32, #tpu.memory_space<vmem>> -> memref<128x32xf32, #tpu.memory_space<vmem>>
    %dma_start3A_41 = arith.constant 0 : i32
    %dma_start3A_42 = tpu.memref_slice %arg8[%dma_start3A, %dma_start3A_41] : memref<50x128xi32, #tpu.memory_space<vmem>> -> memref<1x128xi32, #tpu.memory_space<vmem>>
    %dma_start3A_43 = tpu.memref_squeeze %dma_start3A_42 : memref<1x128xi32, #tpu.memory_space<vmem>> -> memref<128xi32, #tpu.memory_space<vmem>>
    %dma_start3A_44 = arith.constant 0 : i32
    %dma_start3A_45 = arith.constant 0 : i32
    %dma_start3A_46 = tpu.memref_slice %arg10[%dma_start3A_44, %dma_start3A_45] : memref<1001x32xf32, #tpu.memory_space<vmem_shared>> -> memref<1001x32xf32, #tpu.memory_space<vmem_shared>>
    tpu.enqueue_indirect_dma source(%dma_start3A_46 : memref<1001x32xf32, #tpu.memory_space<vmem_shared>>) target(%dma_start3A_40 : memref<128x32xf32, #tpu.memory_space<vmem>>) offsets(%dma_start3A_43 : memref<128xi32, #tpu.memory_space<vmem>>) semaphore(%arg14 : memref<!tpu.dma_semaphore, #tpu.memory_space<semaphore_mem>>)
    %dma_start3A_47 = arith.constant 1 : i32
    %dma_start3A_48 = arith.constant 128 : i32
    %dma_start3A_49 = arith.constant 0 : i32
    %dma_start3A_50 = tpu.memref_slice %arg12[%dma_start3A_48, %dma_start3A_49] : memref<640x32xf32, #tpu.memory_space<vmem>> -> memref<128x32xf32, #tpu.memory_space<vmem>>
    %dma_start3A_51 = arith.constant 0 : i32
    %dma_start3A_52 = tpu.memref_slice %arg8[%dma_start3A_47, %dma_start3A_51] : memref<50x128xi32, #tpu.memory_space<vmem>> -> memref<1x128xi32, #tpu.memory_space<vmem>>
    %dma_start3A_53 = tpu.memref_squeeze %dma_start3A_52 : memref<1x128xi32, #tpu.memory_space<vmem>> -> memref<128xi32, #tpu.memory_space<vmem>>
    %dma_start3A_54 = arith.constant 0 : i32
    %dma_start3A_55 = arith.constant 0 : i32
    %dma_start3A_56 = tpu.memref_slice %arg10[%dma_start3A_54, %dma_start3A_55] : memref<1001x32xf32, #tpu.memory_space<vmem_shared>> -> memref<1001x32xf32, #tpu.memory_space<vmem_shared>>
    tpu.enqueue_indirect_dma source(%dma_start3A_56 : memref<1001x32xf32, #tpu.memory_space<vmem_shared>>) target(%dma_start3A_50 : memref<128x32xf32, #tpu.memory_space<vmem>>) offsets(%dma_start3A_53 : memref<128xi32, #tpu.memory_space<vmem>>) semaphore(%arg14 : memref<!tpu.dma_semaphore, #tpu.memory_space<semaphore_mem>>)
    %dma_start3A_57 = arith.constant 2 : i32
    %dma_start3A_58 = arith.constant 256 : i32
    %dma_start3A_59 = arith.constant 0 : i32
    %dma_start3A_60 = tpu.memref_slice %arg12[%dma_start3A_58, %dma_start3A_59] : memref<640x32xf32, #tpu.memory_space<vmem>> -> memref<128x32xf32, #tpu.memory_space<vmem>>
    %dma_start3A_61 = arith.constant 0 : i32
    %dma_start3A_62 = tpu.memref_slice %arg8[%dma_start3A_57, %dma_start3A_61] : memref<50x128xi32, #tpu.memory_space<vmem>> -> memref<1x128xi32, #tpu.memory_space<vmem>>
    %dma_start3A_63 = tpu.memref_squeeze %dma_start3A_62 : memref<1x128xi32, #tpu.memory_space<vmem>> -> memref<128xi32, #tpu.memory_space<vmem>>
    %dma_start3A_64 = arith.constant 0 : i32
    %dma_start3A_65 = arith.constant 0 : i32
    %dma_start3A_66 = tpu.memref_slice %arg10[%dma_start3A_64, %dma_start3A_65] : memref<1001x32xf32, #tpu.memory_space<vmem_shared>> -> memref<1001x32xf32, #tpu.memory_space<vmem_shared>>
    tpu.enqueue_indirect_dma source(%dma_start3A_66 : memref<1001x32xf32, #tpu.memory_space<vmem_shared>>) target(%dma_start3A_60 : memref<128x32xf32, #tpu.memory_space<vmem>>) offsets(%dma_start3A_63 : memref<128xi32, #tpu.memory_space<vmem>>) semaphore(%arg14 : memref<!tpu.dma_semaphore, #tpu.memory_space<semaphore_mem>>)
    %dma_start3A_67 = arith.constant 3 : i32
    %dma_start3A_68 = arith.constant 384 : i32
    %dma_start3A_69 = arith.constant 0 : i32
    %dma_start3A_70 = tpu.memref_slice %arg12[%dma_start3A_68, %dma_start3A_69] : memref<640x32xf32, #tpu.memory_space<vmem>> -> memref<128x32xf32, #tpu.memory_space<vmem>>
    %dma_start3A_71 = arith.constant 0 : i32
    %dma_start3A_72 = tpu.memref_slice %arg8[%dma_start3A_67, %dma_start3A_71] : memref<50x128xi32, #tpu.memory_space<vmem>> -> memref<1x128xi32, #tpu.memory_space<vmem>>
    %dma_start3A_73 = tpu.memref_squeeze %dma_start3A_72 : memref<1x128xi32, #tpu.memory_space<vmem>> -> memref<128xi32, #tpu.memory_space<vmem>>
    %dma_start3A_74 = arith.constant 0 : i32
    %dma_start3A_75 = arith.constant 0 : i32
    %dma_start3A_76 = tpu.memref_slice %arg10[%dma_start3A_74, %dma_start3A_75] : memref<1001x32xf32, #tpu.memory_space<vmem_shared>> -> memref<1001x32xf32, #tpu.memory_space<vmem_shared>>
    tpu.enqueue_indirect_dma source(%dma_start3A_76 : memref<1001x32xf32, #tpu.memory_space<vmem_shared>>) target(%dma_start3A_70 : memref<128x32xf32, #tpu.memory_space<vmem>>) offsets(%dma_start3A_73 : memref<128xi32, #tpu.memory_space<vmem>>) semaphore(%arg14 : memref<!tpu.dma_semaphore, #tpu.memory_space<semaphore_mem>>)
    %dma_start3A_77 = arith.constant 4 : i32
    %dma_start3A_78 = arith.constant 512 : i32
    %dma_start3A_79 = arith.constant 0 : i32
    %dma_start3A_80 = tpu.memref_slice %arg12[%dma_start3A_78, %dma_start3A_79] : memref<640x32xf32, #tpu.memory_space<vmem>> -> memref<128x32xf32, #tpu.memory_space<vmem>>
    %dma_start3A_81 = arith.constant 0 : i32
    %dma_start3A_82 = tpu.memref_slice %arg8[%dma_start3A_77, %dma_start3A_81] : memref<50x128xi32, #tpu.memory_space<vmem>> -> memref<1x128xi32, #tpu.memory_space<vmem>>
    %dma_start3A_83 = tpu.memref_squeeze %dma_start3A_82 : memref<1x128xi32, #tpu.memory_space<vmem>> -> memref<128xi32, #tpu.memory_space<vmem>>
    %dma_start3A_84 = arith.constant 0 : i32
    %dma_start3A_85 = arith.constant 0 : i32
    %dma_start3A_86 = tpu.memref_slice %arg10[%dma_start3A_84, %dma_start3A_85] : memref<1001x32xf32, #tpu.memory_space<vmem_shared>> -> memref<1001x32xf32, #tpu.memory_space<vmem_shared>>
    tpu.enqueue_indirect_dma source(%dma_start3A_86 : memref<1001x32xf32, #tpu.memory_space<vmem_shared>>) target(%dma_start3A_80 : memref<128x32xf32, #tpu.memory_space<vmem>>) offsets(%dma_start3A_83 : memref<128xi32, #tpu.memory_space<vmem>>) semaphore(%arg14 : memref<!tpu.dma_semaphore, #tpu.memory_space<semaphore_mem>>)
    %scan3A = arith.constant 0 : i32
    %scan3A_87 = arith.constant 0 : i32
    %scan3A_88 = arith.constant 4 : i32
    %scan3A_89 = arith.addi %scan3A_87, %scan3A_88 : i32
    %scan3A_90 = arith.constant 1 : i32
    scf.for %scan3A_487 = %scan3A_87 to %scan3A_89 step %scan3A_90  : i32 {
      %mul3A_488 = arith.constant 2 : i32
      %mul3A_489 = arith.muli %mul3A_488, %scan3A_487 : i32
      %add3A_490 = arith.constant 0 : i32
      %add3A_491 = arith.addi %mul3A_489, %add3A_490 : i32
      %gt3A = arith.constant 0 : i32
      %gt3A_492 = arith.cmpi sgt, %scan3A_487, %gt3A : i32
      %convert_element_type3A_493 = arith.extui %gt3A_492 : i1 to i32
      %cond3A_494 = arith.constant 0 : i32
      %cond3A_495 = arith.cmpi ne, %convert_element_type3A_493, %cond3A_494 : i32
      scf.if %cond3A_495 {
        %sub3A_781 = arith.constant 1 : i32
        %sub3A_782 = arith.subi %add3A_491, %sub3A_781 : i32
        %mul3A_783 = arith.constant 640 : i32
        %mul3A_784 = arith.muli %sub3A_782, %mul3A_783 : i32
        %add3A_785 = arith.addi %mul3A_34, %mul3A_784 : i32
        %dma_wait3A_786 = tpu.memref_slice %arg6[%add3A_785, %mul3A_18] : memref<51200x128xf32, #tpu.memory_space<hbm>> -> memref<640x32xf32, #tpu.memory_space<hbm>>
        %dma_wait3A_787 = tpu.memref_slice %arg6[%add3A_785, %mul3A_18] : memref<51200x128xf32, #tpu.memory_space<hbm>> -> memref<640x32xf32, #tpu.memory_space<hbm>>
        tpu.wait_dma2 semaphore(%arg17 : memref<!tpu.dma_semaphore, #tpu.memory_space<semaphore_mem>>) src(%arg13 : memref<640x32xf32, #tpu.memory_space<vmem>>) dst(%dma_wait3A_787 : memref<640x32xf32, #tpu.memory_space<hbm>>)
      } else {
      }
      %add3A_496 = arith.constant 1 : i32
      %add3A_497 = arith.addi %add3A_491, %add3A_496 : i32
      %mul3A_498 = arith.constant 5 : i32
      %mul3A_499 = arith.muli %add3A_497, %mul3A_498 : i32
      %add3A_500 = arith.constant 0 : i32
      %add3A_501 = arith.addi %mul3A_499, %add3A_500 : i32
      %dma_start3A_502 = arith.constant 0 : i32
      %dma_start3A_503 = arith.constant 0 : i32
      %dma_start3A_504 = tpu.memref_slice %arg13[%dma_start3A_502, %dma_start3A_503] : memref<640x32xf32, #tpu.memory_space<vmem>> -> memref<128x32xf32, #tpu.memory_space<vmem>>
      %dma_start3A_505 = arith.constant 0 : i32
      %dma_start3A_506 = tpu.memref_slice %arg8[%add3A_501, %dma_start3A_505] : memref<50x128xi32, #tpu.memory_space<vmem>> -> memref<1x128xi32, #tpu.memory_space<vmem>>
      %dma_start3A_507 = tpu.memref_squeeze %dma_start3A_506 : memref<1x128xi32, #tpu.memory_space<vmem>> -> memref<128xi32, #tpu.memory_space<vmem>>
      %dma_start3A_508 = arith.constant 0 : i32
      %dma_start3A_509 = arith.constant 0 : i32
      %dma_start3A_510 = tpu.memref_slice %arg10[%dma_start3A_508, %dma_start3A_509] : memref<1001x32xf32, #tpu.memory_space<vmem_shared>> -> memref<1001x32xf32, #tpu.memory_space<vmem_shared>>
      tpu.enqueue_indirect_dma source(%dma_start3A_510 : memref<1001x32xf32, #tpu.memory_space<vmem_shared>>) target(%dma_start3A_504 : memref<128x32xf32, #tpu.memory_space<vmem>>) offsets(%dma_start3A_507 : memref<128xi32, #tpu.memory_space<vmem>>) semaphore(%arg15 : memref<!tpu.dma_semaphore, #tpu.memory_space<semaphore_mem>>)
      %mul3A_511 = arith.constant 5 : i32
      %mul3A_512 = arith.muli %add3A_497, %mul3A_511 : i32
      %add3A_513 = arith.constant 1 : i32
      %add3A_514 = arith.addi %mul3A_512, %add3A_513 : i32
      %dma_start3A_515 = arith.constant 128 : i32
      %dma_start3A_516 = arith.constant 0 : i32
      %dma_start3A_517 = tpu.memref_slice %arg13[%dma_start3A_515, %dma_start3A_516] : memref<640x32xf32, #tpu.memory_space<vmem>> -> memref<128x32xf32, #tpu.memory_space<vmem>>
      %dma_start3A_518 = arith.constant 0 : i32
      %dma_start3A_519 = tpu.memref_slice %arg8[%add3A_514, %dma_start3A_518] : memref<50x128xi32, #tpu.memory_space<vmem>> -> memref<1x128xi32, #tpu.memory_space<vmem>>
      %dma_start3A_520 = tpu.memref_squeeze %dma_start3A_519 : memref<1x128xi32, #tpu.memory_space<vmem>> -> memref<128xi32, #tpu.memory_space<vmem>>
      %dma_start3A_521 = arith.constant 0 : i32
      %dma_start3A_522 = arith.constant 0 : i32
      %dma_start3A_523 = tpu.memref_slice %arg10[%dma_start3A_521, %dma_start3A_522] : memref<1001x32xf32, #tpu.memory_space<vmem_shared>> -> memref<1001x32xf32, #tpu.memory_space<vmem_shared>>
      tpu.enqueue_indirect_dma source(%dma_start3A_523 : memref<1001x32xf32, #tpu.memory_space<vmem_shared>>) target(%dma_start3A_517 : memref<128x32xf32, #tpu.memory_space<vmem>>) offsets(%dma_start3A_520 : memref<128xi32, #tpu.memory_space<vmem>>) semaphore(%arg15 : memref<!tpu.dma_semaphore, #tpu.memory_space<semaphore_mem>>)
      %mul3A_524 = arith.constant 5 : i32
      %mul3A_525 = arith.muli %add3A_497, %mul3A_524 : i32
      %add3A_526 = arith.constant 2 : i32
      %add3A_527 = arith.addi %mul3A_525, %add3A_526 : i32
      %dma_start3A_528 = arith.constant 256 : i32
      %dma_start3A_529 = arith.constant 0 : i32
      %dma_start3A_530 = tpu.memref_slice %arg13[%dma_start3A_528, %dma_start3A_529] : memref<640x32xf32, #tpu.memory_space<vmem>> -> memref<128x32xf32, #tpu.memory_space<vmem>>
      %dma_start3A_531 = arith.constant 0 : i32
      %dma_start3A_532 = tpu.memref_slice %arg8[%add3A_527, %dma_start3A_531] : memref<50x128xi32, #tpu.memory_space<vmem>> -> memref<1x128xi32, #tpu.memory_space<vmem>>
      %dma_start3A_533 = tpu.memref_squeeze %dma_start3A_532 : memref<1x128xi32, #tpu.memory_space<vmem>> -> memref<128xi32, #tpu.memory_space<vmem>>
      %dma_start3A_534 = arith.constant 0 : i32
      %dma_start3A_535 = arith.constant 0 : i32
      %dma_start3A_536 = tpu.memref_slice %arg10[%dma_start3A_534, %dma_start3A_535] : memref<1001x32xf32, #tpu.memory_space<vmem_shared>> -> memref<1001x32xf32, #tpu.memory_space<vmem_shared>>
      tpu.enqueue_indirect_dma source(%dma_start3A_536 : memref<1001x32xf32, #tpu.memory_space<vmem_shared>>) target(%dma_start3A_530 : memref<128x32xf32, #tpu.memory_space<vmem>>) offsets(%dma_start3A_533 : memref<128xi32, #tpu.memory_space<vmem>>) semaphore(%arg15 : memref<!tpu.dma_semaphore, #tpu.memory_space<semaphore_mem>>)
      %mul3A_537 = arith.constant 5 : i32
      %mul3A_538 = arith.muli %add3A_497, %mul3A_537 : i32
      %add3A_539 = arith.constant 3 : i32
      %add3A_540 = arith.addi %mul3A_538, %add3A_539 : i32
      %dma_start3A_541 = arith.constant 384 : i32
      %dma_start3A_542 = arith.constant 0 : i32
      %dma_start3A_543 = tpu.memref_slice %arg13[%dma_start3A_541, %dma_start3A_542] : memref<640x32xf32, #tpu.memory_space<vmem>> -> memref<128x32xf32, #tpu.memory_space<vmem>>
      %dma_start3A_544 = arith.constant 0 : i32
      %dma_start3A_545 = tpu.memref_slice %arg8[%add3A_540, %dma_start3A_544] : memref<50x128xi32, #tpu.memory_space<vmem>> -> memref<1x128xi32, #tpu.memory_space<vmem>>
      %dma_start3A_546 = tpu.memref_squeeze %dma_start3A_545 : memref<1x128xi32, #tpu.memory_space<vmem>> -> memref<128xi32, #tpu.memory_space<vmem>>
      %dma_start3A_547 = arith.constant 0 : i32
      %dma_start3A_548 = arith.constant 0 : i32
      %dma_start3A_549 = tpu.memref_slice %arg10[%dma_start3A_547, %dma_start3A_548] : memref<1001x32xf32, #tpu.memory_space<vmem_shared>> -> memref<1001x32xf32, #tpu.memory_space<vmem_shared>>
      tpu.enqueue_indirect_dma source(%dma_start3A_549 : memref<1001x32xf32, #tpu.memory_space<vmem_shared>>) target(%dma_start3A_543 : memref<128x32xf32, #tpu.memory_space<vmem>>) offsets(%dma_start3A_546 : memref<128xi32, #tpu.memory_space<vmem>>) semaphore(%arg15 : memref<!tpu.dma_semaphore, #tpu.memory_space<semaphore_mem>>)
      %mul3A_550 = arith.constant 5 : i32
      %mul3A_551 = arith.muli %add3A_497, %mul3A_550 : i32
      %add3A_552 = arith.constant 4 : i32
      %add3A_553 = arith.addi %mul3A_551, %add3A_552 : i32
      %dma_start3A_554 = arith.constant 512 : i32
      %dma_start3A_555 = arith.constant 0 : i32
      %dma_start3A_556 = tpu.memref_slice %arg13[%dma_start3A_554, %dma_start3A_555] : memref<640x32xf32, #tpu.memory_space<vmem>> -> memref<128x32xf32, #tpu.memory_space<vmem>>
      %dma_start3A_557 = arith.constant 0 : i32
      %dma_start3A_558 = tpu.memref_slice %arg8[%add3A_553, %dma_start3A_557] : memref<50x128xi32, #tpu.memory_space<vmem>> -> memref<1x128xi32, #tpu.memory_space<vmem>>
      %dma_start3A_559 = tpu.memref_squeeze %dma_start3A_558 : memref<1x128xi32, #tpu.memory_space<vmem>> -> memref<128xi32, #tpu.memory_space<vmem>>
      %dma_start3A_560 = arith.constant 0 : i32
      %dma_start3A_561 = arith.constant 0 : i32
      %dma_start3A_562 = tpu.memref_slice %arg10[%dma_start3A_560, %dma_start3A_561] : memref<1001x32xf32, #tpu.memory_space<vmem_shared>> -> memref<1001x32xf32, #tpu.memory_space<vmem_shared>>
      tpu.enqueue_indirect_dma source(%dma_start3A_562 : memref<1001x32xf32, #tpu.memory_space<vmem_shared>>) target(%dma_start3A_556 : memref<128x32xf32, #tpu.memory_space<vmem>>) offsets(%dma_start3A_559 : memref<128xi32, #tpu.memory_space<vmem>>) semaphore(%arg15 : memref<!tpu.dma_semaphore, #tpu.memory_space<semaphore_mem>>)
      %mul3A_563 = arith.constant 5 : i32
      %mul3A_564 = arith.muli %add3A_491, %mul3A_563 : i32
      %add3A_565 = arith.constant 0 : i32
      %add3A_566 = arith.addi %mul3A_564, %add3A_565 : i32
      %dma_wait3A_567 = arith.constant 0 : i32
      %dma_wait3A_568 = arith.constant 0 : i32
      %dma_wait3A_569 = tpu.memref_slice %arg12[%dma_wait3A_567, %dma_wait3A_568] : memref<640x32xf32, #tpu.memory_space<vmem>> -> memref<128x32xf32, #tpu.memory_space<vmem>>
      %dma_wait3A_570 = arith.constant 0 : i32
      %dma_wait3A_571 = tpu.memref_slice %arg8[%add3A_566, %dma_wait3A_570] : memref<50x128xi32, #tpu.memory_space<vmem>> -> memref<1x128xi32, #tpu.memory_space<vmem>>
      %dma_wait3A_572 = tpu.memref_squeeze %dma_wait3A_571 : memref<1x128xi32, #tpu.memory_space<vmem>> -> memref<128xi32, #tpu.memory_space<vmem>>
      %dma_wait3A_573 = arith.constant 0 : i32
      %dma_wait3A_574 = arith.constant 0 : i32
      %dma_wait3A_575 = tpu.memref_slice %arg10[%dma_wait3A_573, %dma_wait3A_574] : memref<1001x32xf32, #tpu.memory_space<vmem_shared>> -> memref<1001x32xf32, #tpu.memory_space<vmem_shared>>
      tpu.wait_indirect_dma semaphore(%arg14 : memref<!tpu.dma_semaphore, #tpu.memory_space<semaphore_mem>>) src(%dma_wait3A_575 : memref<1001x32xf32, #tpu.memory_space<vmem_shared>>) dst(%dma_wait3A_569 : memref<128x32xf32, #tpu.memory_space<vmem>>)
      %mul3A_576 = arith.constant 5 : i32
      %mul3A_577 = arith.muli %add3A_491, %mul3A_576 : i32
      %add3A_578 = arith.constant 1 : i32
      %add3A_579 = arith.addi %mul3A_577, %add3A_578 : i32
      %dma_wait3A_580 = arith.constant 128 : i32
      %dma_wait3A_581 = arith.constant 0 : i32
      %dma_wait3A_582 = tpu.memref_slice %arg12[%dma_wait3A_580, %dma_wait3A_581] : memref<640x32xf32, #tpu.memory_space<vmem>> -> memref<128x32xf32, #tpu.memory_space<vmem>>
      %dma_wait3A_583 = arith.constant 0 : i32
      %dma_wait3A_584 = tpu.memref_slice %arg8[%add3A_579, %dma_wait3A_583] : memref<50x128xi32, #tpu.memory_space<vmem>> -> memref<1x128xi32, #tpu.memory_space<vmem>>
      %dma_wait3A_585 = tpu.memref_squeeze %dma_wait3A_584 : memref<1x128xi32, #tpu.memory_space<vmem>> -> memref<128xi32, #tpu.memory_space<vmem>>
      %dma_wait3A_586 = arith.constant 0 : i32
      %dma_wait3A_587 = arith.constant 0 : i32
      %dma_wait3A_588 = tpu.memref_slice %arg10[%dma_wait3A_586, %dma_wait3A_587] : memref<1001x32xf32, #tpu.memory_space<vmem_shared>> -> memref<1001x32xf32, #tpu.memory_space<vmem_shared>>
      tpu.wait_indirect_dma semaphore(%arg14 : memref<!tpu.dma_semaphore, #tpu.memory_space<semaphore_mem>>) src(%dma_wait3A_588 : memref<1001x32xf32, #tpu.memory_space<vmem_shared>>) dst(%dma_wait3A_582 : memref<128x32xf32, #tpu.memory_space<vmem>>)
      %mul3A_589 = arith.constant 5 : i32
      %mul3A_590 = arith.muli %add3A_491, %mul3A_589 : i32
      %add3A_591 = arith.constant 2 : i32
      %add3A_592 = arith.addi %mul3A_590, %add3A_591 : i32
      %dma_wait3A_593 = arith.constant 256 : i32
      %dma_wait3A_594 = arith.constant 0 : i32
      %dma_wait3A_595 = tpu.memref_slice %arg12[%dma_wait3A_593, %dma_wait3A_594] : memref<640x32xf32, #tpu.memory_space<vmem>> -> memref<128x32xf32, #tpu.memory_space<vmem>>
      %dma_wait3A_596 = arith.constant 0 : i32
      %dma_wait3A_597 = tpu.memref_slice %arg8[%add3A_592, %dma_wait3A_596] : memref<50x128xi32, #tpu.memory_space<vmem>> -> memref<1x128xi32, #tpu.memory_space<vmem>>
      %dma_wait3A_598 = tpu.memref_squeeze %dma_wait3A_597 : memref<1x128xi32, #tpu.memory_space<vmem>> -> memref<128xi32, #tpu.memory_space<vmem>>
      %dma_wait3A_599 = arith.constant 0 : i32
      %dma_wait3A_600 = arith.constant 0 : i32
      %dma_wait3A_601 = tpu.memref_slice %arg10[%dma_wait3A_599, %dma_wait3A_600] : memref<1001x32xf32, #tpu.memory_space<vmem_shared>> -> memref<1001x32xf32, #tpu.memory_space<vmem_shared>>
      tpu.wait_indirect_dma semaphore(%arg14 : memref<!tpu.dma_semaphore, #tpu.memory_space<semaphore_mem>>) src(%dma_wait3A_601 : memref<1001x32xf32, #tpu.memory_space<vmem_shared>>) dst(%dma_wait3A_595 : memref<128x32xf32, #tpu.memory_space<vmem>>)
      %mul3A_602 = arith.constant 5 : i32
      %mul3A_603 = arith.muli %add3A_491, %mul3A_602 : i32
      %add3A_604 = arith.constant 3 : i32
      %add3A_605 = arith.addi %mul3A_603, %add3A_604 : i32
      %dma_wait3A_606 = arith.constant 384 : i32
      %dma_wait3A_607 = arith.constant 0 : i32
      %dma_wait3A_608 = tpu.memref_slice %arg12[%dma_wait3A_606, %dma_wait3A_607] : memref<640x32xf32, #tpu.memory_space<vmem>> -> memref<128x32xf32, #tpu.memory_space<vmem>>
      %dma_wait3A_609 = arith.constant 0 : i32
      %dma_wait3A_610 = tpu.memref_slice %arg8[%add3A_605, %dma_wait3A_609] : memref<50x128xi32, #tpu.memory_space<vmem>> -> memref<1x128xi32, #tpu.memory_space<vmem>>
      %dma_wait3A_611 = tpu.memref_squeeze %dma_wait3A_610 : memref<1x128xi32, #tpu.memory_space<vmem>> -> memref<128xi32, #tpu.memory_space<vmem>>
      %dma_wait3A_612 = arith.constant 0 : i32
      %dma_wait3A_613 = arith.constant 0 : i32
      %dma_wait3A_614 = tpu.memref_slice %arg10[%dma_wait3A_612, %dma_wait3A_613] : memref<1001x32xf32, #tpu.memory_space<vmem_shared>> -> memref<1001x32xf32, #tpu.memory_space<vmem_shared>>
      tpu.wait_indirect_dma semaphore(%arg14 : memref<!tpu.dma_semaphore, #tpu.memory_space<semaphore_mem>>) src(%dma_wait3A_614 : memref<1001x32xf32, #tpu.memory_space<vmem_shared>>) dst(%dma_wait3A_608 : memref<128x32xf32, #tpu.memory_space<vmem>>)
      %mul3A_615 = arith.constant 5 : i32
      %mul3A_616 = arith.muli %add3A_491, %mul3A_615 : i32
      %add3A_617 = arith.constant 4 : i32
      %add3A_618 = arith.addi %mul3A_616, %add3A_617 : i32
      %dma_wait3A_619 = arith.constant 512 : i32
      %dma_wait3A_620 = arith.constant 0 : i32
      %dma_wait3A_621 = tpu.memref_slice %arg12[%dma_wait3A_619, %dma_wait3A_620] : memref<640x32xf32, #tpu.memory_space<vmem>> -> memref<128x32xf32, #tpu.memory_space<vmem>>
      %dma_wait3A_622 = arith.constant 0 : i32
      %dma_wait3A_623 = tpu.memref_slice %arg8[%add3A_618, %dma_wait3A_622] : memref<50x128xi32, #tpu.memory_space<vmem>> -> memref<1x128xi32, #tpu.memory_space<vmem>>
      %dma_wait3A_624 = tpu.memref_squeeze %dma_wait3A_623 : memref<1x128xi32, #tpu.memory_space<vmem>> -> memref<128xi32, #tpu.memory_space<vmem>>
      %dma_wait3A_625 = arith.constant 0 : i32
      %dma_wait3A_626 = arith.constant 0 : i32
      %dma_wait3A_627 = tpu.memref_slice %arg10[%dma_wait3A_625, %dma_wait3A_626] : memref<1001x32xf32, #tpu.memory_space<vmem_shared>> -> memref<1001x32xf32, #tpu.memory_space<vmem_shared>>
      tpu.wait_indirect_dma semaphore(%arg14 : memref<!tpu.dma_semaphore, #tpu.memory_space<semaphore_mem>>) src(%dma_wait3A_627 : memref<1001x32xf32, #tpu.memory_space<vmem_shared>>) dst(%dma_wait3A_621 : memref<128x32xf32, #tpu.memory_space<vmem>>)
      %mul3A_628 = arith.constant 640 : i32
      %mul3A_629 = arith.muli %add3A_491, %mul3A_628 : i32
      %add3A_630 = arith.addi %mul3A_34, %mul3A_629 : i32
      %dma_start3A_631 = tpu.memref_slice %arg6[%add3A_630, %mul3A_18] : memref<51200x128xf32, #tpu.memory_space<hbm>> -> memref<640x32xf32, #tpu.memory_space<hbm>>
      %dma_start3A_632 = tpu.memref_slice %arg6[%add3A_630, %mul3A_18] : memref<51200x128xf32, #tpu.memory_space<hbm>> -> memref<640x32xf32, #tpu.memory_space<hbm>>
      tpu.enqueue_dma source(%arg12 : memref<640x32xf32, #tpu.memory_space<vmem>>) target(%dma_start3A_632 : memref<640x32xf32, #tpu.memory_space<hbm>>) target_semaphore(%arg16 : memref<!tpu.dma_semaphore, #tpu.memory_space<semaphore_mem>>)
      %mul3A_633 = arith.constant 2 : i32
      %mul3A_634 = arith.muli %mul3A_633, %scan3A_487 : i32
      %add3A_635 = arith.constant 1 : i32
      %add3A_636 = arith.addi %mul3A_634, %add3A_635 : i32
      %sub3A_637 = arith.constant 1 : i32
      %sub3A_638 = arith.subi %add3A_636, %sub3A_637 : i32
      %mul3A_639 = arith.constant 640 : i32
      %mul3A_640 = arith.muli %sub3A_638, %mul3A_639 : i32
      %add3A_641 = arith.addi %mul3A_34, %mul3A_640 : i32
      %dma_wait3A_642 = tpu.memref_slice %arg6[%add3A_641, %mul3A_18] : memref<51200x128xf32, #tpu.memory_space<hbm>> -> memref<640x32xf32, #tpu.memory_space<hbm>>
      %dma_wait3A_643 = tpu.memref_slice %arg6[%add3A_641, %mul3A_18] : memref<51200x128xf32, #tpu.memory_space<hbm>> -> memref<640x32xf32, #tpu.memory_space<hbm>>
      tpu.wait_dma2 semaphore(%arg16 : memref<!tpu.dma_semaphore, #tpu.memory_space<semaphore_mem>>) src(%arg12 : memref<640x32xf32, #tpu.memory_space<vmem>>) dst(%dma_wait3A_643 : memref<640x32xf32, #tpu.memory_space<hbm>>)
      %add3A_644 = arith.constant 1 : i32
      %add3A_645 = arith.addi %add3A_636, %add3A_644 : i32
      %mul3A_646 = arith.constant 5 : i32
      %mul3A_647 = arith.muli %add3A_645, %mul3A_646 : i32
      %add3A_648 = arith.constant 0 : i32
      %add3A_649 = arith.addi %mul3A_647, %add3A_648 : i32
      %dma_start3A_650 = arith.constant 0 : i32
      %dma_start3A_651 = arith.constant 0 : i32
      %dma_start3A_652 = tpu.memref_slice %arg12[%dma_start3A_650, %dma_start3A_651] : memref<640x32xf32, #tpu.memory_space<vmem>> -> memref<128x32xf32, #tpu.memory_space<vmem>>
      %dma_start3A_653 = arith.constant 0 : i32
      %dma_start3A_654 = tpu.memref_slice %arg8[%add3A_649, %dma_start3A_653] : memref<50x128xi32, #tpu.memory_space<vmem>> -> memref<1x128xi32, #tpu.memory_space<vmem>>
      %dma_start3A_655 = tpu.memref_squeeze %dma_start3A_654 : memref<1x128xi32, #tpu.memory_space<vmem>> -> memref<128xi32, #tpu.memory_space<vmem>>
      %dma_start3A_656 = arith.constant 0 : i32
      %dma_start3A_657 = arith.constant 0 : i32
      %dma_start3A_658 = tpu.memref_slice %arg10[%dma_start3A_656, %dma_start3A_657] : memref<1001x32xf32, #tpu.memory_space<vmem_shared>> -> memref<1001x32xf32, #tpu.memory_space<vmem_shared>>
      tpu.enqueue_indirect_dma source(%dma_start3A_658 : memref<1001x32xf32, #tpu.memory_space<vmem_shared>>) target(%dma_start3A_652 : memref<128x32xf32, #tpu.memory_space<vmem>>) offsets(%dma_start3A_655 : memref<128xi32, #tpu.memory_space<vmem>>) semaphore(%arg14 : memref<!tpu.dma_semaphore, #tpu.memory_space<semaphore_mem>>)
      %mul3A_659 = arith.constant 5 : i32
      %mul3A_660 = arith.muli %add3A_645, %mul3A_659 : i32
      %add3A_661 = arith.constant 1 : i32
      %add3A_662 = arith.addi %mul3A_660, %add3A_661 : i32
      %dma_start3A_663 = arith.constant 128 : i32
      %dma_start3A_664 = arith.constant 0 : i32
      %dma_start3A_665 = tpu.memref_slice %arg12[%dma_start3A_663, %dma_start3A_664] : memref<640x32xf32, #tpu.memory_space<vmem>> -> memref<128x32xf32, #tpu.memory_space<vmem>>
      %dma_start3A_666 = arith.constant 0 : i32
      %dma_start3A_667 = tpu.memref_slice %arg8[%add3A_662, %dma_start3A_666] : memref<50x128xi32, #tpu.memory_space<vmem>> -> memref<1x128xi32, #tpu.memory_space<vmem>>
      %dma_start3A_668 = tpu.memref_squeeze %dma_start3A_667 : memref<1x128xi32, #tpu.memory_space<vmem>> -> memref<128xi32, #tpu.memory_space<vmem>>
      %dma_start3A_669 = arith.constant 0 : i32
      %dma_start3A_670 = arith.constant 0 : i32
      %dma_start3A_671 = tpu.memref_slice %arg10[%dma_start3A_669, %dma_start3A_670] : memref<1001x32xf32, #tpu.memory_space<vmem_shared>> -> memref<1001x32xf32, #tpu.memory_space<vmem_shared>>
      tpu.enqueue_indirect_dma source(%dma_start3A_671 : memref<1001x32xf32, #tpu.memory_space<vmem_shared>>) target(%dma_start3A_665 : memref<128x32xf32, #tpu.memory_space<vmem>>) offsets(%dma_start3A_668 : memref<128xi32, #tpu.memory_space<vmem>>) semaphore(%arg14 : memref<!tpu.dma_semaphore, #tpu.memory_space<semaphore_mem>>)
      %mul3A_672 = arith.constant 5 : i32
      %mul3A_673 = arith.muli %add3A_645, %mul3A_672 : i32
      %add3A_674 = arith.constant 2 : i32
      %add3A_675 = arith.addi %mul3A_673, %add3A_674 : i32
      %dma_start3A_676 = arith.constant 256 : i32
      %dma_start3A_677 = arith.constant 0 : i32
      %dma_start3A_678 = tpu.memref_slice %arg12[%dma_start3A_676, %dma_start3A_677] : memref<640x32xf32, #tpu.memory_space<vmem>> -> memref<128x32xf32, #tpu.memory_space<vmem>>
      %dma_start3A_679 = arith.constant 0 : i32
      %dma_start3A_680 = tpu.memref_slice %arg8[%add3A_675, %dma_start3A_679] : memref<50x128xi32, #tpu.memory_space<vmem>> -> memref<1x128xi32, #tpu.memory_space<vmem>>
      %dma_start3A_681 = tpu.memref_squeeze %dma_start3A_680 : memref<1x128xi32, #tpu.memory_space<vmem>> -> memref<128xi32, #tpu.memory_space<vmem>>
      %dma_start3A_682 = arith.constant 0 : i32
      %dma_start3A_683 = arith.constant 0 : i32
      %dma_start3A_684 = tpu.memref_slice %arg10[%dma_start3A_682, %dma_start3A_683] : memref<1001x32xf32, #tpu.memory_space<vmem_shared>> -> memref<1001x32xf32, #tpu.memory_space<vmem_shared>>
      tpu.enqueue_indirect_dma source(%dma_start3A_684 : memref<1001x32xf32, #tpu.memory_space<vmem_shared>>) target(%dma_start3A_678 : memref<128x32xf32, #tpu.memory_space<vmem>>) offsets(%dma_start3A_681 : memref<128xi32, #tpu.memory_space<vmem>>) semaphore(%arg14 : memref<!tpu.dma_semaphore, #tpu.memory_space<semaphore_mem>>)
      %mul3A_685 = arith.constant 5 : i32
      %mul3A_686 = arith.muli %add3A_645, %mul3A_685 : i32
      %add3A_687 = arith.constant 3 : i32
      %add3A_688 = arith.addi %mul3A_686, %add3A_687 : i32
      %dma_start3A_689 = arith.constant 384 : i32
      %dma_start3A_690 = arith.constant 0 : i32
      %dma_start3A_691 = tpu.memref_slice %arg12[%dma_start3A_689, %dma_start3A_690] : memref<640x32xf32, #tpu.memory_space<vmem>> -> memref<128x32xf32, #tpu.memory_space<vmem>>
      %dma_start3A_692 = arith.constant 0 : i32
      %dma_start3A_693 = tpu.memref_slice %arg8[%add3A_688, %dma_start3A_692] : memref<50x128xi32, #tpu.memory_space<vmem>> -> memref<1x128xi32, #tpu.memory_space<vmem>>
      %dma_start3A_694 = tpu.memref_squeeze %dma_start3A_693 : memref<1x128xi32, #tpu.memory_space<vmem>> -> memref<128xi32, #tpu.memory_space<vmem>>
      %dma_start3A_695 = arith.constant 0 : i32
      %dma_start3A_696 = arith.constant 0 : i32
      %dma_start3A_697 = tpu.memref_slice %arg10[%dma_start3A_695, %dma_start3A_696] : memref<1001x32xf32, #tpu.memory_space<vmem_shared>> -> memref<1001x32xf32, #tpu.memory_space<vmem_shared>>
      tpu.enqueue_indirect_dma source(%dma_start3A_697 : memref<1001x32xf32, #tpu.memory_space<vmem_shared>>) target(%dma_start3A_691 : memref<128x32xf32, #tpu.memory_space<vmem>>) offsets(%dma_start3A_694 : memref<128xi32, #tpu.memory_space<vmem>>) semaphore(%arg14 : memref<!tpu.dma_semaphore, #tpu.memory_space<semaphore_mem>>)
      %mul3A_698 = arith.constant 5 : i32
      %mul3A_699 = arith.muli %add3A_645, %mul3A_698 : i32
      %add3A_700 = arith.constant 4 : i32
      %add3A_701 = arith.addi %mul3A_699, %add3A_700 : i32
      %dma_start3A_702 = arith.constant 512 : i32
      %dma_start3A_703 = arith.constant 0 : i32
      %dma_start3A_704 = tpu.memref_slice %arg12[%dma_start3A_702, %dma_start3A_703] : memref<640x32xf32, #tpu.memory_space<vmem>> -> memref<128x32xf32, #tpu.memory_space<vmem>>
      %dma_start3A_705 = arith.constant 0 : i32
      %dma_start3A_706 = tpu.memref_slice %arg8[%add3A_701, %dma_start3A_705] : memref<50x128xi32, #tpu.memory_space<vmem>> -> memref<1x128xi32, #tpu.memory_space<vmem>>
      %dma_start3A_707 = tpu.memref_squeeze %dma_start3A_706 : memref<1x128xi32, #tpu.memory_space<vmem>> -> memref<128xi32, #tpu.memory_space<vmem>>
      %dma_start3A_708 = arith.constant 0 : i32
      %dma_start3A_709 = arith.constant 0 : i32
      %dma_start3A_710 = tpu.memref_slice %arg10[%dma_start3A_708, %dma_start3A_709] : memref<1001x32xf32, #tpu.memory_space<vmem_shared>> -> memref<1001x32xf32, #tpu.memory_space<vmem_shared>>
      tpu.enqueue_indirect_dma source(%dma_start3A_710 : memref<1001x32xf32, #tpu.memory_space<vmem_shared>>) target(%dma_start3A_704 : memref<128x32xf32, #tpu.memory_space<vmem>>) offsets(%dma_start3A_707 : memref<128xi32, #tpu.memory_space<vmem>>) semaphore(%arg14 : memref<!tpu.dma_semaphore, #tpu.memory_space<semaphore_mem>>)
      %mul3A_711 = arith.constant 5 : i32
      %mul3A_712 = arith.muli %add3A_636, %mul3A_711 : i32
      %add3A_713 = arith.constant 0 : i32
      %add3A_714 = arith.addi %mul3A_712, %add3A_713 : i32
      %dma_wait3A_715 = arith.constant 0 : i32
      %dma_wait3A_716 = arith.constant 0 : i32
      %dma_wait3A_717 = tpu.memref_slice %arg13[%dma_wait3A_715, %dma_wait3A_716] : memref<640x32xf32, #tpu.memory_space<vmem>> -> memref<128x32xf32, #tpu.memory_space<vmem>>
      %dma_wait3A_718 = arith.constant 0 : i32
      %dma_wait3A_719 = tpu.memref_slice %arg8[%add3A_714, %dma_wait3A_718] : memref<50x128xi32, #tpu.memory_space<vmem>> -> memref<1x128xi32, #tpu.memory_space<vmem>>
      %dma_wait3A_720 = tpu.memref_squeeze %dma_wait3A_719 : memref<1x128xi32, #tpu.memory_space<vmem>> -> memref<128xi32, #tpu.memory_space<vmem>>
      %dma_wait3A_721 = arith.constant 0 : i32
      %dma_wait3A_722 = arith.constant 0 : i32
      %dma_wait3A_723 = tpu.memref_slice %arg10[%dma_wait3A_721, %dma_wait3A_722] : memref<1001x32xf32, #tpu.memory_space<vmem_shared>> -> memref<1001x32xf32, #tpu.memory_space<vmem_shared>>
      tpu.wait_indirect_dma semaphore(%arg15 : memref<!tpu.dma_semaphore, #tpu.memory_space<semaphore_mem>>) src(%dma_wait3A_723 : memref<1001x32xf32, #tpu.memory_space<vmem_shared>>) dst(%dma_wait3A_717 : memref<128x32xf32, #tpu.memory_space<vmem>>)
      %mul3A_724 = arith.constant 5 : i32
      %mul3A_725 = arith.muli %add3A_636, %mul3A_724 : i32
      %add3A_726 = arith.constant 1 : i32
      %add3A_727 = arith.addi %mul3A_725, %add3A_726 : i32
      %dma_wait3A_728 = arith.constant 128 : i32
      %dma_wait3A_729 = arith.constant 0 : i32
      %dma_wait3A_730 = tpu.memref_slice %arg13[%dma_wait3A_728, %dma_wait3A_729] : memref<640x32xf32, #tpu.memory_space<vmem>> -> memref<128x32xf32, #tpu.memory_space<vmem>>
      %dma_wait3A_731 = arith.constant 0 : i32
      %dma_wait3A_732 = tpu.memref_slice %arg8[%add3A_727, %dma_wait3A_731] : memref<50x128xi32, #tpu.memory_space<vmem>> -> memref<1x128xi32, #tpu.memory_space<vmem>>
      %dma_wait3A_733 = tpu.memref_squeeze %dma_wait3A_732 : memref<1x128xi32, #tpu.memory_space<vmem>> -> memref<128xi32, #tpu.memory_space<vmem>>
      %dma_wait3A_734 = arith.constant 0 : i32
      %dma_wait3A_735 = arith.constant 0 : i32
      %dma_wait3A_736 = tpu.memref_slice %arg10[%dma_wait3A_734, %dma_wait3A_735] : memref<1001x32xf32, #tpu.memory_space<vmem_shared>> -> memref<1001x32xf32, #tpu.memory_space<vmem_shared>>
      tpu.wait_indirect_dma semaphore(%arg15 : memref<!tpu.dma_semaphore, #tpu.memory_space<semaphore_mem>>) src(%dma_wait3A_736 : memref<1001x32xf32, #tpu.memory_space<vmem_shared>>) dst(%dma_wait3A_730 : memref<128x32xf32, #tpu.memory_space<vmem>>)
      %mul3A_737 = arith.constant 5 : i32
      %mul3A_738 = arith.muli %add3A_636, %mul3A_737 : i32
      %add3A_739 = arith.constant 2 : i32
      %add3A_740 = arith.addi %mul3A_738, %add3A_739 : i32
      %dma_wait3A_741 = arith.constant 256 : i32
      %dma_wait3A_742 = arith.constant 0 : i32
      %dma_wait3A_743 = tpu.memref_slice %arg13[%dma_wait3A_741, %dma_wait3A_742] : memref<640x32xf32, #tpu.memory_space<vmem>> -> memref<128x32xf32, #tpu.memory_space<vmem>>
      %dma_wait3A_744 = arith.constant 0 : i32
      %dma_wait3A_745 = tpu.memref_slice %arg8[%add3A_740, %dma_wait3A_744] : memref<50x128xi32, #tpu.memory_space<vmem>> -> memref<1x128xi32, #tpu.memory_space<vmem>>
      %dma_wait3A_746 = tpu.memref_squeeze %dma_wait3A_745 : memref<1x128xi32, #tpu.memory_space<vmem>> -> memref<128xi32, #tpu.memory_space<vmem>>
      %dma_wait3A_747 = arith.constant 0 : i32
      %dma_wait3A_748 = arith.constant 0 : i32
      %dma_wait3A_749 = tpu.memref_slice %arg10[%dma_wait3A_747, %dma_wait3A_748] : memref<1001x32xf32, #tpu.memory_space<vmem_shared>> -> memref<1001x32xf32, #tpu.memory_space<vmem_shared>>
      tpu.wait_indirect_dma semaphore(%arg15 : memref<!tpu.dma_semaphore, #tpu.memory_space<semaphore_mem>>) src(%dma_wait3A_749 : memref<1001x32xf32, #tpu.memory_space<vmem_shared>>) dst(%dma_wait3A_743 : memref<128x32xf32, #tpu.memory_space<vmem>>)
      %mul3A_750 = arith.constant 5 : i32
      %mul3A_751 = arith.muli %add3A_636, %mul3A_750 : i32
      %add3A_752 = arith.constant 3 : i32
      %add3A_753 = arith.addi %mul3A_751, %add3A_752 : i32
      %dma_wait3A_754 = arith.constant 384 : i32
      %dma_wait3A_755 = arith.constant 0 : i32
      %dma_wait3A_756 = tpu.memref_slice %arg13[%dma_wait3A_754, %dma_wait3A_755] : memref<640x32xf32, #tpu.memory_space<vmem>> -> memref<128x32xf32, #tpu.memory_space<vmem>>
      %dma_wait3A_757 = arith.constant 0 : i32
      %dma_wait3A_758 = tpu.memref_slice %arg8[%add3A_753, %dma_wait3A_757] : memref<50x128xi32, #tpu.memory_space<vmem>> -> memref<1x128xi32, #tpu.memory_space<vmem>>
      %dma_wait3A_759 = tpu.memref_squeeze %dma_wait3A_758 : memref<1x128xi32, #tpu.memory_space<vmem>> -> memref<128xi32, #tpu.memory_space<vmem>>
      %dma_wait3A_760 = arith.constant 0 : i32
      %dma_wait3A_761 = arith.constant 0 : i32
      %dma_wait3A_762 = tpu.memref_slice %arg10[%dma_wait3A_760, %dma_wait3A_761] : memref<1001x32xf32, #tpu.memory_space<vmem_shared>> -> memref<1001x32xf32, #tpu.memory_space<vmem_shared>>
      tpu.wait_indirect_dma semaphore(%arg15 : memref<!tpu.dma_semaphore, #tpu.memory_space<semaphore_mem>>) src(%dma_wait3A_762 : memref<1001x32xf32, #tpu.memory_space<vmem_shared>>) dst(%dma_wait3A_756 : memref<128x32xf32, #tpu.memory_space<vmem>>)
      %mul3A_763 = arith.constant 5 : i32
      %mul3A_764 = arith.muli %add3A_636, %mul3A_763 : i32
      %add3A_765 = arith.constant 4 : i32
      %add3A_766 = arith.addi %mul3A_764, %add3A_765 : i32
      %dma_wait3A_767 = arith.constant 512 : i32
      %dma_wait3A_768 = arith.constant 0 : i32
      %dma_wait3A_769 = tpu.memref_slice %arg13[%dma_wait3A_767, %dma_wait3A_768] : memref<640x32xf32, #tpu.memory_space<vmem>> -> memref<128x32xf32, #tpu.memory_space<vmem>>
      %dma_wait3A_770 = arith.constant 0 : i32
      %dma_wait3A_771 = tpu.memref_slice %arg8[%add3A_766, %dma_wait3A_770] : memref<50x128xi32, #tpu.memory_space<vmem>> -> memref<1x128xi32, #tpu.memory_space<vmem>>
      %dma_wait3A_772 = tpu.memref_squeeze %dma_wait3A_771 : memref<1x128xi32, #tpu.memory_space<vmem>> -> memref<128xi32, #tpu.memory_space<vmem>>
      %dma_wait3A_773 = arith.constant 0 : i32
      %dma_wait3A_774 = arith.constant 0 : i32
      %dma_wait3A_775 = tpu.memref_slice %arg10[%dma_wait3A_773, %dma_wait3A_774] : memref<1001x32xf32, #tpu.memory_space<vmem_shared>> -> memref<1001x32xf32, #tpu.memory_space<vmem_shared>>
      tpu.wait_indirect_dma semaphore(%arg15 : memref<!tpu.dma_semaphore, #tpu.memory_space<semaphore_mem>>) src(%dma_wait3A_775 : memref<1001x32xf32, #tpu.memory_space<vmem_shared>>) dst(%dma_wait3A_769 : memref<128x32xf32, #tpu.memory_space<vmem>>)
      %mul3A_776 = arith.constant 640 : i32
      %mul3A_777 = arith.muli %add3A_636, %mul3A_776 : i32
      %add3A_778 = arith.addi %mul3A_34, %mul3A_777 : i32
      %dma_start3A_779 = tpu.memref_slice %arg6[%add3A_778, %mul3A_18] : memref<51200x128xf32, #tpu.memory_space<hbm>> -> memref<640x32xf32, #tpu.memory_space<hbm>>
      %dma_start3A_780 = tpu.memref_slice %arg6[%add3A_778, %mul3A_18] : memref<51200x128xf32, #tpu.memory_space<hbm>> -> memref<640x32xf32, #tpu.memory_space<hbm>>
      tpu.enqueue_dma source(%arg13 : memref<640x32xf32, #tpu.memory_space<vmem>>) target(%dma_start3A_780 : memref<640x32xf32, #tpu.memory_space<hbm>>) target_semaphore(%arg17 : memref<!tpu.dma_semaphore, #tpu.memory_space<semaphore_mem>>)
    }
    %scan3A_91 = arith.constant 4 : i32
    %add3A_92 = arith.constant 4480 : i32
    %add3A_93 = arith.addi %mul3A_34, %add3A_92 : i32
    %dma_wait3A = tpu.memref_slice %arg6[%add3A_93, %mul3A_18] : memref<51200x128xf32, #tpu.memory_space<hbm>> -> memref<640x32xf32, #tpu.memory_space<hbm>>
    %dma_wait3A_94 = tpu.memref_slice %arg6[%add3A_93, %mul3A_18] : memref<51200x128xf32, #tpu.memory_space<hbm>> -> memref<640x32xf32, #tpu.memory_space<hbm>>
    tpu.wait_dma2 semaphore(%arg17 : memref<!tpu.dma_semaphore, #tpu.memory_space<semaphore_mem>>) src(%arg13 : memref<640x32xf32, #tpu.memory_space<vmem>>) dst(%dma_wait3A_94 : memref<640x32xf32, #tpu.memory_space<hbm>>)
    %dma_start3A_95 = arith.constant 45 : i32
    %dma_start3A_96 = arith.constant 0 : i32
    %dma_start3A_97 = arith.constant 0 : i32
    %dma_start3A_98 = tpu.memref_slice %arg13[%dma_start3A_96, %dma_start3A_97] : memref<640x32xf32, #tpu.memory_space<vmem>> -> memref<128x32xf32, #tpu.memory_space<vmem>>
    %dma_start3A_99 = arith.constant 0 : i32
    %dma_start3A_100 = tpu.memref_slice %arg8[%dma_start3A_95, %dma_start3A_99] : memref<50x128xi32, #tpu.memory_space<vmem>> -> memref<1x128xi32, #tpu.memory_space<vmem>>
    %dma_start3A_101 = tpu.memref_squeeze %dma_start3A_100 : memref<1x128xi32, #tpu.memory_space<vmem>> -> memref<128xi32, #tpu.memory_space<vmem>>
    %dma_start3A_102 = arith.constant 0 : i32
    %dma_start3A_103 = arith.constant 0 : i32
    %dma_start3A_104 = tpu.memref_slice %arg10[%dma_start3A_102, %dma_start3A_103] : memref<1001x32xf32, #tpu.memory_space<vmem_shared>> -> memref<1001x32xf32, #tpu.memory_space<vmem_shared>>
    tpu.enqueue_indirect_dma source(%dma_start3A_104 : memref<1001x32xf32, #tpu.memory_space<vmem_shared>>) target(%dma_start3A_98 : memref<128x32xf32, #tpu.memory_space<vmem>>) offsets(%dma_start3A_101 : memref<128xi32, #tpu.memory_space<vmem>>) semaphore(%arg15 : memref<!tpu.dma_semaphore, #tpu.memory_space<semaphore_mem>>)
    %dma_start3A_105 = arith.constant 46 : i32
    %dma_start3A_106 = arith.constant 128 : i32
    %dma_start3A_107 = arith.constant 0 : i32
    %dma_start3A_108 = tpu.memref_slice %arg13[%dma_start3A_106, %dma_start3A_107] : memref<640x32xf32, #tpu.memory_space<vmem>> -> memref<128x32xf32, #tpu.memory_space<vmem>>
    %dma_start3A_109 = arith.constant 0 : i32
    %dma_start3A_110 = tpu.memref_slice %arg8[%dma_start3A_105, %dma_start3A_109] : memref<50x128xi32, #tpu.memory_space<vmem>> -> memref<1x128xi32, #tpu.memory_space<vmem>>
    %dma_start3A_111 = tpu.memref_squeeze %dma_start3A_110 : memref<1x128xi32, #tpu.memory_space<vmem>> -> memref<128xi32, #tpu.memory_space<vmem>>
    %dma_start3A_112 = arith.constant 0 : i32
    %dma_start3A_113 = arith.constant 0 : i32
    %dma_start3A_114 = tpu.memref_slice %arg10[%dma_start3A_112, %dma_start3A_113] : memref<1001x32xf32, #tpu.memory_space<vmem_shared>> -> memref<1001x32xf32, #tpu.memory_space<vmem_shared>>
    tpu.enqueue_indirect_dma source(%dma_start3A_114 : memref<1001x32xf32, #tpu.memory_space<vmem_shared>>) target(%dma_start3A_108 : memref<128x32xf32, #tpu.memory_space<vmem>>) offsets(%dma_start3A_111 : memref<128xi32, #tpu.memory_space<vmem>>) semaphore(%arg15 : memref<!tpu.dma_semaphore, #tpu.memory_space<semaphore_mem>>)
    %dma_start3A_115 = arith.constant 47 : i32
    %dma_start3A_116 = arith.constant 256 : i32
    %dma_start3A_117 = arith.constant 0 : i32
    %dma_start3A_118 = tpu.memref_slice %arg13[%dma_start3A_116, %dma_start3A_117] : memref<640x32xf32, #tpu.memory_space<vmem>> -> memref<128x32xf32, #tpu.memory_space<vmem>>
    %dma_start3A_119 = arith.constant 0 : i32
    %dma_start3A_120 = tpu.memref_slice %arg8[%dma_start3A_115, %dma_start3A_119] : memref<50x128xi32, #tpu.memory_space<vmem>> -> memref<1x128xi32, #tpu.memory_space<vmem>>
    %dma_start3A_121 = tpu.memref_squeeze %dma_start3A_120 : memref<1x128xi32, #tpu.memory_space<vmem>> -> memref<128xi32, #tpu.memory_space<vmem>>
    %dma_start3A_122 = arith.constant 0 : i32
    %dma_start3A_123 = arith.constant 0 : i32
    %dma_start3A_124 = tpu.memref_slice %arg10[%dma_start3A_122, %dma_start3A_123] : memref<1001x32xf32, #tpu.memory_space<vmem_shared>> -> memref<1001x32xf32, #tpu.memory_space<vmem_shared>>
    tpu.enqueue_indirect_dma source(%dma_start3A_124 : memref<1001x32xf32, #tpu.memory_space<vmem_shared>>) target(%dma_start3A_118 : memref<128x32xf32, #tpu.memory_space<vmem>>) offsets(%dma_start3A_121 : memref<128xi32, #tpu.memory_space<vmem>>) semaphore(%arg15 : memref<!tpu.dma_semaphore, #tpu.memory_space<semaphore_mem>>)
    %dma_start3A_125 = arith.constant 48 : i32
    %dma_start3A_126 = arith.constant 384 : i32
    %dma_start3A_127 = arith.constant 0 : i32
    %dma_start3A_128 = tpu.memref_slice %arg13[%dma_start3A_126, %dma_start3A_127] : memref<640x32xf32, #tpu.memory_space<vmem>> -> memref<128x32xf32, #tpu.memory_space<vmem>>
    %dma_start3A_129 = arith.constant 0 : i32
    %dma_start3A_130 = tpu.memref_slice %arg8[%dma_start3A_125, %dma_start3A_129] : memref<50x128xi32, #tpu.memory_space<vmem>> -> memref<1x128xi32, #tpu.memory_space<vmem>>
    %dma_start3A_131 = tpu.memref_squeeze %dma_start3A_130 : memref<1x128xi32, #tpu.memory_space<vmem>> -> memref<128xi32, #tpu.memory_space<vmem>>
    %dma_start3A_132 = arith.constant 0 : i32
    %dma_start3A_133 = arith.constant 0 : i32
    %dma_start3A_134 = tpu.memref_slice %arg10[%dma_start3A_132, %dma_start3A_133] : memref<1001x32xf32, #tpu.memory_space<vmem_shared>> -> memref<1001x32xf32, #tpu.memory_space<vmem_shared>>
    tpu.enqueue_indirect_dma source(%dma_start3A_134 : memref<1001x32xf32, #tpu.memory_space<vmem_shared>>) target(%dma_start3A_128 : memref<128x32xf32, #tpu.memory_space<vmem>>) offsets(%dma_start3A_131 : memref<128xi32, #tpu.memory_space<vmem>>) semaphore(%arg15 : memref<!tpu.dma_semaphore, #tpu.memory_space<semaphore_mem>>)
    %dma_start3A_135 = arith.constant 49 : i32
    %dma_start3A_136 = arith.constant 512 : i32
    %dma_start3A_137 = arith.constant 0 : i32
    %dma_start3A_138 = tpu.memref_slice %arg13[%dma_start3A_136, %dma_start3A_137] : memref<640x32xf32, #tpu.memory_space<vmem>> -> memref<128x32xf32, #tpu.memory_space<vmem>>
    %dma_start3A_139 = arith.constant 0 : i32
    %dma_start3A_140 = tpu.memref_slice %arg8[%dma_start3A_135, %dma_start3A_139] : memref<50x128xi32, #tpu.memory_space<vmem>> -> memref<1x128xi32, #tpu.memory_space<vmem>>
    %dma_start3A_141 = tpu.memref_squeeze %dma_start3A_140 : memref<1x128xi32, #tpu.memory_space<vmem>> -> memref<128xi32, #tpu.memory_space<vmem>>
    %dma_start3A_142 = arith.constant 0 : i32
    %dma_start3A_143 = arith.constant 0 : i32
    %dma_start3A_144 = tpu.memref_slice %arg10[%dma_start3A_142, %dma_start3A_143] : memref<1001x32xf32, #tpu.memory_space<vmem_shared>> -> memref<1001x32xf32, #tpu.memory_space<vmem_shared>>
    tpu.enqueue_indirect_dma source(%dma_start3A_144 : memref<1001x32xf32, #tpu.memory_space<vmem_shared>>) target(%dma_start3A_138 : memref<128x32xf32, #tpu.memory_space<vmem>>) offsets(%dma_start3A_141 : memref<128xi32, #tpu.memory_space<vmem>>) semaphore(%arg15 : memref<!tpu.dma_semaphore, #tpu.memory_space<semaphore_mem>>)
    %dma_wait3A_145 = arith.constant 40 : i32
    %dma_wait3A_146 = arith.constant 0 : i32
    %dma_wait3A_147 = arith.constant 0 : i32
    %dma_wait3A_148 = tpu.memref_slice %arg12[%dma_wait3A_146, %dma_wait3A_147] : memref<640x32xf32, #tpu.memory_space<vmem>> -> memref<128x32xf32, #tpu.memory_space<vmem>>
    %dma_wait3A_149 = arith.constant 0 : i32
    %dma_wait3A_150 = tpu.memref_slice %arg8[%dma_wait3A_145, %dma_wait3A_149] : memref<50x128xi32, #tpu.memory_space<vmem>> -> memref<1x128xi32, #tpu.memory_space<vmem>>
    %dma_wait3A_151 = tpu.memref_squeeze %dma_wait3A_150 : memref<1x128xi32, #tpu.memory_space<vmem>> -> memref<128xi32, #tpu.memory_space<vmem>>
    %dma_wait3A_152 = arith.constant 0 : i32
    %dma_wait3A_153 = arith.constant 0 : i32
    %dma_wait3A_154 = tpu.memref_slice %arg10[%dma_wait3A_152, %dma_wait3A_153] : memref<1001x32xf32, #tpu.memory_space<vmem_shared>> -> memref<1001x32xf32, #tpu.memory_space<vmem_shared>>
    tpu.wait_indirect_dma semaphore(%arg14 : memref<!tpu.dma_semaphore, #tpu.memory_space<semaphore_mem>>) src(%dma_wait3A_154 : memref<1001x32xf32, #tpu.memory_space<vmem_shared>>) dst(%dma_wait3A_148 : memref<128x32xf32, #tpu.memory_space<vmem>>)
    %dma_wait3A_155 = arith.constant 41 : i32
    %dma_wait3A_156 = arith.constant 128 : i32
    %dma_wait3A_157 = arith.constant 0 : i32
    %dma_wait3A_158 = tpu.memref_slice %arg12[%dma_wait3A_156, %dma_wait3A_157] : memref<640x32xf32, #tpu.memory_space<vmem>> -> memref<128x32xf32, #tpu.memory_space<vmem>>
    %dma_wait3A_159 = arith.constant 0 : i32
    %dma_wait3A_160 = tpu.memref_slice %arg8[%dma_wait3A_155, %dma_wait3A_159] : memref<50x128xi32, #tpu.memory_space<vmem>> -> memref<1x128xi32, #tpu.memory_space<vmem>>
    %dma_wait3A_161 = tpu.memref_squeeze %dma_wait3A_160 : memref<1x128xi32, #tpu.memory_space<vmem>> -> memref<128xi32, #tpu.memory_space<vmem>>
    %dma_wait3A_162 = arith.constant 0 : i32
    %dma_wait3A_163 = arith.constant 0 : i32
    %dma_wait3A_164 = tpu.memref_slice %arg10[%dma_wait3A_162, %dma_wait3A_163] : memref<1001x32xf32, #tpu.memory_space<vmem_shared>> -> memref<1001x32xf32, #tpu.memory_space<vmem_shared>>
    tpu.wait_indirect_dma semaphore(%arg14 : memref<!tpu.dma_semaphore, #tpu.memory_space<semaphore_mem>>) src(%dma_wait3A_164 : memref<1001x32xf32, #tpu.memory_space<vmem_shared>>) dst(%dma_wait3A_158 : memref<128x32xf32, #tpu.memory_space<vmem>>)
    %dma_wait3A_165 = arith.constant 42 : i32
    %dma_wait3A_166 = arith.constant 256 : i32
    %dma_wait3A_167 = arith.constant 0 : i32
    %dma_wait3A_168 = tpu.memref_slice %arg12[%dma_wait3A_166, %dma_wait3A_167] : memref<640x32xf32, #tpu.memory_space<vmem>> -> memref<128x32xf32, #tpu.memory_space<vmem>>
    %dma_wait3A_169 = arith.constant 0 : i32
    %dma_wait3A_170 = tpu.memref_slice %arg8[%dma_wait3A_165, %dma_wait3A_169] : memref<50x128xi32, #tpu.memory_space<vmem>> -> memref<1x128xi32, #tpu.memory_space<vmem>>
    %dma_wait3A_171 = tpu.memref_squeeze %dma_wait3A_170 : memref<1x128xi32, #tpu.memory_space<vmem>> -> memref<128xi32, #tpu.memory_space<vmem>>
    %dma_wait3A_172 = arith.constant 0 : i32
    %dma_wait3A_173 = arith.constant 0 : i32
    %dma_wait3A_174 = tpu.memref_slice %arg10[%dma_wait3A_172, %dma_wait3A_173] : memref<1001x32xf32, #tpu.memory_space<vmem_shared>> -> memref<1001x32xf32, #tpu.memory_space<vmem_shared>>
    tpu.wait_indirect_dma semaphore(%arg14 : memref<!tpu.dma_semaphore, #tpu.memory_space<semaphore_mem>>) src(%dma_wait3A_174 : memref<1001x32xf32, #tpu.memory_space<vmem_shared>>) dst(%dma_wait3A_168 : memref<128x32xf32, #tpu.memory_space<vmem>>)
    %dma_wait3A_175 = arith.constant 43 : i32
    %dma_wait3A_176 = arith.constant 384 : i32
    %dma_wait3A_177 = arith.constant 0 : i32
    %dma_wait3A_178 = tpu.memref_slice %arg12[%dma_wait3A_176, %dma_wait3A_177] : memref<640x32xf32, #tpu.memory_space<vmem>> -> memref<128x32xf32, #tpu.memory_space<vmem>>
    %dma_wait3A_179 = arith.constant 0 : i32
    %dma_wait3A_180 = tpu.memref_slice %arg8[%dma_wait3A_175, %dma_wait3A_179] : memref<50x128xi32, #tpu.memory_space<vmem>> -> memref<1x128xi32, #tpu.memory_space<vmem>>
    %dma_wait3A_181 = tpu.memref_squeeze %dma_wait3A_180 : memref<1x128xi32, #tpu.memory_space<vmem>> -> memref<128xi32, #tpu.memory_space<vmem>>
    %dma_wait3A_182 = arith.constant 0 : i32
    %dma_wait3A_183 = arith.constant 0 : i32
    %dma_wait3A_184 = tpu.memref_slice %arg10[%dma_wait3A_182, %dma_wait3A_183] : memref<1001x32xf32, #tpu.memory_space<vmem_shared>> -> memref<1001x32xf32, #tpu.memory_space<vmem_shared>>
    tpu.wait_indirect_dma semaphore(%arg14 : memref<!tpu.dma_semaphore, #tpu.memory_space<semaphore_mem>>) src(%dma_wait3A_184 : memref<1001x32xf32, #tpu.memory_space<vmem_shared>>) dst(%dma_wait3A_178 : memref<128x32xf32, #tpu.memory_space<vmem>>)
    %dma_wait3A_185 = arith.constant 44 : i32
    %dma_wait3A_186 = arith.constant 512 : i32
    %dma_wait3A_187 = arith.constant 0 : i32
    %dma_wait3A_188 = tpu.memref_slice %arg12[%dma_wait3A_186, %dma_wait3A_187] : memref<640x32xf32, #tpu.memory_space<vmem>> -> memref<128x32xf32, #tpu.memory_space<vmem>>
    %dma_wait3A_189 = arith.constant 0 : i32
    %dma_wait3A_190 = tpu.memref_slice %arg8[%dma_wait3A_185, %dma_wait3A_189] : memref<50x128xi32, #tpu.memory_space<vmem>> -> memref<1x128xi32, #tpu.memory_space<vmem>>
    %dma_wait3A_191 = tpu.memref_squeeze %dma_wait3A_190 : memref<1x128xi32, #tpu.memory_space<vmem>> -> memref<128xi32, #tpu.memory_space<vmem>>
    %dma_wait3A_192 = arith.constant 0 : i32
    %dma_wait3A_193 = arith.constant 0 : i32
    %dma_wait3A_194 = tpu.memref_slice %arg10[%dma_wait3A_192, %dma_wait3A_193] : memref<1001x32xf32, #tpu.memory_space<vmem_shared>> -> memref<1001x32xf32, #tpu.memory_space<vmem_shared>>
    tpu.wait_indirect_dma semaphore(%arg14 : memref<!tpu.dma_semaphore, #tpu.memory_space<semaphore_mem>>) src(%dma_wait3A_194 : memref<1001x32xf32, #tpu.memory_space<vmem_shared>>) dst(%dma_wait3A_188 : memref<128x32xf32, #tpu.memory_space<vmem>>)
    %add3A_195 = arith.constant 5120 : i32
    %add3A_196 = arith.addi %mul3A_34, %add3A_195 : i32
    %dma_start3A_197 = tpu.memref_slice %arg6[%add3A_196, %mul3A_18] : memref<51200x128xf32, #tpu.memory_space<hbm>> -> memref<640x32xf32, #tpu.memory_space<hbm>>
    %dma_start3A_198 = tpu.memref_slice %arg6[%add3A_196, %mul3A_18] : memref<51200x128xf32, #tpu.memory_space<hbm>> -> memref<640x32xf32, #tpu.memory_space<hbm>>
    tpu.enqueue_dma source(%arg12 : memref<640x32xf32, #tpu.memory_space<vmem>>) target(%dma_start3A_198 : memref<640x32xf32, #tpu.memory_space<hbm>>) target_semaphore(%arg16 : memref<!tpu.dma_semaphore, #tpu.memory_space<semaphore_mem>>)
    %dma_wait3A_199 = arith.constant 45 : i32
    %dma_wait3A_200 = arith.constant 0 : i32
    %dma_wait3A_201 = arith.constant 0 : i32
    %dma_wait3A_202 = tpu.memref_slice %arg13[%dma_wait3A_200, %dma_wait3A_201] : memref<640x32xf32, #tpu.memory_space<vmem>> -> memref<128x32xf32, #tpu.memory_space<vmem>>
    %dma_wait3A_203 = arith.constant 0 : i32
    %dma_wait3A_204 = tpu.memref_slice %arg8[%dma_wait3A_199, %dma_wait3A_203] : memref<50x128xi32, #tpu.memory_space<vmem>> -> memref<1x128xi32, #tpu.memory_space<vmem>>
    %dma_wait3A_205 = tpu.memref_squeeze %dma_wait3A_204 : memref<1x128xi32, #tpu.memory_space<vmem>> -> memref<128xi32, #tpu.memory_space<vmem>>
    %dma_wait3A_206 = arith.constant 0 : i32
    %dma_wait3A_207 = arith.constant 0 : i32
    %dma_wait3A_208 = tpu.memref_slice %arg10[%dma_wait3A_206, %dma_wait3A_207] : memref<1001x32xf32, #tpu.memory_space<vmem_shared>> -> memref<1001x32xf32, #tpu.memory_space<vmem_shared>>
    tpu.wait_indirect_dma semaphore(%arg15 : memref<!tpu.dma_semaphore, #tpu.memory_space<semaphore_mem>>) src(%dma_wait3A_208 : memref<1001x32xf32, #tpu.memory_space<vmem_shared>>) dst(%dma_wait3A_202 : memref<128x32xf32, #tpu.memory_space<vmem>>)
    %dma_wait3A_209 = arith.constant 46 : i32
    %dma_wait3A_210 = arith.constant 128 : i32
    %dma_wait3A_211 = arith.constant 0 : i32
    %dma_wait3A_212 = tpu.memref_slice %arg13[%dma_wait3A_210, %dma_wait3A_211] : memref<640x32xf32, #tpu.memory_space<vmem>> -> memref<128x32xf32, #tpu.memory_space<vmem>>
    %dma_wait3A_213 = arith.constant 0 : i32
    %dma_wait3A_214 = tpu.memref_slice %arg8[%dma_wait3A_209, %dma_wait3A_213] : memref<50x128xi32, #tpu.memory_space<vmem>> -> memref<1x128xi32, #tpu.memory_space<vmem>>
    %dma_wait3A_215 = tpu.memref_squeeze %dma_wait3A_214 : memref<1x128xi32, #tpu.memory_space<vmem>> -> memref<128xi32, #tpu.memory_space<vmem>>
    %dma_wait3A_216 = arith.constant 0 : i32
    %dma_wait3A_217 = arith.constant 0 : i32
    %dma_wait3A_218 = tpu.memref_slice %arg10[%dma_wait3A_216, %dma_wait3A_217] : memref<1001x32xf32, #tpu.memory_space<vmem_shared>> -> memref<1001x32xf32, #tpu.memory_space<vmem_shared>>
    tpu.wait_indirect_dma semaphore(%arg15 : memref<!tpu.dma_semaphore, #tpu.memory_space<semaphore_mem>>) src(%dma_wait3A_218 : memref<1001x32xf32, #tpu.memory_space<vmem_shared>>) dst(%dma_wait3A_212 : memref<128x32xf32, #tpu.memory_space<vmem>>)
    %dma_wait3A_219 = arith.constant 47 : i32
    %dma_wait3A_220 = arith.constant 256 : i32
    %dma_wait3A_221 = arith.constant 0 : i32
    %dma_wait3A_222 = tpu.memref_slice %arg13[%dma_wait3A_220, %dma_wait3A_221] : memref<640x32xf32, #tpu.memory_space<vmem>> -> memref<128x32xf32, #tpu.memory_space<vmem>>
    %dma_wait3A_223 = arith.constant 0 : i32
    %dma_wait3A_224 = tpu.memref_slice %arg8[%dma_wait3A_219, %dma_wait3A_223] : memref<50x128xi32, #tpu.memory_space<vmem>> -> memref<1x128xi32, #tpu.memory_space<vmem>>
    %dma_wait3A_225 = tpu.memref_squeeze %dma_wait3A_224 : memref<1x128xi32, #tpu.memory_space<vmem>> -> memref<128xi32, #tpu.memory_space<vmem>>
    %dma_wait3A_226 = arith.constant 0 : i32
    %dma_wait3A_227 = arith.constant 0 : i32
    %dma_wait3A_228 = tpu.memref_slice %arg10[%dma_wait3A_226, %dma_wait3A_227] : memref<1001x32xf32, #tpu.memory_space<vmem_shared>> -> memref<1001x32xf32, #tpu.memory_space<vmem_shared>>
    tpu.wait_indirect_dma semaphore(%arg15 : memref<!tpu.dma_semaphore, #tpu.memory_space<semaphore_mem>>) src(%dma_wait3A_228 : memref<1001x32xf32, #tpu.memory_space<vmem_shared>>) dst(%dma_wait3A_222 : memref<128x32xf32, #tpu.memory_space<vmem>>)
    %dma_wait3A_229 = arith.constant 48 : i32
    %dma_wait3A_230 = arith.constant 384 : i32
    %dma_wait3A_231 = arith.constant 0 : i32
    %dma_wait3A_232 = tpu.memref_slice %arg13[%dma_wait3A_230, %dma_wait3A_231] : memref<640x32xf32, #tpu.memory_space<vmem>> -> memref<128x32xf32, #tpu.memory_space<vmem>>
    %dma_wait3A_233 = arith.constant 0 : i32
    %dma_wait3A_234 = tpu.memref_slice %arg8[%dma_wait3A_229, %dma_wait3A_233] : memref<50x128xi32, #tpu.memory_space<vmem>> -> memref<1x128xi32, #tpu.memory_space<vmem>>
    %dma_wait3A_235 = tpu.memref_squeeze %dma_wait3A_234 : memref<1x128xi32, #tpu.memory_space<vmem>> -> memref<128xi32, #tpu.memory_space<vmem>>
    %dma_wait3A_236 = arith.constant 0 : i32
    %dma_wait3A_237 = arith.constant 0 : i32
    %dma_wait3A_238 = tpu.memref_slice %arg10[%dma_wait3A_236, %dma_wait3A_237] : memref<1001x32xf32, #tpu.memory_space<vmem_shared>> -> memref<1001x32xf32, #tpu.memory_space<vmem_shared>>
    tpu.wait_indirect_dma semaphore(%arg15 : memref<!tpu.dma_semaphore, #tpu.memory_space<semaphore_mem>>) src(%dma_wait3A_238 : memref<1001x32xf32, #tpu.memory_space<vmem_shared>>) dst(%dma_wait3A_232 : memref<128x32xf32, #tpu.memory_space<vmem>>)
    %dma_wait3A_239 = arith.constant 49 : i32
    %dma_wait3A_240 = arith.constant 512 : i32
    %dma_wait3A_241 = arith.constant 0 : i32
    %dma_wait3A_242 = tpu.memref_slice %arg13[%dma_wait3A_240, %dma_wait3A_241] : memref<640x32xf32, #tpu.memory_space<vmem>> -> memref<128x32xf32, #tpu.memory_space<vmem>>
    %dma_wait3A_243 = arith.constant 0 : i32
    %dma_wait3A_244 = tpu.memref_slice %arg8[%dma_wait3A_239, %dma_wait3A_243] : memref<50x128xi32, #tpu.memory_space<vmem>> -> memref<1x128xi32, #tpu.memory_space<vmem>>
    %dma_wait3A_245 = tpu.memref_squeeze %dma_wait3A_244 : memref<1x128xi32, #tpu.memory_space<vmem>> -> memref<128xi32, #tpu.memory_space<vmem>>
    %dma_wait3A_246 = arith.constant 0 : i32
    %dma_wait3A_247 = arith.constant 0 : i32
    %dma_wait3A_248 = tpu.memref_slice %arg10[%dma_wait3A_246, %dma_wait3A_247] : memref<1001x32xf32, #tpu.memory_space<vmem_shared>> -> memref<1001x32xf32, #tpu.memory_space<vmem_shared>>
    tpu.wait_indirect_dma semaphore(%arg15 : memref<!tpu.dma_semaphore, #tpu.memory_space<semaphore_mem>>) src(%dma_wait3A_248 : memref<1001x32xf32, #tpu.memory_space<vmem_shared>>) dst(%dma_wait3A_242 : memref<128x32xf32, #tpu.memory_space<vmem>>)
    %add3A_249 = arith.constant 5760 : i32
    %add3A_250 = arith.addi %mul3A_34, %add3A_249 : i32
    %dma_start3A_251 = tpu.memref_slice %arg6[%add3A_250, %mul3A_18] : memref<51200x128xf32, #tpu.memory_space<hbm>> -> memref<640x32xf32, #tpu.memory_space<hbm>>
    %dma_start3A_252 = tpu.memref_slice %arg6[%add3A_250, %mul3A_18] : memref<51200x128xf32, #tpu.memory_space<hbm>> -> memref<640x32xf32, #tpu.memory_space<hbm>>
    tpu.enqueue_dma source(%arg13 : memref<640x32xf32, #tpu.memory_space<vmem>>) target(%dma_start3A_252 : memref<640x32xf32, #tpu.memory_space<hbm>>) target_semaphore(%arg17 : memref<!tpu.dma_semaphore, #tpu.memory_space<semaphore_mem>>)
    %add3A_253 = arith.constant 5120 : i32
    %add3A_254 = arith.addi %mul3A_34, %add3A_253 : i32
    %dma_wait3A_255 = tpu.memref_slice %arg6[%add3A_254, %mul3A_18] : memref<51200x128xf32, #tpu.memory_space<hbm>> -> memref<640x32xf32, #tpu.memory_space<hbm>>
    %dma_wait3A_256 = tpu.memref_slice %arg6[%add3A_254, %mul3A_18] : memref<51200x128xf32, #tpu.memory_space<hbm>> -> memref<640x32xf32, #tpu.memory_space<hbm>>
    tpu.wait_dma2 semaphore(%arg16 : memref<!tpu.dma_semaphore, #tpu.memory_space<semaphore_mem>>) src(%arg12 : memref<640x32xf32, #tpu.memory_space<vmem>>) dst(%dma_wait3A_256 : memref<640x32xf32, #tpu.memory_space<hbm>>)
    %add3A_257 = arith.constant 5760 : i32
    %add3A_258 = arith.addi %mul3A_34, %add3A_257 : i32
    %dma_wait3A_259 = tpu.memref_slice %arg6[%add3A_258, %mul3A_18] : memref<51200x128xf32, #tpu.memory_space<hbm>> -> memref<640x32xf32, #tpu.memory_space<hbm>>
    %dma_wait3A_260 = tpu.memref_slice %arg6[%add3A_258, %mul3A_18] : memref<51200x128xf32, #tpu.memory_space<hbm>> -> memref<640x32xf32, #tpu.memory_space<hbm>>
    tpu.wait_dma2 semaphore(%arg17 : memref<!tpu.dma_semaphore, #tpu.memory_space<semaphore_mem>>) src(%arg13 : memref<640x32xf32, #tpu.memory_space<vmem>>) dst(%dma_wait3A_260 : memref<640x32xf32, #tpu.memory_space<hbm>>)
    %dma_start3A_261 = arith.constant 0 : i32
    %dma_start3A_262 = arith.constant 0 : i32
    %dma_start3A_263 = arith.constant 0 : i32
    %dma_start3A_264 = tpu.memref_slice %arg12[%dma_start3A_262, %dma_start3A_263] : memref<640x32xf32, #tpu.memory_space<vmem>> -> memref<128x32xf32, #tpu.memory_space<vmem>>
    %dma_start3A_265 = arith.constant 0 : i32
    %dma_start3A_266 = tpu.memref_slice %arg9[%dma_start3A_261, %dma_start3A_265] : memref<50x128xi32, #tpu.memory_space<vmem>> -> memref<1x128xi32, #tpu.memory_space<vmem>>
    %dma_start3A_267 = tpu.memref_squeeze %dma_start3A_266 : memref<1x128xi32, #tpu.memory_space<vmem>> -> memref<128xi32, #tpu.memory_space<vmem>>
    %dma_start3A_268 = arith.constant 0 : i32
    %dma_start3A_269 = arith.constant 0 : i32
    %dma_start3A_270 = tpu.memref_slice %arg11[%dma_start3A_268, %dma_start3A_269] : memref<3x32xf32, #tpu.memory_space<vmem_shared>> -> memref<3x32xf32, #tpu.memory_space<vmem_shared>>
    tpu.enqueue_indirect_dma source(%dma_start3A_270 : memref<3x32xf32, #tpu.memory_space<vmem_shared>>) target(%dma_start3A_264 : memref<128x32xf32, #tpu.memory_space<vmem>>) offsets(%dma_start3A_267 : memref<128xi32, #tpu.memory_space<vmem>>) semaphore(%arg14 : memref<!tpu.dma_semaphore, #tpu.memory_space<semaphore_mem>>)
    %dma_start3A_271 = arith.constant 1 : i32
    %dma_start3A_272 = arith.constant 128 : i32
    %dma_start3A_273 = arith.constant 0 : i32
    %dma_start3A_274 = tpu.memref_slice %arg12[%dma_start3A_272, %dma_start3A_273] : memref<640x32xf32, #tpu.memory_space<vmem>> -> memref<128x32xf32, #tpu.memory_space<vmem>>
    %dma_start3A_275 = arith.constant 0 : i32
    %dma_start3A_276 = tpu.memref_slice %arg9[%dma_start3A_271, %dma_start3A_275] : memref<50x128xi32, #tpu.memory_space<vmem>> -> memref<1x128xi32, #tpu.memory_space<vmem>>
    %dma_start3A_277 = tpu.memref_squeeze %dma_start3A_276 : memref<1x128xi32, #tpu.memory_space<vmem>> -> memref<128xi32, #tpu.memory_space<vmem>>
    %dma_start3A_278 = arith.constant 0 : i32
    %dma_start3A_279 = arith.constant 0 : i32
    %dma_start3A_280 = tpu.memref_slice %arg11[%dma_start3A_278, %dma_start3A_279] : memref<3x32xf32, #tpu.memory_space<vmem_shared>> -> memref<3x32xf32, #tpu.memory_space<vmem_shared>>
    tpu.enqueue_indirect_dma source(%dma_start3A_280 : memref<3x32xf32, #tpu.memory_space<vmem_shared>>) target(%dma_start3A_274 : memref<128x32xf32, #tpu.memory_space<vmem>>) offsets(%dma_start3A_277 : memref<128xi32, #tpu.memory_space<vmem>>) semaphore(%arg14 : memref<!tpu.dma_semaphore, #tpu.memory_space<semaphore_mem>>)
    %dma_start3A_281 = arith.constant 2 : i32
    %dma_start3A_282 = arith.constant 256 : i32
    %dma_start3A_283 = arith.constant 0 : i32
    %dma_start3A_284 = tpu.memref_slice %arg12[%dma_start3A_282, %dma_start3A_283] : memref<640x32xf32, #tpu.memory_space<vmem>> -> memref<128x32xf32, #tpu.memory_space<vmem>>
    %dma_start3A_285 = arith.constant 0 : i32
    %dma_start3A_286 = tpu.memref_slice %arg9[%dma_start3A_281, %dma_start3A_285] : memref<50x128xi32, #tpu.memory_space<vmem>> -> memref<1x128xi32, #tpu.memory_space<vmem>>
    %dma_start3A_287 = tpu.memref_squeeze %dma_start3A_286 : memref<1x128xi32, #tpu.memory_space<vmem>> -> memref<128xi32, #tpu.memory_space<vmem>>
    %dma_start3A_288 = arith.constant 0 : i32
    %dma_start3A_289 = arith.constant 0 : i32
    %dma_start3A_290 = tpu.memref_slice %arg11[%dma_start3A_288, %dma_start3A_289] : memref<3x32xf32, #tpu.memory_space<vmem_shared>> -> memref<3x32xf32, #tpu.memory_space<vmem_shared>>
    tpu.enqueue_indirect_dma source(%dma_start3A_290 : memref<3x32xf32, #tpu.memory_space<vmem_shared>>) target(%dma_start3A_284 : memref<128x32xf32, #tpu.memory_space<vmem>>) offsets(%dma_start3A_287 : memref<128xi32, #tpu.memory_space<vmem>>) semaphore(%arg14 : memref<!tpu.dma_semaphore, #tpu.memory_space<semaphore_mem>>)
    %dma_start3A_291 = arith.constant 3 : i32
    %dma_start3A_292 = arith.constant 384 : i32
    %dma_start3A_293 = arith.constant 0 : i32
    %dma_start3A_294 = tpu.memref_slice %arg12[%dma_start3A_292, %dma_start3A_293] : memref<640x32xf32, #tpu.memory_space<vmem>> -> memref<128x32xf32, #tpu.memory_space<vmem>>
    %dma_start3A_295 = arith.constant 0 : i32
    %dma_start3A_296 = tpu.memref_slice %arg9[%dma_start3A_291, %dma_start3A_295] : memref<50x128xi32, #tpu.memory_space<vmem>> -> memref<1x128xi32, #tpu.memory_space<vmem>>
    %dma_start3A_297 = tpu.memref_squeeze %dma_start3A_296 : memref<1x128xi32, #tpu.memory_space<vmem>> -> memref<128xi32, #tpu.memory_space<vmem>>
    %dma_start3A_298 = arith.constant 0 : i32
    %dma_start3A_299 = arith.constant 0 : i32
    %dma_start3A_300 = tpu.memref_slice %arg11[%dma_start3A_298, %dma_start3A_299] : memref<3x32xf32, #tpu.memory_space<vmem_shared>> -> memref<3x32xf32, #tpu.memory_space<vmem_shared>>
    tpu.enqueue_indirect_dma source(%dma_start3A_300 : memref<3x32xf32, #tpu.memory_space<vmem_shared>>) target(%dma_start3A_294 : memref<128x32xf32, #tpu.memory_space<vmem>>) offsets(%dma_start3A_297 : memref<128xi32, #tpu.memory_space<vmem>>) semaphore(%arg14 : memref<!tpu.dma_semaphore, #tpu.memory_space<semaphore_mem>>)
    %dma_start3A_301 = arith.constant 4 : i32
    %dma_start3A_302 = arith.constant 512 : i32
    %dma_start3A_303 = arith.constant 0 : i32
    %dma_start3A_304 = tpu.memref_slice %arg12[%dma_start3A_302, %dma_start3A_303] : memref<640x32xf32, #tpu.memory_space<vmem>> -> memref<128x32xf32, #tpu.memory_space<vmem>>
    %dma_start3A_305 = arith.constant 0 : i32
    %dma_start3A_306 = tpu.memref_slice %arg9[%dma_start3A_301, %dma_start3A_305] : memref<50x128xi32, #tpu.memory_space<vmem>> -> memref<1x128xi32, #tpu.memory_space<vmem>>
    %dma_start3A_307 = tpu.memref_squeeze %dma_start3A_306 : memref<1x128xi32, #tpu.memory_space<vmem>> -> memref<128xi32, #tpu.memory_space<vmem>>
    %dma_start3A_308 = arith.constant 0 : i32
    %dma_start3A_309 = arith.constant 0 : i32
    %dma_start3A_310 = tpu.memref_slice %arg11[%dma_start3A_308, %dma_start3A_309] : memref<3x32xf32, #tpu.memory_space<vmem_shared>> -> memref<3x32xf32, #tpu.memory_space<vmem_shared>>
    tpu.enqueue_indirect_dma source(%dma_start3A_310 : memref<3x32xf32, #tpu.memory_space<vmem_shared>>) target(%dma_start3A_304 : memref<128x32xf32, #tpu.memory_space<vmem>>) offsets(%dma_start3A_307 : memref<128xi32, #tpu.memory_space<vmem>>) semaphore(%arg14 : memref<!tpu.dma_semaphore, #tpu.memory_space<semaphore_mem>>)
    %scan3A_311 = arith.constant 0 : i32
    %scan3A_312 = arith.constant 0 : i32
    %scan3A_313 = arith.constant 4 : i32
    %scan3A_314 = arith.addi %scan3A_312, %scan3A_313 : i32
    %scan3A_315 = arith.constant 1 : i32
    scf.for %scan3A_487 = %scan3A_312 to %scan3A_314 step %scan3A_315  : i32 {
      %mul3A_488 = arith.constant 2 : i32
      %mul3A_489 = arith.muli %mul3A_488, %scan3A_487 : i32
      %add3A_490 = arith.constant 0 : i32
      %add3A_491 = arith.addi %mul3A_489, %add3A_490 : i32
      %gt3A = arith.constant 0 : i32
      %gt3A_492 = arith.cmpi sgt, %scan3A_487, %gt3A : i32
      %convert_element_type3A_493 = arith.extui %gt3A_492 : i1 to i32
      %cond3A_494 = arith.constant 0 : i32
      %cond3A_495 = arith.cmpi ne, %convert_element_type3A_493, %cond3A_494 : i32
      scf.if %cond3A_495 {
        %sub3A_781 = arith.constant 1 : i32
        %sub3A_782 = arith.subi %add3A_491, %sub3A_781 : i32
        %mul3A_783 = arith.constant 640 : i32
        %mul3A_784 = arith.muli %sub3A_782, %mul3A_783 : i32
        %add3A_785 = arith.addi %mul3A_34, %mul3A_784 : i32
        %dma_wait3A_786 = tpu.memref_slice %arg7[%add3A_785, %mul3A_18] : memref<51200x128xf32, #tpu.memory_space<hbm>> -> memref<640x32xf32, #tpu.memory_space<hbm>>
        %dma_wait3A_787 = tpu.memref_slice %arg7[%add3A_785, %mul3A_18] : memref<51200x128xf32, #tpu.memory_space<hbm>> -> memref<640x32xf32, #tpu.memory_space<hbm>>
        tpu.wait_dma2 semaphore(%arg17 : memref<!tpu.dma_semaphore, #tpu.memory_space<semaphore_mem>>) src(%arg13 : memref<640x32xf32, #tpu.memory_space<vmem>>) dst(%dma_wait3A_787 : memref<640x32xf32, #tpu.memory_space<hbm>>)
      } else {
      }
      %add3A_496 = arith.constant 1 : i32
      %add3A_497 = arith.addi %add3A_491, %add3A_496 : i32
      %mul3A_498 = arith.constant 5 : i32
      %mul3A_499 = arith.muli %add3A_497, %mul3A_498 : i32
      %add3A_500 = arith.constant 0 : i32
      %add3A_501 = arith.addi %mul3A_499, %add3A_500 : i32
      %dma_start3A_502 = arith.constant 0 : i32
      %dma_start3A_503 = arith.constant 0 : i32
      %dma_start3A_504 = tpu.memref_slice %arg13[%dma_start3A_502, %dma_start3A_503] : memref<640x32xf32, #tpu.memory_space<vmem>> -> memref<128x32xf32, #tpu.memory_space<vmem>>
      %dma_start3A_505 = arith.constant 0 : i32
      %dma_start3A_506 = tpu.memref_slice %arg9[%add3A_501, %dma_start3A_505] : memref<50x128xi32, #tpu.memory_space<vmem>> -> memref<1x128xi32, #tpu.memory_space<vmem>>
      %dma_start3A_507 = tpu.memref_squeeze %dma_start3A_506 : memref<1x128xi32, #tpu.memory_space<vmem>> -> memref<128xi32, #tpu.memory_space<vmem>>
      %dma_start3A_508 = arith.constant 0 : i32
      %dma_start3A_509 = arith.constant 0 : i32
      %dma_start3A_510 = tpu.memref_slice %arg11[%dma_start3A_508, %dma_start3A_509] : memref<3x32xf32, #tpu.memory_space<vmem_shared>> -> memref<3x32xf32, #tpu.memory_space<vmem_shared>>
      tpu.enqueue_indirect_dma source(%dma_start3A_510 : memref<3x32xf32, #tpu.memory_space<vmem_shared>>) target(%dma_start3A_504 : memref<128x32xf32, #tpu.memory_space<vmem>>) offsets(%dma_start3A_507 : memref<128xi32, #tpu.memory_space<vmem>>) semaphore(%arg15 : memref<!tpu.dma_semaphore, #tpu.memory_space<semaphore_mem>>)
      %mul3A_511 = arith.constant 5 : i32
      %mul3A_512 = arith.muli %add3A_497, %mul3A_511 : i32
      %add3A_513 = arith.constant 1 : i32
      %add3A_514 = arith.addi %mul3A_512, %add3A_513 : i32
      %dma_start3A_515 = arith.constant 128 : i32
      %dma_start3A_516 = arith.constant 0 : i32
      %dma_start3A_517 = tpu.memref_slice %arg13[%dma_start3A_515, %dma_start3A_516] : memref<640x32xf32, #tpu.memory_space<vmem>> -> memref<128x32xf32, #tpu.memory_space<vmem>>
      %dma_start3A_518 = arith.constant 0 : i32
      %dma_start3A_519 = tpu.memref_slice %arg9[%add3A_514, %dma_start3A_518] : memref<50x128xi32, #tpu.memory_space<vmem>> -> memref<1x128xi32, #tpu.memory_space<vmem>>
      %dma_start3A_520 = tpu.memref_squeeze %dma_start3A_519 : memref<1x128xi32, #tpu.memory_space<vmem>> -> memref<128xi32, #tpu.memory_space<vmem>>
      %dma_start3A_521 = arith.constant 0 : i32
      %dma_start3A_522 = arith.constant 0 : i32
      %dma_start3A_523 = tpu.memref_slice %arg11[%dma_start3A_521, %dma_start3A_522] : memref<3x32xf32, #tpu.memory_space<vmem_shared>> -> memref<3x32xf32, #tpu.memory_space<vmem_shared>>
      tpu.enqueue_indirect_dma source(%dma_start3A_523 : memref<3x32xf32, #tpu.memory_space<vmem_shared>>) target(%dma_start3A_517 : memref<128x32xf32, #tpu.memory_space<vmem>>) offsets(%dma_start3A_520 : memref<128xi32, #tpu.memory_space<vmem>>) semaphore(%arg15 : memref<!tpu.dma_semaphore, #tpu.memory_space<semaphore_mem>>)
      %mul3A_524 = arith.constant 5 : i32
      %mul3A_525 = arith.muli %add3A_497, %mul3A_524 : i32
      %add3A_526 = arith.constant 2 : i32
      %add3A_527 = arith.addi %mul3A_525, %add3A_526 : i32
      %dma_start3A_528 = arith.constant 256 : i32
      %dma_start3A_529 = arith.constant 0 : i32
      %dma_start3A_530 = tpu.memref_slice %arg13[%dma_start3A_528, %dma_start3A_529] : memref<640x32xf32, #tpu.memory_space<vmem>> -> memref<128x32xf32, #tpu.memory_space<vmem>>
      %dma_start3A_531 = arith.constant 0 : i32
      %dma_start3A_532 = tpu.memref_slice %arg9[%add3A_527, %dma_start3A_531] : memref<50x128xi32, #tpu.memory_space<vmem>> -> memref<1x128xi32, #tpu.memory_space<vmem>>
      %dma_start3A_533 = tpu.memref_squeeze %dma_start3A_532 : memref<1x128xi32, #tpu.memory_space<vmem>> -> memref<128xi32, #tpu.memory_space<vmem>>
      %dma_start3A_534 = arith.constant 0 : i32
      %dma_start3A_535 = arith.constant 0 : i32
      %dma_start3A_536 = tpu.memref_slice %arg11[%dma_start3A_534, %dma_start3A_535] : memref<3x32xf32, #tpu.memory_space<vmem_shared>> -> memref<3x32xf32, #tpu.memory_space<vmem_shared>>
      tpu.enqueue_indirect_dma source(%dma_start3A_536 : memref<3x32xf32, #tpu.memory_space<vmem_shared>>) target(%dma_start3A_530 : memref<128x32xf32, #tpu.memory_space<vmem>>) offsets(%dma_start3A_533 : memref<128xi32, #tpu.memory_space<vmem>>) semaphore(%arg15 : memref<!tpu.dma_semaphore, #tpu.memory_space<semaphore_mem>>)
      %mul3A_537 = arith.constant 5 : i32
      %mul3A_538 = arith.muli %add3A_497, %mul3A_537 : i32
      %add3A_539 = arith.constant 3 : i32
      %add3A_540 = arith.addi %mul3A_538, %add3A_539 : i32
      %dma_start3A_541 = arith.constant 384 : i32
      %dma_start3A_542 = arith.constant 0 : i32
      %dma_start3A_543 = tpu.memref_slice %arg13[%dma_start3A_541, %dma_start3A_542] : memref<640x32xf32, #tpu.memory_space<vmem>> -> memref<128x32xf32, #tpu.memory_space<vmem>>
      %dma_start3A_544 = arith.constant 0 : i32
      %dma_start3A_545 = tpu.memref_slice %arg9[%add3A_540, %dma_start3A_544] : memref<50x128xi32, #tpu.memory_space<vmem>> -> memref<1x128xi32, #tpu.memory_space<vmem>>
      %dma_start3A_546 = tpu.memref_squeeze %dma_start3A_545 : memref<1x128xi32, #tpu.memory_space<vmem>> -> memref<128xi32, #tpu.memory_space<vmem>>
      %dma_start3A_547 = arith.constant 0 : i32
      %dma_start3A_548 = arith.constant 0 : i32
      %dma_start3A_549 = tpu.memref_slice %arg11[%dma_start3A_547, %dma_start3A_548] : memref<3x32xf32, #tpu.memory_space<vmem_shared>> -> memref<3x32xf32, #tpu.memory_space<vmem_shared>>
      tpu.enqueue_indirect_dma source(%dma_start3A_549 : memref<3x32xf32, #tpu.memory_space<vmem_shared>>) target(%dma_start3A_543 : memref<128x32xf32, #tpu.memory_space<vmem>>) offsets(%dma_start3A_546 : memref<128xi32, #tpu.memory_space<vmem>>) semaphore(%arg15 : memref<!tpu.dma_semaphore, #tpu.memory_space<semaphore_mem>>)
      %mul3A_550 = arith.constant 5 : i32
      %mul3A_551 = arith.muli %add3A_497, %mul3A_550 : i32
      %add3A_552 = arith.constant 4 : i32
      %add3A_553 = arith.addi %mul3A_551, %add3A_552 : i32
      %dma_start3A_554 = arith.constant 512 : i32
      %dma_start3A_555 = arith.constant 0 : i32
      %dma_start3A_556 = tpu.memref_slice %arg13[%dma_start3A_554, %dma_start3A_555] : memref<640x32xf32, #tpu.memory_space<vmem>> -> memref<128x32xf32, #tpu.memory_space<vmem>>
      %dma_start3A_557 = arith.constant 0 : i32
      %dma_start3A_558 = tpu.memref_slice %arg9[%add3A_553, %dma_start3A_557] : memref<50x128xi32, #tpu.memory_space<vmem>> -> memref<1x128xi32, #tpu.memory_space<vmem>>
      %dma_start3A_559 = tpu.memref_squeeze %dma_start3A_558 : memref<1x128xi32, #tpu.memory_space<vmem>> -> memref<128xi32, #tpu.memory_space<vmem>>
      %dma_start3A_560 = arith.constant 0 : i32
      %dma_start3A_561 = arith.constant 0 : i32
      %dma_start3A_562 = tpu.memref_slice %arg11[%dma_start3A_560, %dma_start3A_561] : memref<3x32xf32, #tpu.memory_space<vmem_shared>> -> memref<3x32xf32, #tpu.memory_space<vmem_shared>>
      tpu.enqueue_indirect_dma source(%dma_start3A_562 : memref<3x32xf32, #tpu.memory_space<vmem_shared>>) target(%dma_start3A_556 : memref<128x32xf32, #tpu.memory_space<vmem>>) offsets(%dma_start3A_559 : memref<128xi32, #tpu.memory_space<vmem>>) semaphore(%arg15 : memref<!tpu.dma_semaphore, #tpu.memory_space<semaphore_mem>>)
      %mul3A_563 = arith.constant 5 : i32
      %mul3A_564 = arith.muli %add3A_491, %mul3A_563 : i32
      %add3A_565 = arith.constant 0 : i32
      %add3A_566 = arith.addi %mul3A_564, %add3A_565 : i32
      %dma_wait3A_567 = arith.constant 0 : i32
      %dma_wait3A_568 = arith.constant 0 : i32
      %dma_wait3A_569 = tpu.memref_slice %arg12[%dma_wait3A_567, %dma_wait3A_568] : memref<640x32xf32, #tpu.memory_space<vmem>> -> memref<128x32xf32, #tpu.memory_space<vmem>>
      %dma_wait3A_570 = arith.constant 0 : i32
      %dma_wait3A_571 = tpu.memref_slice %arg9[%add3A_566, %dma_wait3A_570] : memref<50x128xi32, #tpu.memory_space<vmem>> -> memref<1x128xi32, #tpu.memory_space<vmem>>
      %dma_wait3A_572 = tpu.memref_squeeze %dma_wait3A_571 : memref<1x128xi32, #tpu.memory_space<vmem>> -> memref<128xi32, #tpu.memory_space<vmem>>
      %dma_wait3A_573 = arith.constant 0 : i32
      %dma_wait3A_574 = arith.constant 0 : i32
      %dma_wait3A_575 = tpu.memref_slice %arg11[%dma_wait3A_573, %dma_wait3A_574] : memref<3x32xf32, #tpu.memory_space<vmem_shared>> -> memref<3x32xf32, #tpu.memory_space<vmem_shared>>
      tpu.wait_indirect_dma semaphore(%arg14 : memref<!tpu.dma_semaphore, #tpu.memory_space<semaphore_mem>>) src(%dma_wait3A_575 : memref<3x32xf32, #tpu.memory_space<vmem_shared>>) dst(%dma_wait3A_569 : memref<128x32xf32, #tpu.memory_space<vmem>>)
      %mul3A_576 = arith.constant 5 : i32
      %mul3A_577 = arith.muli %add3A_491, %mul3A_576 : i32
      %add3A_578 = arith.constant 1 : i32
      %add3A_579 = arith.addi %mul3A_577, %add3A_578 : i32
      %dma_wait3A_580 = arith.constant 128 : i32
      %dma_wait3A_581 = arith.constant 0 : i32
      %dma_wait3A_582 = tpu.memref_slice %arg12[%dma_wait3A_580, %dma_wait3A_581] : memref<640x32xf32, #tpu.memory_space<vmem>> -> memref<128x32xf32, #tpu.memory_space<vmem>>
      %dma_wait3A_583 = arith.constant 0 : i32
      %dma_wait3A_584 = tpu.memref_slice %arg9[%add3A_579, %dma_wait3A_583] : memref<50x128xi32, #tpu.memory_space<vmem>> -> memref<1x128xi32, #tpu.memory_space<vmem>>
      %dma_wait3A_585 = tpu.memref_squeeze %dma_wait3A_584 : memref<1x128xi32, #tpu.memory_space<vmem>> -> memref<128xi32, #tpu.memory_space<vmem>>
      %dma_wait3A_586 = arith.constant 0 : i32
      %dma_wait3A_587 = arith.constant 0 : i32
      %dma_wait3A_588 = tpu.memref_slice %arg11[%dma_wait3A_586, %dma_wait3A_587] : memref<3x32xf32, #tpu.memory_space<vmem_shared>> -> memref<3x32xf32, #tpu.memory_space<vmem_shared>>
      tpu.wait_indirect_dma semaphore(%arg14 : memref<!tpu.dma_semaphore, #tpu.memory_space<semaphore_mem>>) src(%dma_wait3A_588 : memref<3x32xf32, #tpu.memory_space<vmem_shared>>) dst(%dma_wait3A_582 : memref<128x32xf32, #tpu.memory_space<vmem>>)
      %mul3A_589 = arith.constant 5 : i32
      %mul3A_590 = arith.muli %add3A_491, %mul3A_589 : i32
      %add3A_591 = arith.constant 2 : i32
      %add3A_592 = arith.addi %mul3A_590, %add3A_591 : i32
      %dma_wait3A_593 = arith.constant 256 : i32
      %dma_wait3A_594 = arith.constant 0 : i32
      %dma_wait3A_595 = tpu.memref_slice %arg12[%dma_wait3A_593, %dma_wait3A_594] : memref<640x32xf32, #tpu.memory_space<vmem>> -> memref<128x32xf32, #tpu.memory_space<vmem>>
      %dma_wait3A_596 = arith.constant 0 : i32
      %dma_wait3A_597 = tpu.memref_slice %arg9[%add3A_592, %dma_wait3A_596] : memref<50x128xi32, #tpu.memory_space<vmem>> -> memref<1x128xi32, #tpu.memory_space<vmem>>
      %dma_wait3A_598 = tpu.memref_squeeze %dma_wait3A_597 : memref<1x128xi32, #tpu.memory_space<vmem>> -> memref<128xi32, #tpu.memory_space<vmem>>
      %dma_wait3A_599 = arith.constant 0 : i32
      %dma_wait3A_600 = arith.constant 0 : i32
      %dma_wait3A_601 = tpu.memref_slice %arg11[%dma_wait3A_599, %dma_wait3A_600] : memref<3x32xf32, #tpu.memory_space<vmem_shared>> -> memref<3x32xf32, #tpu.memory_space<vmem_shared>>
      tpu.wait_indirect_dma semaphore(%arg14 : memref<!tpu.dma_semaphore, #tpu.memory_space<semaphore_mem>>) src(%dma_wait3A_601 : memref<3x32xf32, #tpu.memory_space<vmem_shared>>) dst(%dma_wait3A_595 : memref<128x32xf32, #tpu.memory_space<vmem>>)
      %mul3A_602 = arith.constant 5 : i32
      %mul3A_603 = arith.muli %add3A_491, %mul3A_602 : i32
      %add3A_604 = arith.constant 3 : i32
      %add3A_605 = arith.addi %mul3A_603, %add3A_604 : i32
      %dma_wait3A_606 = arith.constant 384 : i32
      %dma_wait3A_607 = arith.constant 0 : i32
      %dma_wait3A_608 = tpu.memref_slice %arg12[%dma_wait3A_606, %dma_wait3A_607] : memref<640x32xf32, #tpu.memory_space<vmem>> -> memref<128x32xf32, #tpu.memory_space<vmem>>
      %dma_wait3A_609 = arith.constant 0 : i32
      %dma_wait3A_610 = tpu.memref_slice %arg9[%add3A_605, %dma_wait3A_609] : memref<50x128xi32, #tpu.memory_space<vmem>> -> memref<1x128xi32, #tpu.memory_space<vmem>>
      %dma_wait3A_611 = tpu.memref_squeeze %dma_wait3A_610 : memref<1x128xi32, #tpu.memory_space<vmem>> -> memref<128xi32, #tpu.memory_space<vmem>>
      %dma_wait3A_612 = arith.constant 0 : i32
      %dma_wait3A_613 = arith.constant 0 : i32
      %dma_wait3A_614 = tpu.memref_slice %arg11[%dma_wait3A_612, %dma_wait3A_613] : memref<3x32xf32, #tpu.memory_space<vmem_shared>> -> memref<3x32xf32, #tpu.memory_space<vmem_shared>>
      tpu.wait_indirect_dma semaphore(%arg14 : memref<!tpu.dma_semaphore, #tpu.memory_space<semaphore_mem>>) src(%dma_wait3A_614 : memref<3x32xf32, #tpu.memory_space<vmem_shared>>) dst(%dma_wait3A_608 : memref<128x32xf32, #tpu.memory_space<vmem>>)
      %mul3A_615 = arith.constant 5 : i32
      %mul3A_616 = arith.muli %add3A_491, %mul3A_615 : i32
      %add3A_617 = arith.constant 4 : i32
      %add3A_618 = arith.addi %mul3A_616, %add3A_617 : i32
      %dma_wait3A_619 = arith.constant 512 : i32
      %dma_wait3A_620 = arith.constant 0 : i32
      %dma_wait3A_621 = tpu.memref_slice %arg12[%dma_wait3A_619, %dma_wait3A_620] : memref<640x32xf32, #tpu.memory_space<vmem>> -> memref<128x32xf32, #tpu.memory_space<vmem>>
      %dma_wait3A_622 = arith.constant 0 : i32
      %dma_wait3A_623 = tpu.memref_slice %arg9[%add3A_618, %dma_wait3A_622] : memref<50x128xi32, #tpu.memory_space<vmem>> -> memref<1x128xi32, #tpu.memory_space<vmem>>
      %dma_wait3A_624 = tpu.memref_squeeze %dma_wait3A_623 : memref<1x128xi32, #tpu.memory_space<vmem>> -> memref<128xi32, #tpu.memory_space<vmem>>
      %dma_wait3A_625 = arith.constant 0 : i32
      %dma_wait3A_626 = arith.constant 0 : i32
      %dma_wait3A_627 = tpu.memref_slice %arg11[%dma_wait3A_625, %dma_wait3A_626] : memref<3x32xf32, #tpu.memory_space<vmem_shared>> -> memref<3x32xf32, #tpu.memory_space<vmem_shared>>
      tpu.wait_indirect_dma semaphore(%arg14 : memref<!tpu.dma_semaphore, #tpu.memory_space<semaphore_mem>>) src(%dma_wait3A_627 : memref<3x32xf32, #tpu.memory_space<vmem_shared>>) dst(%dma_wait3A_621 : memref<128x32xf32, #tpu.memory_space<vmem>>)
      %mul3A_628 = arith.constant 640 : i32
      %mul3A_629 = arith.muli %add3A_491, %mul3A_628 : i32
      %add3A_630 = arith.addi %mul3A_34, %mul3A_629 : i32
      %dma_start3A_631 = tpu.memref_slice %arg7[%add3A_630, %mul3A_18] : memref<51200x128xf32, #tpu.memory_space<hbm>> -> memref<640x32xf32, #tpu.memory_space<hbm>>
      %dma_start3A_632 = tpu.memref_slice %arg7[%add3A_630, %mul3A_18] : memref<51200x128xf32, #tpu.memory_space<hbm>> -> memref<640x32xf32, #tpu.memory_space<hbm>>
      tpu.enqueue_dma source(%arg12 : memref<640x32xf32, #tpu.memory_space<vmem>>) target(%dma_start3A_632 : memref<640x32xf32, #tpu.memory_space<hbm>>) target_semaphore(%arg16 : memref<!tpu.dma_semaphore, #tpu.memory_space<semaphore_mem>>)
      %mul3A_633 = arith.constant 2 : i32
      %mul3A_634 = arith.muli %mul3A_633, %scan3A_487 : i32
      %add3A_635 = arith.constant 1 : i32
      %add3A_636 = arith.addi %mul3A_634, %add3A_635 : i32
      %sub3A_637 = arith.constant 1 : i32
      %sub3A_638 = arith.subi %add3A_636, %sub3A_637 : i32
      %mul3A_639 = arith.constant 640 : i32
      %mul3A_640 = arith.muli %sub3A_638, %mul3A_639 : i32
      %add3A_641 = arith.addi %mul3A_34, %mul3A_640 : i32
      %dma_wait3A_642 = tpu.memref_slice %arg7[%add3A_641, %mul3A_18] : memref<51200x128xf32, #tpu.memory_space<hbm>> -> memref<640x32xf32, #tpu.memory_space<hbm>>
      %dma_wait3A_643 = tpu.memref_slice %arg7[%add3A_641, %mul3A_18] : memref<51200x128xf32, #tpu.memory_space<hbm>> -> memref<640x32xf32, #tpu.memory_space<hbm>>
      tpu.wait_dma2 semaphore(%arg16 : memref<!tpu.dma_semaphore, #tpu.memory_space<semaphore_mem>>) src(%arg12 : memref<640x32xf32, #tpu.memory_space<vmem>>) dst(%dma_wait3A_643 : memref<640x32xf32, #tpu.memory_space<hbm>>)
      %add3A_644 = arith.constant 1 : i32
      %add3A_645 = arith.addi %add3A_636, %add3A_644 : i32
      %mul3A_646 = arith.constant 5 : i32
      %mul3A_647 = arith.muli %add3A_645, %mul3A_646 : i32
      %add3A_648 = arith.constant 0 : i32
      %add3A_649 = arith.addi %mul3A_647, %add3A_648 : i32
      %dma_start3A_650 = arith.constant 0 : i32
      %dma_start3A_651 = arith.constant 0 : i32
      %dma_start3A_652 = tpu.memref_slice %arg12[%dma_start3A_650, %dma_start3A_651] : memref<640x32xf32, #tpu.memory_space<vmem>> -> memref<128x32xf32, #tpu.memory_space<vmem>>
      %dma_start3A_653 = arith.constant 0 : i32
      %dma_start3A_654 = tpu.memref_slice %arg9[%add3A_649, %dma_start3A_653] : memref<50x128xi32, #tpu.memory_space<vmem>> -> memref<1x128xi32, #tpu.memory_space<vmem>>
      %dma_start3A_655 = tpu.memref_squeeze %dma_start3A_654 : memref<1x128xi32, #tpu.memory_space<vmem>> -> memref<128xi32, #tpu.memory_space<vmem>>
      %dma_start3A_656 = arith.constant 0 : i32
      %dma_start3A_657 = arith.constant 0 : i32
      %dma_start3A_658 = tpu.memref_slice %arg11[%dma_start3A_656, %dma_start3A_657] : memref<3x32xf32, #tpu.memory_space<vmem_shared>> -> memref<3x32xf32, #tpu.memory_space<vmem_shared>>
      tpu.enqueue_indirect_dma source(%dma_start3A_658 : memref<3x32xf32, #tpu.memory_space<vmem_shared>>) target(%dma_start3A_652 : memref<128x32xf32, #tpu.memory_space<vmem>>) offsets(%dma_start3A_655 : memref<128xi32, #tpu.memory_space<vmem>>) semaphore(%arg14 : memref<!tpu.dma_semaphore, #tpu.memory_space<semaphore_mem>>)
      %mul3A_659 = arith.constant 5 : i32
      %mul3A_660 = arith.muli %add3A_645, %mul3A_659 : i32
      %add3A_661 = arith.constant 1 : i32
      %add3A_662 = arith.addi %mul3A_660, %add3A_661 : i32
      %dma_start3A_663 = arith.constant 128 : i32
      %dma_start3A_664 = arith.constant 0 : i32
      %dma_start3A_665 = tpu.memref_slice %arg12[%dma_start3A_663, %dma_start3A_664] : memref<640x32xf32, #tpu.memory_space<vmem>> -> memref<128x32xf32, #tpu.memory_space<vmem>>
      %dma_start3A_666 = arith.constant 0 : i32
      %dma_start3A_667 = tpu.memref_slice %arg9[%add3A_662, %dma_start3A_666] : memref<50x128xi32, #tpu.memory_space<vmem>> -> memref<1x128xi32, #tpu.memory_space<vmem>>
      %dma_start3A_668 = tpu.memref_squeeze %dma_start3A_667 : memref<1x128xi32, #tpu.memory_space<vmem>> -> memref<128xi32, #tpu.memory_space<vmem>>
      %dma_start3A_669 = arith.constant 0 : i32
      %dma_start3A_670 = arith.constant 0 : i32
      %dma_start3A_671 = tpu.memref_slice %arg11[%dma_start3A_669, %dma_start3A_670] : memref<3x32xf32, #tpu.memory_space<vmem_shared>> -> memref<3x32xf32, #tpu.memory_space<vmem_shared>>
      tpu.enqueue_indirect_dma source(%dma_start3A_671 : memref<3x32xf32, #tpu.memory_space<vmem_shared>>) target(%dma_start3A_665 : memref<128x32xf32, #tpu.memory_space<vmem>>) offsets(%dma_start3A_668 : memref<128xi32, #tpu.memory_space<vmem>>) semaphore(%arg14 : memref<!tpu.dma_semaphore, #tpu.memory_space<semaphore_mem>>)
      %mul3A_672 = arith.constant 5 : i32
      %mul3A_673 = arith.muli %add3A_645, %mul3A_672 : i32
      %add3A_674 = arith.constant 2 : i32
      %add3A_675 = arith.addi %mul3A_673, %add3A_674 : i32
      %dma_start3A_676 = arith.constant 256 : i32
      %dma_start3A_677 = arith.constant 0 : i32
      %dma_start3A_678 = tpu.memref_slice %arg12[%dma_start3A_676, %dma_start3A_677] : memref<640x32xf32, #tpu.memory_space<vmem>> -> memref<128x32xf32, #tpu.memory_space<vmem>>
      %dma_start3A_679 = arith.constant 0 : i32
      %dma_start3A_680 = tpu.memref_slice %arg9[%add3A_675, %dma_start3A_679] : memref<50x128xi32, #tpu.memory_space<vmem>> -> memref<1x128xi32, #tpu.memory_space<vmem>>
      %dma_start3A_681 = tpu.memref_squeeze %dma_start3A_680 : memref<1x128xi32, #tpu.memory_space<vmem>> -> memref<128xi32, #tpu.memory_space<vmem>>
      %dma_start3A_682 = arith.constant 0 : i32
      %dma_start3A_683 = arith.constant 0 : i32
      %dma_start3A_684 = tpu.memref_slice %arg11[%dma_start3A_682, %dma_start3A_683] : memref<3x32xf32, #tpu.memory_space<vmem_shared>> -> memref<3x32xf32, #tpu.memory_space<vmem_shared>>
      tpu.enqueue_indirect_dma source(%dma_start3A_684 : memref<3x32xf32, #tpu.memory_space<vmem_shared>>) target(%dma_start3A_678 : memref<128x32xf32, #tpu.memory_space<vmem>>) offsets(%dma_start3A_681 : memref<128xi32, #tpu.memory_space<vmem>>) semaphore(%arg14 : memref<!tpu.dma_semaphore, #tpu.memory_space<semaphore_mem>>)
      %mul3A_685 = arith.constant 5 : i32
      %mul3A_686 = arith.muli %add3A_645, %mul3A_685 : i32
      %add3A_687 = arith.constant 3 : i32
      %add3A_688 = arith.addi %mul3A_686, %add3A_687 : i32
      %dma_start3A_689 = arith.constant 384 : i32
      %dma_start3A_690 = arith.constant 0 : i32
      %dma_start3A_691 = tpu.memref_slice %arg12[%dma_start3A_689, %dma_start3A_690] : memref<640x32xf32, #tpu.memory_space<vmem>> -> memref<128x32xf32, #tpu.memory_space<vmem>>
      %dma_start3A_692 = arith.constant 0 : i32
      %dma_start3A_693 = tpu.memref_slice %arg9[%add3A_688, %dma_start3A_692] : memref<50x128xi32, #tpu.memory_space<vmem>> -> memref<1x128xi32, #tpu.memory_space<vmem>>
      %dma_start3A_694 = tpu.memref_squeeze %dma_start3A_693 : memref<1x128xi32, #tpu.memory_space<vmem>> -> memref<128xi32, #tpu.memory_space<vmem>>
      %dma_start3A_695 = arith.constant 0 : i32
      %dma_start3A_696 = arith.constant 0 : i32
      %dma_start3A_697 = tpu.memref_slice %arg11[%dma_start3A_695, %dma_start3A_696] : memref<3x32xf32, #tpu.memory_space<vmem_shared>> -> memref<3x32xf32, #tpu.memory_space<vmem_shared>>
      tpu.enqueue_indirect_dma source(%dma_start3A_697 : memref<3x32xf32, #tpu.memory_space<vmem_shared>>) target(%dma_start3A_691 : memref<128x32xf32, #tpu.memory_space<vmem>>) offsets(%dma_start3A_694 : memref<128xi32, #tpu.memory_space<vmem>>) semaphore(%arg14 : memref<!tpu.dma_semaphore, #tpu.memory_space<semaphore_mem>>)
      %mul3A_698 = arith.constant 5 : i32
      %mul3A_699 = arith.muli %add3A_645, %mul3A_698 : i32
      %add3A_700 = arith.constant 4 : i32
      %add3A_701 = arith.addi %mul3A_699, %add3A_700 : i32
      %dma_start3A_702 = arith.constant 512 : i32
      %dma_start3A_703 = arith.constant 0 : i32
      %dma_start3A_704 = tpu.memref_slice %arg12[%dma_start3A_702, %dma_start3A_703] : memref<640x32xf32, #tpu.memory_space<vmem>> -> memref<128x32xf32, #tpu.memory_space<vmem>>
      %dma_start3A_705 = arith.constant 0 : i32
      %dma_start3A_706 = tpu.memref_slice %arg9[%add3A_701, %dma_start3A_705] : memref<50x128xi32, #tpu.memory_space<vmem>> -> memref<1x128xi32, #tpu.memory_space<vmem>>
      %dma_start3A_707 = tpu.memref_squeeze %dma_start3A_706 : memref<1x128xi32, #tpu.memory_space<vmem>> -> memref<128xi32, #tpu.memory_space<vmem>>
      %dma_start3A_708 = arith.constant 0 : i32
      %dma_start3A_709 = arith.constant 0 : i32
      %dma_start3A_710 = tpu.memref_slice %arg11[%dma_start3A_708, %dma_start3A_709] : memref<3x32xf32, #tpu.memory_space<vmem_shared>> -> memref<3x32xf32, #tpu.memory_space<vmem_shared>>
      tpu.enqueue_indirect_dma source(%dma_start3A_710 : memref<3x32xf32, #tpu.memory_space<vmem_shared>>) target(%dma_start3A_704 : memref<128x32xf32, #tpu.memory_space<vmem>>) offsets(%dma_start3A_707 : memref<128xi32, #tpu.memory_space<vmem>>) semaphore(%arg14 : memref<!tpu.dma_semaphore, #tpu.memory_space<semaphore_mem>>)
      %mul3A_711 = arith.constant 5 : i32
      %mul3A_712 = arith.muli %add3A_636, %mul3A_711 : i32
      %add3A_713 = arith.constant 0 : i32
      %add3A_714 = arith.addi %mul3A_712, %add3A_713 : i32
      %dma_wait3A_715 = arith.constant 0 : i32
      %dma_wait3A_716 = arith.constant 0 : i32
      %dma_wait3A_717 = tpu.memref_slice %arg13[%dma_wait3A_715, %dma_wait3A_716] : memref<640x32xf32, #tpu.memory_space<vmem>> -> memref<128x32xf32, #tpu.memory_space<vmem>>
      %dma_wait3A_718 = arith.constant 0 : i32
      %dma_wait3A_719 = tpu.memref_slice %arg9[%add3A_714, %dma_wait3A_718] : memref<50x128xi32, #tpu.memory_space<vmem>> -> memref<1x128xi32, #tpu.memory_space<vmem>>
      %dma_wait3A_720 = tpu.memref_squeeze %dma_wait3A_719 : memref<1x128xi32, #tpu.memory_space<vmem>> -> memref<128xi32, #tpu.memory_space<vmem>>
      %dma_wait3A_721 = arith.constant 0 : i32
      %dma_wait3A_722 = arith.constant 0 : i32
      %dma_wait3A_723 = tpu.memref_slice %arg11[%dma_wait3A_721, %dma_wait3A_722] : memref<3x32xf32, #tpu.memory_space<vmem_shared>> -> memref<3x32xf32, #tpu.memory_space<vmem_shared>>
      tpu.wait_indirect_dma semaphore(%arg15 : memref<!tpu.dma_semaphore, #tpu.memory_space<semaphore_mem>>) src(%dma_wait3A_723 : memref<3x32xf32, #tpu.memory_space<vmem_shared>>) dst(%dma_wait3A_717 : memref<128x32xf32, #tpu.memory_space<vmem>>)
      %mul3A_724 = arith.constant 5 : i32
      %mul3A_725 = arith.muli %add3A_636, %mul3A_724 : i32
      %add3A_726 = arith.constant 1 : i32
      %add3A_727 = arith.addi %mul3A_725, %add3A_726 : i32
      %dma_wait3A_728 = arith.constant 128 : i32
      %dma_wait3A_729 = arith.constant 0 : i32
      %dma_wait3A_730 = tpu.memref_slice %arg13[%dma_wait3A_728, %dma_wait3A_729] : memref<640x32xf32, #tpu.memory_space<vmem>> -> memref<128x32xf32, #tpu.memory_space<vmem>>
      %dma_wait3A_731 = arith.constant 0 : i32
      %dma_wait3A_732 = tpu.memref_slice %arg9[%add3A_727, %dma_wait3A_731] : memref<50x128xi32, #tpu.memory_space<vmem>> -> memref<1x128xi32, #tpu.memory_space<vmem>>
      %dma_wait3A_733 = tpu.memref_squeeze %dma_wait3A_732 : memref<1x128xi32, #tpu.memory_space<vmem>> -> memref<128xi32, #tpu.memory_space<vmem>>
      %dma_wait3A_734 = arith.constant 0 : i32
      %dma_wait3A_735 = arith.constant 0 : i32
      %dma_wait3A_736 = tpu.memref_slice %arg11[%dma_wait3A_734, %dma_wait3A_735] : memref<3x32xf32, #tpu.memory_space<vmem_shared>> -> memref<3x32xf32, #tpu.memory_space<vmem_shared>>
      tpu.wait_indirect_dma semaphore(%arg15 : memref<!tpu.dma_semaphore, #tpu.memory_space<semaphore_mem>>) src(%dma_wait3A_736 : memref<3x32xf32, #tpu.memory_space<vmem_shared>>) dst(%dma_wait3A_730 : memref<128x32xf32, #tpu.memory_space<vmem>>)
      %mul3A_737 = arith.constant 5 : i32
      %mul3A_738 = arith.muli %add3A_636, %mul3A_737 : i32
      %add3A_739 = arith.constant 2 : i32
      %add3A_740 = arith.addi %mul3A_738, %add3A_739 : i32
      %dma_wait3A_741 = arith.constant 256 : i32
      %dma_wait3A_742 = arith.constant 0 : i32
      %dma_wait3A_743 = tpu.memref_slice %arg13[%dma_wait3A_741, %dma_wait3A_742] : memref<640x32xf32, #tpu.memory_space<vmem>> -> memref<128x32xf32, #tpu.memory_space<vmem>>
      %dma_wait3A_744 = arith.constant 0 : i32
      %dma_wait3A_745 = tpu.memref_slice %arg9[%add3A_740, %dma_wait3A_744] : memref<50x128xi32, #tpu.memory_space<vmem>> -> memref<1x128xi32, #tpu.memory_space<vmem>>
      %dma_wait3A_746 = tpu.memref_squeeze %dma_wait3A_745 : memref<1x128xi32, #tpu.memory_space<vmem>> -> memref<128xi32, #tpu.memory_space<vmem>>
      %dma_wait3A_747 = arith.constant 0 : i32
      %dma_wait3A_748 = arith.constant 0 : i32
      %dma_wait3A_749 = tpu.memref_slice %arg11[%dma_wait3A_747, %dma_wait3A_748] : memref<3x32xf32, #tpu.memory_space<vmem_shared>> -> memref<3x32xf32, #tpu.memory_space<vmem_shared>>
      tpu.wait_indirect_dma semaphore(%arg15 : memref<!tpu.dma_semaphore, #tpu.memory_space<semaphore_mem>>) src(%dma_wait3A_749 : memref<3x32xf32, #tpu.memory_space<vmem_shared>>) dst(%dma_wait3A_743 : memref<128x32xf32, #tpu.memory_space<vmem>>)
      %mul3A_750 = arith.constant 5 : i32
      %mul3A_751 = arith.muli %add3A_636, %mul3A_750 : i32
      %add3A_752 = arith.constant 3 : i32
      %add3A_753 = arith.addi %mul3A_751, %add3A_752 : i32
      %dma_wait3A_754 = arith.constant 384 : i32
      %dma_wait3A_755 = arith.constant 0 : i32
      %dma_wait3A_756 = tpu.memref_slice %arg13[%dma_wait3A_754, %dma_wait3A_755] : memref<640x32xf32, #tpu.memory_space<vmem>> -> memref<128x32xf32, #tpu.memory_space<vmem>>
      %dma_wait3A_757 = arith.constant 0 : i32
      %dma_wait3A_758 = tpu.memref_slice %arg9[%add3A_753, %dma_wait3A_757] : memref<50x128xi32, #tpu.memory_space<vmem>> -> memref<1x128xi32, #tpu.memory_space<vmem>>
      %dma_wait3A_759 = tpu.memref_squeeze %dma_wait3A_758 : memref<1x128xi32, #tpu.memory_space<vmem>> -> memref<128xi32, #tpu.memory_space<vmem>>
      %dma_wait3A_760 = arith.constant 0 : i32
      %dma_wait3A_761 = arith.constant 0 : i32
      %dma_wait3A_762 = tpu.memref_slice %arg11[%dma_wait3A_760, %dma_wait3A_761] : memref<3x32xf32, #tpu.memory_space<vmem_shared>> -> memref<3x32xf32, #tpu.memory_space<vmem_shared>>
      tpu.wait_indirect_dma semaphore(%arg15 : memref<!tpu.dma_semaphore, #tpu.memory_space<semaphore_mem>>) src(%dma_wait3A_762 : memref<3x32xf32, #tpu.memory_space<vmem_shared>>) dst(%dma_wait3A_756 : memref<128x32xf32, #tpu.memory_space<vmem>>)
      %mul3A_763 = arith.constant 5 : i32
      %mul3A_764 = arith.muli %add3A_636, %mul3A_763 : i32
      %add3A_765 = arith.constant 4 : i32
      %add3A_766 = arith.addi %mul3A_764, %add3A_765 : i32
      %dma_wait3A_767 = arith.constant 512 : i32
      %dma_wait3A_768 = arith.constant 0 : i32
      %dma_wait3A_769 = tpu.memref_slice %arg13[%dma_wait3A_767, %dma_wait3A_768] : memref<640x32xf32, #tpu.memory_space<vmem>> -> memref<128x32xf32, #tpu.memory_space<vmem>>
      %dma_wait3A_770 = arith.constant 0 : i32
      %dma_wait3A_771 = tpu.memref_slice %arg9[%add3A_766, %dma_wait3A_770] : memref<50x128xi32, #tpu.memory_space<vmem>> -> memref<1x128xi32, #tpu.memory_space<vmem>>
      %dma_wait3A_772 = tpu.memref_squeeze %dma_wait3A_771 : memref<1x128xi32, #tpu.memory_space<vmem>> -> memref<128xi32, #tpu.memory_space<vmem>>
      %dma_wait3A_773 = arith.constant 0 : i32
      %dma_wait3A_774 = arith.constant 0 : i32
      %dma_wait3A_775 = tpu.memref_slice %arg11[%dma_wait3A_773, %dma_wait3A_774] : memref<3x32xf32, #tpu.memory_space<vmem_shared>> -> memref<3x32xf32, #tpu.memory_space<vmem_shared>>
      tpu.wait_indirect_dma semaphore(%arg15 : memref<!tpu.dma_semaphore, #tpu.memory_space<semaphore_mem>>) src(%dma_wait3A_775 : memref<3x32xf32, #tpu.memory_space<vmem_shared>>) dst(%dma_wait3A_769 : memref<128x32xf32, #tpu.memory_space<vmem>>)
      %mul3A_776 = arith.constant 640 : i32
      %mul3A_777 = arith.muli %add3A_636, %mul3A_776 : i32
      %add3A_778 = arith.addi %mul3A_34, %mul3A_777 : i32
      %dma_start3A_779 = tpu.memref_slice %arg7[%add3A_778, %mul3A_18] : memref<51200x128xf32, #tpu.memory_space<hbm>> -> memref<640x32xf32, #tpu.memory_space<hbm>>
      %dma_start3A_780 = tpu.memref_slice %arg7[%add3A_778, %mul3A_18] : memref<51200x128xf32, #tpu.memory_space<hbm>> -> memref<640x32xf32, #tpu.memory_space<hbm>>
      tpu.enqueue_dma source(%arg13 : memref<640x32xf32, #tpu.memory_space<vmem>>) target(%dma_start3A_780 : memref<640x32xf32, #tpu.memory_space<hbm>>) target_semaphore(%arg17 : memref<!tpu.dma_semaphore, #tpu.memory_space<semaphore_mem>>)
    }
    %scan3A_316 = arith.constant 4 : i32
    %add3A_317 = arith.constant 4480 : i32
    %add3A_318 = arith.addi %mul3A_34, %add3A_317 : i32
    %dma_wait3A_319 = tpu.memref_slice %arg7[%add3A_318, %mul3A_18] : memref<51200x128xf32, #tpu.memory_space<hbm>> -> memref<640x32xf32, #tpu.memory_space<hbm>>
    %dma_wait3A_320 = tpu.memref_slice %arg7[%add3A_318, %mul3A_18] : memref<51200x128xf32, #tpu.memory_space<hbm>> -> memref<640x32xf32, #tpu.memory_space<hbm>>
    tpu.wait_dma2 semaphore(%arg17 : memref<!tpu.dma_semaphore, #tpu.memory_space<semaphore_mem>>) src(%arg13 : memref<640x32xf32, #tpu.memory_space<vmem>>) dst(%dma_wait3A_320 : memref<640x32xf32, #tpu.memory_space<hbm>>)
    %dma_start3A_321 = arith.constant 45 : i32
    %dma_start3A_322 = arith.constant 0 : i32
    %dma_start3A_323 = arith.constant 0 : i32
    %dma_start3A_324 = tpu.memref_slice %arg13[%dma_start3A_322, %dma_start3A_323] : memref<640x32xf32, #tpu.memory_space<vmem>> -> memref<128x32xf32, #tpu.memory_space<vmem>>
    %dma_start3A_325 = arith.constant 0 : i32
    %dma_start3A_326 = tpu.memref_slice %arg9[%dma_start3A_321, %dma_start3A_325] : memref<50x128xi32, #tpu.memory_space<vmem>> -> memref<1x128xi32, #tpu.memory_space<vmem>>
    %dma_start3A_327 = tpu.memref_squeeze %dma_start3A_326 : memref<1x128xi32, #tpu.memory_space<vmem>> -> memref<128xi32, #tpu.memory_space<vmem>>
    %dma_start3A_328 = arith.constant 0 : i32
    %dma_start3A_329 = arith.constant 0 : i32
    %dma_start3A_330 = tpu.memref_slice %arg11[%dma_start3A_328, %dma_start3A_329] : memref<3x32xf32, #tpu.memory_space<vmem_shared>> -> memref<3x32xf32, #tpu.memory_space<vmem_shared>>
    tpu.enqueue_indirect_dma source(%dma_start3A_330 : memref<3x32xf32, #tpu.memory_space<vmem_shared>>) target(%dma_start3A_324 : memref<128x32xf32, #tpu.memory_space<vmem>>) offsets(%dma_start3A_327 : memref<128xi32, #tpu.memory_space<vmem>>) semaphore(%arg15 : memref<!tpu.dma_semaphore, #tpu.memory_space<semaphore_mem>>)
    %dma_start3A_331 = arith.constant 46 : i32
    %dma_start3A_332 = arith.constant 128 : i32
    %dma_start3A_333 = arith.constant 0 : i32
    %dma_start3A_334 = tpu.memref_slice %arg13[%dma_start3A_332, %dma_start3A_333] : memref<640x32xf32, #tpu.memory_space<vmem>> -> memref<128x32xf32, #tpu.memory_space<vmem>>
    %dma_start3A_335 = arith.constant 0 : i32
    %dma_start3A_336 = tpu.memref_slice %arg9[%dma_start3A_331, %dma_start3A_335] : memref<50x128xi32, #tpu.memory_space<vmem>> -> memref<1x128xi32, #tpu.memory_space<vmem>>
    %dma_start3A_337 = tpu.memref_squeeze %dma_start3A_336 : memref<1x128xi32, #tpu.memory_space<vmem>> -> memref<128xi32, #tpu.memory_space<vmem>>
    %dma_start3A_338 = arith.constant 0 : i32
    %dma_start3A_339 = arith.constant 0 : i32
    %dma_start3A_340 = tpu.memref_slice %arg11[%dma_start3A_338, %dma_start3A_339] : memref<3x32xf32, #tpu.memory_space<vmem_shared>> -> memref<3x32xf32, #tpu.memory_space<vmem_shared>>
    tpu.enqueue_indirect_dma source(%dma_start3A_340 : memref<3x32xf32, #tpu.memory_space<vmem_shared>>) target(%dma_start3A_334 : memref<128x32xf32, #tpu.memory_space<vmem>>) offsets(%dma_start3A_337 : memref<128xi32, #tpu.memory_space<vmem>>) semaphore(%arg15 : memref<!tpu.dma_semaphore, #tpu.memory_space<semaphore_mem>>)
    %dma_start3A_341 = arith.constant 47 : i32
    %dma_start3A_342 = arith.constant 256 : i32
    %dma_start3A_343 = arith.constant 0 : i32
    %dma_start3A_344 = tpu.memref_slice %arg13[%dma_start3A_342, %dma_start3A_343] : memref<640x32xf32, #tpu.memory_space<vmem>> -> memref<128x32xf32, #tpu.memory_space<vmem>>
    %dma_start3A_345 = arith.constant 0 : i32
    %dma_start3A_346 = tpu.memref_slice %arg9[%dma_start3A_341, %dma_start3A_345] : memref<50x128xi32, #tpu.memory_space<vmem>> -> memref<1x128xi32, #tpu.memory_space<vmem>>
    %dma_start3A_347 = tpu.memref_squeeze %dma_start3A_346 : memref<1x128xi32, #tpu.memory_space<vmem>> -> memref<128xi32, #tpu.memory_space<vmem>>
    %dma_start3A_348 = arith.constant 0 : i32
    %dma_start3A_349 = arith.constant 0 : i32
    %dma_start3A_350 = tpu.memref_slice %arg11[%dma_start3A_348, %dma_start3A_349] : memref<3x32xf32, #tpu.memory_space<vmem_shared>> -> memref<3x32xf32, #tpu.memory_space<vmem_shared>>
    tpu.enqueue_indirect_dma source(%dma_start3A_350 : memref<3x32xf32, #tpu.memory_space<vmem_shared>>) target(%dma_start3A_344 : memref<128x32xf32, #tpu.memory_space<vmem>>) offsets(%dma_start3A_347 : memref<128xi32, #tpu.memory_space<vmem>>) semaphore(%arg15 : memref<!tpu.dma_semaphore, #tpu.memory_space<semaphore_mem>>)
    %dma_start3A_351 = arith.constant 48 : i32
    %dma_start3A_352 = arith.constant 384 : i32
    %dma_start3A_353 = arith.constant 0 : i32
    %dma_start3A_354 = tpu.memref_slice %arg13[%dma_start3A_352, %dma_start3A_353] : memref<640x32xf32, #tpu.memory_space<vmem>> -> memref<128x32xf32, #tpu.memory_space<vmem>>
    %dma_start3A_355 = arith.constant 0 : i32
    %dma_start3A_356 = tpu.memref_slice %arg9[%dma_start3A_351, %dma_start3A_355] : memref<50x128xi32, #tpu.memory_space<vmem>> -> memref<1x128xi32, #tpu.memory_space<vmem>>
    %dma_start3A_357 = tpu.memref_squeeze %dma_start3A_356 : memref<1x128xi32, #tpu.memory_space<vmem>> -> memref<128xi32, #tpu.memory_space<vmem>>
    %dma_start3A_358 = arith.constant 0 : i32
    %dma_start3A_359 = arith.constant 0 : i32
    %dma_start3A_360 = tpu.memref_slice %arg11[%dma_start3A_358, %dma_start3A_359] : memref<3x32xf32, #tpu.memory_space<vmem_shared>> -> memref<3x32xf32, #tpu.memory_space<vmem_shared>>
    tpu.enqueue_indirect_dma source(%dma_start3A_360 : memref<3x32xf32, #tpu.memory_space<vmem_shared>>) target(%dma_start3A_354 : memref<128x32xf32, #tpu.memory_space<vmem>>) offsets(%dma_start3A_357 : memref<128xi32, #tpu.memory_space<vmem>>) semaphore(%arg15 : memref<!tpu.dma_semaphore, #tpu.memory_space<semaphore_mem>>)
    %dma_start3A_361 = arith.constant 49 : i32
    %dma_start3A_362 = arith.constant 512 : i32
    %dma_start3A_363 = arith.constant 0 : i32
    %dma_start3A_364 = tpu.memref_slice %arg13[%dma_start3A_362, %dma_start3A_363] : memref<640x32xf32, #tpu.memory_space<vmem>> -> memref<128x32xf32, #tpu.memory_space<vmem>>
    %dma_start3A_365 = arith.constant 0 : i32
    %dma_start3A_366 = tpu.memref_slice %arg9[%dma_start3A_361, %dma_start3A_365] : memref<50x128xi32, #tpu.memory_space<vmem>> -> memref<1x128xi32, #tpu.memory_space<vmem>>
    %dma_start3A_367 = tpu.memref_squeeze %dma_start3A_366 : memref<1x128xi32, #tpu.memory_space<vmem>> -> memref<128xi32, #tpu.memory_space<vmem>>
    %dma_start3A_368 = arith.constant 0 : i32
    %dma_start3A_369 = arith.constant 0 : i32
    %dma_start3A_370 = tpu.memref_slice %arg11[%dma_start3A_368, %dma_start3A_369] : memref<3x32xf32, #tpu.memory_space<vmem_shared>> -> memref<3x32xf32, #tpu.memory_space<vmem_shared>>
    tpu.enqueue_indirect_dma source(%dma_start3A_370 : memref<3x32xf32, #tpu.memory_space<vmem_shared>>) target(%dma_start3A_364 : memref<128x32xf32, #tpu.memory_space<vmem>>) offsets(%dma_start3A_367 : memref<128xi32, #tpu.memory_space<vmem>>) semaphore(%arg15 : memref<!tpu.dma_semaphore, #tpu.memory_space<semaphore_mem>>)
    %dma_wait3A_371 = arith.constant 40 : i32
    %dma_wait3A_372 = arith.constant 0 : i32
    %dma_wait3A_373 = arith.constant 0 : i32
    %dma_wait3A_374 = tpu.memref_slice %arg12[%dma_wait3A_372, %dma_wait3A_373] : memref<640x32xf32, #tpu.memory_space<vmem>> -> memref<128x32xf32, #tpu.memory_space<vmem>>
    %dma_wait3A_375 = arith.constant 0 : i32
    %dma_wait3A_376 = tpu.memref_slice %arg9[%dma_wait3A_371, %dma_wait3A_375] : memref<50x128xi32, #tpu.memory_space<vmem>> -> memref<1x128xi32, #tpu.memory_space<vmem>>
    %dma_wait3A_377 = tpu.memref_squeeze %dma_wait3A_376 : memref<1x128xi32, #tpu.memory_space<vmem>> -> memref<128xi32, #tpu.memory_space<vmem>>
    %dma_wait3A_378 = arith.constant 0 : i32
    %dma_wait3A_379 = arith.constant 0 : i32
    %dma_wait3A_380 = tpu.memref_slice %arg11[%dma_wait3A_378, %dma_wait3A_379] : memref<3x32xf32, #tpu.memory_space<vmem_shared>> -> memref<3x32xf32, #tpu.memory_space<vmem_shared>>
    tpu.wait_indirect_dma semaphore(%arg14 : memref<!tpu.dma_semaphore, #tpu.memory_space<semaphore_mem>>) src(%dma_wait3A_380 : memref<3x32xf32, #tpu.memory_space<vmem_shared>>) dst(%dma_wait3A_374 : memref<128x32xf32, #tpu.memory_space<vmem>>)
    %dma_wait3A_381 = arith.constant 41 : i32
    %dma_wait3A_382 = arith.constant 128 : i32
    %dma_wait3A_383 = arith.constant 0 : i32
    %dma_wait3A_384 = tpu.memref_slice %arg12[%dma_wait3A_382, %dma_wait3A_383] : memref<640x32xf32, #tpu.memory_space<vmem>> -> memref<128x32xf32, #tpu.memory_space<vmem>>
    %dma_wait3A_385 = arith.constant 0 : i32
    %dma_wait3A_386 = tpu.memref_slice %arg9[%dma_wait3A_381, %dma_wait3A_385] : memref<50x128xi32, #tpu.memory_space<vmem>> -> memref<1x128xi32, #tpu.memory_space<vmem>>
    %dma_wait3A_387 = tpu.memref_squeeze %dma_wait3A_386 : memref<1x128xi32, #tpu.memory_space<vmem>> -> memref<128xi32, #tpu.memory_space<vmem>>
    %dma_wait3A_388 = arith.constant 0 : i32
    %dma_wait3A_389 = arith.constant 0 : i32
    %dma_wait3A_390 = tpu.memref_slice %arg11[%dma_wait3A_388, %dma_wait3A_389] : memref<3x32xf32, #tpu.memory_space<vmem_shared>> -> memref<3x32xf32, #tpu.memory_space<vmem_shared>>
    tpu.wait_indirect_dma semaphore(%arg14 : memref<!tpu.dma_semaphore, #tpu.memory_space<semaphore_mem>>) src(%dma_wait3A_390 : memref<3x32xf32, #tpu.memory_space<vmem_shared>>) dst(%dma_wait3A_384 : memref<128x32xf32, #tpu.memory_space<vmem>>)
    %dma_wait3A_391 = arith.constant 42 : i32
    %dma_wait3A_392 = arith.constant 256 : i32
    %dma_wait3A_393 = arith.constant 0 : i32
    %dma_wait3A_394 = tpu.memref_slice %arg12[%dma_wait3A_392, %dma_wait3A_393] : memref<640x32xf32, #tpu.memory_space<vmem>> -> memref<128x32xf32, #tpu.memory_space<vmem>>
    %dma_wait3A_395 = arith.constant 0 : i32
    %dma_wait3A_396 = tpu.memref_slice %arg9[%dma_wait3A_391, %dma_wait3A_395] : memref<50x128xi32, #tpu.memory_space<vmem>> -> memref<1x128xi32, #tpu.memory_space<vmem>>
    %dma_wait3A_397 = tpu.memref_squeeze %dma_wait3A_396 : memref<1x128xi32, #tpu.memory_space<vmem>> -> memref<128xi32, #tpu.memory_space<vmem>>
    %dma_wait3A_398 = arith.constant 0 : i32
    %dma_wait3A_399 = arith.constant 0 : i32
    %dma_wait3A_400 = tpu.memref_slice %arg11[%dma_wait3A_398, %dma_wait3A_399] : memref<3x32xf32, #tpu.memory_space<vmem_shared>> -> memref<3x32xf32, #tpu.memory_space<vmem_shared>>
    tpu.wait_indirect_dma semaphore(%arg14 : memref<!tpu.dma_semaphore, #tpu.memory_space<semaphore_mem>>) src(%dma_wait3A_400 : memref<3x32xf32, #tpu.memory_space<vmem_shared>>) dst(%dma_wait3A_394 : memref<128x32xf32, #tpu.memory_space<vmem>>)
    %dma_wait3A_401 = arith.constant 43 : i32
    %dma_wait3A_402 = arith.constant 384 : i32
    %dma_wait3A_403 = arith.constant 0 : i32
    %dma_wait3A_404 = tpu.memref_slice %arg12[%dma_wait3A_402, %dma_wait3A_403] : memref<640x32xf32, #tpu.memory_space<vmem>> -> memref<128x32xf32, #tpu.memory_space<vmem>>
    %dma_wait3A_405 = arith.constant 0 : i32
    %dma_wait3A_406 = tpu.memref_slice %arg9[%dma_wait3A_401, %dma_wait3A_405] : memref<50x128xi32, #tpu.memory_space<vmem>> -> memref<1x128xi32, #tpu.memory_space<vmem>>
    %dma_wait3A_407 = tpu.memref_squeeze %dma_wait3A_406 : memref<1x128xi32, #tpu.memory_space<vmem>> -> memref<128xi32, #tpu.memory_space<vmem>>
    %dma_wait3A_408 = arith.constant 0 : i32
    %dma_wait3A_409 = arith.constant 0 : i32
    %dma_wait3A_410 = tpu.memref_slice %arg11[%dma_wait3A_408, %dma_wait3A_409] : memref<3x32xf32, #tpu.memory_space<vmem_shared>> -> memref<3x32xf32, #tpu.memory_space<vmem_shared>>
    tpu.wait_indirect_dma semaphore(%arg14 : memref<!tpu.dma_semaphore, #tpu.memory_space<semaphore_mem>>) src(%dma_wait3A_410 : memref<3x32xf32, #tpu.memory_space<vmem_shared>>) dst(%dma_wait3A_404 : memref<128x32xf32, #tpu.memory_space<vmem>>)
    %dma_wait3A_411 = arith.constant 44 : i32
    %dma_wait3A_412 = arith.constant 512 : i32
    %dma_wait3A_413 = arith.constant 0 : i32
    %dma_wait3A_414 = tpu.memref_slice %arg12[%dma_wait3A_412, %dma_wait3A_413] : memref<640x32xf32, #tpu.memory_space<vmem>> -> memref<128x32xf32, #tpu.memory_space<vmem>>
    %dma_wait3A_415 = arith.constant 0 : i32
    %dma_wait3A_416 = tpu.memref_slice %arg9[%dma_wait3A_411, %dma_wait3A_415] : memref<50x128xi32, #tpu.memory_space<vmem>> -> memref<1x128xi32, #tpu.memory_space<vmem>>
    %dma_wait3A_417 = tpu.memref_squeeze %dma_wait3A_416 : memref<1x128xi32, #tpu.memory_space<vmem>> -> memref<128xi32, #tpu.memory_space<vmem>>
    %dma_wait3A_418 = arith.constant 0 : i32
    %dma_wait3A_419 = arith.constant 0 : i32
    %dma_wait3A_420 = tpu.memref_slice %arg11[%dma_wait3A_418, %dma_wait3A_419] : memref<3x32xf32, #tpu.memory_space<vmem_shared>> -> memref<3x32xf32, #tpu.memory_space<vmem_shared>>
    tpu.wait_indirect_dma semaphore(%arg14 : memref<!tpu.dma_semaphore, #tpu.memory_space<semaphore_mem>>) src(%dma_wait3A_420 : memref<3x32xf32, #tpu.memory_space<vmem_shared>>) dst(%dma_wait3A_414 : memref<128x32xf32, #tpu.memory_space<vmem>>)
    %add3A_421 = arith.constant 5120 : i32
    %add3A_422 = arith.addi %mul3A_34, %add3A_421 : i32
    %dma_start3A_423 = tpu.memref_slice %arg7[%add3A_422, %mul3A_18] : memref<51200x128xf32, #tpu.memory_space<hbm>> -> memref<640x32xf32, #tpu.memory_space<hbm>>
    %dma_start3A_424 = tpu.memref_slice %arg7[%add3A_422, %mul3A_18] : memref<51200x128xf32, #tpu.memory_space<hbm>> -> memref<640x32xf32, #tpu.memory_space<hbm>>
    tpu.enqueue_dma source(%arg12 : memref<640x32xf32, #tpu.memory_space<vmem>>) target(%dma_start3A_424 : memref<640x32xf32, #tpu.memory_space<hbm>>) target_semaphore(%arg16 : memref<!tpu.dma_semaphore, #tpu.memory_space<semaphore_mem>>)
    %dma_wait3A_425 = arith.constant 45 : i32
    %dma_wait3A_426 = arith.constant 0 : i32
    %dma_wait3A_427 = arith.constant 0 : i32
    %dma_wait3A_428 = tpu.memref_slice %arg13[%dma_wait3A_426, %dma_wait3A_427] : memref<640x32xf32, #tpu.memory_space<vmem>> -> memref<128x32xf32, #tpu.memory_space<vmem>>
    %dma_wait3A_429 = arith.constant 0 : i32
    %dma_wait3A_430 = tpu.memref_slice %arg9[%dma_wait3A_425, %dma_wait3A_429] : memref<50x128xi32, #tpu.memory_space<vmem>> -> memref<1x128xi32, #tpu.memory_space<vmem>>
    %dma_wait3A_431 = tpu.memref_squeeze %dma_wait3A_430 : memref<1x128xi32, #tpu.memory_space<vmem>> -> memref<128xi32, #tpu.memory_space<vmem>>
    %dma_wait3A_432 = arith.constant 0 : i32
    %dma_wait3A_433 = arith.constant 0 : i32
    %dma_wait3A_434 = tpu.memref_slice %arg11[%dma_wait3A_432, %dma_wait3A_433] : memref<3x32xf32, #tpu.memory_space<vmem_shared>> -> memref<3x32xf32, #tpu.memory_space<vmem_shared>>
    tpu.wait_indirect_dma semaphore(%arg15 : memref<!tpu.dma_semaphore, #tpu.memory_space<semaphore_mem>>) src(%dma_wait3A_434 : memref<3x32xf32, #tpu.memory_space<vmem_shared>>) dst(%dma_wait3A_428 : memref<128x32xf32, #tpu.memory_space<vmem>>)
    %dma_wait3A_435 = arith.constant 46 : i32
    %dma_wait3A_436 = arith.constant 128 : i32
    %dma_wait3A_437 = arith.constant 0 : i32
    %dma_wait3A_438 = tpu.memref_slice %arg13[%dma_wait3A_436, %dma_wait3A_437] : memref<640x32xf32, #tpu.memory_space<vmem>> -> memref<128x32xf32, #tpu.memory_space<vmem>>
    %dma_wait3A_439 = arith.constant 0 : i32
    %dma_wait3A_440 = tpu.memref_slice %arg9[%dma_wait3A_435, %dma_wait3A_439] : memref<50x128xi32, #tpu.memory_space<vmem>> -> memref<1x128xi32, #tpu.memory_space<vmem>>
    %dma_wait3A_441 = tpu.memref_squeeze %dma_wait3A_440 : memref<1x128xi32, #tpu.memory_space<vmem>> -> memref<128xi32, #tpu.memory_space<vmem>>
    %dma_wait3A_442 = arith.constant 0 : i32
    %dma_wait3A_443 = arith.constant 0 : i32
    %dma_wait3A_444 = tpu.memref_slice %arg11[%dma_wait3A_442, %dma_wait3A_443] : memref<3x32xf32, #tpu.memory_space<vmem_shared>> -> memref<3x32xf32, #tpu.memory_space<vmem_shared>>
    tpu.wait_indirect_dma semaphore(%arg15 : memref<!tpu.dma_semaphore, #tpu.memory_space<semaphore_mem>>) src(%dma_wait3A_444 : memref<3x32xf32, #tpu.memory_space<vmem_shared>>) dst(%dma_wait3A_438 : memref<128x32xf32, #tpu.memory_space<vmem>>)
    %dma_wait3A_445 = arith.constant 47 : i32
    %dma_wait3A_446 = arith.constant 256 : i32
    %dma_wait3A_447 = arith.constant 0 : i32
    %dma_wait3A_448 = tpu.memref_slice %arg13[%dma_wait3A_446, %dma_wait3A_447] : memref<640x32xf32, #tpu.memory_space<vmem>> -> memref<128x32xf32, #tpu.memory_space<vmem>>
    %dma_wait3A_449 = arith.constant 0 : i32
    %dma_wait3A_450 = tpu.memref_slice %arg9[%dma_wait3A_445, %dma_wait3A_449] : memref<50x128xi32, #tpu.memory_space<vmem>> -> memref<1x128xi32, #tpu.memory_space<vmem>>
    %dma_wait3A_451 = tpu.memref_squeeze %dma_wait3A_450 : memref<1x128xi32, #tpu.memory_space<vmem>> -> memref<128xi32, #tpu.memory_space<vmem>>
    %dma_wait3A_452 = arith.constant 0 : i32
    %dma_wait3A_453 = arith.constant 0 : i32
    %dma_wait3A_454 = tpu.memref_slice %arg11[%dma_wait3A_452, %dma_wait3A_453] : memref<3x32xf32, #tpu.memory_space<vmem_shared>> -> memref<3x32xf32, #tpu.memory_space<vmem_shared>>
    tpu.wait_indirect_dma semaphore(%arg15 : memref<!tpu.dma_semaphore, #tpu.memory_space<semaphore_mem>>) src(%dma_wait3A_454 : memref<3x32xf32, #tpu.memory_space<vmem_shared>>) dst(%dma_wait3A_448 : memref<128x32xf32, #tpu.memory_space<vmem>>)
    %dma_wait3A_455 = arith.constant 48 : i32
    %dma_wait3A_456 = arith.constant 384 : i32
    %dma_wait3A_457 = arith.constant 0 : i32
    %dma_wait3A_458 = tpu.memref_slice %arg13[%dma_wait3A_456, %dma_wait3A_457] : memref<640x32xf32, #tpu.memory_space<vmem>> -> memref<128x32xf32, #tpu.memory_space<vmem>>
    %dma_wait3A_459 = arith.constant 0 : i32
    %dma_wait3A_460 = tpu.memref_slice %arg9[%dma_wait3A_455, %dma_wait3A_459] : memref<50x128xi32, #tpu.memory_space<vmem>> -> memref<1x128xi32, #tpu.memory_space<vmem>>
    %dma_wait3A_461 = tpu.memref_squeeze %dma_wait3A_460 : memref<1x128xi32, #tpu.memory_space<vmem>> -> memref<128xi32, #tpu.memory_space<vmem>>
    %dma_wait3A_462 = arith.constant 0 : i32
    %dma_wait3A_463 = arith.constant 0 : i32
    %dma_wait3A_464 = tpu.memref_slice %arg11[%dma_wait3A_462, %dma_wait3A_463] : memref<3x32xf32, #tpu.memory_space<vmem_shared>> -> memref<3x32xf32, #tpu.memory_space<vmem_shared>>
    tpu.wait_indirect_dma semaphore(%arg15 : memref<!tpu.dma_semaphore, #tpu.memory_space<semaphore_mem>>) src(%dma_wait3A_464 : memref<3x32xf32, #tpu.memory_space<vmem_shared>>) dst(%dma_wait3A_458 : memref<128x32xf32, #tpu.memory_space<vmem>>)
    %dma_wait3A_465 = arith.constant 49 : i32
    %dma_wait3A_466 = arith.constant 512 : i32
    %dma_wait3A_467 = arith.constant 0 : i32
    %dma_wait3A_468 = tpu.memref_slice %arg13[%dma_wait3A_466, %dma_wait3A_467] : memref<640x32xf32, #tpu.memory_space<vmem>> -> memref<128x32xf32, #tpu.memory_space<vmem>>
    %dma_wait3A_469 = arith.constant 0 : i32
    %dma_wait3A_470 = tpu.memref_slice %arg9[%dma_wait3A_465, %dma_wait3A_469] : memref<50x128xi32, #tpu.memory_space<vmem>> -> memref<1x128xi32, #tpu.memory_space<vmem>>
    %dma_wait3A_471 = tpu.memref_squeeze %dma_wait3A_470 : memref<1x128xi32, #tpu.memory_space<vmem>> -> memref<128xi32, #tpu.memory_space<vmem>>
    %dma_wait3A_472 = arith.constant 0 : i32
    %dma_wait3A_473 = arith.constant 0 : i32
    %dma_wait3A_474 = tpu.memref_slice %arg11[%dma_wait3A_472, %dma_wait3A_473] : memref<3x32xf32, #tpu.memory_space<vmem_shared>> -> memref<3x32xf32, #tpu.memory_space<vmem_shared>>
    tpu.wait_indirect_dma semaphore(%arg15 : memref<!tpu.dma_semaphore, #tpu.memory_space<semaphore_mem>>) src(%dma_wait3A_474 : memref<3x32xf32, #tpu.memory_space<vmem_shared>>) dst(%dma_wait3A_468 : memref<128x32xf32, #tpu.memory_space<vmem>>)
    %add3A_475 = arith.constant 5760 : i32
    %add3A_476 = arith.addi %mul3A_34, %add3A_475 : i32
    %dma_start3A_477 = tpu.memref_slice %arg7[%add3A_476, %mul3A_18] : memref<51200x128xf32, #tpu.memory_space<hbm>> -> memref<640x32xf32, #tpu.memory_space<hbm>>
    %dma_start3A_478 = tpu.memref_slice %arg7[%add3A_476, %mul3A_18] : memref<51200x128xf32, #tpu.memory_space<hbm>> -> memref<640x32xf32, #tpu.memory_space<hbm>>
    tpu.enqueue_dma source(%arg13 : memref<640x32xf32, #tpu.memory_space<vmem>>) target(%dma_start3A_478 : memref<640x32xf32, #tpu.memory_space<hbm>>) target_semaphore(%arg17 : memref<!tpu.dma_semaphore, #tpu.memory_space<semaphore_mem>>)
    %add3A_479 = arith.constant 5120 : i32
    %add3A_480 = arith.addi %mul3A_34, %add3A_479 : i32
    %dma_wait3A_481 = tpu.memref_slice %arg7[%add3A_480, %mul3A_18] : memref<51200x128xf32, #tpu.memory_space<hbm>> -> memref<640x32xf32, #tpu.memory_space<hbm>>
    %dma_wait3A_482 = tpu.memref_slice %arg7[%add3A_480, %mul3A_18] : memref<51200x128xf32, #tpu.memory_space<hbm>> -> memref<640x32xf32, #tpu.memory_space<hbm>>
    tpu.wait_dma2 semaphore(%arg16 : memref<!tpu.dma_semaphore, #tpu.memory_space<semaphore_mem>>) src(%arg12 : memref<640x32xf32, #tpu.memory_space<vmem>>) dst(%dma_wait3A_482 : memref<640x32xf32, #tpu.memory_space<hbm>>)
    %add3A_483 = arith.constant 5760 : i32
    %add3A_484 = arith.addi %mul3A_34, %add3A_483 : i32
    %dma_wait3A_485 = tpu.memref_slice %arg7[%add3A_484, %mul3A_18] : memref<51200x128xf32, #tpu.memory_space<hbm>> -> memref<640x32xf32, #tpu.memory_space<hbm>>
    %dma_wait3A_486 = tpu.memref_slice %arg7[%add3A_484, %mul3A_18] : memref<51200x128xf32, #tpu.memory_space<hbm>> -> memref<640x32xf32, #tpu.memory_space<hbm>>
    tpu.wait_dma2 semaphore(%arg17 : memref<!tpu.dma_semaphore, #tpu.memory_space<semaphore_mem>>) src(%arg13 : memref<640x32xf32, #tpu.memory_space<vmem>>) dst(%dma_wait3A_486 : memref<640x32xf32, #tpu.memory_space<hbm>>)
    return
  }
}

module attributes {stable_mosaic.version = 14 : i64} {
  func.func @_tr_body(%arg0: i32, %arg1: memref<32x16384xf32, #tpu.memory_space<vmem>>, %arg2: memref<128x128xf32, #tpu.memory_space<vmem>>, %arg3: memref<4096x128xf32, #tpu.memory_space<vmem>>) attributes {dimension_semantics = [#tpu.dimension_semantics<arbitrary>], iteration_bounds = array<i64: 7>, scalar_prefetch = 0 : i64, scratch_operands = 0 : i64, tpu.core_type = #tpu.core_type<tc>, window_params = [{transform_indices = @transform_0, window_bounds = array<i64: 32, 16384>}, {pipeline_mode = #tpu.pipeline_mode<synchronous>, transform_indices = @transform_1, window_bounds = array<i64: 128, 128>}, {transform_indices = @transform_2, window_bounds = array<i64: 4096, 128>}]} {
    %get3A = arith.constant 0 : index
    %get3A_0 = arith.constant 0 : index
    %get3A_1 = vector.load %arg1[%get3A, %get3A_0] : memref<32x16384xf32, #tpu.memory_space<vmem>>, vector<32x16384xf32>
    %slice3A = vector.extract_strided_slice %get3A_1 {offsets = [0, 0], sizes = [32, 4096], strides = [1, 1]} : vector<32x16384xf32> to vector<32x4096xf32>
    %slice3A_2 = vector.extract_strided_slice %get3A_1 {offsets = [0, 4096], sizes = [32, 4096], strides = [1, 1]} : vector<32x16384xf32> to vector<32x4096xf32>
    %slice3A_3 = vector.extract_strided_slice %get3A_1 {offsets = [0, 8192], sizes = [32, 4096], strides = [1, 1]} : vector<32x16384xf32> to vector<32x4096xf32>
    %slice3A_4 = vector.extract_strided_slice %get3A_1 {offsets = [0, 12288], sizes = [32, 4096], strides = [1, 1]} : vector<32x16384xf32> to vector<32x4096xf32>
    %concatenate3A = tpu.concatenate %slice3A, %slice3A_2, %slice3A_3, %slice3A_4 in 0 : vector<32x4096xf32>, vector<32x4096xf32>, vector<32x4096xf32>, vector<32x4096xf32> -> vector<128x4096xf32>
    %get3A_5 = arith.constant 0 : index
    %get3A_6 = arith.constant 0 : index
    %get3A_7 = vector.load %arg2[%get3A_5, %get3A_6] : memref<128x128xf32, #tpu.memory_space<vmem>>, vector<128x128xf32>
    %dot_general3A = arith.constant dense<0.000000e+00> : vector<4096x128xf32>
    %dot_general3A_8 = tpu.matmul %concatenate3A, %get3A_7, %dot_general3A {dimension_numbers = #tpu.dot_dimension_numbers<[0], [0], [1], [1], [0, 1, 1, 1], [], []>, transpose_lhs_hint = true} : vector<128x4096xf32>, vector<128x128xf32>, vector<4096x128xf32> -> vector<4096x128xf32>
    %swap3A = arith.constant 0 : index
    %swap3A_9 = arith.constant 0 : index
    %swap3A_10 = vector.load %arg3[%swap3A, %swap3A_9] : memref<4096x128xf32, #tpu.memory_space<vmem>>, vector<4096x128xf32>
    tpu.vector_store %arg3[%swap3A, %swap3A_9], %dot_general3A_8 {strides = array<i32>} : memref<4096x128xf32, #tpu.memory_space<vmem>>, vector<4096x128xf32>,
    return
  }
  func.func @transform_0(%arg0: i32) -> (i32, i32) {
    %c0_i32 = arith.constant 0 : i32
    %c0_i32_0 = arith.constant 0 : i32
    return %c0_i32, %arg0 : i32, i32
  }
  func.func @transform_1(%arg0: i32) -> (i32, i32) {
    %c0_i32 = arith.constant 0 : i32
    %c0_i32_0 = arith.constant 0 : i32
    %c0_i32_1 = arith.constant 0 : i32
    return %c0_i32, %c0_i32_0 : i32, i32
  }
  func.func @transform_2(%arg0: i32) -> (i32, i32) {
    %c0_i32 = arith.constant 0 : i32
    %c0_i32_0 = arith.constant 0 : i32
    return %arg0, %c0_i32 : i32, i32
  }
}

module attributes {stable_mosaic.version = 14 : i64} {
  func.func @_tr_body(%arg0: i32, %arg1: memref<32x16384xf32, #tpu.memory_space<vmem>>, %arg2: memref<128x128xf32, #tpu.memory_space<vmem>>, %arg3: memref<4096x128xf32, #tpu.memory_space<vmem>>) attributes {dimension_semantics = [#tpu.dimension_semantics<arbitrary>], iteration_bounds = array<i64: 62>, scalar_prefetch = 0 : i64, scratch_operands = 0 : i64, tpu.core_type = #tpu.core_type<tc>, window_params = [{transform_indices = @transform_0, window_bounds = array<i64: 32, 16384>}, {pipeline_mode = #tpu.pipeline_mode<synchronous>, transform_indices = @transform_1, window_bounds = array<i64: 128, 128>}, {transform_indices = @transform_2, window_bounds = array<i64: 4096, 128>}]} {
    %get3A = arith.constant 0 : index
    %get3A_0 = arith.constant 0 : index
    %get3A_1 = vector.load %arg1[%get3A, %get3A_0] : memref<32x16384xf32, #tpu.memory_space<vmem>>, vector<32x16384xf32>
    %slice3A = vector.extract_strided_slice %get3A_1 {offsets = [0, 0], sizes = [32, 4096], strides = [1, 1]} : vector<32x16384xf32> to vector<32x4096xf32>
    %slice3A_2 = vector.extract_strided_slice %get3A_1 {offsets = [0, 4096], sizes = [32, 4096], strides = [1, 1]} : vector<32x16384xf32> to vector<32x4096xf32>
    %slice3A_3 = vector.extract_strided_slice %get3A_1 {offsets = [0, 8192], sizes = [32, 4096], strides = [1, 1]} : vector<32x16384xf32> to vector<32x4096xf32>
    %slice3A_4 = vector.extract_strided_slice %get3A_1 {offsets = [0, 12288], sizes = [32, 4096], strides = [1, 1]} : vector<32x16384xf32> to vector<32x4096xf32>
    %concatenate3A = tpu.concatenate %slice3A, %slice3A_2, %slice3A_3, %slice3A_4 in 0 : vector<32x4096xf32>, vector<32x4096xf32>, vector<32x4096xf32>, vector<32x4096xf32> -> vector<128x4096xf32>
    %get3A_5 = arith.constant 0 : index
    %get3A_6 = arith.constant 0 : index
    %get3A_7 = vector.load %arg2[%get3A_5, %get3A_6] : memref<128x128xf32, #tpu.memory_space<vmem>>, vector<128x128xf32>
    %dot_general3A = arith.constant dense<0.000000e+00> : vector<4096x128xf32>
    %dot_general3A_8 = tpu.matmul %concatenate3A, %get3A_7, %dot_general3A {dimension_numbers = #tpu.dot_dimension_numbers<[0], [0], [1], [1], [0, 1, 1, 1], [], []>, transpose_lhs_hint = true} : vector<128x4096xf32>, vector<128x128xf32>, vector<4096x128xf32> -> vector<4096x128xf32>
    %swap3A = arith.constant 0 : index
    %swap3A_9 = arith.constant 0 : index
    %swap3A_10 = vector.load %arg3[%swap3A, %swap3A_9] : memref<4096x128xf32, #tpu.memory_space<vmem>>, vector<4096x128xf32>
    tpu.vector_store %arg3[%swap3A, %swap3A_9], %dot_general3A_8 {strides = array<i32>} : memref<4096x128xf32, #tpu.memory_space<vmem>>, vector<4096x128xf32>,
    return
  }
  func.func @transform_0(%arg0: i32) -> (i32, i32) {
    %c0_i32 = arith.constant 0 : i32
    %c0_i32_0 = arith.constant 0 : i32
    return %c0_i32, %arg0 : i32, i32
  }
  func.func @transform_1(%arg0: i32) -> (i32, i32) {
    %c0_i32 = arith.constant 0 : i32
    %c0_i32_0 = arith.constant 0 : i32
    %c0_i32_1 = arith.constant 0 : i32
    return %c0_i32, %c0_i32_0 : i32, i32
  }
  func.func @transform_2(%arg0: i32) -> (i32, i32) {
    %c0_i32 = arith.constant 0 : i32
    %c0_i32_0 = arith.constant 0 : i32
    return %arg0, %c0_i32 : i32, i32
  }
}

module attributes {stable_mosaic.version = 14 : i64} {
  func.func @_mm_body(%arg0: i32, %arg1: memref<1024x128xf32, #tpu.memory_space<vmem>>, %arg2: memref<1024x128xf32, #tpu.memory_space<vmem>>, %arg3: memref<1024x128xf32, #tpu.memory_space<vmem>>, %arg4: memref<1024x128xf32, #tpu.memory_space<vmem>>, %arg5: memref<4x128x512xf32, #tpu.memory_space<vmem>>, %arg6: memref<1x128xf32, #tpu.memory_space<vmem>>, %arg7: memref<4x1024x128xf32, #tpu.memory_space<vmem>>) attributes {dimension_semantics = [#tpu.dimension_semantics<arbitrary>], iteration_bounds = array<i64: 50>, scalar_prefetch = 0 : i64, scratch_operands = 0 : i64, tpu.core_type = #tpu.core_type<tc>, window_params = [{transform_indices = @transform_0, window_bounds = array<i64: 1024, 128>}, {transform_indices = @transform_1, window_bounds = array<i64: 1024, 128>}, {transform_indices = @transform_2, window_bounds = array<i64: 1024, 128>}, {transform_indices = @transform_3, window_bounds = array<i64: 1024, 128>}, {pipeline_mode = #tpu.pipeline_mode<synchronous>, transform_indices = @transform_4, window_bounds = array<i64: 4, 128, 512>}, {pipeline_mode = #tpu.pipeline_mode<synchronous>, transform_indices = @transform_5, window_bounds = array<i64: 1, 128>}, {transform_indices = @transform_6, window_bounds = array<i64: 4, 1024, 128>}]} {
    %get3A = arith.constant 0 : index
    %get3A_0 = arith.constant 0 : index
    %get3A_1 = vector.load %arg1[%get3A, %get3A_0] : memref<1024x128xf32, #tpu.memory_space<vmem>>, vector<1024x128xf32>
    %get3A_2 = arith.constant 0 : index
    %get3A_3 = arith.constant 0 : index
    %get3A_4 = arith.constant 0 : index
    %get3A_5 = vector.load %arg5[%get3A_2, %get3A_3, %get3A_4] : memref<4x128x512xf32, #tpu.memory_space<vmem>>, vector<1x128x512xf32>
    %get3A_6 = vector.shape_cast %get3A_5 : vector<1x128x512xf32> to vector<128x512xf32>
    %dot_general3A = arith.constant dense<0.000000e+00> : vector<1024x512xf32>
    %dot_general3A_7 = tpu.matmul %get3A_1, %get3A_6, %dot_general3A {dimension_numbers = #tpu.dot_dimension_numbers<[1], [0], [0], [1], [0, 0, 1, 1], [], []>, transpose_lhs_hint = false} : vector<1024x128xf32>, vector<128x512xf32>, vector<1024x512xf32> -> vector<1024x512xf32>
    %get3A_8 = arith.constant 0 : index
    %get3A_9 = arith.constant 0 : index
    %get3A_10 = vector.load %arg2[%get3A_8, %get3A_9] : memref<1024x128xf32, #tpu.memory_space<vmem>>, vector<1024x128xf32>
    %get3A_11 = arith.constant 1 : index
    %get3A_12 = arith.constant 0 : index
    %get3A_13 = arith.constant 0 : index
    %get3A_14 = vector.load %arg5[%get3A_11, %get3A_12, %get3A_13] : memref<4x128x512xf32, #tpu.memory_space<vmem>>, vector<1x128x512xf32>
    %get3A_15 = vector.shape_cast %get3A_14 : vector<1x128x512xf32> to vector<128x512xf32>
    %dot_general3A_16 = arith.constant dense<0.000000e+00> : vector<1024x512xf32>
    %dot_general3A_17 = tpu.matmul %get3A_10, %get3A_15, %dot_general3A_16 {dimension_numbers = #tpu.dot_dimension_numbers<[1], [0], [0], [1], [0, 0, 1, 1], [], []>, transpose_lhs_hint = false} : vector<1024x128xf32>, vector<128x512xf32>, vector<1024x512xf32> -> vector<1024x512xf32>
    %add3A = arith.addf %dot_general3A_7, %dot_general3A_17 : vector<1024x512xf32>
    %get3A_18 = arith.constant 0 : index
    %get3A_19 = arith.constant 0 : index
    %get3A_20 = vector.load %arg3[%get3A_18, %get3A_19] : memref<1024x128xf32, #tpu.memory_space<vmem>>, vector<1024x128xf32>
    %get3A_21 = arith.constant 2 : index
    %get3A_22 = arith.constant 0 : index
    %get3A_23 = arith.constant 0 : index
    %get3A_24 = vector.load %arg5[%get3A_21, %get3A_22, %get3A_23] : memref<4x128x512xf32, #tpu.memory_space<vmem>>, vector<1x128x512xf32>
    %get3A_25 = vector.shape_cast %get3A_24 : vector<1x128x512xf32> to vector<128x512xf32>
    %dot_general3A_26 = arith.constant dense<0.000000e+00> : vector<1024x512xf32>
    %dot_general3A_27 = tpu.matmul %get3A_20, %get3A_25, %dot_general3A_26 {dimension_numbers = #tpu.dot_dimension_numbers<[1], [0], [0], [1], [0, 0, 1, 1], [], []>, transpose_lhs_hint = false} : vector<1024x128xf32>, vector<128x512xf32>, vector<1024x512xf32> -> vector<1024x512xf32>
    %add3A_28 = arith.addf %add3A, %dot_general3A_27 : vector<1024x512xf32>
    %get3A_29 = arith.constant 0 : index
    %get3A_30 = arith.constant 0 : index
    %get3A_31 = vector.load %arg4[%get3A_29, %get3A_30] : memref<1024x128xf32, #tpu.memory_space<vmem>>, vector<1024x128xf32>
    %get3A_32 = arith.constant 3 : index
    %get3A_33 = arith.constant 0 : index
    %get3A_34 = arith.constant 0 : index
    %get3A_35 = vector.load %arg5[%get3A_32, %get3A_33, %get3A_34] : memref<4x128x512xf32, #tpu.memory_space<vmem>>, vector<1x128x512xf32>
    %get3A_36 = vector.shape_cast %get3A_35 : vector<1x128x512xf32> to vector<128x512xf32>
    %dot_general3A_37 = arith.constant dense<0.000000e+00> : vector<1024x512xf32>
    %dot_general3A_38 = tpu.matmul %get3A_31, %get3A_36, %dot_general3A_37 {dimension_numbers = #tpu.dot_dimension_numbers<[1], [0], [0], [1], [0, 0, 1, 1], [], []>, transpose_lhs_hint = false} : vector<1024x128xf32>, vector<128x512xf32>, vector<1024x512xf32> -> vector<1024x512xf32>
    %add3A_39 = arith.addf %add3A_28, %dot_general3A_38 : vector<1024x512xf32>
    %slice3A = vector.extract_strided_slice %add3A_39 {offsets = [0, 0], sizes = [1024, 128], strides = [1, 1]} : vector<1024x512xf32> to vector<1024x128xf32>
    %get3A_40 = arith.constant 0 : index
    %get3A_41 = arith.constant 0 : index
    %get3A_42 = vector.load %arg6[%get3A_40, %get3A_41] : memref<1x128xf32, #tpu.memory_space<vmem>>, vector<1x128xf32>
    %add3A_43 = vector.broadcast %get3A_42 : vector<1x128xf32> to vector<1024x128xf32>
    %add3A_44 = arith.addf %slice3A, %add3A_43 : vector<1024x128xf32>
    %swap3A = arith.constant 0 : index
    %swap3A_45 = arith.constant 0 : index
    %swap3A_46 = arith.constant 0 : index
    %swap3A_47 = vector.load %arg7[%swap3A, %swap3A_45, %swap3A_46] : memref<4x1024x128xf32, #tpu.memory_space<vmem>>, vector<1x1024x128xf32>
    %swap3A_48 = vector.shape_cast %swap3A_47 : vector<1x1024x128xf32> to vector<1024x128xf32>
    %swap3A_49 = vector.shape_cast %add3A_44 : vector<1024x128xf32> to vector<1x1024x128xf32>
    tpu.vector_store %arg7[%swap3A, %swap3A_45, %swap3A_46], %swap3A_49 {strides = array<i32>} : memref<4x1024x128xf32, #tpu.memory_space<vmem>>, vector<1x1024x128xf32>,
    %slice3A_50 = vector.extract_strided_slice %add3A_39 {offsets = [0, 128], sizes = [1024, 128], strides = [1, 1]} : vector<1024x512xf32> to vector<1024x128xf32>
    %get3A_51 = arith.constant 0 : index
    %get3A_52 = arith.constant 0 : index
    %get3A_53 = vector.load %arg6[%get3A_51, %get3A_52] : memref<1x128xf32, #tpu.memory_space<vmem>>, vector<1x128xf32>
    %add3A_54 = vector.broadcast %get3A_53 : vector<1x128xf32> to vector<1024x128xf32>
    %add3A_55 = arith.addf %slice3A_50, %add3A_54 : vector<1024x128xf32>
    %swap3A_56 = arith.constant 1 : index
    %swap3A_57 = arith.constant 0 : index
    %swap3A_58 = arith.constant 0 : index
    %swap3A_59 = vector.load %arg7[%swap3A_56, %swap3A_57, %swap3A_58] : memref<4x1024x128xf32, #tpu.memory_space<vmem>>, vector<1x1024x128xf32>
    %swap3A_60 = vector.shape_cast %swap3A_59 : vector<1x1024x128xf32> to vector<1024x128xf32>
    %swap3A_61 = vector.shape_cast %add3A_55 : vector<1024x128xf32> to vector<1x1024x128xf32>
    tpu.vector_store %arg7[%swap3A_56, %swap3A_57, %swap3A_58], %swap3A_61 {strides = array<i32>} : memref<4x1024x128xf32, #tpu.memory_space<vmem>>, vector<1x1024x128xf32>,
    %slice3A_62 = vector.extract_strided_slice %add3A_39 {offsets = [0, 256], sizes = [1024, 128], strides = [1, 1]} : vector<1024x512xf32> to vector<1024x128xf32>
    %get3A_63 = arith.constant 0 : index
    %get3A_64 = arith.constant 0 : index
    %get3A_65 = vector.load %arg6[%get3A_63, %get3A_64] : memref<1x128xf32, #tpu.memory_space<vmem>>, vector<1x128xf32>
    %add3A_66 = vector.broadcast %get3A_65 : vector<1x128xf32> to vector<1024x128xf32>
    %add3A_67 = arith.addf %slice3A_62, %add3A_66 : vector<1024x128xf32>
    %swap3A_68 = arith.constant 2 : index
    %swap3A_69 = arith.constant 0 : index
    %swap3A_70 = arith.constant 0 : index
    %swap3A_71 = vector.load %arg7[%swap3A_68, %swap3A_69, %swap3A_70] : memref<4x1024x128xf32, #tpu.memory_space<vmem>>, vector<1x1024x128xf32>
    %swap3A_72 = vector.shape_cast %swap3A_71 : vector<1x1024x128xf32> to vector<1024x128xf32>
    %swap3A_73 = vector.shape_cast %add3A_67 : vector<1024x128xf32> to vector<1x1024x128xf32>
    tpu.vector_store %arg7[%swap3A_68, %swap3A_69, %swap3A_70], %swap3A_73 {strides = array<i32>} : memref<4x1024x128xf32, #tpu.memory_space<vmem>>, vector<1x1024x128xf32>,
    %slice3A_74 = vector.extract_strided_slice %add3A_39 {offsets = [0, 384], sizes = [1024, 128], strides = [1, 1]} : vector<1024x512xf32> to vector<1024x128xf32>
    %get3A_75 = arith.constant 0 : index
    %get3A_76 = arith.constant 0 : index
    %get3A_77 = vector.load %arg6[%get3A_75, %get3A_76] : memref<1x128xf32, #tpu.memory_space<vmem>>, vector<1x128xf32>
    %add3A_78 = vector.broadcast %get3A_77 : vector<1x128xf32> to vector<1024x128xf32>
    %add3A_79 = arith.addf %slice3A_74, %add3A_78 : vector<1024x128xf32>
    %swap3A_80 = arith.constant 3 : index
    %swap3A_81 = arith.constant 0 : index
    %swap3A_82 = arith.constant 0 : index
    %swap3A_83 = vector.load %arg7[%swap3A_80, %swap3A_81, %swap3A_82] : memref<4x1024x128xf32, #tpu.memory_space<vmem>>, vector<1x1024x128xf32>
    %swap3A_84 = vector.shape_cast %swap3A_83 : vector<1x1024x128xf32> to vector<1024x128xf32>
    %swap3A_85 = vector.shape_cast %add3A_79 : vector<1024x128xf32> to vector<1x1024x128xf32>
    tpu.vector_store %arg7[%swap3A_80, %swap3A_81, %swap3A_82], %swap3A_85 {strides = array<i32>} : memref<4x1024x128xf32, #tpu.memory_space<vmem>>, vector<1x1024x128xf32>,
    return
  }
  func.func @transform_0(%arg0: i32) -> (i32, i32) {
    %c0_i32 = arith.constant 0 : i32
    %c0_i32_0 = arith.constant 0 : i32
    return %arg0, %c0_i32 : i32, i32
  }
  func.func @transform_1(%arg0: i32) -> (i32, i32) {
    %c0_i32 = arith.constant 0 : i32
    %c0_i32_0 = arith.constant 0 : i32
    return %arg0, %c0_i32 : i32, i32
  }
  func.func @transform_2(%arg0: i32) -> (i32, i32) {
    %c0_i32 = arith.constant 0 : i32
    %c0_i32_0 = arith.constant 0 : i32
    return %arg0, %c0_i32 : i32, i32
  }
  func.func @transform_3(%arg0: i32) -> (i32, i32) {
    %c0_i32 = arith.constant 0 : i32
    %c0_i32_0 = arith.constant 0 : i32
    return %arg0, %c0_i32 : i32, i32
  }
  func.func @transform_4(%arg0: i32) -> (i32, i32, i32) {
    %c0_i32 = arith.constant 0 : i32
    %c0_i32_0 = arith.constant 0 : i32
    %c0_i32_1 = arith.constant 0 : i32
    %c0_i32_2 = arith.constant 0 : i32
    return %c0_i32, %c0_i32_0, %c0_i32_1 : i32, i32, i32
  }
  func.func @transform_5(%arg0: i32) -> (i32, i32) {
    %c0_i32 = arith.constant 0 : i32
    %c0_i32_0 = arith.constant 0 : i32
    %c0_i32_1 = arith.constant 0 : i32
    return %c0_i32, %c0_i32_0 : i32, i32
  }
  func.func @transform_6(%arg0: i32) -> (i32, i32, i32) {
    %c0_i32 = arith.constant 0 : i32
    %c0_i32_0 = arith.constant 0 : i32
    %c0_i32_1 = arith.constant 0 : i32
    return %c0_i32, %arg0, %c0_i32_0 : i32, i32, i32
  }
}

</mosaic_0001>

<sc_bundles>
// kernel: kernel.11.cloned.1.call-start
scs
__scs_entry_jumppad:
0x0: {  	(pc) =	sbr.rel $0x88, $3  }
0x1: {  	(tag) =	ssettag $0x0;
	lr =	simm.s32 $0x1  }
0x2: {  	[smem:$0x3F97] =	sst lr;
	_ =	strace $0xD0000000  }
0x3: {  	_ = 	snop  }
0x4: {  	_ = 	snop  }
0x5: {  	_ = 	snop  }
0x6: {  	_ = 	snop  }
0x7: {  	_ = 	snop  }
__scs_overlays_trampoline_lowered:
0x8: {  	[smem:$0x3FA6] =	sst s0  }
0x9: {  	[smem:$0x3FA7] =	sst s1  }
0xa: {  	[smem:$0x3FA8] =	sst s2  }
0xb: {  	[smem:$0x3FA9] =	sst s3  }
0xc: {  	[smem:$0x3FAA] =	sst s4  }
0xd: {  	[smem:$0x3FAB] =	sst s5  }
0xe: {  	[smem:$0x3FAC] =	sst s6  }
0xf: {  	[smem:$0x3FAD] =	sst s7  }
0x10: {  	[smem:$0x3FAE] =	sst s8  }
0x11: {  	[smem:$0x3FAF] =	sst s9;
	s0 =	simm.s32 @!p0 $0x0  }
0x12: {  	s1 =	sld [smem:$0x3F95];
	s0 =	simm.s32 @p0 $0x1  }
0x13: {  	[smem:$0x3FB0] =	sst s0;
	s0 =	simm.s32 @!p1 $0x0  }
0x14: {  	s2 =	sld [smem:$0x3F94];
	s0 =	simm.s32 @p1 $0x1  }
0x15: {  	[smem:$0x3FB1] =	sst s0;
	s0 =	simm.s32 @!p2 $0x0  }
0x16: {  	s3 =	sld [smem:$0x3FDB];
	s0 =	simm.s32 @p2 $0x1  }
0x17: {  	s4 =	simm.s32 $0x1BF5;
	[smem:$0x3FB3] =	sst s0  }
0x18: {  	s0 =	sld [smem:$0x3F96];
	_ =	swait.ge [sflag:s4], $0x0  }
0x19: {  	s7 =	sld [smem:$0x3F97]  }
0x1a: {  	s8 =	sadd.s32 $0xFFFFE003, lr  }
0x1b: {  	s9 =	sadd.s32 $0xFFFFFEF7, lr;
	s5 =	simm.s32 $0xFFFFFFFF;
	p2 =	slt.u32 s8, $0xFFFFF086  }
0x1c: {  	p1 =	slt.u32 s9, $0xF7A;
	s5 =	simm.s32 @!p2 $0x0  }
0x1d: {  	s5 =	simm.s32 @p1 $0x1;
	p0 =	seq.s32 s7, s2  }
0x1e: {  	s7 =	smul.u32 @!p0 $0xF7A, s2;
	p2 =	seq.s32 @!p0 s5, $0x0  }
0x1f: {  	s9 =	smul.u32 $0xF7A, s1;
	s8 =	simm.s32 @!p0 $0x1BF5;
	p2 =	por !p2, p0  }
0x20: {  	[sflag:s8] =	ssyncset.s32 @!p0 $0xFFFFF086;
	s6 =	sadd.s32 @!p0 s3, s7;
	s7 =	simm.s32 @!p0 $0x108  }
0x21: {  	s3 =	sadd.s32 s3, s9;
	s6 =	sadd.s32 @!p0 $0x88, s6;
	s7 =	simm.s32 @p2 $0x1082  }
0x22: {  	[simem:s7], [sflag:s8] =	dma.local @!p0 [hbm:s6], $0xF7A  }
0x23: {  	s9 =	sor.u32 $0xD0000000, s2;
	s6 =	simm.s32 $0x108;
	_ =	swait.ge @!p0 [sflag:s8], $0x0  }
0x24: {  	s3 =	sadd.s32 $0x88, s3;
	s6 =	simm.s32 @!p1 $0x1082;
	[sflag:s4] =	ssyncset.s32 $0xFFFFF086  }
0x25: {  	[simem:s6], [sflag:s4] =	dma.local [hbm:s3], $0xF7A  }
0x26: {  	[smem:$0x3F97] =	sst s1;
	(tag) =	ssettag s2;
	_ =	strace s9  }
0x27: {  	s1 =	sld [smem:$0x3FA7]  }
0x28: {  	s2 =	sld [smem:$0x3FA8]  }
0x29: {  	s4 =	sld [smem:$0x3FAA]  }
0x2a: {  	p0 =	seq.s32 s5, $0x0;
	s5 =	sld [smem:$0x3FAB]  }
0x2b: {  	s6 =	sld [smem:$0x3FAC]  }
0x2c: {  	s7 =	sld [smem:$0x3FAD]  }
0x2d: {  	s3 =	simm.s32 $0x108;
	s8 =	sld [smem:$0x3FAE]  }
0x2e: {  	s3 =	simm.s32 @!p0 $0x1082;
	s9 =	sld [smem:$0x3FAF]  }
0x2f: {  	lr =	sadd.s32 s0, s3;
	s0 =	sld [smem:$0x3FA6]  }
0x30: {  	s3 =	sld [smem:$0x3FA9]  }
0x31: {  	[smem:$0x3FB2] =	sst s10  }
0x32: {  	s10 =	sld [smem:$0x3FB0];
	_ =	sdelay $0x3  }
0x33: {  	p0 =	seq.s32 s10, $0x1;
	s10 =	sld [smem:$0x3FB2];
	_ =	sdelay $0x3  }
0x34: {  	[smem:$0x3FB2] =	sst s10  }
0x35: {  	s10 =	sld [smem:$0x3FB1];
	_ =	sdelay $0x3  }
0x36: {  	p1 =	seq.s32 s10, $0x1;
	s10 =	sld [smem:$0x3FB2];
	_ =	sdelay $0x3  }
0x37: {  	[smem:$0x3FB2] =	sst s10  }
0x38: {  	s10 =	sld [smem:$0x3FB3]  }
0x39: {  	_ = 	snop;
	(pc) =	sbr.ind lr, $3  }
0x3a: {  	_ = 	snop  }
0x3b: {  	_ = 	snop  }
0x3c: {  	p2 =	seq.s32 s10, $0x1;
	s10 =	sld [smem:$0x3FB2]  }
0x3d: {  	_ =	shalt  }
0x3e: {  	_ =	shalt  }
0x3f: {  	_ =	shalt  }
0x40: {  	_ =	shalt  }
0x41: {  	_ =	shalt  }
0x42: {  	_ =	shalt  }
0x43: {  	_ =	shalt  }
0x44: {  	_ =	shalt  }
0x45: {  	_ =	shalt  }
0x46: {  	_ =	shalt  }
0x47: {  	_ =	shalt  }
0x48: {  	_ =	shalt  }
0x49: {  	_ =	shalt  }
0x4a: {  	_ =	shalt  }
0x4b: {  	_ =	shalt  }
0x4c: {  	_ =	shalt  }
0x4d: {  	_ =	shalt  }
0x4e: {  	_ =	shalt  }
0x4f: {  	_ =	shalt  }
0x50: {  	_ =	shalt  }
0x51: {  	_ =	shalt  }
0x52: {  	_ =	shalt  }
0x53: {  	_ =	shalt  }
0x54: {  	_ =	shalt  }
0x55: {  	_ =	shalt  }
0x56: {  	_ =	shalt  }
0x57: {  	_ =	shalt  }
0x58: {  	_ =	shalt  }
0x59: {  	_ =	shalt  }
0x5a: {  	_ =	shalt  }
0x5b: {  	_ =	shalt  }
0x5c: {  	_ =	shalt  }
0x5d: {  	_ =	shalt  }
0x5e: {  	_ =	shalt  }
0x5f: {  	_ =	shalt  }
0x60: {  	_ =	shalt  }
0x61: {  	_ =	shalt  }
0x62: {  	_ =	shalt  }
0x63: {  	_ =	shalt  }
0x64: {  	_ =	shalt  }
0x65: {  	_ =	shalt  }
0x66: {  	_ =	shalt  }
0x67: {  	_ =	shalt  }
0x68: {  	_ =	shalt  }
0x69: {  	_ =	shalt  }
0x6a: {  	_ =	shalt  }
0x6b: {  	_ =	shalt  }
0x6c: {  	_ =	shalt  }
0x6d: {  	_ =	shalt  }
0x6e: {  	_ =	shalt  }
0x6f: {  	_ =	shalt  }
0x70: {  	_ =	shalt  }
0x71: {  	_ =	shalt  }
0x72: {  	_ =	shalt  }
0x73: {  	_ =	shalt  }
0x74: {  	_ =	shalt  }
0x75: {  	_ =	shalt  }
0x76: {  	_ =	shalt  }
0x77: {  	_ =	shalt  }
0x78: {  	_ =	shalt  }
0x79: {  	_ =	shalt  }
0x7a: {  	_ =	shalt  }
0x7b: {  	_ =	shalt  }
0x7c: {  	_ =	shalt  }
0x7d: {  	_ =	shalt  }
0x7e: {  	_ =	shalt  }
0x7f: {  	_ =	shalt  }
0x80: {  	_ =	shalt  }
0x81: {  	_ =	shalt  }
0x82: {  	_ =	shalt  }
0x83: {  	_ =	shalt  }
0x84: {  	_ =	shalt  }
0x85: {  	_ =	shalt  }
0x86: {  	_ =	shalt  }
0x87: {  	_ =	shalt  }
.Lfunc_end0:
.L_simem_size_0:
called_computation.1_lowered:
.L_overlay_start_0:
0x88: {  	s2 =	sld [smem:$0x3FD9]  }
0x89: {  	s3 =	sld [smem:$0x3FFE];
	_ =	sdelay $0x1  }
0x8a: {  	s1 =	srdreg.scid  }
0x8b: {  	s0 =	sand.u32 $0x1, s1  }
0x8c: {  	s17 =	sshll.u32 s0, $0xA;
	s2 =	sadd.s32 s3, s2  }
0x8d: {  	s2 =	sadd.s32 s2, s17  }
0x8e: {  	[smem:$0x3FBE] =	sst s2  }
0x8f: {  	_ = 	snop  }
0x90: {  	s18 =	sld [smem:$0x3FD0];
	(tm) =	ssettm $0x1  }
0x91: {  	s19 =	sld [smem:$0x3FFB];
	_ =	sdelay $0x3  }
0x92: {  	_ =	strace s19  }
0x93: {  	s2 =	sld [smem:$0x3FFC];
	_ =	sdelay $0x3  }
0x94: {  	_ =	strace s2  }
0x95: {  	s2 =	sld [smem:$0x3FFD];
	_ =	sdelay $0x3  }
0x96: {  	_ =	strace s2  }
0x97: {  	_ =	strace $0x8FFFFFFF  }
0x98: {  	s20 =	sld [smem:$0x3FDB];
	_ =	sdelay $0x1  }
0x99: {  	s4 =	simm.s32 $_scs_section_size  }
0x9a: {  	s5 =	simm.s32 $_size__tile_overlayer_lowered;
	s6 =	simm.s32 $_tile_overlayer_lowered  }
0x9b: {  	s7 =	simm.s32 $0x1BFF;
	s21 =	sshll.u32 s6, $0x1;
	s4 =	sadd.s32 s4, s20  }
0x9c: {  	s22 =	simm.s32 $0x0;
	s5 =	sshll.u32 s5, $0x1;
	s6 =	sadd.s32 s21, s4  }
0x9d: {  	[timem:s22], [sflag:s7] =	dma.local [hbm:s6], s5  }
0x9e: {  	_ =	swait.ge [sflag:s7], s5  }
0x9f: {  	s5 =	ssub.s32 $0x0, s5;
	[sflag:s7] =	ssyncset.done $0x0  }
0xa0: {  	[sflag:s7] =	ssyncadd.s32 s5;
	_ =	sdelay $0x1  }
0xa1: {  	s23 =	simm.s32 $0x1B8B  }
0xa2: {  	_ =	swait.ge [sflag:s23], $0x1  }
0xa3: {  	[sflag:s23] =	ssyncset.done $0x0  }
0xa4: {  	[sflag:s23] =	ssyncadd.s32 $0xFFFFFFFF  }
0xa5: {  	s5 =	sld [smem:$0x0]  }
0xa6: {  	s6 =	sand.u32 $0xFFFFFFFE, s1  }
0xa7: {  	p0 =	sne.s32 s1, s6  }
0xa8: {  	s6 =	sshll.u32 @p0 s6, $0xE  }
0xa9: {  	s6 =	sadd.s32 @p0 $0x11B8D, s6;
	s7 =	sshll.u32 @p0 s5, $0x11  }
0xaa: {  	s6 =	sor.u32 @p0 s7, s6  }
0xab: {  	[sflag:s6] =	ssyncadd.remote.s32 @p0 $0x1;
	_ =	sdelay $0x1  }
0xac: {  	s6 =	simm.s32 @p0 $0x1B8D  }
0xad: {  	_ =	swait.eq @p0 [sflag:s6], $0x1  }
0xae: {  	[sflag:s6] =	ssyncadd.s32 @p0 $0xFFFFFFFF  }
0xaf: {  	s7 =	sshll.u32 @!p0 s1, $0xE  }
0xb0: {  	s7 =	sor.u32 @!p0 $0x4000, s7;
	s6 =	simm.s32 @!p0 $0x1B8D  }
0xb1: {  	s5 =	sshll.u32 @!p0 s5, $0x11;
	s7 =	sadd.s32 @!p0 $0x11B8D, s7;
	_ =	swait.eq @!p0 [sflag:s6], $0x1  }
0xb2: {  	s5 =	sor.u32 @!p0 s5, s7;
	[sflag:s6] =	ssyncadd.s32 @!p0 $0xFFFFFFFF  }
0xb3: {  	s25 =	simm.s32 $0x1B8E;
	s24 =	sld [smem:$0x3FFE];
	[sflag:s5] =	ssyncadd.remote.s32 @!p0 $0x1  }
0xb4: {  	s26 =	simm.s32 $execute0_lowered;
	[smem:$0x3FD2] =	sst s25  }
0xb5: {  	s6 =	sshll.u32 s26, $0x1;
	_ =	strace $0x80000049;
	[dreg:$0x1] =	wrdreg $0xFFFFFFFF  }
0xb6: {  	s28 =	simm.s32 $_size_execute0_lowered;
	s4 =	sadd.s32 s4, s6;
	[dreg:$0x0] =	wrdreg $0x0  }
0xb7: {  	s6 =	sshll.u32 s28, $0x1;
	[dreg:$0x2] =	wrdreg s4  }
0xb8: {  	[dreg:$0x3] =	wrdreg s6  }
0xb9: {  	[dreg:$0x4] =	wrdreg $0xC0  }
0xba: {  	_ =	task [dreg:s22], $0x5FFFF  }
0xbb: {  	[dreg:$0x1] =	wrdreg $0xFFFFFFFF  }
0xbc: {  	[dreg:$0x0] =	wrdreg $0x60  }
0xbd: {  	[dreg:$0x2] =	wrdreg s18  }
0xbe: {  	[dreg:$0x3] =	wrdreg s24  }
0xbf: {  	[dreg:$0x4] =	wrdreg $0x9  }
0xc0: {  	_ =	task.clear_ibuf [dreg:s22], $0x5FFFF;
	_ =	strace $0x90000049  }
0xc1: {  	s29 =	simm.s32 $0x9;
	_ =	strace $0x8000004B  }
0xc2: {  	_ =	swait.ge [sflag:s29], $0x1  }
0xc3: {  	[sflag:s29] =	ssyncadd.s32 $0xFFFFFFFF  }
0xc4: {  	_ =	strace $0x9000004B  }
0xc5: {  	_ =	sfence  }
0xc6: {  	s30 =	sld [smem:$0x0];
	_ =	sdelay $0x2  }
0xc7: {  	s31 =	sshll.u32 s1, $0xD;
	s1 =	sshrl.u32 s1, $0x2  }
0xc8: {  	s4 =	sand.u32 $0x4000, s31;
	s1 =	sadd.s32 s1, s30  }
0xc9: {  	s0 =	sor.u32 s4, s0;
	s1 =	sshll.u32 s1, $0x11  }
0xca: {  	s0 =	sor.u32 s1, s0  }
0xcb: {  	s0 =	sadd.s32 $0x8F2B, s0  }
0xcc: {  	[sflag:s0] =	ssyncadd.remote.s32 $0x1  }
0xcd: {  	_ =	sfence.sel $0xFFFF  }
0xce: {  	[dreg:$0x0] =	wrdreg $0xFFFFFFFF;
	(pc) =	sbr.abs _section_cstart, $3  }
0xcf: {  	[dreg:$0x1] =	wrdreg $0xFFFFFFFF  }
0xd0: {  	_ =	task.clear_ibuf [dreg:s22], $0x2FFFF;
	_ =	strace $0x9FFFFFFF  }
0xd1: {  	(tm) =	ssettm $0x7FFFFFFF  }
tec
execute0_lowered:
.L_overlay_start_1:
0x0: {  	(tag) =	ssettag $0x1  }
0x1: {  	s2 =	rddreg [dreg:$0x0]  }
0x2: {  	s0 =	srdreg.scid;
	s5 =	stileid.u32  }
0x3: {  	s1 =	rddreg [dreg:$0x1];
	s6 =	simm.s32 $0x0;
	s10 =	simm.s32 $0x5  }
0x4: {  	s11 =	simm.s32 $0x80;
	s12 =	simm.s32 $0x1900;
	s13 =	simm.s32 $0x2900  }
0x5: {  	s15 =	simm.s32 $0x3900;
	s17 =	simm.s32 $0x4900;
	s19 =	simm.s32 $0x5900  }
0x6: {  	s20 =	simm.s32 $0x6900;
	s21 =	simm.s32 $0x7900;
	s28 =	simm.s32 $0x3  }
0x7: {  	s29 =	simm.s32 $0x2;
	s30 =	simm.s32 $0x4;
	s18 =	simm.s32 $0x0  }
0x8: {  	s0 =	sand.u32 $0x1, s0;
	s3 =	sshll.u32 s5, $0x1;
	[smem:$0x7FF] =	sst s6  }
0x9: {  	s5 =	sshll.u32 s5, $0x3;
	s3 =	sor.u32 s0, s3;
	_ =	strace $0x8000004A  }
0xa: {  	s0 =	ssub.s32 $0x2, s0;
	s4 =	smul.u32 $0x320, s3;
	s3 =	sand.u32 $0x7, s3  }
0xb: {  	s5 =	sand.u32 $0x60, s5;
	s22 =	sshrl.u32 s0, $0x1;
	s3 =	smul.u32 $0xC8000, s3  }
0xc: {  	s0 =	ssub.s32 s0, s22;
	s22 =	simm.s32 $0x8900;
	s4 =	sadd.s32 s4, s1  }
0xd: {  	s1 =	sadd.s32 $0x1A5A00, s1;
	s7 =	smax.u32 s0, $0x1;
	s3 =	sor.u32 s5, s3  }
0xe: {  	s4 =	sadd.s32 $0x19F600, s4;
	s23 =	sadd.s32 $0xA0000, s3;
	s25 =	sadd.s32 $0xB4000, s3  }
0xf: {  	[dreg:$0x3] =	wrdreg s4;
	s8 =	sshrl.u32 s3, $0x3;
	s3 =	sadd.s32 $0x14000, s3  }
0x10: {  	s24 =	sshrl.u32 s23, $0x3;
	s6 =	sshrl.u32 s25, $0x3;
	s8 =	sadd.s32 s8, s1  }
0x11: {  	s31 =	sshrl.u32 s3, $0x3;
	s23 =	simm.s32 $0x9900;
	s25 =	simm.s32 $0x1  }
0x12: {  	s26 =	sadd.s32 s1, s24;
	s6 =	sadd.s32 s1, s6;
	s16 =	sadd.s32 s31, s1  }
0x13: {  	s24 =	simm.s32 $0xA900;
	[dreg:$0x4] =	wrdreg s26;
	s26 =	simm.s32 $0x20  }
.LBB2_1:
0x14: {  	s0 =	simm.s32 $0x0;
	s1 =	rddreg [dreg:$0x3]  }
0x15: {  	[tilespmem:s0], [sflag:$0x5] =	stream.linear.gather [hbm4b:s1+s0], $0x1900, $0x38;
	[tilespmem:$0xB900] =	vst v63  }
0x16: {  	_ =	swait.ge [sflag:s10], $0x1900  }
0x17: {  	[sflag:s10] =	ssyncset.done $0x0  }
0x18: {  	[sflag:s10] =	ssyncadd.s32 $0xFFFFE700  }
0x19: {  	[tilespmem:s12], [sflag:$0x1] =	stream.indirect.gather [hbm4b:s2+s11], $0x20, s0, s11, $0xb8;
	[tilespmem:$0xB900] =	vst v63  }
0x1a: {  	_ = 	snop  }
0x1b: {  	[tilespmem:s13], [sflag:$0x1] =	stream.indirect.gather [hbm4b:s2+s11], $0x20, s11, s11, $0xb8;
	[tilespmem:$0xB900] =	vst v63  }
0x1c: {  	s14 =	simm.s32 $0x100  }
0x1d: {  	[tilespmem:s15], [sflag:$0x1] =	stream.indirect.gather [hbm4b:s2+s11], $0x20, s14, s11, $0xb8;
	[tilespmem:$0xB900] =	vst v63  }
0x1e: {  	p0 =	por $0x1, $0x1;
	s1 =	simm.s32 $0x180  }
0x1f: {  	[tilespmem:s17], [sflag:$0x1] =	stream.indirect.gather [hbm4b:s2+s11], $0x20, s1, s11, $0xb8;
	[tilespmem:$0xB900] =	vst v63  }
0x20: {  	s3 =	simm.s32 $0x200;
	s0 =	simm.s32 @!p0 $0x4  }
0x21: {  	[tilespmem:s19], [sflag:$0x1] =	stream.indirect.gather [hbm4b:s2+s11], $0x20, s3, s11, $0xb8;
	[tilespmem:$0xB900] =	vst v63  }
0x22: {  	_ =	swait.ge @!p0 [sflag:s0], $0x5000  }
0x23: {  	[sflag:s0] =	ssyncset.done @!p0 $0x0  }
0x24: {  	s4 =	simm.s32 $0x280;
	[sflag:s0] =	ssyncadd.s32 @!p0 $0xFFFFB000  }
0x25: {  	[tilespmem:s20], [sflag:$0x2] =	stream.indirect.gather [hbm4b:s2+s11], $0x20, s4, s11, $0xb8;
	[tilespmem:$0xB900] =	vst v63  }
0x26: {  	s5 =	simm.s32 $0x300  }
0x27: {  	[tilespmem:s21], [sflag:$0x2] =	stream.indirect.gather [hbm4b:s2+s11], $0x20, s5, s11, $0xb8;
	[tilespmem:$0xB900] =	vst v63  }
0x28: {  	s9 =	simm.s32 $0x380  }
0x29: {  	[tilespmem:s22], [sflag:$0x2] =	stream.indirect.gather [hbm4b:s2+s11], $0x20, s9, s11, $0xb8;
	[tilespmem:$0xB900] =	vst v63  }
0x2a: {  	s14 =	simm.s32 $0x400  }
0x2b: {  	[tilespmem:s23], [sflag:$0x2] =	stream.indirect.gather [hbm4b:s2+s11], $0x20, s14, s11, $0xb8;
	[tilespmem:$0xB900] =	vst v63  }
0x2c: {  	s1 =	simm.s32 $0x480  }
0x2d: {  	[tilespmem:s24], [sflag:$0x2] =	stream.indirect.gather [hbm4b:s2+s11], $0x20, s1, s11, $0xb8;
	[tilespmem:$0xB900] =	vst v63  }
0x2e: {  	_ =	swait.ge [sflag:s25], $0x1000  }
0x2f: {  	[sflag:s25] =	ssyncset.done $0x0  }
0x30: {  	[sflag:s25] =	ssyncadd.s32 $0xFFFFF000  }
0x31: {  	_ =	swait.ge [sflag:s25], $0x1000  }
0x32: {  	[sflag:s25] =	ssyncset.done $0x0  }
0x33: {  	[sflag:s25] =	ssyncadd.s32 $0xFFFFF000  }
0x34: {  	_ =	swait.ge [sflag:s25], $0x1000  }
0x35: {  	[sflag:s25] =	ssyncset.done $0x0  }
0x36: {  	[sflag:s25] =	ssyncadd.s32 $0xFFFFF000  }
0x37: {  	_ =	swait.ge [sflag:s25], $0x1000  }
0x38: {  	[sflag:s25] =	ssyncset.done $0x0  }
0x39: {  	[sflag:s25] =	ssyncadd.s32 $0xFFFFF000  }
0x3a: {  	_ =	swait.ge [sflag:s25], $0x1000  }
0x3b: {  	[sflag:s25] =	ssyncset.done $0x0  }
0x3c: {  	[sflag:s25] =	ssyncadd.s32 $0xFFFFF000  }
0x3d: {  	[hbm4b:s8+s26] =	stream.strided.scatter [tilespmem:s12], [sflag:$0x3], $0x5000, s11, s26, $0x38;
	[tilespmem:$0xB900] =	vst v63  }
0x3e: {  	_ =	swait.ge [sflag:s28], $0x5000  }
0x3f: {  	[sflag:s28] =	ssyncset.done $0x0  }
0x40: {  	s3 =	simm.s32 $0x500;
	[sflag:s28] =	ssyncadd.s32 $0xFFFFB000  }
0x41: {  	[tilespmem:s12], [sflag:$0x1] =	stream.indirect.gather [hbm4b:s2+s11], $0x20, s3, s11, $0xb8;
	[tilespmem:$0xB900] =	vst v63  }
0x42: {  	s4 =	simm.s32 $0x580  }
0x43: {  	[tilespmem:s13], [sflag:$0x1] =	stream.indirect.gather [hbm4b:s2+s11], $0x20, s4, s11, $0xb8;
	[tilespmem:$0xB900] =	vst v63  }
0x44: {  	s5 =	simm.s32 $0x600  }
0x45: {  	[tilespmem:s15], [sflag:$0x1] =	stream.indirect.gather [hbm4b:s2+s11], $0x20, s5, s11, $0xb8;
	[tilespmem:$0xB900] =	vst v63  }
0x46: {  	s9 =	simm.s32 $0x680  }
0x47: {  	[tilespmem:s17], [sflag:$0x1] =	stream.indirect.gather [hbm4b:s2+s11], $0x20, s9, s11, $0xb8;
	[tilespmem:$0xB900] =	vst v63  }
0x48: {  	s14 =	simm.s32 $0x700  }
0x49: {  	[tilespmem:s19], [sflag:$0x1] =	stream.indirect.gather [hbm4b:s2+s11], $0x20, s14, s11, $0xb8;
	[tilespmem:$0xB900] =	vst v63  }
0x4a: {  	_ =	swait.ge [sflag:s29], $0x1000  }
0x4b: {  	[sflag:s29] =	ssyncset.done $0x0  }
0x4c: {  	[sflag:s29] =	ssyncadd.s32 $0xFFFFF000  }
0x4d: {  	_ =	swait.ge [sflag:s29], $0x1000  }
0x4e: {  	[sflag:s29] =	ssyncset.done $0x0  }
0x4f: {  	[sflag:s29] =	ssyncadd.s32 $0xFFFFF000  }
0x50: {  	_ =	swait.ge [sflag:s29], $0x1000  }
0x51: {  	[sflag:s29] =	ssyncset.done $0x0  }
0x52: {  	[sflag:s29] =	ssyncadd.s32 $0xFFFFF000  }
0x53: {  	_ =	swait.ge [sflag:s29], $0x1000  }
0x54: {  	[sflag:s29] =	ssyncset.done $0x0  }
0x55: {  	s31 =	sadd.s32 $0x5000, s16;
	p1 =	por $0x0, $0x0;
	[sflag:s29] =	ssyncadd.s32 $0xFFFFF000  }
0x56: {  	s0 =	simm.s32 $0x1400;
	s1 =	sadd.s32 $0x5000, s8;
	_ =	swait.ge [sflag:s29], $0x1000  }
0x57: {  	s9 =	smov.u32 s16;
	s14 =	simm.s32 $0x2800;
	[sflag:s29] =	ssyncset.done $0x0  }
.LBB2_2:
0x58: {  	s4 =	simm.s32 @!p1 $0x4  }
0x59: {  	[sflag:s29] =	ssyncadd.s32 $0xFFFFF000;
	s5 =	smov.u32 s14;
	s14 =	sadd.s32 $0x1400, s14  }
0x5a: {  	[hbm4b:s9+s26] =	stream.strided.scatter [tilespmem:s20], [sflag:$0x4], $0x5000, s11, s26, $0x38;
	[tilespmem:$0xB900] =	vst v63  }
0x5b: {  	p0 =	sne.s32 s14, $0x5000;
	s9 =	smov.u32 s31;
	_ =	swait.ge @!p1 [sflag:s4], $0x5000  }
0x5c: {  	s3 =	sshra.s32 s0, $0x2;
	s0 =	smov.u32 s5;
	[sflag:s4] =	ssyncset.done @!p1 $0x0  }
0x5d: {  	[sflag:s4] =	ssyncadd.s32 @!p1 $0xFFFFB000;
	s4 =	sadd.s32 $0x280, s3  }
0x5e: {  	[tilespmem:s20], [sflag:$0x2] =	stream.indirect.gather [hbm4b:s2+s11], $0x20, s4, s11, $0xb8;
	[tilespmem:$0xB900] =	vst v63  }
0x5f: {  	s4 =	sadd.s32 $0x300, s3  }
0x60: {  	[tilespmem:s21], [sflag:$0x2] =	stream.indirect.gather [hbm4b:s2+s11], $0x20, s4, s11, $0xb8;
	[tilespmem:$0xB900] =	vst v63  }
0x61: {  	s4 =	sadd.s32 $0x380, s3  }
0x62: {  	[tilespmem:s22], [sflag:$0x2] =	stream.indirect.gather [hbm4b:s2+s11], $0x20, s4, s11, $0xb8;
	[tilespmem:$0xB900] =	vst v63  }
0x63: {  	s4 =	sadd.s32 $0x400, s3  }
0x64: {  	[tilespmem:s23], [sflag:$0x2] =	stream.indirect.gather [hbm4b:s2+s11], $0x20, s4, s11, $0xb8;
	[tilespmem:$0xB900] =	vst v63  }
0x65: {  	s4 =	sadd.s32 $0x480, s3  }
0x66: {  	[tilespmem:s24], [sflag:$0x2] =	stream.indirect.gather [hbm4b:s2+s11], $0x20, s4, s11, $0xb8;
	[tilespmem:$0xB900] =	vst v63  }
0x67: {  	_ =	swait.ge [sflag:s25], $0x1000  }
0x68: {  	[sflag:s25] =	ssyncset.done $0x0  }
0x69: {  	[sflag:s25] =	ssyncadd.s32 $0xFFFFF000  }
0x6a: {  	_ =	swait.ge [sflag:s25], $0x1000  }
0x6b: {  	[sflag:s25] =	ssyncset.done $0x0  }
0x6c: {  	[sflag:s25] =	ssyncadd.s32 $0xFFFFF000  }
0x6d: {  	_ =	swait.ge [sflag:s25], $0x1000  }
0x6e: {  	[sflag:s25] =	ssyncset.done $0x0  }
0x6f: {  	[sflag:s25] =	ssyncadd.s32 $0xFFFFF000  }
0x70: {  	_ =	swait.ge [sflag:s25], $0x1000  }
0x71: {  	[sflag:s25] =	ssyncset.done $0x0  }
0x72: {  	[sflag:s25] =	ssyncadd.s32 $0xFFFFF000  }
0x73: {  	_ =	swait.ge [sflag:s25], $0x1000  }
0x74: {  	[sflag:s25] =	ssyncset.done $0x0  }
0x75: {  	[sflag:s25] =	ssyncadd.s32 $0xFFFFF000  }
0x76: {  	[hbm4b:s1+s26] =	stream.strided.scatter [tilespmem:s12], [sflag:$0x3], $0x5000, s11, s26, $0x38;
	[tilespmem:$0xB900] =	vst v63  }
0x77: {  	_ =	swait.ge [sflag:s28], $0x5000  }
0x78: {  	[sflag:s28] =	ssyncset.done $0x0  }
0x79: {  	s4 =	sadd.s32 $0x500, s3;
	[sflag:s28] =	ssyncadd.s32 $0xFFFFB000  }
0x7a: {  	[tilespmem:s12], [sflag:$0x1] =	stream.indirect.gather [hbm4b:s2+s11], $0x20, s4, s11, $0xb8;
	[tilespmem:$0xB900] =	vst v63  }
0x7b: {  	s4 =	sadd.s32 $0x580, s3  }
0x7c: {  	[tilespmem:s13], [sflag:$0x1] =	stream.indirect.gather [hbm4b:s2+s11], $0x20, s4, s11, $0xb8;
	[tilespmem:$0xB900] =	vst v63  }
0x7d: {  	s4 =	sadd.s32 $0x600, s3  }
0x7e: {  	[tilespmem:s15], [sflag:$0x1] =	stream.indirect.gather [hbm4b:s2+s11], $0x20, s4, s11, $0xb8;
	[tilespmem:$0xB900] =	vst v63  }
0x7f: {  	s4 =	sadd.s32 $0x680, s3  }
0x80: {  	[tilespmem:s17], [sflag:$0x1] =	stream.indirect.gather [hbm4b:s2+s11], $0x20, s4, s11, $0xb8;
	[tilespmem:$0xB900] =	vst v63  }
0x81: {  	s3 =	sadd.s32 $0x700, s3  }
0x82: {  	[tilespmem:s19], [sflag:$0x1] =	stream.indirect.gather [hbm4b:s2+s11], $0x20, s3, s11, $0xb8;
	[tilespmem:$0xB900] =	vst v63  }
0x83: {  	_ =	swait.ge [sflag:s29], $0x1000  }
0x84: {  	[sflag:s29] =	ssyncset.done $0x0  }
0x85: {  	[sflag:s29] =	ssyncadd.s32 $0xFFFFF000  }
0x86: {  	_ =	swait.ge [sflag:s29], $0x1000  }
0x87: {  	[sflag:s29] =	ssyncset.done $0x0  }
0x88: {  	[sflag:s29] =	ssyncadd.s32 $0xFFFFF000  }
0x89: {  	_ =	swait.ge [sflag:s29], $0x1000  }
0x8a: {  	[sflag:s29] =	ssyncset.done $0x0  }
0x8b: {  	[sflag:s29] =	ssyncadd.s32 $0xFFFFF000  }
.Ltmp0:
0x8c: {  	_ =	swait.ge [sflag:s29], $0x1000;
	(pc) =	sbr.rel @p0 .LBB2_2-.Ltmp0, $4  }
0x8d: {  	[sflag:s29] =	ssyncset.done $0x0  }
0x8e: {  	[sflag:s29] =	ssyncadd.s32 $0xFFFFF000  }
0x8f: {  	s31 =	sadd.s32 $0x5000, s31;
	_ =	swait.ge [sflag:s29], $0x1000  }
0x90: {  	p1 =	seq.s32 s0, $0x0;
	s1 =	sadd.s32 $0x5000, s1;
	[sflag:s29] =	ssyncset.done $0x0  }
0x91: {  	[sflag:s29] =	ssyncadd.s32 $0xFFFFF000;
	s3 =	simm.s32 @!p1 $0x4  }
0x92: {  	[hbm4b:s9+s26] =	stream.strided.scatter [tilespmem:s20], [sflag:$0x4], $0x5000, s11, s26, $0x38;
	[tilespmem:$0xB900] =	vst v63  }
0x93: {  	_ =	swait.ge @!p1 [sflag:s3], $0x5000  }
0x94: {  	s0 =	sshra.s32 s0, $0x2;
	[sflag:s3] =	ssyncset.done @!p1 $0x0  }
0x95: {  	s14 =	sadd.s32 $0x280, s0;
	[sflag:s3] =	ssyncadd.s32 @!p1 $0xFFFFB000  }
0x96: {  	[tilespmem:s20], [sflag:$0x2] =	stream.indirect.gather [hbm4b:s2+s11], $0x20, s14, s11, $0xb8;
	[tilespmem:$0xB900] =	vst v63  }
0x97: {  	s4 =	sadd.s32 $0x300, s0  }
0x98: {  	[tilespmem:s21], [sflag:$0x2] =	stream.indirect.gather [hbm4b:s2+s11], $0x20, s4, s11, $0xb8;
	[tilespmem:$0xB900] =	vst v63  }
0x99: {  	s5 =	sadd.s32 $0x380, s0  }
0x9a: {  	[tilespmem:s22], [sflag:$0x2] =	stream.indirect.gather [hbm4b:s2+s11], $0x20, s5, s11, $0xb8;
	[tilespmem:$0xB900] =	vst v63  }
0x9b: {  	s9 =	sadd.s32 $0x400, s0  }
0x9c: {  	[tilespmem:s23], [sflag:$0x2] =	stream.indirect.gather [hbm4b:s2+s11], $0x20, s9, s11, $0xb8;
	[tilespmem:$0xB900] =	vst v63  }
0x9d: {  	s14 =	sadd.s32 $0x480, s0  }
0x9e: {  	[tilespmem:s24], [sflag:$0x2] =	stream.indirect.gather [hbm4b:s2+s11], $0x20, s14, s11, $0xb8;
	[tilespmem:$0xB900] =	vst v63  }
0x9f: {  	_ =	swait.ge [sflag:s25], $0x1000  }
0xa0: {  	[sflag:s25] =	ssyncset.done $0x0  }
0xa1: {  	[sflag:s25] =	ssyncadd.s32 $0xFFFFF000  }
0xa2: {  	_ =	swait.ge [sflag:s25], $0x1000  }
0xa3: {  	[sflag:s25] =	ssyncset.done $0x0  }
0xa4: {  	[sflag:s25] =	ssyncadd.s32 $0xFFFFF000  }
0xa5: {  	_ =	swait.ge [sflag:s25], $0x1000  }
0xa6: {  	[sflag:s25] =	ssyncset.done $0x0  }
0xa7: {  	[sflag:s25] =	ssyncadd.s32 $0xFFFFF000  }
0xa8: {  	_ =	swait.ge [sflag:s25], $0x1000  }
0xa9: {  	[sflag:s25] =	ssyncset.done $0x0  }
0xaa: {  	[sflag:s25] =	ssyncadd.s32 $0xFFFFF000  }
0xab: {  	_ =	swait.ge [sflag:s25], $0x1000  }
0xac: {  	[sflag:s25] =	ssyncset.done $0x0  }
0xad: {  	[sflag:s25] =	ssyncadd.s32 $0xFFFFF000  }
0xae: {  	[hbm4b:s1+s26] =	stream.strided.scatter [tilespmem:s12], [sflag:$0x3], $0x5000, s11, s26, $0x38;
	[tilespmem:$0xB900] =	vst v63  }
0xaf: {  	_ =	swait.ge [sflag:s28], $0x5000  }
0xb0: {  	[sflag:s28] =	ssyncset.done $0x0  }
0xb1: {  	s4 =	sadd.s32 $0x500, s0;
	[sflag:s28] =	ssyncadd.s32 $0xFFFFB000  }
0xb2: {  	[tilespmem:s12], [sflag:$0x1] =	stream.indirect.gather [hbm4b:s2+s11], $0x20, s4, s11, $0xb8;
	[tilespmem:$0xB900] =	vst v63  }
0xb3: {  	s5 =	sadd.s32 $0x580, s0  }
0xb4: {  	[tilespmem:s13], [sflag:$0x1] =	stream.indirect.gather [hbm4b:s2+s11], $0x20, s5, s11, $0xb8;
	[tilespmem:$0xB900] =	vst v63  }
0xb5: {  	s9 =	sadd.s32 $0x600, s0  }
0xb6: {  	[tilespmem:s15], [sflag:$0x1] =	stream.indirect.gather [hbm4b:s2+s11], $0x20, s9, s11, $0xb8;
	[tilespmem:$0xB900] =	vst v63  }
0xb7: {  	s14 =	sadd.s32 $0x680, s0  }
0xb8: {  	[tilespmem:s17], [sflag:$0x1] =	stream.indirect.gather [hbm4b:s2+s11], $0x20, s14, s11, $0xb8;
	[tilespmem:$0xB900] =	vst v63  }
0xb9: {  	s0 =	sadd.s32 $0x700, s0  }
0xba: {  	[tilespmem:s19], [sflag:$0x1] =	stream.indirect.gather [hbm4b:s2+s11], $0x20, s0, s11, $0xb8;
	[tilespmem:$0xB900] =	vst v63  }
0xbb: {  	_ =	swait.ge [sflag:s29], $0x1000  }
0xbc: {  	[sflag:s29] =	ssyncset.done $0x0  }
0xbd: {  	[sflag:s29] =	ssyncadd.s32 $0xFFFFF000  }
0xbe: {  	_ =	swait.ge [sflag:s29], $0x1000  }
0xbf: {  	[sflag:s29] =	ssyncset.done $0x0  }
0xc0: {  	[sflag:s29] =	ssyncadd.s32 $0xFFFFF000  }
0xc1: {  	_ =	swait.ge [sflag:s29], $0x1000  }
0xc2: {  	[sflag:s29] =	ssyncset.done $0x0  }
0xc3: {  	[sflag:s29] =	ssyncadd.s32 $0xFFFFF000  }
0xc4: {  	_ =	swait.ge [sflag:s29], $0x1000  }
0xc5: {  	[sflag:s29] =	ssyncset.done $0x0  }
0xc6: {  	[sflag:s29] =	ssyncadd.s32 $0xFFFFF000  }
0xc7: {  	_ =	swait.ge [sflag:s29], $0x1000  }
0xc8: {  	[sflag:s29] =	ssyncset.done $0x0  }
0xc9: {  	[sflag:s29] =	ssyncadd.s32 $0xFFFFF000  }
0xca: {  	[hbm4b:s31+s26] =	stream.strided.scatter [tilespmem:s20], [sflag:$0x4], $0x5000, s11, s26, $0x38;
	[tilespmem:$0xB900] =	vst v63  }
0xcb: {  	_ =	swait.ge [sflag:s30], $0x5000  }
0xcc: {  	[sflag:s30] =	ssyncset.done $0x0  }
0xcd: {  	s3 =	simm.s32 $0x1680;
	[sflag:s30] =	ssyncadd.s32 $0xFFFFB000  }
0xce: {  	[tilespmem:s20], [sflag:$0x2] =	stream.indirect.gather [hbm4b:s2+s11], $0x20, s3, s11, $0xb8;
	[tilespmem:$0xB900] =	vst v63  }
0xcf: {  	s4 =	simm.s32 $0x1700  }
0xd0: {  	[tilespmem:s21], [sflag:$0x2] =	stream.indirect.gather [hbm4b:s2+s11], $0x20, s4, s11, $0xb8;
	[tilespmem:$0xB900] =	vst v63  }
0xd1: {  	s5 =	simm.s32 $0x1780  }
0xd2: {  	[tilespmem:s22], [sflag:$0x2] =	stream.indirect.gather [hbm4b:s2+s11], $0x20, s5, s11, $0xb8;
	[tilespmem:$0xB900] =	vst v63  }
0xd3: {  	s9 =	simm.s32 $0x1800  }
0xd4: {  	[tilespmem:s23], [sflag:$0x2] =	stream.indirect.gather [hbm4b:s2+s11], $0x20, s9, s11, $0xb8;
	[tilespmem:$0xB900] =	vst v63  }
0xd5: {  	s14 =	simm.s32 $0x1880  }
0xd6: {  	[tilespmem:s24], [sflag:$0x2] =	stream.indirect.gather [hbm4b:s2+s11], $0x20, s14, s11, $0xb8;
	[tilespmem:$0xB900] =	vst v63  }
0xd7: {  	_ =	swait.ge [sflag:s25], $0x1000  }
0xd8: {  	[sflag:s25] =	ssyncset.done $0x0  }
0xd9: {  	[sflag:s25] =	ssyncadd.s32 $0xFFFFF000  }
0xda: {  	_ =	swait.ge [sflag:s25], $0x1000  }
0xdb: {  	[sflag:s25] =	ssyncset.done $0x0  }
0xdc: {  	[sflag:s25] =	ssyncadd.s32 $0xFFFFF000  }
0xdd: {  	_ =	swait.ge [sflag:s25], $0x1000  }
0xde: {  	[sflag:s25] =	ssyncset.done $0x0  }
0xdf: {  	[sflag:s25] =	ssyncadd.s32 $0xFFFFF000  }
0xe0: {  	_ =	swait.ge [sflag:s25], $0x1000  }
0xe1: {  	[sflag:s25] =	ssyncset.done $0x0  }
0xe2: {  	[sflag:s25] =	ssyncadd.s32 $0xFFFFF000  }
0xe3: {  	_ =	swait.ge [sflag:s25], $0x1000  }
0xe4: {  	[sflag:s25] =	ssyncset.done $0x0  }
0xe5: {  	s31 =	rddreg [dreg:$0x4];
	[sflag:s25] =	ssyncadd.s32 $0xFFFFF000  }
0xe6: {  	[hbm4b:s31+s26] =	stream.strided.scatter [tilespmem:s12], [sflag:$0x3], $0x5000, s11, s26, $0x38;
	[tilespmem:$0xB900] =	vst v63  }
0xe7: {  	_ =	swait.ge [sflag:s29], $0x1000  }
0xe8: {  	[sflag:s29] =	ssyncset.done $0x0  }
0xe9: {  	[sflag:s29] =	ssyncadd.s32 $0xFFFFF000  }
0xea: {  	_ =	swait.ge [sflag:s29], $0x1000  }
0xeb: {  	[sflag:s29] =	ssyncset.done $0x0  }
0xec: {  	[sflag:s29] =	ssyncadd.s32 $0xFFFFF000  }
0xed: {  	_ =	swait.ge [sflag:s29], $0x1000  }
0xee: {  	[sflag:s29] =	ssyncset.done $0x0  }
0xef: {  	[sflag:s29] =	ssyncadd.s32 $0xFFFFF000  }
0xf0: {  	_ =	swait.ge [sflag:s29], $0x1000  }
0xf1: {  	[sflag:s29] =	ssyncset.done $0x0  }
0xf2: {  	[sflag:s29] =	ssyncadd.s32 $0xFFFFF000  }
0xf3: {  	_ =	swait.ge [sflag:s29], $0x1000  }
0xf4: {  	[sflag:s29] =	ssyncset.done $0x0  }
0xf5: {  	s18 =	sadd.s32 $0x1, s18;
	[sflag:s29] =	ssyncadd.s32 $0xFFFFF000  }
0xf6: {  	[hbm4b:s6+s26] =	stream.strided.scatter [tilespmem:s20], [sflag:$0x4], $0x5000, s11, s26, $0x38;
	[tilespmem:$0xB900] =	vst v63  }
0xf7: {  	p0 =	sne.s32 s18, s7;
	_ =	swait.ge [sflag:s28], $0x5000  }
.Ltmp1:
0xf8: {  	[sflag:s28] =	ssyncset.done $0x0;
	(pc) =	sbr.rel @p0 .LBB2_1-.Ltmp1, $4  }
0xf9: {  	[sflag:s28] =	ssyncadd.s32 $0xFFFFB000  }
0xfa: {  	_ =	swait.ge [sflag:s30], $0x5000  }
0xfb: {  	[sflag:s30] =	ssyncset.done $0x0  }
0xfc: {  	[sflag:s30] =	ssyncadd.s32 $0xFFFFB000  }
0xfd: {  	_ =	sfence.sel $0x180000  }
0xfe: {  	[bflag:$0x0] =	sbarrier.arrive $0xFFFF  }
0xff: {  	_ =	strace $0x9000004A  }
0x100: {  	s0 =	stileid.u32;
	[bflag:$0x2] =	sbarrier.arrive $0xFFFF  }
0x101: {  	p0 =	sne.s32 s0, $0x0;
	s0 =	rddreg [dreg:$0x2]  }
0x102: {  	s0 =	sadd.s32 @!p0 $0x100000, s0  }
0x103: {  	[sflag:s0] =	ssyncadd.tile.s32 @!p0 $0x1;
	_ =	shalt  }
.Lfunc_end2:
_tile_overlayer_lowered:
.L_overlay_start_2:
0x104: {  	(tag) =	ssettag $0x2  }
0x105: {  	s0 =	rddreg [dreg:$0x0];
	s2 =	stileid.u32  }
0x106: {  	s1 =	rddreg [dreg:$0x1];
	p0 =	sne.s32 s2, $0x0  }
0x107: {  	s3 =	rddreg [dreg:$0x2];
	[bflag:$0x3] =	sbarrier.arrive $0xFFFF;
	s2 =	simm.s32 @!p0 $0x1C05  }
0x108: {  	[timem:s3], [sflag:s2] =	dma.local @!p0 [hbm:s0], s1  }
0x109: {  	s0 =	simm.s32 @!p0 $0x5  }
0x10a: {  	_ =	swait.ge @!p0 [sflag:s0], s1  }
0x10b: {  	s1 =	ssub.s32 @!p0 $0x0, s1;
	[sflag:s0] =	ssyncset.done @!p0 $0x0  }
0x10c: {  	[sflag:s0] =	ssyncadd.s32 @!p0 s1  }
0x10d: {  	[bflag:$0x3] =	sbarrier.arrive $0xFFFF  }
0x10e: {  	_ =	shalt  }

// kernel: kernel.14.cloned.1.call-start
scs
__scs_entry_jumppad:
0x0: {  	(pc) =	sbr.rel $0x88, $3  }
0x1: {  	(tag) =	ssettag $0x0;
	lr =	simm.s32 $0x1  }
0x2: {  	[smem:$0x3F97] =	sst lr;
	_ =	strace $0xD0000000  }
0x3: {  	_ = 	snop  }
0x4: {  	_ = 	snop  }
0x5: {  	_ = 	snop  }
0x6: {  	_ = 	snop  }
0x7: {  	_ = 	snop  }
__scs_overlays_trampoline_lowered:
0x8: {  	[smem:$0x3FA6] =	sst s0  }
0x9: {  	[smem:$0x3FA7] =	sst s1  }
0xa: {  	[smem:$0x3FA8] =	sst s2  }
0xb: {  	[smem:$0x3FA9] =	sst s3  }
0xc: {  	[smem:$0x3FAA] =	sst s4  }
0xd: {  	[smem:$0x3FAB] =	sst s5  }
0xe: {  	[smem:$0x3FAC] =	sst s6  }
0xf: {  	[smem:$0x3FAD] =	sst s7  }
0x10: {  	[smem:$0x3FAE] =	sst s8  }
0x11: {  	[smem:$0x3FAF] =	sst s9;
	s0 =	simm.s32 @!p0 $0x0  }
0x12: {  	s1 =	sld [smem:$0x3F95];
	s0 =	simm.s32 @p0 $0x1  }
0x13: {  	[smem:$0x3FB0] =	sst s0;
	s0 =	simm.s32 @!p1 $0x0  }
0x14: {  	s2 =	sld [smem:$0x3F94];
	s0 =	simm.s32 @p1 $0x1  }
0x15: {  	[smem:$0x3FB1] =	sst s0;
	s0 =	simm.s32 @!p2 $0x0  }
0x16: {  	s3 =	sld [smem:$0x3FDB];
	s0 =	simm.s32 @p2 $0x1  }
0x17: {  	s4 =	simm.s32 $0x1BF5;
	[smem:$0x3FB3] =	sst s0  }
0x18: {  	s0 =	sld [smem:$0x3F96];
	_ =	swait.ge [sflag:s4], $0x0  }
0x19: {  	s7 =	sld [smem:$0x3F97]  }
0x1a: {  	s8 =	sadd.s32 $0xFFFFE003, lr  }
0x1b: {  	s9 =	sadd.s32 $0xFFFFFEF7, lr;
	s5 =	simm.s32 $0xFFFFFFFF;
	p2 =	slt.u32 s8, $0xFFFFF086  }
0x1c: {  	p1 =	slt.u32 s9, $0xF7A;
	s5 =	simm.s32 @!p2 $0x0  }
0x1d: {  	s5 =	simm.s32 @p1 $0x1;
	p0 =	seq.s32 s7, s2  }
0x1e: {  	s7 =	smul.u32 @!p0 $0xF7A, s2;
	p2 =	seq.s32 @!p0 s5, $0x0  }
0x1f: {  	s9 =	smul.u32 $0xF7A, s1;
	s8 =	simm.s32 @!p0 $0x1BF5;
	p2 =	por !p2, p0  }
0x20: {  	[sflag:s8] =	ssyncset.s32 @!p0 $0xFFFFF086;
	s6 =	sadd.s32 @!p0 s3, s7;
	s7 =	simm.s32 @!p0 $0x108  }
0x21: {  	s3 =	sadd.s32 s3, s9;
	s6 =	sadd.s32 @!p0 $0x88, s6;
	s7 =	simm.s32 @p2 $0x1082  }
0x22: {  	[simem:s7], [sflag:s8] =	dma.local @!p0 [hbm:s6], $0xF7A  }
0x23: {  	s9 =	sor.u32 $0xD0000000, s2;
	s6 =	simm.s32 $0x108;
	_ =	swait.ge @!p0 [sflag:s8], $0x0  }
0x24: {  	s3 =	sadd.s32 $0x88, s3;
	s6 =	simm.s32 @!p1 $0x1082;
	[sflag:s4] =	ssyncset.s32 $0xFFFFF086  }
0x25: {  	[simem:s6], [sflag:s4] =	dma.local [hbm:s3], $0xF7A  }
0x26: {  	[smem:$0x3F97] =	sst s1;
	(tag) =	ssettag s2;
	_ =	strace s9  }
0x27: {  	s1 =	sld [smem:$0x3FA7]  }
0x28: {  	s2 =	sld [smem:$0x3FA8]  }
0x29: {  	s4 =	sld [smem:$0x3FAA]  }
0x2a: {  	p0 =	seq.s32 s5, $0x0;
	s5 =	sld [smem:$0x3FAB]  }
0x2b: {  	s6 =	sld [smem:$0x3FAC]  }
0x2c: {  	s7 =	sld [smem:$0x3FAD]  }
0x2d: {  	s3 =	simm.s32 $0x108;
	s8 =	sld [smem:$0x3FAE]  }
0x2e: {  	s3 =	simm.s32 @!p0 $0x1082;
	s9 =	sld [smem:$0x3FAF]  }
0x2f: {  	lr =	sadd.s32 s0, s3;
	s0 =	sld [smem:$0x3FA6]  }
0x30: {  	s3 =	sld [smem:$0x3FA9]  }
0x31: {  	[smem:$0x3FB2] =	sst s10  }
0x32: {  	s10 =	sld [smem:$0x3FB0];
	_ =	sdelay $0x3  }
0x33: {  	p0 =	seq.s32 s10, $0x1;
	s10 =	sld [smem:$0x3FB2];
	_ =	sdelay $0x3  }
0x34: {  	[smem:$0x3FB2] =	sst s10  }
0x35: {  	s10 =	sld [smem:$0x3FB1];
	_ =	sdelay $0x3  }
0x36: {  	p1 =	seq.s32 s10, $0x1;
	s10 =	sld [smem:$0x3FB2];
	_ =	sdelay $0x3  }
0x37: {  	[smem:$0x3FB2] =	sst s10  }
0x38: {  	s10 =	sld [smem:$0x3FB3]  }
0x39: {  	_ = 	snop;
	(pc) =	sbr.ind lr, $3  }
0x3a: {  	_ = 	snop  }
0x3b: {  	_ = 	snop  }
0x3c: {  	p2 =	seq.s32 s10, $0x1;
	s10 =	sld [smem:$0x3FB2]  }
0x3d: {  	_ =	shalt  }
0x3e: {  	_ =	shalt  }
0x3f: {  	_ =	shalt  }
0x40: {  	_ =	shalt  }
0x41: {  	_ =	shalt  }
0x42: {  	_ =	shalt  }
0x43: {  	_ =	shalt  }
0x44: {  	_ =	shalt  }
0x45: {  	_ =	shalt  }
0x46: {  	_ =	shalt  }
0x47: {  	_ =	shalt  }
0x48: {  	_ =	shalt  }
0x49: {  	_ =	shalt  }
0x4a: {  	_ =	shalt  }
0x4b: {  	_ =	shalt  }
0x4c: {  	_ =	shalt  }
0x4d: {  	_ =	shalt  }
0x4e: {  	_ =	shalt  }
0x4f: {  	_ =	shalt  }
0x50: {  	_ =	shalt  }
0x51: {  	_ =	shalt  }
0x52: {  	_ =	shalt  }
0x53: {  	_ =	shalt  }
0x54: {  	_ =	shalt  }
0x55: {  	_ =	shalt  }
0x56: {  	_ =	shalt  }
0x57: {  	_ =	shalt  }
0x58: {  	_ =	shalt  }
0x59: {  	_ =	shalt  }
0x5a: {  	_ =	shalt  }
0x5b: {  	_ =	shalt  }
0x5c: {  	_ =	shalt  }
0x5d: {  	_ =	shalt  }
0x5e: {  	_ =	shalt  }
0x5f: {  	_ =	shalt  }
0x60: {  	_ =	shalt  }
0x61: {  	_ =	shalt  }
0x62: {  	_ =	shalt  }
0x63: {  	_ =	shalt  }
0x64: {  	_ =	shalt  }
0x65: {  	_ =	shalt  }
0x66: {  	_ =	shalt  }
0x67: {  	_ =	shalt  }
0x68: {  	_ =	shalt  }
0x69: {  	_ =	shalt  }
0x6a: {  	_ =	shalt  }
0x6b: {  	_ =	shalt  }
0x6c: {  	_ =	shalt  }
0x6d: {  	_ =	shalt  }
0x6e: {  	_ =	shalt  }
0x6f: {  	_ =	shalt  }
0x70: {  	_ =	shalt  }
0x71: {  	_ =	shalt  }
0x72: {  	_ =	shalt  }
0x73: {  	_ =	shalt  }
0x74: {  	_ =	shalt  }
0x75: {  	_ =	shalt  }
0x76: {  	_ =	shalt  }
0x77: {  	_ =	shalt  }
0x78: {  	_ =	shalt  }
0x79: {  	_ =	shalt  }
0x7a: {  	_ =	shalt  }
0x7b: {  	_ =	shalt  }
0x7c: {  	_ =	shalt  }
0x7d: {  	_ =	shalt  }
0x7e: {  	_ =	shalt  }
0x7f: {  	_ =	shalt  }
0x80: {  	_ =	shalt  }
0x81: {  	_ =	shalt  }
0x82: {  	_ =	shalt  }
0x83: {  	_ =	shalt  }
0x84: {  	_ =	shalt  }
0x85: {  	_ =	shalt  }
0x86: {  	_ =	shalt  }
0x87: {  	_ =	shalt  }
.Lfunc_end0:
.L_simem_size_0:
called_computation.2_lowered:
.L_overlay_start_0:
0x88: {  	s2 =	sld [smem:$0x3FD9]  }
0x89: {  	s3 =	sld [smem:$0x3FFE];
	_ =	sdelay $0x1  }
0x8a: {  	s1 =	srdreg.scid  }
0x8b: {  	s0 =	sand.u32 $0x1, s1  }
0x8c: {  	s17 =	sshll.u32 s0, $0xA;
	s2 =	sadd.s32 s3, s2  }
0x8d: {  	s2 =	sadd.s32 s2, s17  }
0x8e: {  	[smem:$0x3FBE] =	sst s2  }
0x8f: {  	_ = 	snop  }
0x90: {  	(tm) =	ssettm $0x1  }
0x91: {  	s18 =	sld [smem:$0x3FFB];
	_ =	sdelay $0x3  }
0x92: {  	_ =	strace s18  }
0x93: {  	s2 =	sld [smem:$0x3FFC];
	_ =	sdelay $0x3  }
0x94: {  	_ =	strace s2  }
0x95: {  	s2 =	sld [smem:$0x3FFD];
	_ =	sdelay $0x3  }
0x96: {  	_ =	strace s2  }
0x97: {  	_ =	strace $0x8FFFFFFF  }
0x98: {  	s19 =	sld [smem:$0x3FDB];
	_ =	sdelay $0x1  }
0x99: {  	s20 =	simm.s32 $_scs_section_size  }
0x9a: {  	s4 =	simm.s32 $_size__tile_overlayer_lowered;
	s5 =	simm.s32 $_tile_overlayer_lowered  }
0x9b: {  	s6 =	simm.s32 $0x1BFF;
	s21 =	sshll.u32 s5, $0x1;
	s3 =	sadd.s32 s20, s19  }
0x9c: {  	s22 =	simm.s32 $0x0;
	s4 =	sshll.u32 s4, $0x1;
	s5 =	sadd.s32 s21, s3  }
0x9d: {  	[timem:s22], [sflag:s6] =	dma.local [hbm:s5], s4  }
0x9e: {  	_ =	swait.ge [sflag:s6], s4  }
0x9f: {  	s4 =	ssub.s32 $0x0, s4;
	[sflag:s6] =	ssyncset.done $0x0  }
0xa0: {  	[sflag:s6] =	ssyncadd.s32 s4;
	_ =	sdelay $0x1  }
0xa1: {  	s23 =	simm.s32 $0x1B8B  }
0xa2: {  	_ =	swait.ge [sflag:s23], $0x1  }
0xa3: {  	[sflag:s23] =	ssyncset.done $0x0  }
0xa4: {  	[sflag:s23] =	ssyncadd.s32 $0xFFFFFFFF  }
0xa5: {  	s4 =	sld [smem:$0x0]  }
0xa6: {  	s5 =	sand.u32 $0xFFFFFFFE, s1  }
0xa7: {  	p0 =	sne.s32 s1, s5  }
0xa8: {  	s5 =	sshll.u32 @p0 s5, $0xE  }
0xa9: {  	s5 =	sadd.s32 @p0 $0x11B8D, s5;
	s6 =	sshll.u32 @p0 s4, $0x11  }
0xaa: {  	s5 =	sor.u32 @p0 s6, s5  }
0xab: {  	[sflag:s5] =	ssyncadd.remote.s32 @p0 $0x1;
	_ =	sdelay $0x1  }
0xac: {  	s5 =	simm.s32 @p0 $0x1B8D  }
0xad: {  	_ =	swait.eq @p0 [sflag:s5], $0x1  }
0xae: {  	[sflag:s5] =	ssyncadd.s32 @p0 $0xFFFFFFFF  }
0xaf: {  	s6 =	sshll.u32 @!p0 s1, $0xE  }
0xb0: {  	s6 =	sor.u32 @!p0 $0x4000, s6;
	s5 =	simm.s32 @!p0 $0x1B8D  }
0xb1: {  	s4 =	sshll.u32 @!p0 s4, $0x11;
	s6 =	sadd.s32 @!p0 $0x11B8D, s6;
	_ =	swait.eq @!p0 [sflag:s5], $0x1  }
0xb2: {  	s4 =	sor.u32 @!p0 s4, s6;
	[sflag:s5] =	ssyncadd.s32 @!p0 $0xFFFFFFFF  }
0xb3: {  	s25 =	simm.s32 $0x1B8E;
	s24 =	sld [smem:$0x3FFE];
	[sflag:s4] =	ssyncadd.remote.s32 @!p0 $0x1  }
0xb4: {  	s26 =	simm.s32 $execute0_lowered;
	[smem:$0x3FD2] =	sst s25  }
0xb5: {  	s5 =	sshll.u32 s26, $0x1;
	_ =	strace $0x8000004C;
	[dreg:$0x1] =	wrdreg $0xFFFFFFFF  }
0xb6: {  	s28 =	simm.s32 $_size_execute0_lowered;
	s3 =	sadd.s32 s3, s5;
	[dreg:$0x0] =	wrdreg $0x0  }
0xb7: {  	s5 =	sshll.u32 s28, $0x1;
	[dreg:$0x2] =	wrdreg s3  }
0xb8: {  	[dreg:$0x3] =	wrdreg s5  }
0xb9: {  	[dreg:$0x4] =	wrdreg $0xC0  }
0xba: {  	_ =	task [dreg:s22], $0x5FFFF  }
0xbb: {  	[dreg:$0x1] =	wrdreg $0xFFFFFFFF  }
0xbc: {  	[dreg:$0x0] =	wrdreg $0x60  }
0xbd: {  	[dreg:$0x2] =	wrdreg s24  }
0xbe: {  	[dreg:$0x3] =	wrdreg $0xA  }
0xbf: {  	_ =	task.clear_ibuf [dreg:s22], $0x4FFFF;
	_ =	strace $0x9000004C  }
0xc0: {  	s29 =	simm.s32 $0xA;
	_ =	strace $0x8000004E  }
0xc1: {  	_ =	swait.ge [sflag:s29], $0x1  }
0xc2: {  	[sflag:s29] =	ssyncadd.s32 $0xFFFFFFFF  }
0xc3: {  	_ =	strace $0x9000004E  }
0xc4: {  	_ =	sfence  }
0xc5: {  	s30 =	sld [smem:$0x0];
	_ =	sdelay $0x2  }
0xc6: {  	s31 =	sshll.u32 s1, $0xD;
	s1 =	sshrl.u32 s1, $0x2  }
0xc7: {  	s4 =	sand.u32 $0x4000, s31;
	s1 =	sadd.s32 s1, s30  }
0xc8: {  	s0 =	sor.u32 s4, s0;
	s1 =	sshll.u32 s1, $0x11  }
0xc9: {  	s0 =	sor.u32 s1, s0  }
0xca: {  	s0 =	sadd.s32 $0x8F2B, s0  }
0xcb: {  	[sflag:s0] =	ssyncadd.remote.s32 $0x1  }
0xcc: {  	_ =	sfence.sel $0xFFFF  }
0xcd: {  	[dreg:$0x0] =	wrdreg $0xFFFFFFFF;
	(pc) =	sbr.abs _section_cstart, $3  }
0xce: {  	[dreg:$0x1] =	wrdreg $0xFFFFFFFF  }
0xcf: {  	_ =	task.clear_ibuf [dreg:s22], $0x2FFFF;
	_ =	strace $0x9FFFFFFF  }
0xd0: {  	(tm) =	ssettm $0x7FFFFFFF  }
0xd1: {  	_ =	shalt  }
tec
execute0_lowered:
.L_overlay_start_1:
0x0: {  	(tag) =	ssettag $0x1  }
0x1: {  	s0 =	srdreg.scid  }
0x2: {  	s3 =	stileid.u32;
	s1 =	rddreg [dreg:$0x0]  }
0x3: {  	s5 =	simm.s32 $0x0;
	s10 =	simm.s32 $0x5;
	s11 =	simm.s32 $0x80  }
0x4: {  	s12 =	simm.s32 $0x1900;
	s13 =	simm.s32 $0x2900;
	s15 =	simm.s32 $0x3900  }
0x5: {  	s17 =	simm.s32 $0x4900;
	s19 =	simm.s32 $0x5900;
	s20 =	simm.s32 $0x6900  }
0x6: {  	s21 =	simm.s32 $0x7900;
	s28 =	simm.s32 $0x3;
	s29 =	simm.s32 $0x2  }
0x7: {  	s30 =	simm.s32 $0x4;
	s18 =	simm.s32 $0x0;
	s0 =	sand.u32 $0x1, s0  }
0x8: {  	s2 =	sshll.u32 s3, $0x1;
	[smem:$0x7FF] =	sst s5;
	s22 =	sshll.u32 s3, $0x3  }
0x9: {  	s3 =	sadd.s32 $0x273E00, s1;
	s2 =	sor.u32 s0, s2;
	_ =	strace $0x8000004D  }
0xa: {  	s0 =	ssub.s32 $0x2, s0;
	s4 =	smul.u32 $0x320, s2;
	s2 =	sand.u32 $0x7, s2  }
0xb: {  	s5 =	sand.u32 $0x60, s22;
	s23 =	sshrl.u32 s0, $0x1;
	s2 =	smul.u32 $0xC8000, s2  }
0xc: {  	s22 =	simm.s32 $0x8900;
	s0 =	ssub.s32 s0, s23;
	s23 =	simm.s32 $0x9900  }
0xd: {  	s4 =	sadd.s32 s4, s1;
	s1 =	sadd.s32 $0x653E00, s1;
	s2 =	sor.u32 s5, s2  }
0xe: {  	s7 =	smax.u32 s0, $0x1;
	s4 =	sadd.s32 $0x26DA00, s4;
	s6 =	sadd.s32 $0xA0000, s2  }
0xf: {  	s25 =	sadd.s32 $0xB4000, s2;
	[dreg:$0x2] =	wrdreg s4;
	s8 =	sshrl.u32 s2, $0x3  }
0x10: {  	s2 =	sadd.s32 $0x14000, s2;
	s24 =	sshrl.u32 s6, $0x3;
	s6 =	sshrl.u32 s25, $0x3  }
0x11: {  	s8 =	sadd.s32 s8, s1;
	s31 =	sshrl.u32 s2, $0x3;
	s25 =	simm.s32 $0x1  }
0x12: {  	s26 =	sadd.s32 s1, s24;
	s6 =	sadd.s32 s1, s6;
	s16 =	sadd.s32 s31, s1  }
0x13: {  	s24 =	simm.s32 $0xA900;
	[dreg:$0x3] =	wrdreg s26;
	s26 =	simm.s32 $0x20  }
.LBB2_1:
0x14: {  	s0 =	simm.s32 $0x0;
	s1 =	rddreg [dreg:$0x2]  }
0x15: {  	[tilespmem:s0], [sflag:$0x5] =	stream.linear.gather [hbm4b:s1+s0], $0x1900, $0x38;
	[tilespmem:$0xB900] =	vst v63  }
0x16: {  	_ =	swait.ge [sflag:s10], $0x1900  }
0x17: {  	[sflag:s10] =	ssyncset.done $0x0  }
0x18: {  	[sflag:s10] =	ssyncadd.s32 $0xFFFFE700  }
0x19: {  	[tilespmem:s12], [sflag:$0x1] =	stream.indirect.gather [hbm4b:s3+s11], $0x20, s0, s11, $0xb8;
	[tilespmem:$0xB900] =	vst v63  }
0x1a: {  	_ = 	snop  }
0x1b: {  	[tilespmem:s13], [sflag:$0x1] =	stream.indirect.gather [hbm4b:s3+s11], $0x20, s11, s11, $0xb8;
	[tilespmem:$0xB900] =	vst v63  }
0x1c: {  	s14 =	simm.s32 $0x100  }
0x1d: {  	[tilespmem:s15], [sflag:$0x1] =	stream.indirect.gather [hbm4b:s3+s11], $0x20, s14, s11, $0xb8;
	[tilespmem:$0xB900] =	vst v63  }
0x1e: {  	p0 =	por $0x1, $0x1;
	s1 =	simm.s32 $0x180  }
0x1f: {  	[tilespmem:s17], [sflag:$0x1] =	stream.indirect.gather [hbm4b:s3+s11], $0x20, s1, s11, $0xb8;
	[tilespmem:$0xB900] =	vst v63  }
0x20: {  	s2 =	simm.s32 $0x200;
	s0 =	simm.s32 @!p0 $0x4  }
0x21: {  	[tilespmem:s19], [sflag:$0x1] =	stream.indirect.gather [hbm4b:s3+s11], $0x20, s2, s11, $0xb8;
	[tilespmem:$0xB900] =	vst v63  }
0x22: {  	_ =	swait.ge @!p0 [sflag:s0], $0x5000  }
0x23: {  	[sflag:s0] =	ssyncset.done @!p0 $0x0  }
0x24: {  	s4 =	simm.s32 $0x280;
	[sflag:s0] =	ssyncadd.s32 @!p0 $0xFFFFB000  }
0x25: {  	[tilespmem:s20], [sflag:$0x2] =	stream.indirect.gather [hbm4b:s3+s11], $0x20, s4, s11, $0xb8;
	[tilespmem:$0xB900] =	vst v63  }
0x26: {  	s5 =	simm.s32 $0x300  }
0x27: {  	[tilespmem:s21], [sflag:$0x2] =	stream.indirect.gather [hbm4b:s3+s11], $0x20, s5, s11, $0xb8;
	[tilespmem:$0xB900] =	vst v63  }
0x28: {  	s9 =	simm.s32 $0x380  }
0x29: {  	[tilespmem:s22], [sflag:$0x2] =	stream.indirect.gather [hbm4b:s3+s11], $0x20, s9, s11, $0xb8;
	[tilespmem:$0xB900] =	vst v63  }
0x2a: {  	s14 =	simm.s32 $0x400  }
0x2b: {  	[tilespmem:s23], [sflag:$0x2] =	stream.indirect.gather [hbm4b:s3+s11], $0x20, s14, s11, $0xb8;
	[tilespmem:$0xB900] =	vst v63  }
0x2c: {  	s1 =	simm.s32 $0x480  }
0x2d: {  	[tilespmem:s24], [sflag:$0x2] =	stream.indirect.gather [hbm4b:s3+s11], $0x20, s1, s11, $0xb8;
	[tilespmem:$0xB900] =	vst v63  }
0x2e: {  	_ =	swait.ge [sflag:s25], $0x1000  }
0x2f: {  	[sflag:s25] =	ssyncset.done $0x0  }
0x30: {  	[sflag:s25] =	ssyncadd.s32 $0xFFFFF000  }
0x31: {  	_ =	swait.ge [sflag:s25], $0x1000  }
0x32: {  	[sflag:s25] =	ssyncset.done $0x0  }
0x33: {  	[sflag:s25] =	ssyncadd.s32 $0xFFFFF000  }
0x34: {  	_ =	swait.ge [sflag:s25], $0x1000  }
0x35: {  	[sflag:s25] =	ssyncset.done $0x0  }
0x36: {  	[sflag:s25] =	ssyncadd.s32 $0xFFFFF000  }
0x37: {  	_ =	swait.ge [sflag:s25], $0x1000  }
0x38: {  	[sflag:s25] =	ssyncset.done $0x0  }
0x39: {  	[sflag:s25] =	ssyncadd.s32 $0xFFFFF000  }
0x3a: {  	_ =	swait.ge [sflag:s25], $0x1000  }
0x3b: {  	[sflag:s25] =	ssyncset.done $0x0  }
0x3c: {  	[sflag:s25] =	ssyncadd.s32 $0xFFFFF000  }
0x3d: {  	[hbm4b:s8+s26] =	stream.strided.scatter [tilespmem:s12], [sflag:$0x3], $0x5000, s11, s26, $0x38;
	[tilespmem:$0xB900] =	vst v63  }
0x3e: {  	_ =	swait.ge [sflag:s28], $0x5000  }
0x3f: {  	[sflag:s28] =	ssyncset.done $0x0  }
0x40: {  	s2 =	simm.s32 $0x500;
	[sflag:s28] =	ssyncadd.s32 $0xFFFFB000  }
0x41: {  	[tilespmem:s12], [sflag:$0x1] =	stream.indirect.gather [hbm4b:s3+s11], $0x20, s2, s11, $0xb8;
	[tilespmem:$0xB900] =	vst v63  }
0x42: {  	s4 =	simm.s32 $0x580  }
0x43: {  	[tilespmem:s13], [sflag:$0x1] =	stream.indirect.gather [hbm4b:s3+s11], $0x20, s4, s11, $0xb8;
	[tilespmem:$0xB900] =	vst v63  }
0x44: {  	s5 =	simm.s32 $0x600  }
0x45: {  	[tilespmem:s15], [sflag:$0x1] =	stream.indirect.gather [hbm4b:s3+s11], $0x20, s5, s11, $0xb8;
	[tilespmem:$0xB900] =	vst v63  }
0x46: {  	s9 =	simm.s32 $0x680  }
0x47: {  	[tilespmem:s17], [sflag:$0x1] =	stream.indirect.gather [hbm4b:s3+s11], $0x20, s9, s11, $0xb8;
	[tilespmem:$0xB900] =	vst v63  }
0x48: {  	s14 =	simm.s32 $0x700  }
0x49: {  	[tilespmem:s19], [sflag:$0x1] =	stream.indirect.gather [hbm4b:s3+s11], $0x20, s14, s11, $0xb8;
	[tilespmem:$0xB900] =	vst v63  }
0x4a: {  	_ =	swait.ge [sflag:s29], $0x1000  }
0x4b: {  	[sflag:s29] =	ssyncset.done $0x0  }
0x4c: {  	[sflag:s29] =	ssyncadd.s32 $0xFFFFF000  }
0x4d: {  	_ =	swait.ge [sflag:s29], $0x1000  }
0x4e: {  	[sflag:s29] =	ssyncset.done $0x0  }
0x4f: {  	[sflag:s29] =	ssyncadd.s32 $0xFFFFF000  }
0x50: {  	_ =	swait.ge [sflag:s29], $0x1000  }
0x51: {  	[sflag:s29] =	ssyncset.done $0x0  }
0x52: {  	[sflag:s29] =	ssyncadd.s32 $0xFFFFF000  }
0x53: {  	_ =	swait.ge [sflag:s29], $0x1000  }
0x54: {  	[sflag:s29] =	ssyncset.done $0x0  }
0x55: {  	s31 =	sadd.s32 $0x5000, s16;
	p1 =	por $0x0, $0x0;
	[sflag:s29] =	ssyncadd.s32 $0xFFFFF000  }
0x56: {  	s0 =	simm.s32 $0x1400;
	s1 =	sadd.s32 $0x5000, s8;
	_ =	swait.ge [sflag:s29], $0x1000  }
0x57: {  	s9 =	smov.u32 s16;
	s14 =	simm.s32 $0x2800;
	[sflag:s29] =	ssyncset.done $0x0  }
.LBB2_2:
0x58: {  	s4 =	simm.s32 @!p1 $0x4  }
0x59: {  	[sflag:s29] =	ssyncadd.s32 $0xFFFFF000;
	s5 =	smov.u32 s14;
	s14 =	sadd.s32 $0x1400, s14  }
0x5a: {  	[hbm4b:s9+s26] =	stream.strided.scatter [tilespmem:s20], [sflag:$0x4], $0x5000, s11, s26, $0x38;
	[tilespmem:$0xB900] =	vst v63  }
0x5b: {  	p0 =	sne.s32 s14, $0x5000;
	s9 =	smov.u32 s31;
	_ =	swait.ge @!p1 [sflag:s4], $0x5000  }
0x5c: {  	s2 =	sshra.s32 s0, $0x2;
	s0 =	smov.u32 s5;
	[sflag:s4] =	ssyncset.done @!p1 $0x0  }
0x5d: {  	[sflag:s4] =	ssyncadd.s32 @!p1 $0xFFFFB000;
	s4 =	sadd.s32 $0x280, s2  }
0x5e: {  	[tilespmem:s20], [sflag:$0x2] =	stream.indirect.gather [hbm4b:s3+s11], $0x20, s4, s11, $0xb8;
	[tilespmem:$0xB900] =	vst v63  }
0x5f: {  	s4 =	sadd.s32 $0x300, s2  }
0x60: {  	[tilespmem:s21], [sflag:$0x2] =	stream.indirect.gather [hbm4b:s3+s11], $0x20, s4, s11, $0xb8;
	[tilespmem:$0xB900] =	vst v63  }
0x61: {  	s4 =	sadd.s32 $0x380, s2  }
0x62: {  	[tilespmem:s22], [sflag:$0x2] =	stream.indirect.gather [hbm4b:s3+s11], $0x20, s4, s11, $0xb8;
	[tilespmem:$0xB900] =	vst v63  }
0x63: {  	s4 =	sadd.s32 $0x400, s2  }
0x64: {  	[tilespmem:s23], [sflag:$0x2] =	stream.indirect.gather [hbm4b:s3+s11], $0x20, s4, s11, $0xb8;
	[tilespmem:$0xB900] =	vst v63  }
0x65: {  	s4 =	sadd.s32 $0x480, s2  }
0x66: {  	[tilespmem:s24], [sflag:$0x2] =	stream.indirect.gather [hbm4b:s3+s11], $0x20, s4, s11, $0xb8;
	[tilespmem:$0xB900] =	vst v63  }
0x67: {  	_ =	swait.ge [sflag:s25], $0x1000  }
0x68: {  	[sflag:s25] =	ssyncset.done $0x0  }
0x69: {  	[sflag:s25] =	ssyncadd.s32 $0xFFFFF000  }
0x6a: {  	_ =	swait.ge [sflag:s25], $0x1000  }
0x6b: {  	[sflag:s25] =	ssyncset.done $0x0  }
0x6c: {  	[sflag:s25] =	ssyncadd.s32 $0xFFFFF000  }
0x6d: {  	_ =	swait.ge [sflag:s25], $0x1000  }
0x6e: {  	[sflag:s25] =	ssyncset.done $0x0  }
0x6f: {  	[sflag:s25] =	ssyncadd.s32 $0xFFFFF000  }
0x70: {  	_ =	swait.ge [sflag:s25], $0x1000  }
0x71: {  	[sflag:s25] =	ssyncset.done $0x0  }
0x72: {  	[sflag:s25] =	ssyncadd.s32 $0xFFFFF000  }
0x73: {  	_ =	swait.ge [sflag:s25], $0x1000  }
0x74: {  	[sflag:s25] =	ssyncset.done $0x0  }
0x75: {  	[sflag:s25] =	ssyncadd.s32 $0xFFFFF000  }
0x76: {  	[hbm4b:s1+s26] =	stream.strided.scatter [tilespmem:s12], [sflag:$0x3], $0x5000, s11, s26, $0x38;
	[tilespmem:$0xB900] =	vst v63  }
0x77: {  	_ =	swait.ge [sflag:s28], $0x5000  }
0x78: {  	[sflag:s28] =	ssyncset.done $0x0  }
0x79: {  	s4 =	sadd.s32 $0x500, s2;
	[sflag:s28] =	ssyncadd.s32 $0xFFFFB000  }
0x7a: {  	[tilespmem:s12], [sflag:$0x1] =	stream.indirect.gather [hbm4b:s3+s11], $0x20, s4, s11, $0xb8;
	[tilespmem:$0xB900] =	vst v63  }
0x7b: {  	s4 =	sadd.s32 $0x580, s2  }
0x7c: {  	[tilespmem:s13], [sflag:$0x1] =	stream.indirect.gather [hbm4b:s3+s11], $0x20, s4, s11, $0xb8;
	[tilespmem:$0xB900] =	vst v63  }
0x7d: {  	s4 =	sadd.s32 $0x600, s2  }
0x7e: {  	[tilespmem:s15], [sflag:$0x1] =	stream.indirect.gather [hbm4b:s3+s11], $0x20, s4, s11, $0xb8;
	[tilespmem:$0xB900] =	vst v63  }
0x7f: {  	s4 =	sadd.s32 $0x680, s2  }
0x80: {  	[tilespmem:s17], [sflag:$0x1] =	stream.indirect.gather [hbm4b:s3+s11], $0x20, s4, s11, $0xb8;
	[tilespmem:$0xB900] =	vst v63  }
0x81: {  	s2 =	sadd.s32 $0x700, s2  }
0x82: {  	[tilespmem:s19], [sflag:$0x1] =	stream.indirect.gather [hbm4b:s3+s11], $0x20, s2, s11, $0xb8;
	[tilespmem:$0xB900] =	vst v63  }
0x83: {  	_ =	swait.ge [sflag:s29], $0x1000  }
0x84: {  	[sflag:s29] =	ssyncset.done $0x0  }
0x85: {  	[sflag:s29] =	ssyncadd.s32 $0xFFFFF000  }
0x86: {  	_ =	swait.ge [sflag:s29], $0x1000  }
0x87: {  	[sflag:s29] =	ssyncset.done $0x0  }
0x88: {  	[sflag:s29] =	ssyncadd.s32 $0xFFFFF000  }
0x89: {  	_ =	swait.ge [sflag:s29], $0x1000  }
0x8a: {  	[sflag:s29] =	ssyncset.done $0x0  }
0x8b: {  	[sflag:s29] =	ssyncadd.s32 $0xFFFFF000  }
.Ltmp0:
0x8c: {  	_ =	swait.ge [sflag:s29], $0x1000;
	(pc) =	sbr.rel @p0 .LBB2_2-.Ltmp0, $4  }
0x8d: {  	[sflag:s29] =	ssyncset.done $0x0  }
0x8e: {  	[sflag:s29] =	ssyncadd.s32 $0xFFFFF000  }
0x8f: {  	s31 =	sadd.s32 $0x5000, s31;
	_ =	swait.ge [sflag:s29], $0x1000  }
0x90: {  	p1 =	seq.s32 s0, $0x0;
	s1 =	sadd.s32 $0x5000, s1;
	[sflag:s29] =	ssyncset.done $0x0  }
0x91: {  	[sflag:s29] =	ssyncadd.s32 $0xFFFFF000;
	s2 =	simm.s32 @!p1 $0x4  }
0x92: {  	[hbm4b:s9+s26] =	stream.strided.scatter [tilespmem:s20], [sflag:$0x4], $0x5000, s11, s26, $0x38;
	[tilespmem:$0xB900] =	vst v63  }
0x93: {  	_ =	swait.ge @!p1 [sflag:s2], $0x5000  }
0x94: {  	s0 =	sshra.s32 s0, $0x2;
	[sflag:s2] =	ssyncset.done @!p1 $0x0  }
0x95: {  	s14 =	sadd.s32 $0x280, s0;
	[sflag:s2] =	ssyncadd.s32 @!p1 $0xFFFFB000  }
0x96: {  	[tilespmem:s20], [sflag:$0x2] =	stream.indirect.gather [hbm4b:s3+s11], $0x20, s14, s11, $0xb8;
	[tilespmem:$0xB900] =	vst v63  }
0x97: {  	s4 =	sadd.s32 $0x300, s0  }
0x98: {  	[tilespmem:s21], [sflag:$0x2] =	stream.indirect.gather [hbm4b:s3+s11], $0x20, s4, s11, $0xb8;
	[tilespmem:$0xB900] =	vst v63  }
0x99: {  	s5 =	sadd.s32 $0x380, s0  }
0x9a: {  	[tilespmem:s22], [sflag:$0x2] =	stream.indirect.gather [hbm4b:s3+s11], $0x20, s5, s11, $0xb8;
	[tilespmem:$0xB900] =	vst v63  }
0x9b: {  	s9 =	sadd.s32 $0x400, s0  }
0x9c: {  	[tilespmem:s23], [sflag:$0x2] =	stream.indirect.gather [hbm4b:s3+s11], $0x20, s9, s11, $0xb8;
	[tilespmem:$0xB900] =	vst v63  }
0x9d: {  	s14 =	sadd.s32 $0x480, s0  }
0x9e: {  	[tilespmem:s24], [sflag:$0x2] =	stream.indirect.gather [hbm4b:s3+s11], $0x20, s14, s11, $0xb8;
	[tilespmem:$0xB900] =	vst v63  }
0x9f: {  	_ =	swait.ge [sflag:s25], $0x1000  }
0xa0: {  	[sflag:s25] =	ssyncset.done $0x0  }
0xa1: {  	[sflag:s25] =	ssyncadd.s32 $0xFFFFF000  }
0xa2: {  	_ =	swait.ge [sflag:s25], $0x1000  }
0xa3: {  	[sflag:s25] =	ssyncset.done $0x0  }
0xa4: {  	[sflag:s25] =	ssyncadd.s32 $0xFFFFF000  }
0xa5: {  	_ =	swait.ge [sflag:s25], $0x1000  }
0xa6: {  	[sflag:s25] =	ssyncset.done $0x0  }
0xa7: {  	[sflag:s25] =	ssyncadd.s32 $0xFFFFF000  }
0xa8: {  	_ =	swait.ge [sflag:s25], $0x1000  }
0xa9: {  	[sflag:s25] =	ssyncset.done $0x0  }
0xaa: {  	[sflag:s25] =	ssyncadd.s32 $0xFFFFF000  }
0xab: {  	_ =	swait.ge [sflag:s25], $0x1000  }
0xac: {  	[sflag:s25] =	ssyncset.done $0x0  }
0xad: {  	[sflag:s25] =	ssyncadd.s32 $0xFFFFF000  }
0xae: {  	[hbm4b:s1+s26] =	stream.strided.scatter [tilespmem:s12], [sflag:$0x3], $0x5000, s11, s26, $0x38;
	[tilespmem:$0xB900] =	vst v63  }
0xaf: {  	_ =	swait.ge [sflag:s28], $0x5000  }
0xb0: {  	[sflag:s28] =	ssyncset.done $0x0  }
0xb1: {  	s4 =	sadd.s32 $0x500, s0;
	[sflag:s28] =	ssyncadd.s32 $0xFFFFB000  }
0xb2: {  	[tilespmem:s12], [sflag:$0x1] =	stream.indirect.gather [hbm4b:s3+s11], $0x20, s4, s11, $0xb8;
	[tilespmem:$0xB900] =	vst v63  }
0xb3: {  	s5 =	sadd.s32 $0x580, s0  }
0xb4: {  	[tilespmem:s13], [sflag:$0x1] =	stream.indirect.gather [hbm4b:s3+s11], $0x20, s5, s11, $0xb8;
	[tilespmem:$0xB900] =	vst v63  }
0xb5: {  	s9 =	sadd.s32 $0x600, s0  }
0xb6: {  	[tilespmem:s15], [sflag:$0x1] =	stream.indirect.gather [hbm4b:s3+s11], $0x20, s9, s11, $0xb8;
	[tilespmem:$0xB900] =	vst v63  }
0xb7: {  	s14 =	sadd.s32 $0x680, s0  }
0xb8: {  	[tilespmem:s17], [sflag:$0x1] =	stream.indirect.gather [hbm4b:s3+s11], $0x20, s14, s11, $0xb8;
	[tilespmem:$0xB900] =	vst v63  }
0xb9: {  	s0 =	sadd.s32 $0x700, s0  }
0xba: {  	[tilespmem:s19], [sflag:$0x1] =	stream.indirect.gather [hbm4b:s3+s11], $0x20, s0, s11, $0xb8;
	[tilespmem:$0xB900] =	vst v63  }
0xbb: {  	_ =	swait.ge [sflag:s29], $0x1000  }
0xbc: {  	[sflag:s29] =	ssyncset.done $0x0  }
0xbd: {  	[sflag:s29] =	ssyncadd.s32 $0xFFFFF000  }
0xbe: {  	_ =	swait.ge [sflag:s29], $0x1000  }
0xbf: {  	[sflag:s29] =	ssyncset.done $0x0  }
0xc0: {  	[sflag:s29] =	ssyncadd.s32 $0xFFFFF000  }
0xc1: {  	_ =	swait.ge [sflag:s29], $0x1000  }
0xc2: {  	[sflag:s29] =	ssyncset.done $0x0  }
0xc3: {  	[sflag:s29] =	ssyncadd.s32 $0xFFFFF000  }
0xc4: {  	_ =	swait.ge [sflag:s29], $0x1000  }
0xc5: {  	[sflag:s29] =	ssyncset.done $0x0  }
0xc6: {  	[sflag:s29] =	ssyncadd.s32 $0xFFFFF000  }
0xc7: {  	_ =	swait.ge [sflag:s29], $0x1000  }
0xc8: {  	[sflag:s29] =	ssyncset.done $0x0  }
0xc9: {  	[sflag:s29] =	ssyncadd.s32 $0xFFFFF000  }
0xca: {  	[hbm4b:s31+s26] =	stream.strided.scatter [tilespmem:s20], [sflag:$0x4], $0x5000, s11, s26, $0x38;
	[tilespmem:$0xB900] =	vst v63  }
0xcb: {  	_ =	swait.ge [sflag:s30], $0x5000  }
0xcc: {  	[sflag:s30] =	ssyncset.done $0x0  }
0xcd: {  	s2 =	simm.s32 $0x1680;
	[sflag:s30] =	ssyncadd.s32 $0xFFFFB000  }
0xce: {  	[tilespmem:s20], [sflag:$0x2] =	stream.indirect.gather [hbm4b:s3+s11], $0x20, s2, s11, $0xb8;
	[tilespmem:$0xB900] =	vst v63  }
0xcf: {  	s4 =	simm.s32 $0x1700  }
0xd0: {  	[tilespmem:s21], [sflag:$0x2] =	stream.indirect.gather [hbm4b:s3+s11], $0x20, s4, s11, $0xb8;
	[tilespmem:$0xB900] =	vst v63  }
0xd1: {  	s5 =	simm.s32 $0x1780  }
0xd2: {  	[tilespmem:s22], [sflag:$0x2] =	stream.indirect.gather [hbm4b:s3+s11], $0x20, s5, s11, $0xb8;
	[tilespmem:$0xB900] =	vst v63  }
0xd3: {  	s9 =	simm.s32 $0x1800  }
0xd4: {  	[tilespmem:s23], [sflag:$0x2] =	stream.indirect.gather [hbm4b:s3+s11], $0x20, s9, s11, $0xb8;
	[tilespmem:$0xB900] =	vst v63  }
0xd5: {  	s14 =	simm.s32 $0x1880  }
0xd6: {  	[tilespmem:s24], [sflag:$0x2] =	stream.indirect.gather [hbm4b:s3+s11], $0x20, s14, s11, $0xb8;
	[tilespmem:$0xB900] =	vst v63  }
0xd7: {  	_ =	swait.ge [sflag:s25], $0x1000  }
0xd8: {  	[sflag:s25] =	ssyncset.done $0x0  }
0xd9: {  	[sflag:s25] =	ssyncadd.s32 $0xFFFFF000  }
0xda: {  	_ =	swait.ge [sflag:s25], $0x1000  }
0xdb: {  	[sflag:s25] =	ssyncset.done $0x0  }
0xdc: {  	[sflag:s25] =	ssyncadd.s32 $0xFFFFF000  }
0xdd: {  	_ =	swait.ge [sflag:s25], $0x1000  }
0xde: {  	[sflag:s25] =	ssyncset.done $0x0  }
0xdf: {  	[sflag:s25] =	ssyncadd.s32 $0xFFFFF000  }
0xe0: {  	_ =	swait.ge [sflag:s25], $0x1000  }
0xe1: {  	[sflag:s25] =	ssyncset.done $0x0  }
0xe2: {  	[sflag:s25] =	ssyncadd.s32 $0xFFFFF000  }
0xe3: {  	_ =	swait.ge [sflag:s25], $0x1000  }
0xe4: {  	[sflag:s25] =	ssyncset.done $0x0  }
0xe5: {  	s31 =	rddreg [dreg:$0x3];
	[sflag:s25] =	ssyncadd.s32 $0xFFFFF000  }
0xe6: {  	[hbm4b:s31+s26] =	stream.strided.scatter [tilespmem:s12], [sflag:$0x3], $0x5000, s11, s26, $0x38;
	[tilespmem:$0xB900] =	vst v63  }
0xe7: {  	_ =	swait.ge [sflag:s29], $0x1000  }
0xe8: {  	[sflag:s29] =	ssyncset.done $0x0  }
0xe9: {  	[sflag:s29] =	ssyncadd.s32 $0xFFFFF000  }
0xea: {  	_ =	swait.ge [sflag:s29], $0x1000  }
0xeb: {  	[sflag:s29] =	ssyncset.done $0x0  }
0xec: {  	[sflag:s29] =	ssyncadd.s32 $0xFFFFF000  }
0xed: {  	_ =	swait.ge [sflag:s29], $0x1000  }
0xee: {  	[sflag:s29] =	ssyncset.done $0x0  }
0xef: {  	[sflag:s29] =	ssyncadd.s32 $0xFFFFF000  }
0xf0: {  	_ =	swait.ge [sflag:s29], $0x1000  }
0xf1: {  	[sflag:s29] =	ssyncset.done $0x0  }
0xf2: {  	[sflag:s29] =	ssyncadd.s32 $0xFFFFF000  }
0xf3: {  	_ =	swait.ge [sflag:s29], $0x1000  }
0xf4: {  	[sflag:s29] =	ssyncset.done $0x0  }
0xf5: {  	s18 =	sadd.s32 $0x1, s18;
	[sflag:s29] =	ssyncadd.s32 $0xFFFFF000  }
0xf6: {  	[hbm4b:s6+s26] =	stream.strided.scatter [tilespmem:s20], [sflag:$0x4], $0x5000, s11, s26, $0x38;
	[tilespmem:$0xB900] =	vst v63  }
0xf7: {  	p0 =	sne.s32 s18, s7;
	_ =	swait.ge [sflag:s28], $0x5000  }
.Ltmp1:
0xf8: {  	[sflag:s28] =	ssyncset.done $0x0;
	(pc) =	sbr.rel @p0 .LBB2_1-.Ltmp1, $4  }
0xf9: {  	[sflag:s28] =	ssyncadd.s32 $0xFFFFB000  }
0xfa: {  	_ =	swait.ge [sflag:s30], $0x5000  }
0xfb: {  	[sflag:s30] =	ssyncset.done $0x0  }
0xfc: {  	[sflag:s30] =	ssyncadd.s32 $0xFFFFB000  }
0xfd: {  	_ =	sfence.sel $0x180000  }
0xfe: {  	[bflag:$0x0] =	sbarrier.arrive $0xFFFF  }
0xff: {  	_ =	strace $0x9000004D  }
0x100: {  	s0 =	stileid.u32;
	[bflag:$0x2] =	sbarrier.arrive $0xFFFF  }
0x101: {  	p0 =	sne.s32 s0, $0x0;
	s0 =	rddreg [dreg:$0x1]  }
0x102: {  	s0 =	sadd.s32 @!p0 $0x100000, s0  }
0x103: {  	[sflag:s0] =	ssyncadd.tile.s32 @!p0 $0x1;
	_ =	shalt  }
.Lfunc_end2:
_tile_overlayer_lowered:
.L_overlay_start_2:
0x104: {  	(tag) =	ssettag $0x2  }
0x105: {  	s0 =	rddreg [dreg:$0x0];
	s2 =	stileid.u32  }
0x106: {  	s1 =	rddreg [dreg:$0x1];
	p0 =	sne.s32 s2, $0x0  }
0x107: {  	s3 =	rddreg [dreg:$0x2];
	[bflag:$0x3] =	sbarrier.arrive $0xFFFF;
	s2 =	simm.s32 @!p0 $0x1C05  }
0x108: {  	[timem:s3], [sflag:s2] =	dma.local @!p0 [hbm:s0], s1  }
0x109: {  	s0 =	simm.s32 @!p0 $0x5  }
0x10a: {  	_ =	swait.ge @!p0 [sflag:s0], s1  }
0x10b: {  	s1 =	ssub.s32 @!p0 $0x0, s1;
	[sflag:s0] =	ssyncset.done @!p0 $0x0  }
0x10c: {  	[sflag:s0] =	ssyncadd.s32 @!p0 s1  }
0x10d: {  	[bflag:$0x3] =	sbarrier.arrive $0xFFFF  }
0x10e: {  	_ =	shalt  }

// kernel: kernel.8.cloned.1.call-start
scs
__scs_entry_jumppad:
0x0: {  	(pc) =	sbr.rel $0x88, $3  }
0x1: {  	(tag) =	ssettag $0x0;
	lr =	simm.s32 $0x1  }
0x2: {  	[smem:$0x3F97] =	sst lr;
	_ =	strace $0xD0000000  }
0x3: {  	_ = 	snop  }
0x4: {  	_ = 	snop  }
0x5: {  	_ = 	snop  }
0x6: {  	_ = 	snop  }
0x7: {  	_ = 	snop  }
__scs_overlays_trampoline_lowered:
0x8: {  	[smem:$0x3FA6] =	sst s0  }
0x9: {  	[smem:$0x3FA7] =	sst s1  }
0xa: {  	[smem:$0x3FA8] =	sst s2  }
0xb: {  	[smem:$0x3FA9] =	sst s3  }
0xc: {  	[smem:$0x3FAA] =	sst s4  }
0xd: {  	[smem:$0x3FAB] =	sst s5  }
0xe: {  	[smem:$0x3FAC] =	sst s6  }
0xf: {  	[smem:$0x3FAD] =	sst s7  }
0x10: {  	[smem:$0x3FAE] =	sst s8  }
0x11: {  	[smem:$0x3FAF] =	sst s9;
	s0 =	simm.s32 @!p0 $0x0  }
0x12: {  	s1 =	sld [smem:$0x3F95];
	s0 =	simm.s32 @p0 $0x1  }
0x13: {  	[smem:$0x3FB0] =	sst s0;
	s0 =	simm.s32 @!p1 $0x0  }
0x14: {  	s2 =	sld [smem:$0x3F94];
	s0 =	simm.s32 @p1 $0x1  }
0x15: {  	[smem:$0x3FB1] =	sst s0;
	s0 =	simm.s32 @!p2 $0x0  }
0x16: {  	s3 =	sld [smem:$0x3FDB];
	s0 =	simm.s32 @p2 $0x1  }
0x17: {  	s4 =	simm.s32 $0x1BF5;
	[smem:$0x3FB3] =	sst s0  }
0x18: {  	s0 =	sld [smem:$0x3F96];
	_ =	swait.ge [sflag:s4], $0x0  }
0x19: {  	s7 =	sld [smem:$0x3F97]  }
0x1a: {  	s8 =	sadd.s32 $0xFFFFE003, lr  }
0x1b: {  	s9 =	sadd.s32 $0xFFFFFEF7, lr;
	s5 =	simm.s32 $0xFFFFFFFF;
	p2 =	slt.u32 s8, $0xFFFFF086  }
0x1c: {  	p1 =	slt.u32 s9, $0xF7A;
	s5 =	simm.s32 @!p2 $0x0  }
0x1d: {  	s5 =	simm.s32 @p1 $0x1;
	p0 =	seq.s32 s7, s2  }
0x1e: {  	s7 =	smul.u32 @!p0 $0xF7A, s2;
	p2 =	seq.s32 @!p0 s5, $0x0  }
0x1f: {  	s9 =	smul.u32 $0xF7A, s1;
	s8 =	simm.s32 @!p0 $0x1BF5;
	p2 =	por !p2, p0  }
0x20: {  	[sflag:s8] =	ssyncset.s32 @!p0 $0xFFFFF086;
	s6 =	sadd.s32 @!p0 s3, s7;
	s7 =	simm.s32 @!p0 $0x108  }
0x21: {  	s3 =	sadd.s32 s3, s9;
	s6 =	sadd.s32 @!p0 $0x88, s6;
	s7 =	simm.s32 @p2 $0x1082  }
0x22: {  	[simem:s7], [sflag:s8] =	dma.local @!p0 [hbm:s6], $0xF7A  }
0x23: {  	s9 =	sor.u32 $0xD0000000, s2;
	s6 =	simm.s32 $0x108;
	_ =	swait.ge @!p0 [sflag:s8], $0x0  }
0x24: {  	s3 =	sadd.s32 $0x88, s3;
	s6 =	simm.s32 @!p1 $0x1082;
	[sflag:s4] =	ssyncset.s32 $0xFFFFF086  }
0x25: {  	[simem:s6], [sflag:s4] =	dma.local [hbm:s3], $0xF7A  }
0x26: {  	[smem:$0x3F97] =	sst s1;
	(tag) =	ssettag s2;
	_ =	strace s9  }
0x27: {  	s1 =	sld [smem:$0x3FA7]  }
0x28: {  	s2 =	sld [smem:$0x3FA8]  }
0x29: {  	s4 =	sld [smem:$0x3FAA]  }
0x2a: {  	p0 =	seq.s32 s5, $0x0;
	s5 =	sld [smem:$0x3FAB]  }
0x2b: {  	s6 =	sld [smem:$0x3FAC]  }
0x2c: {  	s7 =	sld [smem:$0x3FAD]  }
0x2d: {  	s3 =	simm.s32 $0x108;
	s8 =	sld [smem:$0x3FAE]  }
0x2e: {  	s3 =	simm.s32 @!p0 $0x1082;
	s9 =	sld [smem:$0x3FAF]  }
0x2f: {  	lr =	sadd.s32 s0, s3;
	s0 =	sld [smem:$0x3FA6]  }
0x30: {  	s3 =	sld [smem:$0x3FA9]  }
0x31: {  	[smem:$0x3FB2] =	sst s10  }
0x32: {  	s10 =	sld [smem:$0x3FB0];
	_ =	sdelay $0x3  }
0x33: {  	p0 =	seq.s32 s10, $0x1;
	s10 =	sld [smem:$0x3FB2];
	_ =	sdelay $0x3  }
0x34: {  	[smem:$0x3FB2] =	sst s10  }
0x35: {  	s10 =	sld [smem:$0x3FB1];
	_ =	sdelay $0x3  }
0x36: {  	p1 =	seq.s32 s10, $0x1;
	s10 =	sld [smem:$0x3FB2];
	_ =	sdelay $0x3  }
0x37: {  	[smem:$0x3FB2] =	sst s10  }
0x38: {  	s10 =	sld [smem:$0x3FB3]  }
0x39: {  	_ = 	snop;
	(pc) =	sbr.ind lr, $3  }
0x3a: {  	_ = 	snop  }
0x3b: {  	_ = 	snop  }
0x3c: {  	p2 =	seq.s32 s10, $0x1;
	s10 =	sld [smem:$0x3FB2]  }
0x3d: {  	_ =	shalt  }
0x3e: {  	_ =	shalt  }
0x3f: {  	_ =	shalt  }
0x40: {  	_ =	shalt  }
0x41: {  	_ =	shalt  }
0x42: {  	_ =	shalt  }
0x43: {  	_ =	shalt  }
0x44: {  	_ =	shalt  }
0x45: {  	_ =	shalt  }
0x46: {  	_ =	shalt  }
0x47: {  	_ =	shalt  }
0x48: {  	_ =	shalt  }
0x49: {  	_ =	shalt  }
0x4a: {  	_ =	shalt  }
0x4b: {  	_ =	shalt  }
0x4c: {  	_ =	shalt  }
0x4d: {  	_ =	shalt  }
0x4e: {  	_ =	shalt  }
0x4f: {  	_ =	shalt  }
0x50: {  	_ =	shalt  }
0x51: {  	_ =	shalt  }
0x52: {  	_ =	shalt  }
0x53: {  	_ =	shalt  }
0x54: {  	_ =	shalt  }
0x55: {  	_ =	shalt  }
0x56: {  	_ =	shalt  }
0x57: {  	_ =	shalt  }
0x58: {  	_ =	shalt  }
0x59: {  	_ =	shalt  }
0x5a: {  	_ =	shalt  }
0x5b: {  	_ =	shalt  }
0x5c: {  	_ =	shalt  }
0x5d: {  	_ =	shalt  }
0x5e: {  	_ =	shalt  }
0x5f: {  	_ =	shalt  }
0x60: {  	_ =	shalt  }
0x61: {  	_ =	shalt  }
0x62: {  	_ =	shalt  }
0x63: {  	_ =	shalt  }
0x64: {  	_ =	shalt  }
0x65: {  	_ =	shalt  }
0x66: {  	_ =	shalt  }
0x67: {  	_ =	shalt  }
0x68: {  	_ =	shalt  }
0x69: {  	_ =	shalt  }
0x6a: {  	_ =	shalt  }
0x6b: {  	_ =	shalt  }
0x6c: {  	_ =	shalt  }
0x6d: {  	_ =	shalt  }
0x6e: {  	_ =	shalt  }
0x6f: {  	_ =	shalt  }
0x70: {  	_ =	shalt  }
0x71: {  	_ =	shalt  }
0x72: {  	_ =	shalt  }
0x73: {  	_ =	shalt  }
0x74: {  	_ =	shalt  }
0x75: {  	_ =	shalt  }
0x76: {  	_ =	shalt  }
0x77: {  	_ =	shalt  }
0x78: {  	_ =	shalt  }
0x79: {  	_ =	shalt  }
0x7a: {  	_ =	shalt  }
0x7b: {  	_ =	shalt  }
0x7c: {  	_ =	shalt  }
0x7d: {  	_ =	shalt  }
0x7e: {  	_ =	shalt  }
0x7f: {  	_ =	shalt  }
0x80: {  	_ =	shalt  }
0x81: {  	_ =	shalt  }
0x82: {  	_ =	shalt  }
0x83: {  	_ =	shalt  }
0x84: {  	_ =	shalt  }
0x85: {  	_ =	shalt  }
0x86: {  	_ =	shalt  }
0x87: {  	_ =	shalt  }
.Lfunc_end0:
.L_simem_size_0:
called_computation_lowered:
.L_overlay_start_0:
0x88: {  	s2 =	sld [smem:$0x3FD9]  }
0x89: {  	s3 =	sld [smem:$0x3FFE];
	_ =	sdelay $0x1  }
0x8a: {  	s1 =	srdreg.scid  }
0x8b: {  	s0 =	sand.u32 $0x1, s1  }
0x8c: {  	s16 =	sshll.u32 s0, $0xA;
	s2 =	sadd.s32 s3, s2  }
0x8d: {  	s2 =	sadd.s32 s2, s16  }
0x8e: {  	[smem:$0x3FBE] =	sst s2  }
0x8f: {  	_ = 	snop  }
0x90: {  	(tm) =	ssettm $0x1  }
0x91: {  	s17 =	sld [smem:$0x3FFB];
	_ =	sdelay $0x3  }
0x92: {  	_ =	strace s17  }
0x93: {  	s2 =	sld [smem:$0x3FFC];
	_ =	sdelay $0x3  }
0x94: {  	_ =	strace s2  }
0x95: {  	s2 =	sld [smem:$0x3FFD];
	_ =	sdelay $0x3  }
0x96: {  	_ =	strace s2  }
0x97: {  	_ =	strace $0x8FFFFFFF  }
0x98: {  	s18 =	sld [smem:$0x3FDB];
	_ =	sdelay $0x1  }
0x99: {  	s19 =	simm.s32 $_scs_section_size  }
0x9a: {  	s4 =	simm.s32 $_size__tile_overlayer_lowered;
	s5 =	simm.s32 $_tile_overlayer_lowered  }
0x9b: {  	s22 =	simm.s32 $0x1BFF;
	s21 =	sshll.u32 s5, $0x1;
	s2 =	sadd.s32 s19, s18  }
0x9c: {  	s6 =	simm.s32 $0x0;
	s20 =	sshll.u32 s4, $0x1;
	s4 =	sadd.s32 s21, s2  }
0x9d: {  	[timem:s6], [sflag:s22] =	dma.local [hbm:s4], s20  }
0x9e: {  	_ =	swait.ge [sflag:s22], s20  }
0x9f: {  	s3 =	ssub.s32 $0x0, s20;
	[sflag:s22] =	ssyncset.done $0x0  }
0xa0: {  	[sflag:s22] =	ssyncadd.s32 s3;
	_ =	sdelay $0x1  }
0xa1: {  	s23 =	simm.s32 $0x1B8B  }
0xa2: {  	_ =	swait.ge [sflag:s23], $0x1  }
0xa3: {  	[sflag:s23] =	ssyncset.done $0x0  }
0xa4: {  	s25 =	simm.s32 $0x1B8E;
	s24 =	sld [smem:$0x3FFE];
	[sflag:s23] =	ssyncadd.s32 $0xFFFFFFFF  }
0xa5: {  	s26 =	simm.s32 $execute0_lowered;
	[smem:$0x3FD2] =	sst s25  }
0xa6: {  	s4 =	sshll.u32 s26, $0x1;
	_ =	strace $0x80000046;
	[dreg:$0x1] =	wrdreg $0xFFFFFFFF  }
0xa7: {  	s28 =	simm.s32 $_size_execute0_lowered;
	s2 =	sadd.s32 s2, s4;
	[dreg:$0x0] =	wrdreg $0x0  }
0xa8: {  	s4 =	sshll.u32 s28, $0x1;
	[dreg:$0x2] =	wrdreg s2  }
0xa9: {  	[dreg:$0x3] =	wrdreg s4  }
0xaa: {  	[dreg:$0x4] =	wrdreg $0xC0  }
0xab: {  	_ =	task [dreg:s6], $0x5FFFF  }
0xac: {  	[dreg:$0x1] =	wrdreg $0xFFFFFFFF  }
0xad: {  	[dreg:$0x0] =	wrdreg $0x60  }
0xae: {  	[dreg:$0x2] =	wrdreg s24  }
0xaf: {  	[dreg:$0x3] =	wrdreg $0x32000  }
0xb0: {  	[dreg:$0x4] =	wrdreg $0x39D80  }
0xb1: {  	[dreg:$0x5] =	wrdreg $0xA  }
0xb2: {  	_ =	task.clear_ibuf [dreg:s6], $0x6FFFF;
	_ =	strace $0x90000046  }
0xb3: {  	s29 =	simm.s32 $0xA;
	_ =	strace $0x80000048  }
0xb4: {  	_ =	swait.ge [sflag:s29], $0x1  }
0xb5: {  	[sflag:s29] =	ssyncadd.s32 $0xFFFFFFFF  }
0xb6: {  	_ =	strace $0x90000048  }
0xb7: {  	_ =	sfence  }
0xb8: {  	s30 =	sld [smem:$0x0];
	_ =	sdelay $0x2  }
0xb9: {  	s31 =	sshll.u32 s1, $0xD;
	s1 =	sshrl.u32 s1, $0x2  }
0xba: {  	s3 =	sand.u32 $0x4000, s31;
	s1 =	sadd.s32 s1, s30  }
0xbb: {  	s0 =	sor.u32 s3, s0;
	s1 =	sshll.u32 s1, $0x11  }
0xbc: {  	s0 =	sor.u32 s1, s0  }
0xbd: {  	s0 =	sadd.s32 $0x8F2B, s0  }
0xbe: {  	[sflag:s0] =	ssyncadd.remote.s32 $0x1  }
0xbf: {  	_ =	sfence.sel $0xFFFF  }
0xc0: {  	[dreg:$0x0] =	wrdreg $0xFFFFFFFF;
	(pc) =	sbr.abs _section_cstart, $3  }
0xc1: {  	[dreg:$0x1] =	wrdreg $0xFFFFFFFF  }
0xc2: {  	_ =	task.clear_ibuf [dreg:s6], $0x2FFFF;
	_ =	strace $0x9FFFFFFF  }
0xc3: {  	(tm) =	ssettm $0x7FFFFFFF  }
tec
execute0_lowered:
.L_overlay_start_1:
0x0: {  	(tag) =	ssettag $0x1  }
0x1: {  	s0 =	rddreg [dreg:$0x0]  }
0x2: {  	s1 =	rddreg [dreg:$0x1]  }
0x3: {  	s2 =	rddreg [dreg:$0x2]  }
0x4: {  	s3 =	simm.s32 $0x0;
	s4 =	srdreg.scid;
	s5 =	stileid.u32  }
0x5: {  	s28 =	simm.s32 $0x79E0;
	s29 =	simm.s32 $0x89E0;
	s30 =	simm.s32 $0x99E0  }
0x6: {  	s31 =	simm.s32 $0xA9E0;
	[smem:$0x7FF] =	sst s3;
	s4 =	sand.u32 $0x1, s4  }
0x7: {  	s6 =	sshll.u32 s5, $0x1;
	s13 =	sadd.s32 $0xE400, s0;
	s14 =	sadd.s32 $0xF400, s0  }
0x8: {  	s8 =	sshll.u32 s5, $0x3;
	s9 =	sadd.s32 $0xF600, s0;
	p0 =	sne.s32 s5, $0x0  }
0x9: {  	s5 =	simm.s32 $0x2;
	_ =	strace $0x80000047;
	[dreg:$0x4] =	wrdreg s13  }
0xa: {  	s6 =	sor.u32 s4, s6;
	[dreg:$0x5] =	wrdreg s14;
	s4 =	ssub.s32 $0x2, s4  }
0xb: {  	s7 =	smul.u32 $0x320, s6;
	s6 =	sand.u32 $0x7, s6;
	s10 =	sshrl.u32 s4, $0x1  }
0xc: {  	s8 =	sand.u32 $0x60, s8;
	s6 =	smul.u32 $0xC8000, s6;
	s4 =	ssub.s32 s4, s10  }
0xd: {  	s7 =	sadd.s32 s7, s0;
	s0 =	sadd.s32 $0xD7600, s0;
	s25 =	smax.u32 s4, $0x1  }
0xe: {  	s4 =	simm.s32 $0x3;
	s6 =	sor.u32 s8, s6;
	s15 =	sadd.s32 $0x8000, s7  }
0xf: {  	s17 =	sadd.s32 $0x1C00, s7;
	[dreg:$0xc] =	wrdreg s25;
	s25 =	simm.s32 $0x69E0  }
0x10: {  	s7 =	simm.s32 $0x0;
	s8 =	sadd.s32 $0xA0000, s6;
	[dreg:$0x6] =	wrdreg s15  }
0x11: {  	s16 =	sadd.s32 $0xB4000, s6;
	[dreg:$0x7] =	wrdreg s17;
	s22 =	sadd.s32 $0x14000, s6  }
0x12: {  	s6 =	sshrl.u32 s6, $0x3;
	s17 =	simm.s32 $0x5;
	s8 =	sshrl.u32 s8, $0x3  }
0x13: {  	s19 =	sshrl.u32 s16, $0x3;
	s24 =	sshrl.u32 s22, $0x3;
	s26 =	sadd.s32 s6, s9  }
0x14: {  	s15 =	sadd.s32 s6, s0;
	s22 =	simm.s32 $0xC9E0;
	s6 =	simm.s32 $0x4  }
0x15: {  	s18 =	sadd.s32 s9, s8;
	s20 =	sadd.s32 s9, s19;
	[dreg:$0xd] =	wrdreg s26  }
0x16: {  	s21 =	sadd.s32 s0, s8;
	s23 =	sadd.s32 s0, s19;
	[dreg:$0x8] =	wrdreg s18  }
0x17: {  	s11 =	sadd.s32 s24, s9;
	s16 =	sadd.s32 s24, s0;
	[dreg:$0x9] =	wrdreg s20  }
0x18: {  	s19 =	simm.s32 $0x80;
	s0 =	simm.s32 $0xB9E0;
	[dreg:$0xa] =	wrdreg s21  }
0x19: {  	s24 =	simm.s32 $0x1;
	s26 =	simm.s32 $0x20;
	[dreg:$0xb] =	wrdreg s23  }
0x1a: {  	s20 =	simm.s32 $0x39E0;
	s21 =	simm.s32 $0x49E0;
	s23 =	simm.s32 $0x59E0  }
.LBB2_1:
0x1b: {  	s3 =	simm.s32 $0x0;
	s8 =	rddreg [dreg:$0x6]  }
0x1c: {  	[tilespmem:s3], [sflag:$0x5] =	stream.linear.gather [hbm4b:s8+s3], $0x1900, $0x38;
	[tilespmem:$0xD9E0] =	vst v63  }
0x1d: {  	_ =	swait.ge [sflag:s17], $0x1900  }
0x1e: {  	[sflag:s17] =	ssyncset.done $0x0  }
0x1f: {  	s9 =	simm.s32 $0x1900;
	s18 =	rddreg [dreg:$0x7];
	[sflag:s17] =	ssyncadd.s32 $0xFFFFE700  }
0x20: {  	[tilespmem:s9], [sflag:$0x5] =	stream.linear.gather [hbm4b:s18+s3], $0x1900, $0x38;
	[tilespmem:$0xD9E0] =	vst v63  }
0x21: {  	_ =	swait.ge [sflag:s17], $0x1900  }
0x22: {  	s8 =	sshrl.u32 @!p0 s1, $0x3;
	[sflag:s17] =	ssyncset.done $0x0  }
0x23: {  	s9 =	simm.s32 @!p0 $0x1C05;
	s10 =	rddreg [dreg:$0x4];
	[sflag:s17] =	ssyncadd.s32 $0xFFFFE700  }
0x24: {  	[spmem:s8], [sflag:s9] =	dma.local @!p0 [hbm:s10], $0xFA4  }
0x25: {  	s8 =	simm.s32 @!p0 $0x5  }
0x26: {  	_ =	swait.ge @!p0 [sflag:s8], $0xFA4  }
0x27: {  	[sflag:s8] =	ssyncset.done @!p0 $0x0  }
0x28: {  	s10 =	sshrl.u32 @!p0 s2, $0x3;
	s12 =	rddreg [dreg:$0x5];
	[sflag:s8] =	ssyncadd.s32 @!p0 $0xFFFFF05C  }
0x29: {  	[spmem:s10], [sflag:s9] =	dma.local @!p0 [hbm:s12], $0xC  }
0x2a: {  	_ =	swait.ge @!p0 [sflag:s8], $0xC  }
0x2b: {  	[sflag:s8] =	ssyncset.done @!p0 $0x0  }
0x2c: {  	[sflag:s8] =	ssyncadd.s32 @!p0 $0xFFFFFFF4  }
0x2d: {  	[bflag:$0x0] =	sbarrier.arrive $0xFFFF  }
0x2e: {  	[tilespmem:s20], [sflag:$0x1] =	stream.indirect.gather [spmem:s1], $0x20, s3, s19, $0xb8;
	[tilespmem:$0xD9E0] =	vst v63  }
0x2f: {  	_ = 	snop  }
0x30: {  	[tilespmem:s21], [sflag:$0x1] =	stream.indirect.gather [spmem:s1], $0x20, s19, s19, $0xb8;
	[tilespmem:$0xD9E0] =	vst v63  }
0x31: {  	s8 =	simm.s32 $0x100  }
0x32: {  	[tilespmem:s23], [sflag:$0x1] =	stream.indirect.gather [spmem:s1], $0x20, s8, s19, $0xb8;
	[tilespmem:$0xD9E0] =	vst v63  }
0x33: {  	p1 =	por $0x1, $0x1;
	s9 =	simm.s32 $0x180  }
0x34: {  	[tilespmem:s25], [sflag:$0x1] =	stream.indirect.gather [spmem:s1], $0x20, s9, s19, $0xb8;
	[tilespmem:$0xD9E0] =	vst v63  }
0x35: {  	s10 =	simm.s32 $0x200;
	s8 =	simm.s32 @!p1 $0x4  }
0x36: {  	[tilespmem:s28], [sflag:$0x1] =	stream.indirect.gather [spmem:s1], $0x20, s10, s19, $0xb8;
	[tilespmem:$0xD9E0] =	vst v63  }
0x37: {  	_ =	swait.ge @!p1 [sflag:s8], $0x5000  }
0x38: {  	[sflag:s8] =	ssyncset.done @!p1 $0x0  }
0x39: {  	s12 =	simm.s32 $0x280;
	[sflag:s8] =	ssyncadd.s32 @!p1 $0xFFFFB000  }
0x3a: {  	[tilespmem:s29], [sflag:$0x2] =	stream.indirect.gather [spmem:s1], $0x20, s12, s19, $0xb8;
	[tilespmem:$0xD9E0] =	vst v63  }
0x3b: {  	s13 =	simm.s32 $0x300  }
0x3c: {  	[tilespmem:s30], [sflag:$0x2] =	stream.indirect.gather [spmem:s1], $0x20, s13, s19, $0xb8;
	[tilespmem:$0xD9E0] =	vst v63  }
0x3d: {  	s14 =	simm.s32 $0x380  }
0x3e: {  	[tilespmem:s31], [sflag:$0x2] =	stream.indirect.gather [spmem:s1], $0x20, s14, s19, $0xb8;
	[tilespmem:$0xD9E0] =	vst v63  }
0x3f: {  	s18 =	simm.s32 $0x400  }
0x40: {  	[tilespmem:s0], [sflag:$0x2] =	stream.indirect.gather [spmem:s1], $0x20, s18, s19, $0xb8;
	[tilespmem:$0xD9E0] =	vst v63  }
0x41: {  	s3 =	simm.s32 $0x480  }
0x42: {  	[tilespmem:s22], [sflag:$0x2] =	stream.indirect.gather [spmem:s1], $0x20, s3, s19, $0xb8;
	[tilespmem:$0xD9E0] =	vst v63  }
0x43: {  	_ =	swait.ge [sflag:s24], $0x1000  }
0x44: {  	[sflag:s24] =	ssyncset.done $0x0  }
0x45: {  	[sflag:s24] =	ssyncadd.s32 $0xFFFFF000  }
0x46: {  	_ =	swait.ge [sflag:s24], $0x1000  }
0x47: {  	[sflag:s24] =	ssyncset.done $0x0  }
0x48: {  	[sflag:s24] =	ssyncadd.s32 $0xFFFFF000  }
0x49: {  	_ =	swait.ge [sflag:s24], $0x1000  }
0x4a: {  	[sflag:s24] =	ssyncset.done $0x0  }
0x4b: {  	[sflag:s24] =	ssyncadd.s32 $0xFFFFF000  }
0x4c: {  	_ =	swait.ge [sflag:s24], $0x1000  }
0x4d: {  	[sflag:s24] =	ssyncset.done $0x0  }
0x4e: {  	[sflag:s24] =	ssyncadd.s32 $0xFFFFF000  }
0x4f: {  	_ =	swait.ge [sflag:s24], $0x1000  }
0x50: {  	[sflag:s24] =	ssyncset.done $0x0  }
0x51: {  	s9 =	rddreg [dreg:$0xd];
	[sflag:s24] =	ssyncadd.s32 $0xFFFFF000  }
0x52: {  	[hbm4b:s9+s26] =	stream.strided.scatter [tilespmem:s20], [sflag:$0x3], $0x5000, s19, s26, $0x38;
	[tilespmem:$0xD9E0] =	vst v63  }
0x53: {  	_ =	swait.ge [sflag:s4], $0x5000  }
0x54: {  	[sflag:s4] =	ssyncset.done $0x0  }
0x55: {  	s10 =	simm.s32 $0x500;
	[sflag:s4] =	ssyncadd.s32 $0xFFFFB000  }
0x56: {  	[tilespmem:s20], [sflag:$0x1] =	stream.indirect.gather [spmem:s1], $0x20, s10, s19, $0xb8;
	[tilespmem:$0xD9E0] =	vst v63  }
0x57: {  	s12 =	simm.s32 $0x580  }
0x58: {  	[tilespmem:s21], [sflag:$0x1] =	stream.indirect.gather [spmem:s1], $0x20, s12, s19, $0xb8;
	[tilespmem:$0xD9E0] =	vst v63  }
0x59: {  	s13 =	simm.s32 $0x600  }
0x5a: {  	[tilespmem:s23], [sflag:$0x1] =	stream.indirect.gather [spmem:s1], $0x20, s13, s19, $0xb8;
	[tilespmem:$0xD9E0] =	vst v63  }
0x5b: {  	s14 =	simm.s32 $0x680  }
0x5c: {  	[tilespmem:s25], [sflag:$0x1] =	stream.indirect.gather [spmem:s1], $0x20, s14, s19, $0xb8;
	[tilespmem:$0xD9E0] =	vst v63  }
0x5d: {  	s18 =	simm.s32 $0x700  }
0x5e: {  	[tilespmem:s28], [sflag:$0x1] =	stream.indirect.gather [spmem:s1], $0x20, s18, s19, $0xb8;
	[tilespmem:$0xD9E0] =	vst v63  }
0x5f: {  	_ =	swait.ge [sflag:s5], $0x1000  }
0x60: {  	[sflag:s5] =	ssyncset.done $0x0  }
0x61: {  	[sflag:s5] =	ssyncadd.s32 $0xFFFFF000  }
0x62: {  	_ =	swait.ge [sflag:s5], $0x1000  }
0x63: {  	[sflag:s5] =	ssyncset.done $0x0  }
0x64: {  	[sflag:s5] =	ssyncadd.s32 $0xFFFFF000  }
0x65: {  	_ =	swait.ge [sflag:s5], $0x1000  }
0x66: {  	[sflag:s5] =	ssyncset.done $0x0  }
0x67: {  	[sflag:s5] =	ssyncadd.s32 $0xFFFFF000  }
0x68: {  	_ =	swait.ge [sflag:s5], $0x1000  }
0x69: {  	[sflag:s5] =	ssyncset.done $0x0  }
0x6a: {  	p2 =	por $0x0, $0x0;
	s8 =	sadd.s32 $0x5000, s11;
	[sflag:s5] =	ssyncadd.s32 $0xFFFFF000  }
0x6b: {  	s9 =	sadd.s32 $0x5000, s9;
	s10 =	simm.s32 $0x1400;
	_ =	swait.ge [sflag:s5], $0x1000  }
0x6c: {  	s14 =	smov.u32 s11;
	s18 =	simm.s32 $0x2800;
	[sflag:s5] =	ssyncset.done $0x0  }
.LBB2_2:
0x6d: {  	s3 =	simm.s32 @!p2 $0x4  }
0x6e: {  	[sflag:s5] =	ssyncadd.s32 $0xFFFFF000;
	s13 =	smov.u32 s18;
	s18 =	sadd.s32 $0x1400, s18  }
0x6f: {  	[hbm4b:s14+s26] =	stream.strided.scatter [tilespmem:s29], [sflag:$0x4], $0x5000, s19, s26, $0x38;
	[tilespmem:$0xD9E0] =	vst v63  }
0x70: {  	p1 =	sne.s32 s18, $0x5000;
	s14 =	smov.u32 s8;
	_ =	swait.ge @!p2 [sflag:s3], $0x5000  }
0x71: {  	s12 =	sshra.s32 s10, $0x2;
	s10 =	smov.u32 s13;
	[sflag:s3] =	ssyncset.done @!p2 $0x0  }
0x72: {  	[sflag:s3] =	ssyncadd.s32 @!p2 $0xFFFFB000;
	s3 =	sadd.s32 $0x280, s12  }
0x73: {  	[tilespmem:s29], [sflag:$0x2] =	stream.indirect.gather [spmem:s1], $0x20, s3, s19, $0xb8;
	[tilespmem:$0xD9E0] =	vst v63  }
0x74: {  	s3 =	sadd.s32 $0x300, s12  }
0x75: {  	[tilespmem:s30], [sflag:$0x2] =	stream.indirect.gather [spmem:s1], $0x20, s3, s19, $0xb8;
	[tilespmem:$0xD9E0] =	vst v63  }
0x76: {  	s3 =	sadd.s32 $0x380, s12  }
0x77: {  	[tilespmem:s31], [sflag:$0x2] =	stream.indirect.gather [spmem:s1], $0x20, s3, s19, $0xb8;
	[tilespmem:$0xD9E0] =	vst v63  }
0x78: {  	s3 =	sadd.s32 $0x400, s12  }
0x79: {  	[tilespmem:s0], [sflag:$0x2] =	stream.indirect.gather [spmem:s1], $0x20, s3, s19, $0xb8;
	[tilespmem:$0xD9E0] =	vst v63  }
0x7a: {  	s3 =	sadd.s32 $0x480, s12  }
0x7b: {  	[tilespmem:s22], [sflag:$0x2] =	stream.indirect.gather [spmem:s1], $0x20, s3, s19, $0xb8;
	[tilespmem:$0xD9E0] =	vst v63  }
0x7c: {  	_ =	swait.ge [sflag:s24], $0x1000  }
0x7d: {  	[sflag:s24] =	ssyncset.done $0x0  }
0x7e: {  	[sflag:s24] =	ssyncadd.s32 $0xFFFFF000  }
0x7f: {  	_ =	swait.ge [sflag:s24], $0x1000  }
0x80: {  	[sflag:s24] =	ssyncset.done $0x0  }
0x81: {  	[sflag:s24] =	ssyncadd.s32 $0xFFFFF000  }
0x82: {  	_ =	swait.ge [sflag:s24], $0x1000  }
0x83: {  	[sflag:s24] =	ssyncset.done $0x0  }
0x84: {  	[sflag:s24] =	ssyncadd.s32 $0xFFFFF000  }
0x85: {  	_ =	swait.ge [sflag:s24], $0x1000  }
0x86: {  	[sflag:s24] =	ssyncset.done $0x0  }
0x87: {  	[sflag:s24] =	ssyncadd.s32 $0xFFFFF000  }
0x88: {  	_ =	swait.ge [sflag:s24], $0x1000  }
0x89: {  	[sflag:s24] =	ssyncset.done $0x0  }
0x8a: {  	[sflag:s24] =	ssyncadd.s32 $0xFFFFF000  }
0x8b: {  	[hbm4b:s9+s26] =	stream.strided.scatter [tilespmem:s20], [sflag:$0x3], $0x5000, s19, s26, $0x38;
	[tilespmem:$0xD9E0] =	vst v63  }
0x8c: {  	_ =	swait.ge [sflag:s4], $0x5000  }
0x8d: {  	[sflag:s4] =	ssyncset.done $0x0  }
0x8e: {  	s3 =	sadd.s32 $0x500, s12;
	[sflag:s4] =	ssyncadd.s32 $0xFFFFB000  }
0x8f: {  	[tilespmem:s20], [sflag:$0x1] =	stream.indirect.gather [spmem:s1], $0x20, s3, s19, $0xb8;
	[tilespmem:$0xD9E0] =	vst v63  }
0x90: {  	s3 =	sadd.s32 $0x580, s12  }
0x91: {  	[tilespmem:s21], [sflag:$0x1] =	stream.indirect.gather [spmem:s1], $0x20, s3, s19, $0xb8;
	[tilespmem:$0xD9E0] =	vst v63  }
0x92: {  	s3 =	sadd.s32 $0x600, s12  }
0x93: {  	[tilespmem:s23], [sflag:$0x1] =	stream.indirect.gather [spmem:s1], $0x20, s3, s19, $0xb8;
	[tilespmem:$0xD9E0] =	vst v63  }
0x94: {  	s3 =	sadd.s32 $0x680, s12  }
0x95: {  	[tilespmem:s25], [sflag:$0x1] =	stream.indirect.gather [spmem:s1], $0x20, s3, s19, $0xb8;
	[tilespmem:$0xD9E0] =	vst v63  }
0x96: {  	s3 =	sadd.s32 $0x700, s12  }
0x97: {  	[tilespmem:s28], [sflag:$0x1] =	stream.indirect.gather [spmem:s1], $0x20, s3, s19, $0xb8;
	[tilespmem:$0xD9E0] =	vst v63  }
0x98: {  	_ =	swait.ge [sflag:s5], $0x1000  }
0x99: {  	[sflag:s5] =	ssyncset.done $0x0  }
0x9a: {  	[sflag:s5] =	ssyncadd.s32 $0xFFFFF000  }
0x9b: {  	_ =	swait.ge [sflag:s5], $0x1000  }
0x9c: {  	[sflag:s5] =	ssyncset.done $0x0  }
0x9d: {  	[sflag:s5] =	ssyncadd.s32 $0xFFFFF000  }
0x9e: {  	_ =	swait.ge [sflag:s5], $0x1000  }
0x9f: {  	[sflag:s5] =	ssyncset.done $0x0  }
0xa0: {  	[sflag:s5] =	ssyncadd.s32 $0xFFFFF000  }
.Ltmp0:
0xa1: {  	_ =	swait.ge [sflag:s5], $0x1000;
	(pc) =	sbr.rel @p1 .LBB2_2-.Ltmp0, $4  }
0xa2: {  	[sflag:s5] =	ssyncset.done $0x0  }
0xa3: {  	[sflag:s5] =	ssyncadd.s32 $0xFFFFF000  }
0xa4: {  	s8 =	sadd.s32 $0x5000, s8;
	_ =	swait.ge [sflag:s5], $0x1000  }
0xa5: {  	p2 =	seq.s32 s10, $0x0;
	s9 =	sadd.s32 $0x5000, s9;
	[sflag:s5] =	ssyncset.done $0x0  }
0xa6: {  	s3 =	simm.s32 @!p2 $0x4;
	[sflag:s5] =	ssyncadd.s32 $0xFFFFF000  }
0xa7: {  	[hbm4b:s14+s26] =	stream.strided.scatter [tilespmem:s29], [sflag:$0x4], $0x5000, s19, s26, $0x38;
	[tilespmem:$0xD9E0] =	vst v63  }
0xa8: {  	_ =	swait.ge @!p2 [sflag:s3], $0x5000  }
0xa9: {  	s10 =	sshra.s32 s10, $0x2;
	[sflag:s3] =	ssyncset.done @!p2 $0x0  }
0xaa: {  	s14 =	sadd.s32 $0x280, s10;
	[sflag:s3] =	ssyncadd.s32 @!p2 $0xFFFFB000  }
0xab: {  	[tilespmem:s29], [sflag:$0x2] =	stream.indirect.gather [spmem:s1], $0x20, s14, s19, $0xb8;
	[tilespmem:$0xD9E0] =	vst v63  }
0xac: {  	s18 =	sadd.s32 $0x300, s10  }
0xad: {  	[tilespmem:s30], [sflag:$0x2] =	stream.indirect.gather [spmem:s1], $0x20, s18, s19, $0xb8;
	[tilespmem:$0xD9E0] =	vst v63  }
0xae: {  	s12 =	sadd.s32 $0x380, s10  }
0xaf: {  	[tilespmem:s31], [sflag:$0x2] =	stream.indirect.gather [spmem:s1], $0x20, s12, s19, $0xb8;
	[tilespmem:$0xD9E0] =	vst v63  }
0xb0: {  	s13 =	sadd.s32 $0x400, s10  }
0xb1: {  	[tilespmem:s0], [sflag:$0x2] =	stream.indirect.gather [spmem:s1], $0x20, s13, s19, $0xb8;
	[tilespmem:$0xD9E0] =	vst v63  }
0xb2: {  	s14 =	sadd.s32 $0x480, s10  }
0xb3: {  	[tilespmem:s22], [sflag:$0x2] =	stream.indirect.gather [spmem:s1], $0x20, s14, s19, $0xb8;
	[tilespmem:$0xD9E0] =	vst v63  }
0xb4: {  	_ =	swait.ge [sflag:s24], $0x1000  }
0xb5: {  	[sflag:s24] =	ssyncset.done $0x0  }
0xb6: {  	[sflag:s24] =	ssyncadd.s32 $0xFFFFF000  }
0xb7: {  	_ =	swait.ge [sflag:s24], $0x1000  }
0xb8: {  	[sflag:s24] =	ssyncset.done $0x0  }
0xb9: {  	[sflag:s24] =	ssyncadd.s32 $0xFFFFF000  }
0xba: {  	_ =	swait.ge [sflag:s24], $0x1000  }
0xbb: {  	[sflag:s24] =	ssyncset.done $0x0  }
0xbc: {  	[sflag:s24] =	ssyncadd.s32 $0xFFFFF000  }
0xbd: {  	_ =	swait.ge [sflag:s24], $0x1000  }
0xbe: {  	[sflag:s24] =	ssyncset.done $0x0  }
0xbf: {  	[sflag:s24] =	ssyncadd.s32 $0xFFFFF000  }
0xc0: {  	_ =	swait.ge [sflag:s24], $0x1000  }
0xc1: {  	[sflag:s24] =	ssyncset.done $0x0  }
0xc2: {  	[sflag:s24] =	ssyncadd.s32 $0xFFFFF000  }
0xc3: {  	[hbm4b:s9+s26] =	stream.strided.scatter [tilespmem:s20], [sflag:$0x3], $0x5000, s19, s26, $0x38;
	[tilespmem:$0xD9E0] =	vst v63  }
0xc4: {  	_ =	swait.ge [sflag:s4], $0x5000  }
0xc5: {  	[sflag:s4] =	ssyncset.done $0x0  }
0xc6: {  	s18 =	sadd.s32 $0x500, s10;
	[sflag:s4] =	ssyncadd.s32 $0xFFFFB000  }
0xc7: {  	[tilespmem:s20], [sflag:$0x1] =	stream.indirect.gather [spmem:s1], $0x20, s18, s19, $0xb8;
	[tilespmem:$0xD9E0] =	vst v63  }
0xc8: {  	s9 =	sadd.s32 $0x580, s10  }
0xc9: {  	[tilespmem:s21], [sflag:$0x1] =	stream.indirect.gather [spmem:s1], $0x20, s9, s19, $0xb8;
	[tilespmem:$0xD9E0] =	vst v63  }
0xca: {  	s12 =	sadd.s32 $0x600, s10  }
0xcb: {  	[tilespmem:s23], [sflag:$0x1] =	stream.indirect.gather [spmem:s1], $0x20, s12, s19, $0xb8;
	[tilespmem:$0xD9E0] =	vst v63  }
0xcc: {  	s13 =	sadd.s32 $0x680, s10  }
0xcd: {  	[tilespmem:s25], [sflag:$0x1] =	stream.indirect.gather [spmem:s1], $0x20, s13, s19, $0xb8;
	[tilespmem:$0xD9E0] =	vst v63  }
0xce: {  	s14 =	sadd.s32 $0x700, s10  }
0xcf: {  	[tilespmem:s28], [sflag:$0x1] =	stream.indirect.gather [spmem:s1], $0x20, s14, s19, $0xb8;
	[tilespmem:$0xD9E0] =	vst v63  }
0xd0: {  	_ =	swait.ge [sflag:s5], $0x1000  }
0xd1: {  	[sflag:s5] =	ssyncset.done $0x0  }
0xd2: {  	[sflag:s5] =	ssyncadd.s32 $0xFFFFF000  }
0xd3: {  	_ =	swait.ge [sflag:s5], $0x1000  }
0xd4: {  	[sflag:s5] =	ssyncset.done $0x0  }
0xd5: {  	[sflag:s5] =	ssyncadd.s32 $0xFFFFF000  }
0xd6: {  	_ =	swait.ge [sflag:s5], $0x1000  }
0xd7: {  	[sflag:s5] =	ssyncset.done $0x0  }
0xd8: {  	[sflag:s5] =	ssyncadd.s32 $0xFFFFF000  }
0xd9: {  	_ =	swait.ge [sflag:s5], $0x1000  }
0xda: {  	[sflag:s5] =	ssyncset.done $0x0  }
0xdb: {  	[sflag:s5] =	ssyncadd.s32 $0xFFFFF000  }
0xdc: {  	_ =	swait.ge [sflag:s5], $0x1000  }
0xdd: {  	[sflag:s5] =	ssyncset.done $0x0  }
0xde: {  	[sflag:s5] =	ssyncadd.s32 $0xFFFFF000  }
0xdf: {  	[hbm4b:s8+s26] =	stream.strided.scatter [tilespmem:s29], [sflag:$0x4], $0x5000, s19, s26, $0x38;
	[tilespmem:$0xD9E0] =	vst v63  }
0xe0: {  	_ =	swait.ge [sflag:s6], $0x5000  }
0xe1: {  	[sflag:s6] =	ssyncset.done $0x0  }
0xe2: {  	s18 =	simm.s32 $0x1680;
	[sflag:s6] =	ssyncadd.s32 $0xFFFFB000  }
0xe3: {  	[tilespmem:s29], [sflag:$0x2] =	stream.indirect.gather [spmem:s1], $0x20, s18, s19, $0xb8;
	[tilespmem:$0xD9E0] =	vst v63  }
0xe4: {  	s8 =	simm.s32 $0x1700  }
0xe5: {  	[tilespmem:s30], [sflag:$0x2] =	stream.indirect.gather [spmem:s1], $0x20, s8, s19, $0xb8;
	[tilespmem:$0xD9E0] =	vst v63  }
0xe6: {  	s9 =	simm.s32 $0x1780  }
0xe7: {  	[tilespmem:s31], [sflag:$0x2] =	stream.indirect.gather [spmem:s1], $0x20, s9, s19, $0xb8;
	[tilespmem:$0xD9E0] =	vst v63  }
0xe8: {  	s10 =	simm.s32 $0x1800  }
0xe9: {  	[tilespmem:s0], [sflag:$0x2] =	stream.indirect.gather [spmem:s1], $0x20, s10, s19, $0xb8;
	[tilespmem:$0xD9E0] =	vst v63  }
0xea: {  	s12 =	simm.s32 $0x1880  }
0xeb: {  	[tilespmem:s22], [sflag:$0x2] =	stream.indirect.gather [spmem:s1], $0x20, s12, s19, $0xb8;
	[tilespmem:$0xD9E0] =	vst v63  }
0xec: {  	_ =	swait.ge [sflag:s24], $0x1000  }
0xed: {  	[sflag:s24] =	ssyncset.done $0x0  }
0xee: {  	[sflag:s24] =	ssyncadd.s32 $0xFFFFF000  }
0xef: {  	_ =	swait.ge [sflag:s24], $0x1000  }
0xf0: {  	[sflag:s24] =	ssyncset.done $0x0  }
0xf1: {  	[sflag:s24] =	ssyncadd.s32 $0xFFFFF000  }
0xf2: {  	_ =	swait.ge [sflag:s24], $0x1000  }
0xf3: {  	[sflag:s24] =	ssyncset.done $0x0  }
0xf4: {  	[sflag:s24] =	ssyncadd.s32 $0xFFFFF000  }
0xf5: {  	_ =	swait.ge [sflag:s24], $0x1000  }
0xf6: {  	[sflag:s24] =	ssyncset.done $0x0  }
0xf7: {  	[sflag:s24] =	ssyncadd.s32 $0xFFFFF000  }
0xf8: {  	_ =	swait.ge [sflag:s24], $0x1000  }
0xf9: {  	[sflag:s24] =	ssyncset.done $0x0  }
0xfa: {  	s13 =	rddreg [dreg:$0x8];
	[sflag:s24] =	ssyncadd.s32 $0xFFFFF000  }
0xfb: {  	[hbm4b:s13+s26] =	stream.strided.scatter [tilespmem:s20], [sflag:$0x3], $0x5000, s19, s26, $0x38;
	[tilespmem:$0xD9E0] =	vst v63  }
0xfc: {  	_ =	swait.ge [sflag:s5], $0x1000  }
0xfd: {  	[sflag:s5] =	ssyncset.done $0x0  }
0xfe: {  	[sflag:s5] =	ssyncadd.s32 $0xFFFFF000  }
0xff: {  	_ =	swait.ge [sflag:s5], $0x1000  }
0x100: {  	[sflag:s5] =	ssyncset.done $0x0  }
0x101: {  	[sflag:s5] =	ssyncadd.s32 $0xFFFFF000  }
0x102: {  	_ =	swait.ge [sflag:s5], $0x1000  }
0x103: {  	[sflag:s5] =	ssyncset.done $0x0  }
0x104: {  	[sflag:s5] =	ssyncadd.s32 $0xFFFFF000  }
0x105: {  	_ =	swait.ge [sflag:s5], $0x1000  }
0x106: {  	[sflag:s5] =	ssyncset.done $0x0  }
0x107: {  	[sflag:s5] =	ssyncadd.s32 $0xFFFFF000  }
0x108: {  	_ =	swait.ge [sflag:s5], $0x1000  }
0x109: {  	[sflag:s5] =	ssyncset.done $0x0  }
0x10a: {  	s14 =	rddreg [dreg:$0x9];
	[sflag:s5] =	ssyncadd.s32 $0xFFFFF000  }
0x10b: {  	[hbm4b:s14+s26] =	stream.strided.scatter [tilespmem:s29], [sflag:$0x4], $0x5000, s19, s26, $0x38;
	[tilespmem:$0xD9E0] =	vst v63  }
0x10c: {  	_ =	swait.ge [sflag:s4], $0x5000  }
0x10d: {  	[sflag:s4] =	ssyncset.done $0x0  }
0x10e: {  	[sflag:s4] =	ssyncadd.s32 $0xFFFFB000  }
0x10f: {  	_ =	swait.ge [sflag:s6], $0x5000  }
0x110: {  	[sflag:s6] =	ssyncset.done $0x0  }
0x111: {  	s18 =	simm.s32 $0x1900;
	[sflag:s6] =	ssyncadd.s32 $0xFFFFB000  }
0x112: {  	[tilespmem:s20], [sflag:$0x1] =	stream.indirect.gather [spmem:s2], $0x20, s18, s19, $0xb8;
	[tilespmem:$0xD9E0] =	vst v63  }
0x113: {  	s8 =	simm.s32 $0x1980  }
0x114: {  	[tilespmem:s21], [sflag:$0x1] =	stream.indirect.gather [spmem:s2], $0x20, s8, s19, $0xb8;
	[tilespmem:$0xD9E0] =	vst v63  }
0x115: {  	s9 =	simm.s32 $0x1A00  }
0x116: {  	[tilespmem:s23], [sflag:$0x1] =	stream.indirect.gather [spmem:s2], $0x20, s9, s19, $0xb8;
	[tilespmem:$0xD9E0] =	vst v63  }
0x117: {  	p1 =	por $0x1, $0x1;
	s10 =	simm.s32 $0x1A80  }
0x118: {  	[tilespmem:s25], [sflag:$0x1] =	stream.indirect.gather [spmem:s2], $0x20, s10, s19, $0xb8;
	[tilespmem:$0xD9E0] =	vst v63  }
0x119: {  	s3 =	simm.s32 @!p1 $0x4;
	s12 =	simm.s32 $0x1B00  }
0x11a: {  	[tilespmem:s28], [sflag:$0x1] =	stream.indirect.gather [spmem:s2], $0x20, s12, s19, $0xb8;
	[tilespmem:$0xD9E0] =	vst v63  }
0x11b: {  	_ =	swait.ge @!p1 [sflag:s3], $0x5000  }
0x11c: {  	[sflag:s3] =	ssyncset.done @!p1 $0x0  }
0x11d: {  	s13 =	simm.s32 $0x1B80;
	[sflag:s3] =	ssyncadd.s32 @!p1 $0xFFFFB000  }
0x11e: {  	[tilespmem:s29], [sflag:$0x2] =	stream.indirect.gather [spmem:s2], $0x20, s13, s19, $0xb8;
	[tilespmem:$0xD9E0] =	vst v63  }
0x11f: {  	s14 =	simm.s32 $0x1C00  }
0x120: {  	[tilespmem:s30], [sflag:$0x2] =	stream.indirect.gather [spmem:s2], $0x20, s14, s19, $0xb8;
	[tilespmem:$0xD9E0] =	vst v63  }
0x121: {  	s18 =	simm.s32 $0x1C80  }
0x122: {  	[tilespmem:s31], [sflag:$0x2] =	stream.indirect.gather [spmem:s2], $0x20, s18, s19, $0xb8;
	[tilespmem:$0xD9E0] =	vst v63  }
0x123: {  	s8 =	simm.s32 $0x1D00  }
0x124: {  	[tilespmem:s0], [sflag:$0x2] =	stream.indirect.gather [spmem:s2], $0x20, s8, s19, $0xb8;
	[tilespmem:$0xD9E0] =	vst v63  }
0x125: {  	s9 =	simm.s32 $0x1D80  }
0x126: {  	[tilespmem:s22], [sflag:$0x2] =	stream.indirect.gather [spmem:s2], $0x20, s9, s19, $0xb8;
	[tilespmem:$0xD9E0] =	vst v63  }
0x127: {  	_ =	swait.ge [sflag:s24], $0x1000  }
0x128: {  	[sflag:s24] =	ssyncset.done $0x0  }
0x129: {  	[sflag:s24] =	ssyncadd.s32 $0xFFFFF000  }
0x12a: {  	_ =	swait.ge [sflag:s24], $0x1000  }
0x12b: {  	[sflag:s24] =	ssyncset.done $0x0  }
0x12c: {  	[sflag:s24] =	ssyncadd.s32 $0xFFFFF000  }
0x12d: {  	_ =	swait.ge [sflag:s24], $0x1000  }
0x12e: {  	[sflag:s24] =	ssyncset.done $0x0  }
0x12f: {  	[sflag:s24] =	ssyncadd.s32 $0xFFFFF000  }
0x130: {  	_ =	swait.ge [sflag:s24], $0x1000  }
0x131: {  	[sflag:s24] =	ssyncset.done $0x0  }
0x132: {  	[sflag:s24] =	ssyncadd.s32 $0xFFFFF000  }
0x133: {  	_ =	swait.ge [sflag:s24], $0x1000  }
0x134: {  	[sflag:s24] =	ssyncset.done $0x0  }
0x135: {  	[sflag:s24] =	ssyncadd.s32 $0xFFFFF000  }
0x136: {  	[hbm4b:s15+s26] =	stream.strided.scatter [tilespmem:s20], [sflag:$0x3], $0x5000, s19, s26, $0x38;
	[tilespmem:$0xD9E0] =	vst v63  }
0x137: {  	_ =	swait.ge [sflag:s4], $0x5000  }
0x138: {  	[sflag:s4] =	ssyncset.done $0x0  }
0x139: {  	s10 =	simm.s32 $0x1E00;
	[sflag:s4] =	ssyncadd.s32 $0xFFFFB000  }
0x13a: {  	[tilespmem:s20], [sflag:$0x1] =	stream.indirect.gather [spmem:s2], $0x20, s10, s19, $0xb8;
	[tilespmem:$0xD9E0] =	vst v63  }
0x13b: {  	s12 =	simm.s32 $0x1E80  }
0x13c: {  	[tilespmem:s21], [sflag:$0x1] =	stream.indirect.gather [spmem:s2], $0x20, s12, s19, $0xb8;
	[tilespmem:$0xD9E0] =	vst v63  }
0x13d: {  	s13 =	simm.s32 $0x1F00  }
0x13e: {  	[tilespmem:s23], [sflag:$0x1] =	stream.indirect.gather [spmem:s2], $0x20, s13, s19, $0xb8;
	[tilespmem:$0xD9E0] =	vst v63  }
0x13f: {  	s14 =	simm.s32 $0x1F80  }
0x140: {  	[tilespmem:s25], [sflag:$0x1] =	stream.indirect.gather [spmem:s2], $0x20, s14, s19, $0xb8;
	[tilespmem:$0xD9E0] =	vst v63  }
0x141: {  	s18 =	simm.s32 $0x2000  }
0x142: {  	[tilespmem:s28], [sflag:$0x1] =	stream.indirect.gather [spmem:s2], $0x20, s18, s19, $0xb8;
	[tilespmem:$0xD9E0] =	vst v63  }
0x143: {  	_ =	swait.ge [sflag:s5], $0x1000  }
0x144: {  	[sflag:s5] =	ssyncset.done $0x0  }
0x145: {  	[sflag:s5] =	ssyncadd.s32 $0xFFFFF000  }
0x146: {  	_ =	swait.ge [sflag:s5], $0x1000  }
0x147: {  	[sflag:s5] =	ssyncset.done $0x0  }
0x148: {  	[sflag:s5] =	ssyncadd.s32 $0xFFFFF000  }
0x149: {  	_ =	swait.ge [sflag:s5], $0x1000  }
0x14a: {  	[sflag:s5] =	ssyncset.done $0x0  }
0x14b: {  	[sflag:s5] =	ssyncadd.s32 $0xFFFFF000  }
0x14c: {  	_ =	swait.ge [sflag:s5], $0x1000  }
0x14d: {  	[sflag:s5] =	ssyncset.done $0x0  }
0x14e: {  	p2 =	por $0x0, $0x0;
	s8 =	sadd.s32 $0x5000, s16;
	[sflag:s5] =	ssyncadd.s32 $0xFFFFF000  }
0x14f: {  	s9 =	sadd.s32 $0x5000, s15;
	s10 =	simm.s32 $0x1400;
	_ =	swait.ge [sflag:s5], $0x1000  }
0x150: {  	s14 =	smov.u32 s16;
	s18 =	simm.s32 $0x2800;
	[sflag:s5] =	ssyncset.done $0x0  }
.LBB2_4:
0x151: {  	s3 =	simm.s32 @!p2 $0x4  }
0x152: {  	[sflag:s5] =	ssyncadd.s32 $0xFFFFF000;
	s13 =	smov.u32 s18;
	s18 =	sadd.s32 $0x1400, s18  }
0x153: {  	[hbm4b:s14+s26] =	stream.strided.scatter [tilespmem:s29], [sflag:$0x4], $0x5000, s19, s26, $0x38;
	[tilespmem:$0xD9E0] =	vst v63  }
0x154: {  	p1 =	sne.s32 s18, $0x5000;
	s14 =	smov.u32 s8;
	_ =	swait.ge @!p2 [sflag:s3], $0x5000  }
0x155: {  	s12 =	sshra.s32 s10, $0x2;
	s10 =	smov.u32 s13;
	[sflag:s3] =	ssyncset.done @!p2 $0x0  }
0x156: {  	[sflag:s3] =	ssyncadd.s32 @!p2 $0xFFFFB000;
	s3 =	sadd.s32 $0x1B80, s12  }
0x157: {  	[tilespmem:s29], [sflag:$0x2] =	stream.indirect.gather [spmem:s2], $0x20, s3, s19, $0xb8;
	[tilespmem:$0xD9E0] =	vst v63  }
0x158: {  	s3 =	sadd.s32 $0x1C00, s12  }
0x159: {  	[tilespmem:s30], [sflag:$0x2] =	stream.indirect.gather [spmem:s2], $0x20, s3, s19, $0xb8;
	[tilespmem:$0xD9E0] =	vst v63  }
0x15a: {  	s3 =	sadd.s32 $0x1C80, s12  }
0x15b: {  	[tilespmem:s31], [sflag:$0x2] =	stream.indirect.gather [spmem:s2], $0x20, s3, s19, $0xb8;
	[tilespmem:$0xD9E0] =	vst v63  }
0x15c: {  	s3 =	sadd.s32 $0x1D00, s12  }
0x15d: {  	[tilespmem:s0], [sflag:$0x2] =	stream.indirect.gather [spmem:s2], $0x20, s3, s19, $0xb8;
	[tilespmem:$0xD9E0] =	vst v63  }
0x15e: {  	s3 =	sadd.s32 $0x1D80, s12  }
0x15f: {  	[tilespmem:s22], [sflag:$0x2] =	stream.indirect.gather [spmem:s2], $0x20, s3, s19, $0xb8;
	[tilespmem:$0xD9E0] =	vst v63  }
0x160: {  	_ =	swait.ge [sflag:s24], $0x1000  }
0x161: {  	[sflag:s24] =	ssyncset.done $0x0  }
0x162: {  	[sflag:s24] =	ssyncadd.s32 $0xFFFFF000  }
0x163: {  	_ =	swait.ge [sflag:s24], $0x1000  }
0x164: {  	[sflag:s24] =	ssyncset.done $0x0  }
0x165: {  	[sflag:s24] =	ssyncadd.s32 $0xFFFFF000  }
0x166: {  	_ =	swait.ge [sflag:s24], $0x1000  }
0x167: {  	[sflag:s24] =	ssyncset.done $0x0  }
0x168: {  	[sflag:s24] =	ssyncadd.s32 $0xFFFFF000  }
0x169: {  	_ =	swait.ge [sflag:s24], $0x1000  }
0x16a: {  	[sflag:s24] =	ssyncset.done $0x0  }
0x16b: {  	[sflag:s24] =	ssyncadd.s32 $0xFFFFF000  }
0x16c: {  	_ =	swait.ge [sflag:s24], $0x1000  }
0x16d: {  	[sflag:s24] =	ssyncset.done $0x0  }
0x16e: {  	[sflag:s24] =	ssyncadd.s32 $0xFFFFF000  }
0x16f: {  	[hbm4b:s9+s26] =	stream.strided.scatter [tilespmem:s20], [sflag:$0x3], $0x5000, s19, s26, $0x38;
	[tilespmem:$0xD9E0] =	vst v63  }
0x170: {  	_ =	swait.ge [sflag:s4], $0x5000  }
0x171: {  	[sflag:s4] =	ssyncset.done $0x0  }
0x172: {  	s3 =	sadd.s32 $0x1E00, s12;
	[sflag:s4] =	ssyncadd.s32 $0xFFFFB000  }
0x173: {  	[tilespmem:s20], [sflag:$0x1] =	stream.indirect.gather [spmem:s2], $0x20, s3, s19, $0xb8;
	[tilespmem:$0xD9E0] =	vst v63  }
0x174: {  	s3 =	sadd.s32 $0x1E80, s12  }
0x175: {  	[tilespmem:s21], [sflag:$0x1] =	stream.indirect.gather [spmem:s2], $0x20, s3, s19, $0xb8;
	[tilespmem:$0xD9E0] =	vst v63  }
0x176: {  	s3 =	sadd.s32 $0x1F00, s12  }
0x177: {  	[tilespmem:s23], [sflag:$0x1] =	stream.indirect.gather [spmem:s2], $0x20, s3, s19, $0xb8;
	[tilespmem:$0xD9E0] =	vst v63  }
0x178: {  	s3 =	sadd.s32 $0x1F80, s12  }
0x179: {  	[tilespmem:s25], [sflag:$0x1] =	stream.indirect.gather [spmem:s2], $0x20, s3, s19, $0xb8;
	[tilespmem:$0xD9E0] =	vst v63  }
0x17a: {  	s3 =	sadd.s32 $0x2000, s12  }
0x17b: {  	[tilespmem:s28], [sflag:$0x1] =	stream.indirect.gather [spmem:s2], $0x20, s3, s19, $0xb8;
	[tilespmem:$0xD9E0] =	vst v63  }
0x17c: {  	_ =	swait.ge [sflag:s5], $0x1000  }
0x17d: {  	[sflag:s5] =	ssyncset.done $0x0  }
0x17e: {  	[sflag:s5] =	ssyncadd.s32 $0xFFFFF000  }
0x17f: {  	_ =	swait.ge [sflag:s5], $0x1000  }
0x180: {  	[sflag:s5] =	ssyncset.done $0x0  }
0x181: {  	[sflag:s5] =	ssyncadd.s32 $0xFFFFF000  }
0x182: {  	_ =	swait.ge [sflag:s5], $0x1000  }
0x183: {  	[sflag:s5] =	ssyncset.done $0x0  }
0x184: {  	[sflag:s5] =	ssyncadd.s32 $0xFFFFF000  }
.Ltmp1:
0x185: {  	_ =	swait.ge [sflag:s5], $0x1000;
	(pc) =	sbr.rel @p1 .LBB2_4-.Ltmp1, $4  }
0x186: {  	[sflag:s5] =	ssyncset.done $0x0  }
0x187: {  	[sflag:s5] =	ssyncadd.s32 $0xFFFFF000  }
0x188: {  	s8 =	sadd.s32 $0x5000, s8;
	_ =	swait.ge [sflag:s5], $0x1000  }
0x189: {  	p2 =	seq.s32 s10, $0x0;
	s9 =	sadd.s32 $0x5000, s9;
	[sflag:s5] =	ssyncset.done $0x0  }
0x18a: {  	[sflag:s5] =	ssyncadd.s32 $0xFFFFF000;
	s3 =	simm.s32 @!p2 $0x4  }
0x18b: {  	[hbm4b:s14+s26] =	stream.strided.scatter [tilespmem:s29], [sflag:$0x4], $0x5000, s19, s26, $0x38;
	[tilespmem:$0xD9E0] =	vst v63  }
0x18c: {  	_ =	swait.ge @!p2 [sflag:s3], $0x5000  }
0x18d: {  	s10 =	sshra.s32 s10, $0x2;
	[sflag:s3] =	ssyncset.done @!p2 $0x0  }
0x18e: {  	s14 =	sadd.s32 $0x1B80, s10;
	[sflag:s3] =	ssyncadd.s32 @!p2 $0xFFFFB000  }
0x18f: {  	[tilespmem:s29], [sflag:$0x2] =	stream.indirect.gather [spmem:s2], $0x20, s14, s19, $0xb8;
	[tilespmem:$0xD9E0] =	vst v63  }
0x190: {  	s18 =	sadd.s32 $0x1C00, s10  }
0x191: {  	[tilespmem:s30], [sflag:$0x2] =	stream.indirect.gather [spmem:s2], $0x20, s18, s19, $0xb8;
	[tilespmem:$0xD9E0] =	vst v63  }
0x192: {  	s12 =	sadd.s32 $0x1C80, s10  }
0x193: {  	[tilespmem:s31], [sflag:$0x2] =	stream.indirect.gather [spmem:s2], $0x20, s12, s19, $0xb8;
	[tilespmem:$0xD9E0] =	vst v63  }
0x194: {  	s13 =	sadd.s32 $0x1D00, s10  }
0x195: {  	[tilespmem:s0], [sflag:$0x2] =	stream.indirect.gather [spmem:s2], $0x20, s13, s19, $0xb8;
	[tilespmem:$0xD9E0] =	vst v63  }
0x196: {  	s14 =	sadd.s32 $0x1D80, s10  }
0x197: {  	[tilespmem:s22], [sflag:$0x2] =	stream.indirect.gather [spmem:s2], $0x20, s14, s19, $0xb8;
	[tilespmem:$0xD9E0] =	vst v63  }
0x198: {  	_ =	swait.ge [sflag:s24], $0x1000  }
0x199: {  	[sflag:s24] =	ssyncset.done $0x0  }
0x19a: {  	[sflag:s24] =	ssyncadd.s32 $0xFFFFF000  }
0x19b: {  	_ =	swait.ge [sflag:s24], $0x1000  }
0x19c: {  	[sflag:s24] =	ssyncset.done $0x0  }
0x19d: {  	[sflag:s24] =	ssyncadd.s32 $0xFFFFF000  }
0x19e: {  	_ =	swait.ge [sflag:s24], $0x1000  }
0x19f: {  	[sflag:s24] =	ssyncset.done $0x0  }
0x1a0: {  	[sflag:s24] =	ssyncadd.s32 $0xFFFFF000  }
0x1a1: {  	_ =	swait.ge [sflag:s24], $0x1000  }
0x1a2: {  	[sflag:s24] =	ssyncset.done $0x0  }
0x1a3: {  	[sflag:s24] =	ssyncadd.s32 $0xFFFFF000  }
0x1a4: {  	_ =	swait.ge [sflag:s24], $0x1000  }
0x1a5: {  	[sflag:s24] =	ssyncset.done $0x0  }
0x1a6: {  	[sflag:s24] =	ssyncadd.s32 $0xFFFFF000  }
0x1a7: {  	[hbm4b:s9+s26] =	stream.strided.scatter [tilespmem:s20], [sflag:$0x3], $0x5000, s19, s26, $0x38;
	[tilespmem:$0xD9E0] =	vst v63  }
0x1a8: {  	_ =	swait.ge [sflag:s4], $0x5000  }
0x1a9: {  	[sflag:s4] =	ssyncset.done $0x0  }
0x1aa: {  	s18 =	sadd.s32 $0x1E00, s10;
	[sflag:s4] =	ssyncadd.s32 $0xFFFFB000  }
0x1ab: {  	[tilespmem:s20], [sflag:$0x1] =	stream.indirect.gather [spmem:s2], $0x20, s18, s19, $0xb8;
	[tilespmem:$0xD9E0] =	vst v63  }
0x1ac: {  	s9 =	sadd.s32 $0x1E80, s10  }
0x1ad: {  	[tilespmem:s21], [sflag:$0x1] =	stream.indirect.gather [spmem:s2], $0x20, s9, s19, $0xb8;
	[tilespmem:$0xD9E0] =	vst v63  }
0x1ae: {  	s12 =	sadd.s32 $0x1F00, s10  }
0x1af: {  	[tilespmem:s23], [sflag:$0x1] =	stream.indirect.gather [spmem:s2], $0x20, s12, s19, $0xb8;
	[tilespmem:$0xD9E0] =	vst v63  }
0x1b0: {  	s13 =	sadd.s32 $0x1F80, s10  }
0x1b1: {  	[tilespmem:s25], [sflag:$0x1] =	stream.indirect.gather [spmem:s2], $0x20, s13, s19, $0xb8;
	[tilespmem:$0xD9E0] =	vst v63  }
0x1b2: {  	s14 =	sadd.s32 $0x2000, s10  }
0x1b3: {  	[tilespmem:s28], [sflag:$0x1] =	stream.indirect.gather [spmem:s2], $0x20, s14, s19, $0xb8;
	[tilespmem:$0xD9E0] =	vst v63  }
0x1b4: {  	_ =	swait.ge [sflag:s5], $0x1000  }
0x1b5: {  	[sflag:s5] =	ssyncset.done $0x0  }
0x1b6: {  	[sflag:s5] =	ssyncadd.s32 $0xFFFFF000  }
0x1b7: {  	_ =	swait.ge [sflag:s5], $0x1000  }
0x1b8: {  	[sflag:s5] =	ssyncset.done $0x0  }
0x1b9: {  	[sflag:s5] =	ssyncadd.s32 $0xFFFFF000  }
0x1ba: {  	_ =	swait.ge [sflag:s5], $0x1000  }
0x1bb: {  	[sflag:s5] =	ssyncset.done $0x0  }
0x1bc: {  	[sflag:s5] =	ssyncadd.s32 $0xFFFFF000  }
0x1bd: {  	_ =	swait.ge [sflag:s5], $0x1000  }
0x1be: {  	[sflag:s5] =	ssyncset.done $0x0  }
0x1bf: {  	[sflag:s5] =	ssyncadd.s32 $0xFFFFF000  }
0x1c0: {  	_ =	swait.ge [sflag:s5], $0x1000  }
0x1c1: {  	[sflag:s5] =	ssyncset.done $0x0  }
0x1c2: {  	[sflag:s5] =	ssyncadd.s32 $0xFFFFF000  }
0x1c3: {  	[hbm4b:s8+s26] =	stream.strided.scatter [tilespmem:s29], [sflag:$0x4], $0x5000, s19, s26, $0x38;
	[tilespmem:$0xD9E0] =	vst v63  }
0x1c4: {  	_ =	swait.ge [sflag:s6], $0x5000  }
0x1c5: {  	[sflag:s6] =	ssyncset.done $0x0  }
0x1c6: {  	s18 =	simm.s32 $0x2F80;
	[sflag:s6] =	ssyncadd.s32 $0xFFFFB000  }
0x1c7: {  	[tilespmem:s29], [sflag:$0x2] =	stream.indirect.gather [spmem:s2], $0x20, s18, s19, $0xb8;
	[tilespmem:$0xD9E0] =	vst v63  }
0x1c8: {  	s8 =	simm.s32 $0x3000  }
0x1c9: {  	[tilespmem:s30], [sflag:$0x2] =	stream.indirect.gather [spmem:s2], $0x20, s8, s19, $0xb8;
	[tilespmem:$0xD9E0] =	vst v63  }
0x1ca: {  	s9 =	simm.s32 $0x3080  }
0x1cb: {  	[tilespmem:s31], [sflag:$0x2] =	stream.indirect.gather [spmem:s2], $0x20, s9, s19, $0xb8;
	[tilespmem:$0xD9E0] =	vst v63  }
0x1cc: {  	s10 =	simm.s32 $0x3100  }
0x1cd: {  	[tilespmem:s0], [sflag:$0x2] =	stream.indirect.gather [spmem:s2], $0x20, s10, s19, $0xb8;
	[tilespmem:$0xD9E0] =	vst v63  }
0x1ce: {  	s12 =	simm.s32 $0x3180  }
0x1cf: {  	[tilespmem:s22], [sflag:$0x2] =	stream.indirect.gather [spmem:s2], $0x20, s12, s19, $0xb8;
	[tilespmem:$0xD9E0] =	vst v63  }
0x1d0: {  	_ =	swait.ge [sflag:s24], $0x1000  }
0x1d1: {  	[sflag:s24] =	ssyncset.done $0x0  }
0x1d2: {  	[sflag:s24] =	ssyncadd.s32 $0xFFFFF000  }
0x1d3: {  	_ =	swait.ge [sflag:s24], $0x1000  }
0x1d4: {  	[sflag:s24] =	ssyncset.done $0x0  }
0x1d5: {  	[sflag:s24] =	ssyncadd.s32 $0xFFFFF000  }
0x1d6: {  	_ =	swait.ge [sflag:s24], $0x1000  }
0x1d7: {  	[sflag:s24] =	ssyncset.done $0x0  }
0x1d8: {  	[sflag:s24] =	ssyncadd.s32 $0xFFFFF000  }
0x1d9: {  	_ =	swait.ge [sflag:s24], $0x1000  }
0x1da: {  	[sflag:s24] =	ssyncset.done $0x0  }
0x1db: {  	[sflag:s24] =	ssyncadd.s32 $0xFFFFF000  }
0x1dc: {  	_ =	swait.ge [sflag:s24], $0x1000  }
0x1dd: {  	[sflag:s24] =	ssyncset.done $0x0  }
0x1de: {  	s13 =	rddreg [dreg:$0xa];
	[sflag:s24] =	ssyncadd.s32 $0xFFFFF000  }
0x1df: {  	[hbm4b:s13+s26] =	stream.strided.scatter [tilespmem:s20], [sflag:$0x3], $0x5000, s19, s26, $0x38;
	[tilespmem:$0xD9E0] =	vst v63  }
0x1e0: {  	_ =	swait.ge [sflag:s5], $0x1000  }
0x1e1: {  	[sflag:s5] =	ssyncset.done $0x0  }
0x1e2: {  	[sflag:s5] =	ssyncadd.s32 $0xFFFFF000  }
0x1e3: {  	_ =	swait.ge [sflag:s5], $0x1000  }
0x1e4: {  	[sflag:s5] =	ssyncset.done $0x0  }
0x1e5: {  	[sflag:s5] =	ssyncadd.s32 $0xFFFFF000  }
0x1e6: {  	_ =	swait.ge [sflag:s5], $0x1000  }
0x1e7: {  	[sflag:s5] =	ssyncset.done $0x0  }
0x1e8: {  	[sflag:s5] =	ssyncadd.s32 $0xFFFFF000  }
0x1e9: {  	_ =	swait.ge [sflag:s5], $0x1000  }
0x1ea: {  	[sflag:s5] =	ssyncset.done $0x0  }
0x1eb: {  	[sflag:s5] =	ssyncadd.s32 $0xFFFFF000  }
0x1ec: {  	_ =	swait.ge [sflag:s5], $0x1000  }
0x1ed: {  	[sflag:s5] =	ssyncset.done $0x0  }
0x1ee: {  	s14 =	rddreg [dreg:$0xb];
	[sflag:s5] =	ssyncadd.s32 $0xFFFFF000  }
0x1ef: {  	[hbm4b:s14+s26] =	stream.strided.scatter [tilespmem:s29], [sflag:$0x4], $0x5000, s19, s26, $0x38;
	[tilespmem:$0xD9E0] =	vst v63  }
0x1f0: {  	_ =	swait.ge [sflag:s4], $0x5000  }
0x1f1: {  	[sflag:s4] =	ssyncset.done $0x0  }
0x1f2: {  	[sflag:s4] =	ssyncadd.s32 $0xFFFFB000  }
0x1f3: {  	_ =	swait.ge [sflag:s6], $0x5000  }
0x1f4: {  	s7 =	sadd.s32 $0x1, s7;
	s18 =	rddreg [dreg:$0xc]  }
0x1f5: {  	p1 =	sne.s32 s7, s18  }
.Ltmp2:
0x1f6: {  	_ = 	snop;
	(pc) =	sbr.rel @p1 .LBB2_1-.Ltmp2, $3  }
0x1f7: {  	_ =	sdelay $0x1  }
0x1f8: {  	[sflag:s6] =	ssyncset.done $0x0  }
0x1f9: {  	[sflag:s6] =	ssyncadd.s32 $0xFFFFB000  }
0x1fa: {  	_ =	sfence.sel $0x180000  }
0x1fb: {  	[bflag:$0x0] =	sbarrier.arrive $0xFFFF  }
0x1fc: {  	_ =	strace $0x90000047  }
0x1fd: {  	[bflag:$0x2] =	sbarrier.arrive $0xFFFF  }
0x1fe: {  	s0 =	rddreg [dreg:$0x3]  }
0x1ff: {  	s0 =	sadd.s32 @!p0 $0x100000, s0  }
0x200: {  	[sflag:s0] =	ssyncadd.tile.s32 @!p0 $0x1;
	_ =	shalt  }
.Lfunc_end2:
_tile_overlayer_lowered:
.L_overlay_start_2:
0x201: {  	(tag) =	ssettag $0x2  }
0x202: {  	s0 =	rddreg [dreg:$0x0];
	s2 =	stileid.u32  }
0x203: {  	s1 =	rddreg [dreg:$0x1];
	p0 =	sne.s32 s2, $0x0  }
0x204: {  	s3 =	rddreg [dreg:$0x2];
	[bflag:$0x3] =	sbarrier.arrive $0xFFFF;
	s2 =	simm.s32 @!p0 $0x1C05  }
0x205: {  	[timem:s3], [sflag:s2] =	dma.local @!p0 [hbm:s0], s1  }
0x206: {  	s0 =	simm.s32 @!p0 $0x5  }
0x207: {  	_ =	swait.ge @!p0 [sflag:s0], s1  }
0x208: {  	s1 =	ssub.s32 @!p0 $0x0, s1;
	[sflag:s0] =	ssyncset.done @!p0 $0x0  }
0x209: {  	[sflag:s0] =	ssyncadd.s32 @!p0 s1  }
0x20a: {  	[bflag:$0x3] =	sbarrier.arrive $0xFFFF  }
0x20b: {  	_ =	shalt  }

</sc_bundles>
